<compile_context>
chip_gen: v7x
topology: tpu7x:2x2x1
jax: 0.10.2.dev20260603
libtpu: 0.0.44.dev20260713+nightly
codegen_flags: <defaults>
</compile_context>

<pallas_src>
import functools

import jax
import jax.numpy as jnp
from jax import lax
from jax.experimental import pallas as pl
from jax.experimental.pallas import tpu as pltpu
from jax.experimental.pallas import tpu_sc as plsc

N = 10000
E = 160000
T = 256
H = 50

NC = 2
NS = 16
L = 16

NP = 10240
HALF = NP // NC
TRASH = 256
ACC_ROWS = HALF + TRASH
CH = 128
ACH = 64
SEG = 1024

_f32 = jnp.float32


def _deg_body(ei_hbm, dega_hbm, degb_hbm, idxA, idxB, ones_v, zslice_v,
              semA, semB, deg_sh):
    c = lax.axis_index("c")
    s = lax.axis_index("s")
    nslice = NP // NS

    for j in range(CH // L):
        ones_v[pl.ds(j * L, L)] = jnp.ones((L,), _f32)

    def zbody(i, carry):
        zslice_v[pl.ds(i * L, L)] = jnp.zeros((L,), _f32)
        return carry

    lax.fori_loop(0, nslice // L, zbody, 0)
    pltpu.sync_copy(zslice_v, deg_sh.at[pl.ds(s * nslice, nslice)])
    plsc.subcore_barrier()

    nch = E // CH
    nt = NC * NS
    tid = c * NS + s

    def stage(ci, buf, sem):
        pltpu.async_copy(ei_hbm.at[1, pl.ds(ci * CH, CH)], buf, sem)

    def dr(buf, sem):
        pltpu.make_async_copy(ei_hbm.at[1, pl.ds(0, CH)], buf, sem).wait()

    def scat(buf):
        pltpu.sync_copy(ones_v, deg_sh.at[buf], add=True)

    @pl.when(tid < nch)
    def _():
        stage(tid, idxA, semA)

    def body(p, carry):
        i0 = tid + (2 * p) * nt
        i1 = i0 + nt
        i2 = i1 + nt

        @pl.when(i0 < nch)
        def _():
            @pl.when(i1 < nch)
            def _():
                stage(i1, idxB, semB)

            dr(idxA, semA)
            scat(idxA)

            @pl.when(i2 < nch)
            def _():
                stage(i2, idxA, semA)

            @pl.when(i1 < nch)
            def _():
                dr(idxB, semB)
                scat(idxB)

        return carry

    lax.fori_loop(0, (nch + 2 * nt - 1) // (2 * nt), body, 0)
    plsc.subcore_barrier()

    @pl.when(c == 0)
    def _():
        pltpu.sync_copy(
            deg_sh.at[pl.ds(s * nslice, nslice)],
            dega_hbm.at[pl.ds(s * nslice, nslice)],
        )

    @pl.when(c == 1)
    def _():
        pltpu.sync_copy(
            deg_sh.at[pl.ds(s * nslice, nslice)],
            degb_hbm.at[pl.ds(s * nslice, nslice)],
        )


def _agg_body(xws_hbm, ei_hbm, out_hbm,
              sstage, dstage, dst_v, rows0, rows1, z16_v, semA, semB, acc_sh):
    c = lax.axis_index("c")
    s = lax.axis_index("s")

    for i in range(16):
        for h in range(2):
            for j in range(128 // L):
                z16_v[i, h, pl.ds(j * L, L)] = jnp.zeros((L,), _f32)

    rpt = ACC_ROWS // NS

    def zb(i, carry):
        pltpu.sync_copy(z16_v, acc_sh.at[pl.ds(s * rpt + i * 16, 16)])
        return carry

    lax.fori_loop(0, rpt // 16, zb, 0)
    plsc.subcore_barrier()

    lo = c * HALF
    iota16 = lax.iota(jnp.int32, 16)

    def prep_segment(base, seglen):
        pltpu.sync_copy(ei_hbm.at[0, pl.ds(base, seglen)], sstage.at[pl.ds(0, seglen)])
        pltpu.sync_copy(ei_hbm.at[1, pl.ds(base, seglen)], dstage.at[pl.ds(0, seglen)])

        def tb(t, cnt):
            sl = pl.ds(t * L, L)
            sv = sstage[sl]
            dv = dstage[sl]
            m = (dv >= lo) & (dv < lo + HALF)
            plsc.store_compressed(sstage.at[pl.ds(cnt, L)], sv, mask=m)
            plsc.store_compressed(dstage.at[pl.ds(cnt, L)], dv - lo, mask=m)
            return cnt + plsc.all_reduce_population_count(m)[0]

        cnt = lax.fori_loop(0, seglen // L, tb, jnp.int32(0))

        def fb(k, carry):
            off = cnt + k * L
            sent = (k % 8) * L + iota16
            sstage[pl.ds(off, L)] = N + sent
            dstage[pl.ds(off, L)] = HALF + sent
            return carry

        lax.fori_loop(0, 2 * (ACH // L), fb, 0)
        return cnt

    def gather(k, rows, sem):
        pltpu.async_copy(xws_hbm.at[sstage.at[pl.ds(k * ACH, ACH)]], rows, sem)

    def drain(rows, sem):
        pltpu.make_async_copy(xws_hbm.at[sstage.at[pl.ds(0, ACH)]], rows, sem).wait()

    def scatter(k, rows):
        for j in range(ACH // L):
            dst_v[pl.ds(j * L, L)] = dstage[pl.ds(k * ACH + j * L, L)]
        pltpu.sync_copy(rows, acc_sh.at[dst_v], add=True)

    def seg_run(base, seglen):
        cnt = prep_segment(base, seglen)
        nch = (cnt + ACH - 1) // ACH
        npairs = (nch + 1) // 2

        @pl.when(npairs > 0)
        def _():
            gather(0, rows0, semA)

        def outer(g2, carry2):
            k0 = 2 * g2
            gather(k0 + 1, rows1, semB)
            drain(rows0, semA)
            scatter(k0, rows0)

            @pl.when(g2 + 1 < npairs)
            def _():
                gather(k0 + 2, rows0, semA)

            drain(rows1, semB)
            scatter(k0 + 1, rows1)
            return carry2

        lax.fori_loop(0, npairs, outer, 0)

    nseg = E // SEG

    def seg_body(i, carry):
        si = s + i * NS

        @pl.when(si < nseg)
        def _():
            seg_run(si * SEG, SEG)

        return carry

    lax.fori_loop(0, (nseg + NS - 1) // NS, seg_body, 0)

    @pl.when(s == nseg % NS)
    def _():
        seg_run(nseg * SEG, E - nseg * SEG)

    plsc.subcore_barrier()

    wpt = HALF // NS
    pltpu.sync_copy(
        acc_sh.at[pl.ds(s * wpt, wpt)],
        out_hbm.at[pl.ds(c * HALF + s * wpt, wpt)],
    )


@functools.cache
def _sc_kernels():
    mesh = plsc.VectorSubcoreMesh(
        core_axis_name="c", subcore_axis_name="s", num_cores=NC, num_subcores=NS
    )
    deg_kernel = pl.kernel(
        _deg_body,
        out_type=(
            jax.ShapeDtypeStruct((NP,), _f32),
            jax.ShapeDtypeStruct((NP,), _f32),
        ),
        mesh=mesh,
        scratch_types=[
            pltpu.VMEM((CH,), jnp.int32),
            pltpu.VMEM((CH,), jnp.int32),
            pltpu.VMEM((CH,), _f32),
            pltpu.VMEM((NP // NS,), _f32),
            pltpu.SemaphoreType.DMA,
            pltpu.SemaphoreType.DMA,
            pltpu.VMEM_SHARED((NP,), _f32),
        ],
    )
    agg_kernel = pl.kernel(
        _agg_body,
        out_type=jax.ShapeDtypeStruct((NP, 2, 128), _f32),
        mesh=mesh,
        compiler_params=pltpu.CompilerParams(needs_layout_passes=False),
        scratch_types=[
            pltpu.VMEM((SEG + 2 * ACH,), jnp.int32),
            pltpu.VMEM((SEG + 2 * ACH,), jnp.int32),
            pltpu.VMEM((ACH,), jnp.int32),
            pltpu.VMEM((ACH, 2, 128), _f32),
            pltpu.VMEM((ACH, 2, 128), _f32),
            pltpu.VMEM((16, 2, 128), _f32),
            pltpu.SemaphoreType.DMA,
            pltpu.SemaphoreType.DMA,
            pltpu.VMEM_SHARED((ACC_ROWS, 2, 128), _f32),
        ],
    )
    return deg_kernel, agg_kernel


def _gcn_mm_body(x_ref, w_ref, dega_ref, degb_ref, xw_ref, xws_ref):
    xw = jnp.dot(x_ref[...], w_ref[...], preferred_element_type=_f32)
    deg = dega_ref[...] + degb_ref[...] + 1.0
    dinv = lax.rsqrt(deg)
    zpad = jnp.zeros((NP - N, T), _f32)
    xw_ref[...] = jnp.concatenate([xw, zpad], axis=0)
    xws_ref[...] = jnp.concatenate([xw * dinv[0:N], zpad], axis=0)


def _mlp1_body(agg_ref, xw_ref, dega_ref, degb_ref, bg_ref, w1_ref, b1_ref, out_ref):
    deg = dega_ref[...] + degb_ref[...] + 1.0
    dinv = lax.rsqrt(deg)
    h = dinv * agg_ref[...] + (dinv * dinv) * xw_ref[...] + bg_ref[...]
    m1 = jnp.dot(h, w1_ref[...], preferred_element_type=_f32) + b1_ref[...]
    out_ref[...] = jnp.maximum(m1, 0.0)


def _mlp2_body(z_ref, w2_ref, b2_ref, out_ref):
    out_ref[...] = (
        jnp.dot(z_ref[...], w2_ref[...], preferred_element_type=_f32) + b2_ref[...]
    )


def kernel(x, edge_index, W_gcn, b_gcn, W1, b1, W2, b2):
    ei = edge_index.astype(jnp.int32)

    deg_kernel, agg_kernel = _sc_kernels()
    dega, degb = deg_kernel(ei)
    dega2 = dega.reshape(NP, 1)
    degb2 = degb.reshape(NP, 1)

    xw, xws = pl.pallas_call(
        _gcn_mm_body,
        out_shape=(
            jax.ShapeDtypeStruct((NP, T), _f32),
            jax.ShapeDtypeStruct((NP, T), _f32),
        ),
    )(x, W_gcn, dega2, degb2)

    agg = agg_kernel(xws.reshape(NP, 2, 128), ei).reshape(NP, T)

    m1 = pl.pallas_call(
        _mlp1_body,
        out_shape=jax.ShapeDtypeStruct((NP, H), _f32),
    )(agg, xw, dega2, degb2, b_gcn.reshape(1, T), W1, b1.reshape(1, H))

    z = m1[:N].reshape(N // H, H * H)

    y = pl.pallas_call(
        _mlp2_body,
        out_shape=jax.ShapeDtypeStruct((N // H, H * H), _f32),
    )(z, W2, b2.reshape(1, H * H))

    return y.reshape(-1)

# --- scband reference (transcript-rebuilt; emitter-appended) ---
"""Pipeline reference for scband-gcn-23794118820240 (READ-ONLY COPY).

The authoritative reference and input builder live on the scoring server;
editing this copy changes nothing except your own understanding.
"""

import jax, jax.numpy as jnp
import numpy as np

N = 10000
E = 160000
T = 256
H = 50


def setup_inputs(seed: int = 0) -> dict:
    key = jax.random.key(seed)
    ks = jax.random.split(key, 8)
    x = jax.random.normal(ks[0], (N, T), dtype=jnp.float32)
    edge_index = jax.random.randint(ks[1], (2, E), 0, N, dtype=jnp.int32)
    W_gcn = jax.random.normal(ks[2], (T, T), dtype=jnp.float32) / np.sqrt(T)
    b_gcn = jnp.zeros((T,), dtype=jnp.float32)
    W1 = jax.random.normal(ks[3], (T, H), dtype=jnp.float32) / np.sqrt(T)
    b1 = jnp.zeros((H,), dtype=jnp.float32)
    W2 = jax.random.normal(ks[4], (H * H, H * H), dtype=jnp.float32) / np.sqrt(H * H)
    b2 = jnp.zeros((H * H,), dtype=jnp.float32)
    return {"x": x, "edge_index": edge_index, "W_gcn": W_gcn, "b_gcn": b_gcn, "W1": W1, "b1": b1, "W2": W2, "b2": b2}


def _gcn_conv(x, edge_index, W, b):
    # PyG GCNConv: x' = D^{-1/2} (A + I) D^{-1/2} X W + b
    src = edge_index[0]
    dst = edge_index[1]
    loop = jnp.arange(N, dtype=edge_index.dtype)
    src = jnp.concatenate([src, loop])
    dst = jnp.concatenate([dst, loop])
    deg = jnp.zeros((N,), dtype=x.dtype).at[dst].add(1.0)
    dinv = jnp.where(deg > 0, jax.lax.rsqrt(deg), 0.0)
    norm = dinv[src] * dinv[dst]
    xw = x @ W
    msgs = xw[src] * norm[:, None]
    out = jnp.zeros_like(xw).at[dst].add(msgs)
    return out + b


def reference(x, edge_index, W_gcn, b_gcn, W1, b1, W2, b2):
    h = _gcn_conv(x, edge_index, W_gcn, b_gcn)
    h = h.reshape(-1, H, T)
    z = jax.nn.relu(h @ W1 + b1)
    z = z.reshape(-1, H * H)
    y_hat = z @ W2 + b2
    return y_hat.flatten()

if __name__ == "__main__":
    import jax
    _d = setup_inputs()
    print(jax.jit(kernel)(*tuple(_d.values())))

</pallas_src>

<mosaic_0001>
#map = affine_map<(d0, d1) -> (0, 0)>
#map1 = affine_map<(d0, d1) -> (0)>
module attributes {stable_mosaic.version = 14 : i64} {
  func.func @_deg_body(%arg0: i32, %arg1: i32, %arg2: memref<2x160000xi32, #tpu.memory_space<hbm>>, %arg3: memref<10240xf32, #tpu.memory_space<hbm>>, %arg4: memref<10240xf32, #tpu.memory_space<hbm>>, %arg5: memref<128xi32, #tpu.memory_space<vmem>>, %arg6: memref<128xi32, #tpu.memory_space<vmem>>, %arg7: memref<128xf32, #tpu.memory_space<vmem>>, %arg8: memref<640xf32, #tpu.memory_space<vmem>>, %arg9: memref<!tpu.dma_semaphore, #tpu.memory_space<semaphore_mem>>, %arg10: memref<!tpu.dma_semaphore, #tpu.memory_space<semaphore_mem>>, %arg11: memref<10240xf32, #tpu.memory_space<vmem_shared>>) attributes {dimension_semantics = [#tpu.dimension_semantics<core_parallel>, #tpu.dimension_semantics<subcore_parallel>], iteration_bounds = array<i64: 2, 16>, scalar_prefetch = 0 : i64, scratch_operands = 7 : i64, tpu.core_type = #tpu.core_type<sc_vector_subcore>, window_params = [{transform_indices = #map}, {transform_indices = #map1}, {transform_indices = #map1}]} {
    %broadcast_in_dim3A = arith.constant 1.000000e+00 : f32
    %broadcast_in_dim3A_0 = vector.broadcast %broadcast_in_dim3A : f32 to vector<16xf32>
    %swap3A = arith.constant 0 : index
    %swap3A_1 = tpu.vector_load %arg7[%swap3A] {strides = array<i32>} : memref<128xf32, #tpu.memory_space<vmem>>, vector<16xf32>,
    %swap3A_2 = vector.shape_cast %swap3A_1 : vector<16xf32> to vector<16xf32>
    %swap3A_3 = vector.shape_cast %broadcast_in_dim3A_0 : vector<16xf32> to vector<16xf32>
    tpu.vector_store %arg7[%swap3A], %swap3A_3 {strides = array<i32>} : memref<128xf32, #tpu.memory_space<vmem>>, vector<16xf32>,
    %broadcast_in_dim3A_4 = arith.constant 1.000000e+00 : f32
    %broadcast_in_dim3A_5 = vector.broadcast %broadcast_in_dim3A_4 : f32 to vector<16xf32>
    %swap3A_6 = arith.constant 16 : index
    %swap3A_7 = tpu.vector_load %arg7[%swap3A_6] {strides = array<i32>} : memref<128xf32, #tpu.memory_space<vmem>>, vector<16xf32>,
    %swap3A_8 = vector.shape_cast %swap3A_7 : vector<16xf32> to vector<16xf32>
    %swap3A_9 = vector.shape_cast %broadcast_in_dim3A_5 : vector<16xf32> to vector<16xf32>
    tpu.vector_store %arg7[%swap3A_6], %swap3A_9 {strides = array<i32>} : memref<128xf32, #tpu.memory_space<vmem>>, vector<16xf32>,
    %broadcast_in_dim3A_10 = arith.constant 1.000000e+00 : f32
    %broadcast_in_dim3A_11 = vector.broadcast %broadcast_in_dim3A_10 : f32 to vector<16xf32>
    %swap3A_12 = arith.constant 32 : index
    %swap3A_13 = tpu.vector_load %arg7[%swap3A_12] {strides = array<i32>} : memref<128xf32, #tpu.memory_space<vmem>>, vector<16xf32>,
    %swap3A_14 = vector.shape_cast %swap3A_13 : vector<16xf32> to vector<16xf32>
    %swap3A_15 = vector.shape_cast %broadcast_in_dim3A_11 : vector<16xf32> to vector<16xf32>
    tpu.vector_store %arg7[%swap3A_12], %swap3A_15 {strides = array<i32>} : memref<128xf32, #tpu.memory_space<vmem>>, vector<16xf32>,
    %broadcast_in_dim3A_16 = arith.constant 1.000000e+00 : f32
    %broadcast_in_dim3A_17 = vector.broadcast %broadcast_in_dim3A_16 : f32 to vector<16xf32>
    %swap3A_18 = arith.constant 48 : index
    %swap3A_19 = tpu.vector_load %arg7[%swap3A_18] {strides = array<i32>} : memref<128xf32, #tpu.memory_space<vmem>>, vector<16xf32>,
    %swap3A_20 = vector.shape_cast %swap3A_19 : vector<16xf32> to vector<16xf32>
    %swap3A_21 = vector.shape_cast %broadcast_in_dim3A_17 : vector<16xf32> to vector<16xf32>
    tpu.vector_store %arg7[%swap3A_18], %swap3A_21 {strides = array<i32>} : memref<128xf32, #tpu.memory_space<vmem>>, vector<16xf32>,
    %broadcast_in_dim3A_22 = arith.constant 1.000000e+00 : f32
    %broadcast_in_dim3A_23 = vector.broadcast %broadcast_in_dim3A_22 : f32 to vector<16xf32>
    %swap3A_24 = arith.constant 64 : index
    %swap3A_25 = tpu.vector_load %arg7[%swap3A_24] {strides = array<i32>} : memref<128xf32, #tpu.memory_space<vmem>>, vector<16xf32>,
    %swap3A_26 = vector.shape_cast %swap3A_25 : vector<16xf32> to vector<16xf32>
    %swap3A_27 = vector.shape_cast %broadcast_in_dim3A_23 : vector<16xf32> to vector<16xf32>
    tpu.vector_store %arg7[%swap3A_24], %swap3A_27 {strides = array<i32>} : memref<128xf32, #tpu.memory_space<vmem>>, vector<16xf32>,
    %broadcast_in_dim3A_28 = arith.constant 1.000000e+00 : f32
    %broadcast_in_dim3A_29 = vector.broadcast %broadcast_in_dim3A_28 : f32 to vector<16xf32>
    %swap3A_30 = arith.constant 80 : index
    %swap3A_31 = tpu.vector_load %arg7[%swap3A_30] {strides = array<i32>} : memref<128xf32, #tpu.memory_space<vmem>>, vector<16xf32>,
    %swap3A_32 = vector.shape_cast %swap3A_31 : vector<16xf32> to vector<16xf32>
    %swap3A_33 = vector.shape_cast %broadcast_in_dim3A_29 : vector<16xf32> to vector<16xf32>
    tpu.vector_store %arg7[%swap3A_30], %swap3A_33 {strides = array<i32>} : memref<128xf32, #tpu.memory_space<vmem>>, vector<16xf32>,
    %broadcast_in_dim3A_34 = arith.constant 1.000000e+00 : f32
    %broadcast_in_dim3A_35 = vector.broadcast %broadcast_in_dim3A_34 : f32 to vector<16xf32>
    %swap3A_36 = arith.constant 96 : index
    %swap3A_37 = tpu.vector_load %arg7[%swap3A_36] {strides = array<i32>} : memref<128xf32, #tpu.memory_space<vmem>>, vector<16xf32>,
    %swap3A_38 = vector.shape_cast %swap3A_37 : vector<16xf32> to vector<16xf32>
    %swap3A_39 = vector.shape_cast %broadcast_in_dim3A_35 : vector<16xf32> to vector<16xf32>
    tpu.vector_store %arg7[%swap3A_36], %swap3A_39 {strides = array<i32>} : memref<128xf32, #tpu.memory_space<vmem>>, vector<16xf32>,
    %broadcast_in_dim3A_40 = arith.constant 1.000000e+00 : f32
    %broadcast_in_dim3A_41 = vector.broadcast %broadcast_in_dim3A_40 : f32 to vector<16xf32>
    %swap3A_42 = arith.constant 112 : index
    %swap3A_43 = tpu.vector_load %arg7[%swap3A_42] {strides = array<i32>} : memref<128xf32, #tpu.memory_space<vmem>>, vector<16xf32>,
    %swap3A_44 = vector.shape_cast %swap3A_43 : vector<16xf32> to vector<16xf32>
    %swap3A_45 = vector.shape_cast %broadcast_in_dim3A_41 : vector<16xf32> to vector<16xf32>
    tpu.vector_store %arg7[%swap3A_42], %swap3A_45 {strides = array<i32>} : memref<128xf32, #tpu.memory_space<vmem>>, vector<16xf32>,
    %scan3A = arith.constant 0 : i32
    %scan3A_46 = arith.constant 0 : i32
    %scan3A_47 = arith.constant 40 : i32
    %scan3A_48 = arith.addi %scan3A_46, %scan3A_47 : i32
    %scan3A_49 = arith.constant 1 : i32
    scf.for %scan3A_72 = %scan3A_46 to %scan3A_48 step %scan3A_49  : i32 {
      %broadcast_in_dim3A_73 = arith.constant 0.000000e+00 : f32
      %broadcast_in_dim3A_74 = vector.broadcast %broadcast_in_dim3A_73 : f32 to vector<16xf32>
      %mul3A_75 = arith.constant 16 : i32
      %mul3A_76 = arith.muli %scan3A_72, %mul3A_75 : i32
      %swap3A_77 = arith.index_cast %mul3A_76 : i32 to index
      %swap3A_78 = tpu.vector_load %arg8[%swap3A_77] {strides = array<i32>} : memref<640xf32, #tpu.memory_space<vmem>>, vector<16xf32>,
      %swap3A_79 = vector.shape_cast %swap3A_78 : vector<16xf32> to vector<16xf32>
      %swap3A_80 = vector.shape_cast %broadcast_in_dim3A_74 : vector<16xf32> to vector<16xf32>
      tpu.vector_store %arg8[%swap3A_77], %swap3A_80 {strides = array<i32>} : memref<640xf32, #tpu.memory_space<vmem>>, vector<16xf32>,
    }
    %scan3A_50 = arith.constant 40 : i32
    %mul3A = arith.constant 640 : i32
    %mul3A_51 = arith.muli %arg1, %mul3A : i32
    "tpu.region"() ({
      %run_scoped3A = tpu.sem_alloc : memref<!tpu.dma_semaphore, #tpu.memory_space<semaphore_mem>>
      %dma_start3A = tpu.memref_slice %arg11[%mul3A_51] : memref<10240xf32, #tpu.memory_space<vmem_shared>> -> memref<640xf32, #tpu.memory_space<vmem_shared>>
      %dma_start3A_72 = tpu.memref_slice %arg11[%mul3A_51] : memref<10240xf32, #tpu.memory_space<vmem_shared>> -> memref<640xf32, #tpu.memory_space<vmem_shared>>
      tpu.enqueue_dma source(%arg8 : memref<640xf32, #tpu.memory_space<vmem>>) target(%dma_start3A_72 : memref<640xf32, #tpu.memory_space<vmem_shared>>) target_semaphore(%run_scoped3A : memref<!tpu.dma_semaphore, #tpu.memory_space<semaphore_mem>>)
      %dma_wait3A = tpu.memref_slice %arg11[%mul3A_51] : memref<10240xf32, #tpu.memory_space<vmem_shared>> -> memref<640xf32, #tpu.memory_space<vmem_shared>>
      %dma_wait3A_73 = tpu.memref_slice %arg11[%mul3A_51] : memref<10240xf32, #tpu.memory_space<vmem_shared>> -> memref<640xf32, #tpu.memory_space<vmem_shared>>
      tpu.wait_dma2 semaphore(%run_scoped3A : memref<!tpu.dma_semaphore, #tpu.memory_space<semaphore_mem>>) src(%arg8 : memref<640xf32, #tpu.memory_space<vmem>>) dst(%dma_wait3A_73 : memref<640xf32, #tpu.memory_space<vmem_shared>>)
      tpu.yield
    }) : () -> ()
    %barrier3A = arith.constant 0 : index
    tpu.barrier barrier_id(%barrier3A)
    %mul3A_52 = arith.constant 16 : i32
    %mul3A_53 = arith.muli %arg0, %mul3A_52 : i32
    %add3A = arith.addi %mul3A_53, %arg1 : i32
    %lt3A = arith.constant 1250 : i32
    %lt3A_54 = arith.cmpi slt, %add3A, %lt3A : i32
    %convert_element_type3A = arith.extui %lt3A_54 : i1 to i32
    %cond3A = arith.constant 0 : i32
    %cond3A_55 = arith.cmpi ne, %convert_element_type3A, %cond3A : i32
    scf.if %cond3A_55 {
      %mul3A_72 = arith.constant 128 : i32
      %mul3A_73 = arith.muli %add3A, %mul3A_72 : i32
      %dma_start3A = arith.constant 1 : i32
      %dma_start3A_74 = tpu.memref_slice %arg2[%dma_start3A, %mul3A_73] : memref<2x160000xi32, #tpu.memory_space<hbm>> -> memref<1x128xi32, #tpu.memory_space<hbm>>
      %dma_start3A_75 = tpu.memref_squeeze %dma_start3A_74 : memref<1x128xi32, #tpu.memory_space<hbm>> -> memref<128xi32, #tpu.memory_space<hbm>>
      %dma_start3A_76 = tpu.memref_slice %arg2[%dma_start3A, %mul3A_73] : memref<2x160000xi32, #tpu.memory_space<hbm>> -> memref<1x128xi32, #tpu.memory_space<hbm>>
      %dma_start3A_77 = tpu.memref_squeeze %dma_start3A_76 : memref<1x128xi32, #tpu.memory_space<hbm>> -> memref<128xi32, #tpu.memory_space<hbm>>
      tpu.enqueue_dma source(%dma_start3A_77 : memref<128xi32, #tpu.memory_space<hbm>>) target(%arg5 : memref<128xi32, #tpu.memory_space<vmem>>) target_semaphore(%arg9 : memref<!tpu.dma_semaphore, #tpu.memory_space<semaphore_mem>>)
    } else {
    }
    %scan3A_56 = arith.constant 0 : i32
    %scan3A_57 = arith.constant 0 : i32
    %scan3A_58 = arith.constant 20 : i32
    %scan3A_59 = arith.addi %scan3A_57, %scan3A_58 : i32
    %scan3A_60 = arith.constant 1 : i32
    scf.for %scan3A_72 = %scan3A_57 to %scan3A_59 step %scan3A_60  : i32 {
      %mul3A_73 = arith.constant 2 : i32
      %mul3A_74 = arith.muli %mul3A_73, %scan3A_72 : i32
      %mul3A_75 = arith.constant 32 : i32
      %mul3A_76 = arith.muli %mul3A_74, %mul3A_75 : i32
      %add3A_77 = arith.addi %add3A, %mul3A_76 : i32
      %add3A_78 = arith.constant 32 : i32
      %add3A_79 = arith.addi %add3A_77, %add3A_78 : i32
      %add3A_80 = arith.constant 32 : i32
      %add3A_81 = arith.addi %add3A_79, %add3A_80 : i32
      %lt3A_82 = arith.constant 1250 : i32
      %lt3A_83 = arith.cmpi slt, %add3A_77, %lt3A_82 : i32
      %convert_element_type3A_84 = arith.extui %lt3A_83 : i1 to i32
      %cond3A_85 = arith.constant 0 : i32
      %cond3A_86 = arith.cmpi ne, %convert_element_type3A_84, %cond3A_85 : i32
      scf.if %cond3A_86 {
        %lt3A_87 = arith.constant 1250 : i32
        %lt3A_88 = arith.cmpi slt, %add3A_79, %lt3A_87 : i32
        %convert_element_type3A_89 = arith.extui %lt3A_88 : i1 to i32
        %cond3A_90 = arith.constant 0 : i32
        %cond3A_91 = arith.cmpi ne, %convert_element_type3A_89, %cond3A_90 : i32
        scf.if %cond3A_91 {
          %mul3A_108 = arith.constant 128 : i32
          %mul3A_109 = arith.muli %add3A_79, %mul3A_108 : i32
          %dma_start3A = arith.constant 1 : i32
          %dma_start3A_110 = tpu.memref_slice %arg2[%dma_start3A, %mul3A_109] : memref<2x160000xi32, #tpu.memory_space<hbm>> -> memref<1x128xi32, #tpu.memory_space<hbm>>
          %dma_start3A_111 = tpu.memref_squeeze %dma_start3A_110 : memref<1x128xi32, #tpu.memory_space<hbm>> -> memref<128xi32, #tpu.memory_space<hbm>>
          %dma_start3A_112 = tpu.memref_slice %arg2[%dma_start3A, %mul3A_109] : memref<2x160000xi32, #tpu.memory_space<hbm>> -> memref<1x128xi32, #tpu.memory_space<hbm>>
          %dma_start3A_113 = tpu.memref_squeeze %dma_start3A_112 : memref<1x128xi32, #tpu.memory_space<hbm>> -> memref<128xi32, #tpu.memory_space<hbm>>
          tpu.enqueue_dma source(%dma_start3A_113 : memref<128xi32, #tpu.memory_space<hbm>>) target(%arg6 : memref<128xi32, #tpu.memory_space<vmem>>) target_semaphore(%arg10 : memref<!tpu.dma_semaphore, #tpu.memory_space<semaphore_mem>>)
        } else {
        }
        %dma_wait3A = arith.constant 1 : i32
        %dma_wait3A_92 = arith.constant 0 : i32
        %dma_wait3A_93 = tpu.memref_slice %arg2[%dma_wait3A, %dma_wait3A_92] : memref<2x160000xi32, #tpu.memory_space<hbm>> -> memref<1x128xi32, #tpu.memory_space<hbm>>
        %dma_wait3A_94 = tpu.memref_squeeze %dma_wait3A_93 : memref<1x128xi32, #tpu.memory_space<hbm>> -> memref<128xi32, #tpu.memory_space<hbm>>
        %dma_wait3A_95 = arith.constant 0 : i32
        %dma_wait3A_96 = tpu.memref_slice %arg2[%dma_wait3A, %dma_wait3A_95] : memref<2x160000xi32, #tpu.memory_space<hbm>> -> memref<1x128xi32, #tpu.memory_space<hbm>>
        %dma_wait3A_97 = tpu.memref_squeeze %dma_wait3A_96 : memref<1x128xi32, #tpu.memory_space<hbm>> -> memref<128xi32, #tpu.memory_space<hbm>>
        tpu.wait_dma2 semaphore(%arg9 : memref<!tpu.dma_semaphore, #tpu.memory_space<semaphore_mem>>) src(%dma_wait3A_97 : memref<128xi32, #tpu.memory_space<hbm>>) dst(%arg5 : memref<128xi32, #tpu.memory_space<vmem>>)
        "tpu.region"() ({
          %run_scoped3A = tpu.sem_alloc : memref<!tpu.dma_semaphore, #tpu.memory_space<semaphore_mem>>
          %dma_start3A = arith.constant 0 : i32
          %dma_start3A_108 = tpu.memref_slice %arg11[%dma_start3A] : memref<10240xf32, #tpu.memory_space<vmem_shared>> -> memref<10240xf32, #tpu.memory_space<vmem_shared>>
          tpu.enqueue_indirect_dma source(%arg7 : memref<128xf32, #tpu.memory_space<vmem>>) target(%dma_start3A_108 : memref<10240xf32, #tpu.memory_space<vmem_shared>>) offsets(%arg5 : memref<128xi32, #tpu.memory_space<vmem>>) semaphore(%run_scoped3A : memref<!tpu.dma_semaphore, #tpu.memory_space<semaphore_mem>>) {add = true}
          %dma_wait3A_109 = arith.constant 0 : i32
          %dma_wait3A_110 = tpu.memref_slice %arg11[%dma_wait3A_109] : memref<10240xf32, #tpu.memory_space<vmem_shared>> -> memref<10240xf32, #tpu.memory_space<vmem_shared>>
          tpu.wait_indirect_dma semaphore(%run_scoped3A : memref<!tpu.dma_semaphore, #tpu.memory_space<semaphore_mem>>) src(%arg7 : memref<128xf32, #tpu.memory_space<vmem>>) dst(%dma_wait3A_110 : memref<10240xf32, #tpu.memory_space<vmem_shared>>)
          tpu.yield
        }) : () -> ()
        %lt3A_98 = arith.constant 1250 : i32
        %lt3A_99 = arith.cmpi slt, %add3A_81, %lt3A_98 : i32
        %convert_element_type3A_100 = arith.extui %lt3A_99 : i1 to i32
        %cond3A_101 = arith.constant 0 : i32
        %cond3A_102 = arith.cmpi ne, %convert_element_type3A_100, %cond3A_101 : i32
        scf.if %cond3A_102 {
          %mul3A_108 = arith.constant 128 : i32
          %mul3A_109 = arith.muli %add3A_81, %mul3A_108 : i32
          %dma_start3A = arith.constant 1 : i32
          %dma_start3A_110 = tpu.memref_slice %arg2[%dma_start3A, %mul3A_109] : memref<2x160000xi32, #tpu.memory_space<hbm>> -> memref<1x128xi32, #tpu.memory_space<hbm>>
          %dma_start3A_111 = tpu.memref_squeeze %dma_start3A_110 : memref<1x128xi32, #tpu.memory_space<hbm>> -> memref<128xi32, #tpu.memory_space<hbm>>
          %dma_start3A_112 = tpu.memref_slice %arg2[%dma_start3A, %mul3A_109] : memref<2x160000xi32, #tpu.memory_space<hbm>> -> memref<1x128xi32, #tpu.memory_space<hbm>>
          %dma_start3A_113 = tpu.memref_squeeze %dma_start3A_112 : memref<1x128xi32, #tpu.memory_space<hbm>> -> memref<128xi32, #tpu.memory_space<hbm>>
          tpu.enqueue_dma source(%dma_start3A_113 : memref<128xi32, #tpu.memory_space<hbm>>) target(%arg5 : memref<128xi32, #tpu.memory_space<vmem>>) target_semaphore(%arg9 : memref<!tpu.dma_semaphore, #tpu.memory_space<semaphore_mem>>)
        } else {
        }
        %lt3A_103 = arith.constant 1250 : i32
        %lt3A_104 = arith.cmpi slt, %add3A_79, %lt3A_103 : i32
        %convert_element_type3A_105 = arith.extui %lt3A_104 : i1 to i32
        %cond3A_106 = arith.constant 0 : i32
        %cond3A_107 = arith.cmpi ne, %convert_element_type3A_105, %cond3A_106 : i32
        scf.if %cond3A_107 {
          %dma_wait3A_108 = arith.constant 1 : i32
          %dma_wait3A_109 = arith.constant 0 : i32
          %dma_wait3A_110 = tpu.memref_slice %arg2[%dma_wait3A_108, %dma_wait3A_109] : memref<2x160000xi32, #tpu.memory_space<hbm>> -> memref<1x128xi32, #tpu.memory_space<hbm>>
          %dma_wait3A_111 = tpu.memref_squeeze %dma_wait3A_110 : memref<1x128xi32, #tpu.memory_space<hbm>> -> memref<128xi32, #tpu.memory_space<hbm>>
          %dma_wait3A_112 = arith.constant 0 : i32
          %dma_wait3A_113 = tpu.memref_slice %arg2[%dma_wait3A_108, %dma_wait3A_112] : memref<2x160000xi32, #tpu.memory_space<hbm>> -> memref<1x128xi32, #tpu.memory_space<hbm>>
          %dma_wait3A_114 = tpu.memref_squeeze %dma_wait3A_113 : memref<1x128xi32, #tpu.memory_space<hbm>> -> memref<128xi32, #tpu.memory_space<hbm>>
          tpu.wait_dma2 semaphore(%arg10 : memref<!tpu.dma_semaphore, #tpu.memory_space<semaphore_mem>>) src(%dma_wait3A_114 : memref<128xi32, #tpu.memory_space<hbm>>) dst(%arg6 : memref<128xi32, #tpu.memory_space<vmem>>)
          "tpu.region"() ({
            %run_scoped3A = tpu.sem_alloc : memref<!tpu.dma_semaphore, #tpu.memory_space<semaphore_mem>>
            %dma_start3A = arith.constant 0 : i32
            %dma_start3A_115 = tpu.memref_slice %arg11[%dma_start3A] : memref<10240xf32, #tpu.memory_space<vmem_shared>> -> memref<10240xf32, #tpu.memory_space<vmem_shared>>
            tpu.enqueue_indirect_dma source(%arg7 : memref<128xf32, #tpu.memory_space<vmem>>) target(%dma_start3A_115 : memref<10240xf32, #tpu.memory_space<vmem_shared>>) offsets(%arg6 : memref<128xi32, #tpu.memory_space<vmem>>) semaphore(%run_scoped3A : memref<!tpu.dma_semaphore, #tpu.memory_space<semaphore_mem>>) {add = true}
            %dma_wait3A_116 = arith.constant 0 : i32
            %dma_wait3A_117 = tpu.memref_slice %arg11[%dma_wait3A_116] : memref<10240xf32, #tpu.memory_space<vmem_shared>> -> memref<10240xf32, #tpu.memory_space<vmem_shared>>
            tpu.wait_indirect_dma semaphore(%run_scoped3A : memref<!tpu.dma_semaphore, #tpu.memory_space<semaphore_mem>>) src(%arg7 : memref<128xf32, #tpu.memory_space<vmem>>) dst(%dma_wait3A_117 : memref<10240xf32, #tpu.memory_space<vmem_shared>>)
            tpu.yield
          }) : () -> ()
        } else {
        }
      } else {
      }
    }
    %scan3A_61 = arith.constant 20 : i32
    %barrier3A_62 = arith.constant 0 : index
    tpu.barrier barrier_id(%barrier3A_62)
    %eq3A = arith.constant 0 : i32
    %eq3A_63 = arith.cmpi eq, %arg0, %eq3A : i32
    %convert_element_type3A_64 = arith.extui %eq3A_63 : i1 to i32
    %cond3A_65 = arith.constant 0 : i32
    %cond3A_66 = arith.cmpi ne, %convert_element_type3A_64, %cond3A_65 : i32
    scf.if %cond3A_66 {
      %mul3A_72 = arith.constant 640 : i32
      %mul3A_73 = arith.muli %arg1, %mul3A_72 : i32
      %mul3A_74 = arith.constant 640 : i32
      %mul3A_75 = arith.muli %arg1, %mul3A_74 : i32
      "tpu.region"() ({
        %run_scoped3A = tpu.sem_alloc : memref<!tpu.dma_semaphore, #tpu.memory_space<semaphore_mem>>
        %dma_start3A = tpu.memref_slice %arg3[%mul3A_75] : memref<10240xf32, #tpu.memory_space<hbm>> -> memref<640xf32, #tpu.memory_space<hbm>>
        %dma_start3A_76 = tpu.memref_slice %arg11[%mul3A_73] : memref<10240xf32, #tpu.memory_space<vmem_shared>> -> memref<640xf32, #tpu.memory_space<vmem_shared>>
        tpu.enqueue_dma source(%dma_start3A_76 : memref<640xf32, #tpu.memory_space<vmem_shared>>) target(%dma_start3A : memref<640xf32, #tpu.memory_space<hbm>>) target_semaphore(%run_scoped3A : memref<!tpu.dma_semaphore, #tpu.memory_space<semaphore_mem>>)
        %dma_wait3A = tpu.memref_slice %arg3[%mul3A_75] : memref<10240xf32, #tpu.memory_space<hbm>> -> memref<640xf32, #tpu.memory_space<hbm>>
        %dma_wait3A_77 = tpu.memref_slice %arg11[%mul3A_73] : memref<10240xf32, #tpu.memory_space<vmem_shared>> -> memref<640xf32, #tpu.memory_space<vmem_shared>>
        tpu.wait_dma2 semaphore(%run_scoped3A : memref<!tpu.dma_semaphore, #tpu.memory_space<semaphore_mem>>) src(%dma_wait3A_77 : memref<640xf32, #tpu.memory_space<vmem_shared>>) dst(%dma_wait3A : memref<640xf32, #tpu.memory_space<hbm>>)
        tpu.yield
      }) : () -> ()
    } else {
    }
    %eq3A_67 = arith.constant 1 : i32
    %eq3A_68 = arith.cmpi eq, %arg0, %eq3A_67 : i32
    %convert_element_type3A_69 = arith.extui %eq3A_68 : i1 to i32
    %cond3A_70 = arith.constant 0 : i32
    %cond3A_71 = arith.cmpi ne, %convert_element_type3A_69, %cond3A_70 : i32
    scf.if %cond3A_71 {
      %mul3A_72 = arith.constant 640 : i32
      %mul3A_73 = arith.muli %arg1, %mul3A_72 : i32
      %mul3A_74 = arith.constant 640 : i32
      %mul3A_75 = arith.muli %arg1, %mul3A_74 : i32
      "tpu.region"() ({
        %run_scoped3A = tpu.sem_alloc : memref<!tpu.dma_semaphore, #tpu.memory_space<semaphore_mem>>
        %dma_start3A = tpu.memref_slice %arg4[%mul3A_75] : memref<10240xf32, #tpu.memory_space<hbm>> -> memref<640xf32, #tpu.memory_space<hbm>>
        %dma_start3A_76 = tpu.memref_slice %arg11[%mul3A_73] : memref<10240xf32, #tpu.memory_space<vmem_shared>> -> memref<640xf32, #tpu.memory_space<vmem_shared>>
        tpu.enqueue_dma source(%dma_start3A_76 : memref<640xf32, #tpu.memory_space<vmem_shared>>) target(%dma_start3A : memref<640xf32, #tpu.memory_space<hbm>>) target_semaphore(%run_scoped3A : memref<!tpu.dma_semaphore, #tpu.memory_space<semaphore_mem>>)
        %dma_wait3A = tpu.memref_slice %arg4[%mul3A_75] : memref<10240xf32, #tpu.memory_space<hbm>> -> memref<640xf32, #tpu.memory_space<hbm>>
        %dma_wait3A_77 = tpu.memref_slice %arg11[%mul3A_73] : memref<10240xf32, #tpu.memory_space<vmem_shared>> -> memref<640xf32, #tpu.memory_space<vmem_shared>>
        tpu.wait_dma2 semaphore(%run_scoped3A : memref<!tpu.dma_semaphore, #tpu.memory_space<semaphore_mem>>) src(%dma_wait3A_77 : memref<640xf32, #tpu.memory_space<vmem_shared>>) dst(%dma_wait3A : memref<640xf32, #tpu.memory_space<hbm>>)
        tpu.yield
      }) : () -> ()
    } else {
    }
    return
  }
}

#map = affine_map<(d0, d1) -> (0, 0, 0)>
#map1 = affine_map<(d0, d1) -> (0, 0)>
module attributes {stable_mosaic.version = 14 : i64} {
  func.func @_agg_body(%arg0: i32, %arg1: i32, %arg2: memref<10240x2x128xf32, #tpu.memory_space<hbm>>, %arg3: memref<2x160000xi32, #tpu.memory_space<hbm>>, %arg4: memref<10240x2x128xf32, #tpu.memory_space<hbm>>, %arg5: memref<1152xi32, #tpu.memory_space<vmem>>, %arg6: memref<1152xi32, #tpu.memory_space<vmem>>, %arg7: memref<64xi32, #tpu.memory_space<vmem>>, %arg8: memref<64x2x128xf32, #tpu.memory_space<vmem>>, %arg9: memref<64x2x128xf32, #tpu.memory_space<vmem>>, %arg10: memref<16x2x128xf32, #tpu.memory_space<vmem>>, %arg11: memref<!tpu.dma_semaphore, #tpu.memory_space<semaphore_mem>>, %arg12: memref<!tpu.dma_semaphore, #tpu.memory_space<semaphore_mem>>, %arg13: memref<5376x2x128xf32, #tpu.memory_space<vmem_shared>>) attributes {dimension_semantics = [#tpu.dimension_semantics<core_parallel>, #tpu.dimension_semantics<subcore_parallel>], iteration_bounds = array<i64: 2, 16>, scalar_prefetch = 0 : i64, scratch_operands = 9 : i64, tpu.core_type = #tpu.core_type<sc_vector_subcore>, window_params = [{transform_indices = #map}, {transform_indices = #map1}, {transform_indices = #map}]} {
    %broadcast_in_dim3A = arith.constant 0.000000e+00 : f32
    %broadcast_in_dim3A_0 = vector.broadcast %broadcast_in_dim3A : f32 to vector<16xf32>
    %swap3A = arith.constant 0 : i32
    %swap3A_1 = arith.constant 0 : i32
    %swap3A_2 = arith.index_cast %swap3A : i32 to index
    %swap3A_3 = arith.index_cast %swap3A_1 : i32 to index
    %swap3A_4 = arith.constant 0 : index
    %swap3A_5 = tpu.vector_load %arg10[%swap3A_2, %swap3A_3, %swap3A_4] {strides = array<i32>} : memref<16x2x128xf32, #tpu.memory_space<vmem>>, vector<16xf32>,
    tpu.vector_store %arg10[%swap3A_2, %swap3A_3, %swap3A_4], %broadcast_in_dim3A_0 {strides = array<i32>} : memref<16x2x128xf32, #tpu.memory_space<vmem>>, vector<16xf32>,
    %broadcast_in_dim3A_6 = arith.constant 0.000000e+00 : f32
    %broadcast_in_dim3A_7 = vector.broadcast %broadcast_in_dim3A_6 : f32 to vector<16xf32>
    %swap3A_8 = arith.constant 0 : i32
    %swap3A_9 = arith.constant 0 : i32
    %swap3A_10 = arith.index_cast %swap3A_8 : i32 to index
    %swap3A_11 = arith.index_cast %swap3A_9 : i32 to index
    %swap3A_12 = arith.constant 16 : index
    %swap3A_13 = tpu.vector_load %arg10[%swap3A_10, %swap3A_11, %swap3A_12] {strides = array<i32>} : memref<16x2x128xf32, #tpu.memory_space<vmem>>, vector<16xf32>,
    tpu.vector_store %arg10[%swap3A_10, %swap3A_11, %swap3A_12], %broadcast_in_dim3A_7 {strides = array<i32>} : memref<16x2x128xf32, #tpu.memory_space<vmem>>, vector<16xf32>,
    %broadcast_in_dim3A_14 = arith.constant 0.000000e+00 : f32
    %broadcast_in_dim3A_15 = vector.broadcast %broadcast_in_dim3A_14 : f32 to vector<16xf32>
    %swap3A_16 = arith.constant 0 : i32
    %swap3A_17 = arith.constant 0 : i32
    %swap3A_18 = arith.index_cast %swap3A_16 : i32 to index
    %swap3A_19 = arith.index_cast %swap3A_17 : i32 to index
    %swap3A_20 = arith.constant 32 : index
    %swap3A_21 = tpu.vector_load %arg10[%swap3A_18, %swap3A_19, %swap3A_20] {strides = array<i32>} : memref<16x2x128xf32, #tpu.memory_space<vmem>>, vector<16xf32>,
    tpu.vector_store %arg10[%swap3A_18, %swap3A_19, %swap3A_20], %broadcast_in_dim3A_15 {strides = array<i32>} : memref<16x2x128xf32, #tpu.memory_space<vmem>>, vector<16xf32>,
    %broadcast_in_dim3A_22 = arith.constant 0.000000e+00 : f32
    %broadcast_in_dim3A_23 = vector.broadcast %broadcast_in_dim3A_22 : f32 to vector<16xf32>
    %swap3A_24 = arith.constant 0 : i32
    %swap3A_25 = arith.constant 0 : i32
    %swap3A_26 = arith.index_cast %swap3A_24 : i32 to index
    %swap3A_27 = arith.index_cast %swap3A_25 : i32 to index
    %swap3A_28 = arith.constant 48 : index
    %swap3A_29 = tpu.vector_load %arg10[%swap3A_26, %swap3A_27, %swap3A_28] {strides = array<i32>} : memref<16x2x128xf32, #tpu.memory_space<vmem>>, vector<16xf32>,
    tpu.vector_store %arg10[%swap3A_26, %swap3A_27, %swap3A_28], %broadcast_in_dim3A_23 {strides = array<i32>} : memref<16x2x128xf32, #tpu.memory_space<vmem>>, vector<16xf32>,
    %broadcast_in_dim3A_30 = arith.constant 0.000000e+00 : f32
    %broadcast_in_dim3A_31 = vector.broadcast %broadcast_in_dim3A_30 : f32 to vector<16xf32>
    %swap3A_32 = arith.constant 0 : i32
    %swap3A_33 = arith.constant 0 : i32
    %swap3A_34 = arith.index_cast %swap3A_32 : i32 to index
    %swap3A_35 = arith.index_cast %swap3A_33 : i32 to index
    %swap3A_36 = arith.constant 64 : index
    %swap3A_37 = tpu.vector_load %arg10[%swap3A_34, %swap3A_35, %swap3A_36] {strides = array<i32>} : memref<16x2x128xf32, #tpu.memory_space<vmem>>, vector<16xf32>,
    tpu.vector_store %arg10[%swap3A_34, %swap3A_35, %swap3A_36], %broadcast_in_dim3A_31 {strides = array<i32>} : memref<16x2x128xf32, #tpu.memory_space<vmem>>, vector<16xf32>,
    %broadcast_in_dim3A_38 = arith.constant 0.000000e+00 : f32
    %broadcast_in_dim3A_39 = vector.broadcast %broadcast_in_dim3A_38 : f32 to vector<16xf32>
    %swap3A_40 = arith.constant 0 : i32
    %swap3A_41 = arith.constant 0 : i32
    %swap3A_42 = arith.index_cast %swap3A_40 : i32 to index
    %swap3A_43 = arith.index_cast %swap3A_41 : i32 to index
    %swap3A_44 = arith.constant 80 : index
    %swap3A_45 = tpu.vector_load %arg10[%swap3A_42, %swap3A_43, %swap3A_44] {strides = array<i32>} : memref<16x2x128xf32, #tpu.memory_space<vmem>>, vector<16xf32>,
    tpu.vector_store %arg10[%swap3A_42, %swap3A_43, %swap3A_44], %broadcast_in_dim3A_39 {strides = array<i32>} : memref<16x2x128xf32, #tpu.memory_space<vmem>>, vector<16xf32>,
    %broadcast_in_dim3A_46 = arith.constant 0.000000e+00 : f32
    %broadcast_in_dim3A_47 = vector.broadcast %broadcast_in_dim3A_46 : f32 to vector<16xf32>
    %swap3A_48 = arith.constant 0 : i32
    %swap3A_49 = arith.constant 0 : i32
    %swap3A_50 = arith.index_cast %swap3A_48 : i32 to index
    %swap3A_51 = arith.index_cast %swap3A_49 : i32 to index
    %swap3A_52 = arith.constant 96 : index
    %swap3A_53 = tpu.vector_load %arg10[%swap3A_50, %swap3A_51, %swap3A_52] {strides = array<i32>} : memref<16x2x128xf32, #tpu.memory_space<vmem>>, vector<16xf32>,
    tpu.vector_store %arg10[%swap3A_50, %swap3A_51, %swap3A_52], %broadcast_in_dim3A_47 {strides = array<i32>} : memref<16x2x128xf32, #tpu.memory_space<vmem>>, vector<16xf32>,
    %broadcast_in_dim3A_54 = arith.constant 0.000000e+00 : f32
    %broadcast_in_dim3A_55 = vector.broadcast %broadcast_in_dim3A_54 : f32 to vector<16xf32>
    %swap3A_56 = arith.constant 0 : i32
    %swap3A_57 = arith.constant 0 : i32
    %swap3A_58 = arith.index_cast %swap3A_56 : i32 to index
    %swap3A_59 = arith.index_cast %swap3A_57 : i32 to index
    %swap3A_60 = arith.constant 112 : index
    %swap3A_61 = tpu.vector_load %arg10[%swap3A_58, %swap3A_59, %swap3A_60] {strides = array<i32>} : memref<16x2x128xf32, #tpu.memory_space<vmem>>, vector<16xf32>,
    tpu.vector_store %arg10[%swap3A_58, %swap3A_59, %swap3A_60], %broadcast_in_dim3A_55 {strides = array<i32>} : memref<16x2x128xf32, #tpu.memory_space<vmem>>, vector<16xf32>,
    %broadcast_in_dim3A_62 = arith.constant 0.000000e+00 : f32
    %broadcast_in_dim3A_63 = vector.broadcast %broadcast_in_dim3A_62 : f32 to vector<16xf32>
    %swap3A_64 = arith.constant 0 : i32
    %swap3A_65 = arith.constant 1 : i32
    %swap3A_66 = arith.index_cast %swap3A_64 : i32 to index
    %swap3A_67 = arith.index_cast %swap3A_65 : i32 to index
    %swap3A_68 = arith.constant 0 : index
    %swap3A_69 = tpu.vector_load %arg10[%swap3A_66, %swap3A_67, %swap3A_68] {strides = array<i32>} : memref<16x2x128xf32, #tpu.memory_space<vmem>>, vector<16xf32>,
    tpu.vector_store %arg10[%swap3A_66, %swap3A_67, %swap3A_68], %broadcast_in_dim3A_63 {strides = array<i32>} : memref<16x2x128xf32, #tpu.memory_space<vmem>>, vector<16xf32>,
    %broadcast_in_dim3A_70 = arith.constant 0.000000e+00 : f32
    %broadcast_in_dim3A_71 = vector.broadcast %broadcast_in_dim3A_70 : f32 to vector<16xf32>
    %swap3A_72 = arith.constant 0 : i32
    %swap3A_73 = arith.constant 1 : i32
    %swap3A_74 = arith.index_cast %swap3A_72 : i32 to index
    %swap3A_75 = arith.index_cast %swap3A_73 : i32 to index
    %swap3A_76 = arith.constant 16 : index
    %swap3A_77 = tpu.vector_load %arg10[%swap3A_74, %swap3A_75, %swap3A_76] {strides = array<i32>} : memref<16x2x128xf32, #tpu.memory_space<vmem>>, vector<16xf32>,
    tpu.vector_store %arg10[%swap3A_74, %swap3A_75, %swap3A_76], %broadcast_in_dim3A_71 {strides = array<i32>} : memref<16x2x128xf32, #tpu.memory_space<vmem>>, vector<16xf32>,
    %broadcast_in_dim3A_78 = arith.constant 0.000000e+00 : f32
    %broadcast_in_dim3A_79 = vector.broadcast %broadcast_in_dim3A_78 : f32 to vector<16xf32>
    %swap3A_80 = arith.constant 0 : i32
    %swap3A_81 = arith.constant 1 : i32
    %swap3A_82 = arith.index_cast %swap3A_80 : i32 to index
    %swap3A_83 = arith.index_cast %swap3A_81 : i32 to index
    %swap3A_84 = arith.constant 32 : index
    %swap3A_85 = tpu.vector_load %arg10[%swap3A_82, %swap3A_83, %swap3A_84] {strides = array<i32>} : memref<16x2x128xf32, #tpu.memory_space<vmem>>, vector<16xf32>,
    tpu.vector_store %arg10[%swap3A_82, %swap3A_83, %swap3A_84], %broadcast_in_dim3A_79 {strides = array<i32>} : memref<16x2x128xf32, #tpu.memory_space<vmem>>, vector<16xf32>,
    %broadcast_in_dim3A_86 = arith.constant 0.000000e+00 : f32
    %broadcast_in_dim3A_87 = vector.broadcast %broadcast_in_dim3A_86 : f32 to vector<16xf32>
    %swap3A_88 = arith.constant 0 : i32
    %swap3A_89 = arith.constant 1 : i32
    %swap3A_90 = arith.index_cast %swap3A_88 : i32 to index
    %swap3A_91 = arith.index_cast %swap3A_89 : i32 to index
    %swap3A_92 = arith.constant 48 : index
    %swap3A_93 = tpu.vector_load %arg10[%swap3A_90, %swap3A_91, %swap3A_92] {strides = array<i32>} : memref<16x2x128xf32, #tpu.memory_space<vmem>>, vector<16xf32>,
    tpu.vector_store %arg10[%swap3A_90, %swap3A_91, %swap3A_92], %broadcast_in_dim3A_87 {strides = array<i32>} : memref<16x2x128xf32, #tpu.memory_space<vmem>>, vector<16xf32>,
    %broadcast_in_dim3A_94 = arith.constant 0.000000e+00 : f32
    %broadcast_in_dim3A_95 = vector.broadcast %broadcast_in_dim3A_94 : f32 to vector<16xf32>
    %swap3A_96 = arith.constant 0 : i32
    %swap3A_97 = arith.constant 1 : i32
    %swap3A_98 = arith.index_cast %swap3A_96 : i32 to index
    %swap3A_99 = arith.index_cast %swap3A_97 : i32 to index
    %swap3A_100 = arith.constant 64 : index
    %swap3A_101 = tpu.vector_load %arg10[%swap3A_98, %swap3A_99, %swap3A_100] {strides = array<i32>} : memref<16x2x128xf32, #tpu.memory_space<vmem>>, vector<16xf32>,
    tpu.vector_store %arg10[%swap3A_98, %swap3A_99, %swap3A_100], %broadcast_in_dim3A_95 {strides = array<i32>} : memref<16x2x128xf32, #tpu.memory_space<vmem>>, vector<16xf32>,
    %broadcast_in_dim3A_102 = arith.constant 0.000000e+00 : f32
    %broadcast_in_dim3A_103 = vector.broadcast %broadcast_in_dim3A_102 : f32 to vector<16xf32>
    %swap3A_104 = arith.constant 0 : i32
    %swap3A_105 = arith.constant 1 : i32
    %swap3A_106 = arith.index_cast %swap3A_104 : i32 to index
    %swap3A_107 = arith.index_cast %swap3A_105 : i32 to index
    %swap3A_108 = arith.constant 80 : index
    %swap3A_109 = tpu.vector_load %arg10[%swap3A_106, %swap3A_107, %swap3A_108] {strides = array<i32>} : memref<16x2x128xf32, #tpu.memory_space<vmem>>, vector<16xf32>,
    tpu.vector_store %arg10[%swap3A_106, %swap3A_107, %swap3A_108], %broadcast_in_dim3A_103 {strides = array<i32>} : memref<16x2x128xf32, #tpu.memory_space<vmem>>, vector<16xf32>,
    %broadcast_in_dim3A_110 = arith.constant 0.000000e+00 : f32
    %broadcast_in_dim3A_111 = vector.broadcast %broadcast_in_dim3A_110 : f32 to vector<16xf32>
    %swap3A_112 = arith.constant 0 : i32
    %swap3A_113 = arith.constant 1 : i32
    %swap3A_114 = arith.index_cast %swap3A_112 : i32 to index
    %swap3A_115 = arith.index_cast %swap3A_113 : i32 to index
    %swap3A_116 = arith.constant 96 : index
    %swap3A_117 = tpu.vector_load %arg10[%swap3A_114, %swap3A_115, %swap3A_116] {strides = array<i32>} : memref<16x2x128xf32, #tpu.memory_space<vmem>>, vector<16xf32>,
    tpu.vector_store %arg10[%swap3A_114, %swap3A_115, %swap3A_116], %broadcast_in_dim3A_111 {strides = array<i32>} : memref<16x2x128xf32, #tpu.memory_space<vmem>>, vector<16xf32>,
    %broadcast_in_dim3A_118 = arith.constant 0.000000e+00 : f32
    %broadcast_in_dim3A_119 = vector.broadcast %broadcast_in_dim3A_118 : f32 to vector<16xf32>
    %swap3A_120 = arith.constant 0 : i32
    %swap3A_121 = arith.constant 1 : i32
    %swap3A_122 = arith.index_cast %swap3A_120 : i32 to index
    %swap3A_123 = arith.index_cast %swap3A_121 : i32 to index
    %swap3A_124 = arith.constant 112 : index
    %swap3A_125 = tpu.vector_load %arg10[%swap3A_122, %swap3A_123, %swap3A_124] {strides = array<i32>} : memref<16x2x128xf32, #tpu.memory_space<vmem>>, vector<16xf32>,
    tpu.vector_store %arg10[%swap3A_122, %swap3A_123, %swap3A_124], %broadcast_in_dim3A_119 {strides = array<i32>} : memref<16x2x128xf32, #tpu.memory_space<vmem>>, vector<16xf32>,
    %broadcast_in_dim3A_126 = arith.constant 0.000000e+00 : f32
    %broadcast_in_dim3A_127 = vector.broadcast %broadcast_in_dim3A_126 : f32 to vector<16xf32>
    %swap3A_128 = arith.constant 1 : i32
    %swap3A_129 = arith.constant 0 : i32
    %swap3A_130 = arith.index_cast %swap3A_128 : i32 to index
    %swap3A_131 = arith.index_cast %swap3A_129 : i32 to index
    %swap3A_132 = arith.constant 0 : index
    %swap3A_133 = tpu.vector_load %arg10[%swap3A_130, %swap3A_131, %swap3A_132] {strides = array<i32>} : memref<16x2x128xf32, #tpu.memory_space<vmem>>, vector<16xf32>,
    tpu.vector_store %arg10[%swap3A_130, %swap3A_131, %swap3A_132], %broadcast_in_dim3A_127 {strides = array<i32>} : memref<16x2x128xf32, #tpu.memory_space<vmem>>, vector<16xf32>,
    %broadcast_in_dim3A_134 = arith.constant 0.000000e+00 : f32
    %broadcast_in_dim3A_135 = vector.broadcast %broadcast_in_dim3A_134 : f32 to vector<16xf32>
    %swap3A_136 = arith.constant 1 : i32
    %swap3A_137 = arith.constant 0 : i32
    %swap3A_138 = arith.index_cast %swap3A_136 : i32 to index
    %swap3A_139 = arith.index_cast %swap3A_137 : i32 to index
    %swap3A_140 = arith.constant 16 : index
    %swap3A_141 = tpu.vector_load %arg10[%swap3A_138, %swap3A_139, %swap3A_140] {strides = array<i32>} : memref<16x2x128xf32, #tpu.memory_space<vmem>>, vector<16xf32>,
    tpu.vector_store %arg10[%swap3A_138, %swap3A_139, %swap3A_140], %broadcast_in_dim3A_135 {strides = array<i32>} : memref<16x2x128xf32, #tpu.memory_space<vmem>>, vector<16xf32>,
    %broadcast_in_dim3A_142 = arith.constant 0.000000e+00 : f32
    %broadcast_in_dim3A_143 = vector.broadcast %broadcast_in_dim3A_142 : f32 to vector<16xf32>
    %swap3A_144 = arith.constant 1 : i32
    %swap3A_145 = arith.constant 0 : i32
    %swap3A_146 = arith.index_cast %swap3A_144 : i32 to index
    %swap3A_147 = arith.index_cast %swap3A_145 : i32 to index
    %swap3A_148 = arith.constant 32 : index
    %swap3A_149 = tpu.vector_load %arg10[%swap3A_146, %swap3A_147, %swap3A_148] {strides = array<i32>} : memref<16x2x128xf32, #tpu.memory_space<vmem>>, vector<16xf32>,
    tpu.vector_store %arg10[%swap3A_146, %swap3A_147, %swap3A_148], %broadcast_in_dim3A_143 {strides = array<i32>} : memref<16x2x128xf32, #tpu.memory_space<vmem>>, vector<16xf32>,
    %broadcast_in_dim3A_150 = arith.constant 0.000000e+00 : f32
    %broadcast_in_dim3A_151 = vector.broadcast %broadcast_in_dim3A_150 : f32 to vector<16xf32>
    %swap3A_152 = arith.constant 1 : i32
    %swap3A_153 = arith.constant 0 : i32
    %swap3A_154 = arith.index_cast %swap3A_152 : i32 to index
    %swap3A_155 = arith.index_cast %swap3A_153 : i32 to index
    %swap3A_156 = arith.constant 48 : index
    %swap3A_157 = tpu.vector_load %arg10[%swap3A_154, %swap3A_155, %swap3A_156] {strides = array<i32>} : memref<16x2x128xf32, #tpu.memory_space<vmem>>, vector<16xf32>,
    tpu.vector_store %arg10[%swap3A_154, %swap3A_155, %swap3A_156], %broadcast_in_dim3A_151 {strides = array<i32>} : memref<16x2x128xf32, #tpu.memory_space<vmem>>, vector<16xf32>,
    %broadcast_in_dim3A_158 = arith.constant 0.000000e+00 : f32
    %broadcast_in_dim3A_159 = vector.broadcast %broadcast_in_dim3A_158 : f32 to vector<16xf32>
    %swap3A_160 = arith.constant 1 : i32
    %swap3A_161 = arith.constant 0 : i32
    %swap3A_162 = arith.index_cast %swap3A_160 : i32 to index
    %swap3A_163 = arith.index_cast %swap3A_161 : i32 to index
    %swap3A_164 = arith.constant 64 : index
    %swap3A_165 = tpu.vector_load %arg10[%swap3A_162, %swap3A_163, %swap3A_164] {strides = array<i32>} : memref<16x2x128xf32, #tpu.memory_space<vmem>>, vector<16xf32>,
    tpu.vector_store %arg10[%swap3A_162, %swap3A_163, %swap3A_164], %broadcast_in_dim3A_159 {strides = array<i32>} : memref<16x2x128xf32, #tpu.memory_space<vmem>>, vector<16xf32>,
    %broadcast_in_dim3A_166 = arith.constant 0.000000e+00 : f32
    %broadcast_in_dim3A_167 = vector.broadcast %broadcast_in_dim3A_166 : f32 to vector<16xf32>
    %swap3A_168 = arith.constant 1 : i32
    %swap3A_169 = arith.constant 0 : i32
    %swap3A_170 = arith.index_cast %swap3A_168 : i32 to index
    %swap3A_171 = arith.index_cast %swap3A_169 : i32 to index
    %swap3A_172 = arith.constant 80 : index
    %swap3A_173 = tpu.vector_load %arg10[%swap3A_170, %swap3A_171, %swap3A_172] {strides = array<i32>} : memref<16x2x128xf32, #tpu.memory_space<vmem>>, vector<16xf32>,
    tpu.vector_store %arg10[%swap3A_170, %swap3A_171, %swap3A_172], %broadcast_in_dim3A_167 {strides = array<i32>} : memref<16x2x128xf32, #tpu.memory_space<vmem>>, vector<16xf32>,
    %broadcast_in_dim3A_174 = arith.constant 0.000000e+00 : f32
    %broadcast_in_dim3A_175 = vector.broadcast %broadcast_in_dim3A_174 : f32 to vector<16xf32>
    %swap3A_176 = arith.constant 1 : i32
    %swap3A_177 = arith.constant 0 : i32
    %swap3A_178 = arith.index_cast %swap3A_176 : i32 to index
    %swap3A_179 = arith.index_cast %swap3A_177 : i32 to index
    %swap3A_180 = arith.constant 96 : index
    %swap3A_181 = tpu.vector_load %arg10[%swap3A_178, %swap3A_179, %swap3A_180] {strides = array<i32>} : memref<16x2x128xf32, #tpu.memory_space<vmem>>, vector<16xf32>,
    tpu.vector_store %arg10[%swap3A_178, %swap3A_179, %swap3A_180], %broadcast_in_dim3A_175 {strides = array<i32>} : memref<16x2x128xf32, #tpu.memory_space<vmem>>, vector<16xf32>,
    %broadcast_in_dim3A_182 = arith.constant 0.000000e+00 : f32
    %broadcast_in_dim3A_183 = vector.broadcast %broadcast_in_dim3A_182 : f32 to vector<16xf32>
    %swap3A_184 = arith.constant 1 : i32
    %swap3A_185 = arith.constant 0 : i32
    %swap3A_186 = arith.index_cast %swap3A_184 : i32 to index
    %swap3A_187 = arith.index_cast %swap3A_185 : i32 to index
    %swap3A_188 = arith.constant 112 : index
    %swap3A_189 = tpu.vector_load %arg10[%swap3A_186, %swap3A_187, %swap3A_188] {strides = array<i32>} : memref<16x2x128xf32, #tpu.memory_space<vmem>>, vector<16xf32>,
    tpu.vector_store %arg10[%swap3A_186, %swap3A_187, %swap3A_188], %broadcast_in_dim3A_183 {strides = array<i32>} : memref<16x2x128xf32, #tpu.memory_space<vmem>>, vector<16xf32>,
    %broadcast_in_dim3A_190 = arith.constant 0.000000e+00 : f32
    %broadcast_in_dim3A_191 = vector.broadcast %broadcast_in_dim3A_190 : f32 to vector<16xf32>
    %swap3A_192 = arith.constant 1 : i32
    %swap3A_193 = arith.constant 1 : i32
    %swap3A_194 = arith.index_cast %swap3A_192 : i32 to index
    %swap3A_195 = arith.index_cast %swap3A_193 : i32 to index
    %swap3A_196 = arith.constant 0 : index
    %swap3A_197 = tpu.vector_load %arg10[%swap3A_194, %swap3A_195, %swap3A_196] {strides = array<i32>} : memref<16x2x128xf32, #tpu.memory_space<vmem>>, vector<16xf32>,
    tpu.vector_store %arg10[%swap3A_194, %swap3A_195, %swap3A_196], %broadcast_in_dim3A_191 {strides = array<i32>} : memref<16x2x128xf32, #tpu.memory_space<vmem>>, vector<16xf32>,
    %broadcast_in_dim3A_198 = arith.constant 0.000000e+00 : f32
    %broadcast_in_dim3A_199 = vector.broadcast %broadcast_in_dim3A_198 : f32 to vector<16xf32>
    %swap3A_200 = arith.constant 1 : i32
    %swap3A_201 = arith.constant 1 : i32
    %swap3A_202 = arith.index_cast %swap3A_200 : i32 to index
    %swap3A_203 = arith.index_cast %swap3A_201 : i32 to index
    %swap3A_204 = arith.constant 16 : index
    %swap3A_205 = tpu.vector_load %arg10[%swap3A_202, %swap3A_203, %swap3A_204] {strides = array<i32>} : memref<16x2x128xf32, #tpu.memory_space<vmem>>, vector<16xf32>,
    tpu.vector_store %arg10[%swap3A_202, %swap3A_203, %swap3A_204], %broadcast_in_dim3A_199 {strides = array<i32>} : memref<16x2x128xf32, #tpu.memory_space<vmem>>, vector<16xf32>,
    %broadcast_in_dim3A_206 = arith.constant 0.000000e+00 : f32
    %broadcast_in_dim3A_207 = vector.broadcast %broadcast_in_dim3A_206 : f32 to vector<16xf32>
    %swap3A_208 = arith.constant 1 : i32
    %swap3A_209 = arith.constant 1 : i32
    %swap3A_210 = arith.index_cast %swap3A_208 : i32 to index
    %swap3A_211 = arith.index_cast %swap3A_209 : i32 to index
    %swap3A_212 = arith.constant 32 : index
    %swap3A_213 = tpu.vector_load %arg10[%swap3A_210, %swap3A_211, %swap3A_212] {strides = array<i32>} : memref<16x2x128xf32, #tpu.memory_space<vmem>>, vector<16xf32>,
    tpu.vector_store %arg10[%swap3A_210, %swap3A_211, %swap3A_212], %broadcast_in_dim3A_207 {strides = array<i32>} : memref<16x2x128xf32, #tpu.memory_space<vmem>>, vector<16xf32>,
    %broadcast_in_dim3A_214 = arith.constant 0.000000e+00 : f32
    %broadcast_in_dim3A_215 = vector.broadcast %broadcast_in_dim3A_214 : f32 to vector<16xf32>
    %swap3A_216 = arith.constant 1 : i32
    %swap3A_217 = arith.constant 1 : i32
    %swap3A_218 = arith.index_cast %swap3A_216 : i32 to index
    %swap3A_219 = arith.index_cast %swap3A_217 : i32 to index
    %swap3A_220 = arith.constant 48 : index
    %swap3A_221 = tpu.vector_load %arg10[%swap3A_218, %swap3A_219, %swap3A_220] {strides = array<i32>} : memref<16x2x128xf32, #tpu.memory_space<vmem>>, vector<16xf32>,
    tpu.vector_store %arg10[%swap3A_218, %swap3A_219, %swap3A_220], %broadcast_in_dim3A_215 {strides = array<i32>} : memref<16x2x128xf32, #tpu.memory_space<vmem>>, vector<16xf32>,
    %broadcast_in_dim3A_222 = arith.constant 0.000000e+00 : f32
    %broadcast_in_dim3A_223 = vector.broadcast %broadcast_in_dim3A_222 : f32 to vector<16xf32>
    %swap3A_224 = arith.constant 1 : i32
    %swap3A_225 = arith.constant 1 : i32
    %swap3A_226 = arith.index_cast %swap3A_224 : i32 to index
    %swap3A_227 = arith.index_cast %swap3A_225 : i32 to index
    %swap3A_228 = arith.constant 64 : index
    %swap3A_229 = tpu.vector_load %arg10[%swap3A_226, %swap3A_227, %swap3A_228] {strides = array<i32>} : memref<16x2x128xf32, #tpu.memory_space<vmem>>, vector<16xf32>,
    tpu.vector_store %arg10[%swap3A_226, %swap3A_227, %swap3A_228], %broadcast_in_dim3A_223 {strides = array<i32>} : memref<16x2x128xf32, #tpu.memory_space<vmem>>, vector<16xf32>,
    %broadcast_in_dim3A_230 = arith.constant 0.000000e+00 : f32
    %broadcast_in_dim3A_231 = vector.broadcast %broadcast_in_dim3A_230 : f32 to vector<16xf32>
    %swap3A_232 = arith.constant 1 : i32
    %swap3A_233 = arith.constant 1 : i32
    %swap3A_234 = arith.index_cast %swap3A_232 : i32 to index
    %swap3A_235 = arith.index_cast %swap3A_233 : i32 to index
    %swap3A_236 = arith.constant 80 : index
    %swap3A_237 = tpu.vector_load %arg10[%swap3A_234, %swap3A_235, %swap3A_236] {strides = array<i32>} : memref<16x2x128xf32, #tpu.memory_space<vmem>>, vector<16xf32>,
    tpu.vector_store %arg10[%swap3A_234, %swap3A_235, %swap3A_236], %broadcast_in_dim3A_231 {strides = array<i32>} : memref<16x2x128xf32, #tpu.memory_space<vmem>>, vector<16xf32>,
    %broadcast_in_dim3A_238 = arith.constant 0.000000e+00 : f32
    %broadcast_in_dim3A_239 = vector.broadcast %broadcast_in_dim3A_238 : f32 to vector<16xf32>
    %swap3A_240 = arith.constant 1 : i32
    %swap3A_241 = arith.constant 1 : i32
    %swap3A_242 = arith.index_cast %swap3A_240 : i32 to index
    %swap3A_243 = arith.index_cast %swap3A_241 : i32 to index
    %swap3A_244 = arith.constant 96 : index
    %swap3A_245 = tpu.vector_load %arg10[%swap3A_242, %swap3A_243, %swap3A_244] {strides = array<i32>} : memref<16x2x128xf32, #tpu.memory_space<vmem>>, vector<16xf32>,
    tpu.vector_store %arg10[%swap3A_242, %swap3A_243, %swap3A_244], %broadcast_in_dim3A_239 {strides = array<i32>} : memref<16x2x128xf32, #tpu.memory_space<vmem>>, vector<16xf32>,
    %broadcast_in_dim3A_246 = arith.constant 0.000000e+00 : f32
    %broadcast_in_dim3A_247 = vector.broadcast %broadcast_in_dim3A_246 : f32 to vector<16xf32>
    %swap3A_248 = arith.constant 1 : i32
    %swap3A_249 = arith.constant 1 : i32
    %swap3A_250 = arith.index_cast %swap3A_248 : i32 to index
    %swap3A_251 = arith.index_cast %swap3A_249 : i32 to index
    %swap3A_252 = arith.constant 112 : index
    %swap3A_253 = tpu.vector_load %arg10[%swap3A_250, %swap3A_251, %swap3A_252] {strides = array<i32>} : memref<16x2x128xf32, #tpu.memory_space<vmem>>, vector<16xf32>,
    tpu.vector_store %arg10[%swap3A_250, %swap3A_251, %swap3A_252], %broadcast_in_dim3A_247 {strides = array<i32>} : memref<16x2x128xf32, #tpu.memory_space<vmem>>, vector<16xf32>,
    %broadcast_in_dim3A_254 = arith.constant 0.000000e+00 : f32
    %broadcast_in_dim3A_255 = vector.broadcast %broadcast_in_dim3A_254 : f32 to vector<16xf32>
    %swap3A_256 = arith.constant 2 : i32
    %swap3A_257 = arith.constant 0 : i32
    %swap3A_258 = arith.index_cast %swap3A_256 : i32 to index
    %swap3A_259 = arith.index_cast %swap3A_257 : i32 to index
    %swap3A_260 = arith.constant 0 : index
    %swap3A_261 = tpu.vector_load %arg10[%swap3A_258, %swap3A_259, %swap3A_260] {strides = array<i32>} : memref<16x2x128xf32, #tpu.memory_space<vmem>>, vector<16xf32>,
    tpu.vector_store %arg10[%swap3A_258, %swap3A_259, %swap3A_260], %broadcast_in_dim3A_255 {strides = array<i32>} : memref<16x2x128xf32, #tpu.memory_space<vmem>>, vector<16xf32>,
    %broadcast_in_dim3A_262 = arith.constant 0.000000e+00 : f32
    %broadcast_in_dim3A_263 = vector.broadcast %broadcast_in_dim3A_262 : f32 to vector<16xf32>
    %swap3A_264 = arith.constant 2 : i32
    %swap3A_265 = arith.constant 0 : i32
    %swap3A_266 = arith.index_cast %swap3A_264 : i32 to index
    %swap3A_267 = arith.index_cast %swap3A_265 : i32 to index
    %swap3A_268 = arith.constant 16 : index
    %swap3A_269 = tpu.vector_load %arg10[%swap3A_266, %swap3A_267, %swap3A_268] {strides = array<i32>} : memref<16x2x128xf32, #tpu.memory_space<vmem>>, vector<16xf32>,
    tpu.vector_store %arg10[%swap3A_266, %swap3A_267, %swap3A_268], %broadcast_in_dim3A_263 {strides = array<i32>} : memref<16x2x128xf32, #tpu.memory_space<vmem>>, vector<16xf32>,
    %broadcast_in_dim3A_270 = arith.constant 0.000000e+00 : f32
    %broadcast_in_dim3A_271 = vector.broadcast %broadcast_in_dim3A_270 : f32 to vector<16xf32>
    %swap3A_272 = arith.constant 2 : i32
    %swap3A_273 = arith.constant 0 : i32
    %swap3A_274 = arith.index_cast %swap3A_272 : i32 to index
    %swap3A_275 = arith.index_cast %swap3A_273 : i32 to index
    %swap3A_276 = arith.constant 32 : index
    %swap3A_277 = tpu.vector_load %arg10[%swap3A_274, %swap3A_275, %swap3A_276] {strides = array<i32>} : memref<16x2x128xf32, #tpu.memory_space<vmem>>, vector<16xf32>,
    tpu.vector_store %arg10[%swap3A_274, %swap3A_275, %swap3A_276], %broadcast_in_dim3A_271 {strides = array<i32>} : memref<16x2x128xf32, #tpu.memory_space<vmem>>, vector<16xf32>,
    %broadcast_in_dim3A_278 = arith.constant 0.000000e+00 : f32
    %broadcast_in_dim3A_279 = vector.broadcast %broadcast_in_dim3A_278 : f32 to vector<16xf32>
    %swap3A_280 = arith.constant 2 : i32
    %swap3A_281 = arith.constant 0 : i32
    %swap3A_282 = arith.index_cast %swap3A_280 : i32 to index
    %swap3A_283 = arith.index_cast %swap3A_281 : i32 to index
    %swap3A_284 = arith.constant 48 : index
    %swap3A_285 = tpu.vector_load %arg10[%swap3A_282, %swap3A_283, %swap3A_284] {strides = array<i32>} : memref<16x2x128xf32, #tpu.memory_space<vmem>>, vector<16xf32>,
    tpu.vector_store %arg10[%swap3A_282, %swap3A_283, %swap3A_284], %broadcast_in_dim3A_279 {strides = array<i32>} : memref<16x2x128xf32, #tpu.memory_space<vmem>>, vector<16xf32>,
    %broadcast_in_dim3A_286 = arith.constant 0.000000e+00 : f32
    %broadcast_in_dim3A_287 = vector.broadcast %broadcast_in_dim3A_286 : f32 to vector<16xf32>
    %swap3A_288 = arith.constant 2 : i32
    %swap3A_289 = arith.constant 0 : i32
    %swap3A_290 = arith.index_cast %swap3A_288 : i32 to index
    %swap3A_291 = arith.index_cast %swap3A_289 : i32 to index
    %swap3A_292 = arith.constant 64 : index
    %swap3A_293 = tpu.vector_load %arg10[%swap3A_290, %swap3A_291, %swap3A_292] {strides = array<i32>} : memref<16x2x128xf32, #tpu.memory_space<vmem>>, vector<16xf32>,
    tpu.vector_store %arg10[%swap3A_290, %swap3A_291, %swap3A_292], %broadcast_in_dim3A_287 {strides = array<i32>} : memref<16x2x128xf32, #tpu.memory_space<vmem>>, vector<16xf32>,
    %broadcast_in_dim3A_294 = arith.constant 0.000000e+00 : f32
    %broadcast_in_dim3A_295 = vector.broadcast %broadcast_in_dim3A_294 : f32 to vector<16xf32>
    %swap3A_296 = arith.constant 2 : i32
    %swap3A_297 = arith.constant 0 : i32
    %swap3A_298 = arith.index_cast %swap3A_296 : i32 to index
    %swap3A_299 = arith.index_cast %swap3A_297 : i32 to index
    %swap3A_300 = arith.constant 80 : index
    %swap3A_301 = tpu.vector_load %arg10[%swap3A_298, %swap3A_299, %swap3A_300] {strides = array<i32>} : memref<16x2x128xf32, #tpu.memory_space<vmem>>, vector<16xf32>,
    tpu.vector_store %arg10[%swap3A_298, %swap3A_299, %swap3A_300], %broadcast_in_dim3A_295 {strides = array<i32>} : memref<16x2x128xf32, #tpu.memory_space<vmem>>, vector<16xf32>,
    %broadcast_in_dim3A_302 = arith.constant 0.000000e+00 : f32
    %broadcast_in_dim3A_303 = vector.broadcast %broadcast_in_dim3A_302 : f32 to vector<16xf32>
    %swap3A_304 = arith.constant 2 : i32
    %swap3A_305 = arith.constant 0 : i32
    %swap3A_306 = arith.index_cast %swap3A_304 : i32 to index
    %swap3A_307 = arith.index_cast %swap3A_305 : i32 to index
    %swap3A_308 = arith.constant 96 : index
    %swap3A_309 = tpu.vector_load %arg10[%swap3A_306, %swap3A_307, %swap3A_308] {strides = array<i32>} : memref<16x2x128xf32, #tpu.memory_space<vmem>>, vector<16xf32>,
    tpu.vector_store %arg10[%swap3A_306, %swap3A_307, %swap3A_308], %broadcast_in_dim3A_303 {strides = array<i32>} : memref<16x2x128xf32, #tpu.memory_space<vmem>>, vector<16xf32>,
    %broadcast_in_dim3A_310 = arith.constant 0.000000e+00 : f32
    %broadcast_in_dim3A_311 = vector.broadcast %broadcast_in_dim3A_310 : f32 to vector<16xf32>
    %swap3A_312 = arith.constant 2 : i32
    %swap3A_313 = arith.constant 0 : i32
    %swap3A_314 = arith.index_cast %swap3A_312 : i32 to index
    %swap3A_315 = arith.index_cast %swap3A_313 : i32 to index
    %swap3A_316 = arith.constant 112 : index
    %swap3A_317 = tpu.vector_load %arg10[%swap3A_314, %swap3A_315, %swap3A_316] {strides = array<i32>} : memref<16x2x128xf32, #tpu.memory_space<vmem>>, vector<16xf32>,
    tpu.vector_store %arg10[%swap3A_314, %swap3A_315, %swap3A_316], %broadcast_in_dim3A_311 {strides = array<i32>} : memref<16x2x128xf32, #tpu.memory_space<vmem>>, vector<16xf32>,
    %broadcast_in_dim3A_318 = arith.constant 0.000000e+00 : f32
    %broadcast_in_dim3A_319 = vector.broadcast %broadcast_in_dim3A_318 : f32 to vector<16xf32>
    %swap3A_320 = arith.constant 2 : i32
    %swap3A_321 = arith.constant 1 : i32
    %swap3A_322 = arith.index_cast %swap3A_320 : i32 to index
    %swap3A_323 = arith.index_cast %swap3A_321 : i32 to index
    %swap3A_324 = arith.constant 0 : index
    %swap3A_325 = tpu.vector_load %arg10[%swap3A_322, %swap3A_323, %swap3A_324] {strides = array<i32>} : memref<16x2x128xf32, #tpu.memory_space<vmem>>, vector<16xf32>,
    tpu.vector_store %arg10[%swap3A_322, %swap3A_323, %swap3A_324], %broadcast_in_dim3A_319 {strides = array<i32>} : memref<16x2x128xf32, #tpu.memory_space<vmem>>, vector<16xf32>,
    %broadcast_in_dim3A_326 = arith.constant 0.000000e+00 : f32
    %broadcast_in_dim3A_327 = vector.broadcast %broadcast_in_dim3A_326 : f32 to vector<16xf32>
    %swap3A_328 = arith.constant 2 : i32
    %swap3A_329 = arith.constant 1 : i32
    %swap3A_330 = arith.index_cast %swap3A_328 : i32 to index
    %swap3A_331 = arith.index_cast %swap3A_329 : i32 to index
    %swap3A_332 = arith.constant 16 : index
    %swap3A_333 = tpu.vector_load %arg10[%swap3A_330, %swap3A_331, %swap3A_332] {strides = array<i32>} : memref<16x2x128xf32, #tpu.memory_space<vmem>>, vector<16xf32>,
    tpu.vector_store %arg10[%swap3A_330, %swap3A_331, %swap3A_332], %broadcast_in_dim3A_327 {strides = array<i32>} : memref<16x2x128xf32, #tpu.memory_space<vmem>>, vector<16xf32>,
    %broadcast_in_dim3A_334 = arith.constant 0.000000e+00 : f32
    %broadcast_in_dim3A_335 = vector.broadcast %broadcast_in_dim3A_334 : f32 to vector<16xf32>
    %swap3A_336 = arith.constant 2 : i32
    %swap3A_337 = arith.constant 1 : i32
    %swap3A_338 = arith.index_cast %swap3A_336 : i32 to index
    %swap3A_339 = arith.index_cast %swap3A_337 : i32 to index
    %swap3A_340 = arith.constant 32 : index
    %swap3A_341 = tpu.vector_load %arg10[%swap3A_338, %swap3A_339, %swap3A_340] {strides = array<i32>} : memref<16x2x128xf32, #tpu.memory_space<vmem>>, vector<16xf32>,
    tpu.vector_store %arg10[%swap3A_338, %swap3A_339, %swap3A_340], %broadcast_in_dim3A_335 {strides = array<i32>} : memref<16x2x128xf32, #tpu.memory_space<vmem>>, vector<16xf32>,
    %broadcast_in_dim3A_342 = arith.constant 0.000000e+00 : f32
    %broadcast_in_dim3A_343 = vector.broadcast %broadcast_in_dim3A_342 : f32 to vector<16xf32>
    %swap3A_344 = arith.constant 2 : i32
    %swap3A_345 = arith.constant 1 : i32
    %swap3A_346 = arith.index_cast %swap3A_344 : i32 to index
    %swap3A_347 = arith.index_cast %swap3A_345 : i32 to index
    %swap3A_348 = arith.constant 48 : index
    %swap3A_349 = tpu.vector_load %arg10[%swap3A_346, %swap3A_347, %swap3A_348] {strides = array<i32>} : memref<16x2x128xf32, #tpu.memory_space<vmem>>, vector<16xf32>,
    tpu.vector_store %arg10[%swap3A_346, %swap3A_347, %swap3A_348], %broadcast_in_dim3A_343 {strides = array<i32>} : memref<16x2x128xf32, #tpu.memory_space<vmem>>, vector<16xf32>,
    %broadcast_in_dim3A_350 = arith.constant 0.000000e+00 : f32
    %broadcast_in_dim3A_351 = vector.broadcast %broadcast_in_dim3A_350 : f32 to vector<16xf32>
    %swap3A_352 = arith.constant 2 : i32
    %swap3A_353 = arith.constant 1 : i32
    %swap3A_354 = arith.index_cast %swap3A_352 : i32 to index
    %swap3A_355 = arith.index_cast %swap3A_353 : i32 to index
    %swap3A_356 = arith.constant 64 : index
    %swap3A_357 = tpu.vector_load %arg10[%swap3A_354, %swap3A_355, %swap3A_356] {strides = array<i32>} : memref<16x2x128xf32, #tpu.memory_space<vmem>>, vector<16xf32>,
    tpu.vector_store %arg10[%swap3A_354, %swap3A_355, %swap3A_356], %broadcast_in_dim3A_351 {strides = array<i32>} : memref<16x2x128xf32, #tpu.memory_space<vmem>>, vector<16xf32>,
    %broadcast_in_dim3A_358 = arith.constant 0.000000e+00 : f32
    %broadcast_in_dim3A_359 = vector.broadcast %broadcast_in_dim3A_358 : f32 to vector<16xf32>
    %swap3A_360 = arith.constant 2 : i32
    %swap3A_361 = arith.constant 1 : i32
    %swap3A_362 = arith.index_cast %swap3A_360 : i32 to index
    %swap3A_363 = arith.index_cast %swap3A_361 : i32 to index
    %swap3A_364 = arith.constant 80 : index
    %swap3A_365 = tpu.vector_load %arg10[%swap3A_362, %swap3A_363, %swap3A_364] {strides = array<i32>} : memref<16x2x128xf32, #tpu.memory_space<vmem>>, vector<16xf32>,
    tpu.vector_store %arg10[%swap3A_362, %swap3A_363, %swap3A_364], %broadcast_in_dim3A_359 {strides = array<i32>} : memref<16x2x128xf32, #tpu.memory_space<vmem>>, vector<16xf32>,
    %broadcast_in_dim3A_366 = arith.constant 0.000000e+00 : f32
    %broadcast_in_dim3A_367 = vector.broadcast %broadcast_in_dim3A_366 : f32 to vector<16xf32>
    %swap3A_368 = arith.constant 2 : i32
    %swap3A_369 = arith.constant 1 : i32
    %swap3A_370 = arith.index_cast %swap3A_368 : i32 to index
    %swap3A_371 = arith.index_cast %swap3A_369 : i32 to index
    %swap3A_372 = arith.constant 96 : index
    %swap3A_373 = tpu.vector_load %arg10[%swap3A_370, %swap3A_371, %swap3A_372] {strides = array<i32>} : memref<16x2x128xf32, #tpu.memory_space<vmem>>, vector<16xf32>,
    tpu.vector_store %arg10[%swap3A_370, %swap3A_371, %swap3A_372], %broadcast_in_dim3A_367 {strides = array<i32>} : memref<16x2x128xf32, #tpu.memory_space<vmem>>, vector<16xf32>,
    %broadcast_in_dim3A_374 = arith.constant 0.000000e+00 : f32
    %broadcast_in_dim3A_375 = vector.broadcast %broadcast_in_dim3A_374 : f32 to vector<16xf32>
    %swap3A_376 = arith.constant 2 : i32
    %swap3A_377 = arith.constant 1 : i32
    %swap3A_378 = arith.index_cast %swap3A_376 : i32 to index
    %swap3A_379 = arith.index_cast %swap3A_377 : i32 to index
    %swap3A_380 = arith.constant 112 : index
    %swap3A_381 = tpu.vector_load %arg10[%swap3A_378, %swap3A_379, %swap3A_380] {strides = array<i32>} : memref<16x2x128xf32, #tpu.memory_space<vmem>>, vector<16xf32>,
    tpu.vector_store %arg10[%swap3A_378, %swap3A_379, %swap3A_380], %broadcast_in_dim3A_375 {strides = array<i32>} : memref<16x2x128xf32, #tpu.memory_space<vmem>>, vector<16xf32>,
    %broadcast_in_dim3A_382 = arith.constant 0.000000e+00 : f32
    %broadcast_in_dim3A_383 = vector.broadcast %broadcast_in_dim3A_382 : f32 to vector<16xf32>
    %swap3A_384 = arith.constant 3 : i32
    %swap3A_385 = arith.constant 0 : i32
    %swap3A_386 = arith.index_cast %swap3A_384 : i32 to index
    %swap3A_387 = arith.index_cast %swap3A_385 : i32 to index
    %swap3A_388 = arith.constant 0 : index
    %swap3A_389 = tpu.vector_load %arg10[%swap3A_386, %swap3A_387, %swap3A_388] {strides = array<i32>} : memref<16x2x128xf32, #tpu.memory_space<vmem>>, vector<16xf32>,
    tpu.vector_store %arg10[%swap3A_386, %swap3A_387, %swap3A_388], %broadcast_in_dim3A_383 {strides = array<i32>} : memref<16x2x128xf32, #tpu.memory_space<vmem>>, vector<16xf32>,
    %broadcast_in_dim3A_390 = arith.constant 0.000000e+00 : f32
    %broadcast_in_dim3A_391 = vector.broadcast %broadcast_in_dim3A_390 : f32 to vector<16xf32>
    %swap3A_392 = arith.constant 3 : i32
    %swap3A_393 = arith.constant 0 : i32
    %swap3A_394 = arith.index_cast %swap3A_392 : i32 to index
    %swap3A_395 = arith.index_cast %swap3A_393 : i32 to index
    %swap3A_396 = arith.constant 16 : index
    %swap3A_397 = tpu.vector_load %arg10[%swap3A_394, %swap3A_395, %swap3A_396] {strides = array<i32>} : memref<16x2x128xf32, #tpu.memory_space<vmem>>, vector<16xf32>,
    tpu.vector_store %arg10[%swap3A_394, %swap3A_395, %swap3A_396], %broadcast_in_dim3A_391 {strides = array<i32>} : memref<16x2x128xf32, #tpu.memory_space<vmem>>, vector<16xf32>,
    %broadcast_in_dim3A_398 = arith.constant 0.000000e+00 : f32
    %broadcast_in_dim3A_399 = vector.broadcast %broadcast_in_dim3A_398 : f32 to vector<16xf32>
    %swap3A_400 = arith.constant 3 : i32
    %swap3A_401 = arith.constant 0 : i32
    %swap3A_402 = arith.index_cast %swap3A_400 : i32 to index
    %swap3A_403 = arith.index_cast %swap3A_401 : i32 to index
    %swap3A_404 = arith.constant 32 : index
    %swap3A_405 = tpu.vector_load %arg10[%swap3A_402, %swap3A_403, %swap3A_404] {strides = array<i32>} : memref<16x2x128xf32, #tpu.memory_space<vmem>>, vector<16xf32>,
    tpu.vector_store %arg10[%swap3A_402, %swap3A_403, %swap3A_404], %broadcast_in_dim3A_399 {strides = array<i32>} : memref<16x2x128xf32, #tpu.memory_space<vmem>>, vector<16xf32>,
    %broadcast_in_dim3A_406 = arith.constant 0.000000e+00 : f32
    %broadcast_in_dim3A_407 = vector.broadcast %broadcast_in_dim3A_406 : f32 to vector<16xf32>
    %swap3A_408 = arith.constant 3 : i32
    %swap3A_409 = arith.constant 0 : i32
    %swap3A_410 = arith.index_cast %swap3A_408 : i32 to index
    %swap3A_411 = arith.index_cast %swap3A_409 : i32 to index
    %swap3A_412 = arith.constant 48 : index
    %swap3A_413 = tpu.vector_load %arg10[%swap3A_410, %swap3A_411, %swap3A_412] {strides = array<i32>} : memref<16x2x128xf32, #tpu.memory_space<vmem>>, vector<16xf32>,
    tpu.vector_store %arg10[%swap3A_410, %swap3A_411, %swap3A_412], %broadcast_in_dim3A_407 {strides = array<i32>} : memref<16x2x128xf32, #tpu.memory_space<vmem>>, vector<16xf32>,
    %broadcast_in_dim3A_414 = arith.constant 0.000000e+00 : f32
    %broadcast_in_dim3A_415 = vector.broadcast %broadcast_in_dim3A_414 : f32 to vector<16xf32>
    %swap3A_416 = arith.constant 3 : i32
    %swap3A_417 = arith.constant 0 : i32
    %swap3A_418 = arith.index_cast %swap3A_416 : i32 to index
    %swap3A_419 = arith.index_cast %swap3A_417 : i32 to index
    %swap3A_420 = arith.constant 64 : index
    %swap3A_421 = tpu.vector_load %arg10[%swap3A_418, %swap3A_419, %swap3A_420] {strides = array<i32>} : memref<16x2x128xf32, #tpu.memory_space<vmem>>, vector<16xf32>,
    tpu.vector_store %arg10[%swap3A_418, %swap3A_419, %swap3A_420], %broadcast_in_dim3A_415 {strides = array<i32>} : memref<16x2x128xf32, #tpu.memory_space<vmem>>, vector<16xf32>,
    %broadcast_in_dim3A_422 = arith.constant 0.000000e+00 : f32
    %broadcast_in_dim3A_423 = vector.broadcast %broadcast_in_dim3A_422 : f32 to vector<16xf32>
    %swap3A_424 = arith.constant 3 : i32
    %swap3A_425 = arith.constant 0 : i32
    %swap3A_426 = arith.index_cast %swap3A_424 : i32 to index
    %swap3A_427 = arith.index_cast %swap3A_425 : i32 to index
    %swap3A_428 = arith.constant 80 : index
    %swap3A_429 = tpu.vector_load %arg10[%swap3A_426, %swap3A_427, %swap3A_428] {strides = array<i32>} : memref<16x2x128xf32, #tpu.memory_space<vmem>>, vector<16xf32>,
    tpu.vector_store %arg10[%swap3A_426, %swap3A_427, %swap3A_428], %broadcast_in_dim3A_423 {strides = array<i32>} : memref<16x2x128xf32, #tpu.memory_space<vmem>>, vector<16xf32>,
    %broadcast_in_dim3A_430 = arith.constant 0.000000e+00 : f32
    %broadcast_in_dim3A_431 = vector.broadcast %broadcast_in_dim3A_430 : f32 to vector<16xf32>
    %swap3A_432 = arith.constant 3 : i32
    %swap3A_433 = arith.constant 0 : i32
    %swap3A_434 = arith.index_cast %swap3A_432 : i32 to index
    %swap3A_435 = arith.index_cast %swap3A_433 : i32 to index
    %swap3A_436 = arith.constant 96 : index
    %swap3A_437 = tpu.vector_load %arg10[%swap3A_434, %swap3A_435, %swap3A_436] {strides = array<i32>} : memref<16x2x128xf32, #tpu.memory_space<vmem>>, vector<16xf32>,
    tpu.vector_store %arg10[%swap3A_434, %swap3A_435, %swap3A_436], %broadcast_in_dim3A_431 {strides = array<i32>} : memref<16x2x128xf32, #tpu.memory_space<vmem>>, vector<16xf32>,
    %broadcast_in_dim3A_438 = arith.constant 0.000000e+00 : f32
    %broadcast_in_dim3A_439 = vector.broadcast %broadcast_in_dim3A_438 : f32 to vector<16xf32>
    %swap3A_440 = arith.constant 3 : i32
    %swap3A_441 = arith.constant 0 : i32
    %swap3A_442 = arith.index_cast %swap3A_440 : i32 to index
    %swap3A_443 = arith.index_cast %swap3A_441 : i32 to index
    %swap3A_444 = arith.constant 112 : index
    %swap3A_445 = tpu.vector_load %arg10[%swap3A_442, %swap3A_443, %swap3A_444] {strides = array<i32>} : memref<16x2x128xf32, #tpu.memory_space<vmem>>, vector<16xf32>,
    tpu.vector_store %arg10[%swap3A_442, %swap3A_443, %swap3A_444], %broadcast_in_dim3A_439 {strides = array<i32>} : memref<16x2x128xf32, #tpu.memory_space<vmem>>, vector<16xf32>,
    %broadcast_in_dim3A_446 = arith.constant 0.000000e+00 : f32
    %broadcast_in_dim3A_447 = vector.broadcast %broadcast_in_dim3A_446 : f32 to vector<16xf32>
    %swap3A_448 = arith.constant 3 : i32
    %swap3A_449 = arith.constant 1 : i32
    %swap3A_450 = arith.index_cast %swap3A_448 : i32 to index
    %swap3A_451 = arith.index_cast %swap3A_449 : i32 to index
    %swap3A_452 = arith.constant 0 : index
    %swap3A_453 = tpu.vector_load %arg10[%swap3A_450, %swap3A_451, %swap3A_452] {strides = array<i32>} : memref<16x2x128xf32, #tpu.memory_space<vmem>>, vector<16xf32>,
    tpu.vector_store %arg10[%swap3A_450, %swap3A_451, %swap3A_452], %broadcast_in_dim3A_447 {strides = array<i32>} : memref<16x2x128xf32, #tpu.memory_space<vmem>>, vector<16xf32>,
    %broadcast_in_dim3A_454 = arith.constant 0.000000e+00 : f32
    %broadcast_in_dim3A_455 = vector.broadcast %broadcast_in_dim3A_454 : f32 to vector<16xf32>
    %swap3A_456 = arith.constant 3 : i32
    %swap3A_457 = arith.constant 1 : i32
    %swap3A_458 = arith.index_cast %swap3A_456 : i32 to index
    %swap3A_459 = arith.index_cast %swap3A_457 : i32 to index
    %swap3A_460 = arith.constant 16 : index
    %swap3A_461 = tpu.vector_load %arg10[%swap3A_458, %swap3A_459, %swap3A_460] {strides = array<i32>} : memref<16x2x128xf32, #tpu.memory_space<vmem>>, vector<16xf32>,
    tpu.vector_store %arg10[%swap3A_458, %swap3A_459, %swap3A_460], %broadcast_in_dim3A_455 {strides = array<i32>} : memref<16x2x128xf32, #tpu.memory_space<vmem>>, vector<16xf32>,
    %broadcast_in_dim3A_462 = arith.constant 0.000000e+00 : f32
    %broadcast_in_dim3A_463 = vector.broadcast %broadcast_in_dim3A_462 : f32 to vector<16xf32>
    %swap3A_464 = arith.constant 3 : i32
    %swap3A_465 = arith.constant 1 : i32
    %swap3A_466 = arith.index_cast %swap3A_464 : i32 to index
    %swap3A_467 = arith.index_cast %swap3A_465 : i32 to index
    %swap3A_468 = arith.constant 32 : index
    %swap3A_469 = tpu.vector_load %arg10[%swap3A_466, %swap3A_467, %swap3A_468] {strides = array<i32>} : memref<16x2x128xf32, #tpu.memory_space<vmem>>, vector<16xf32>,
    tpu.vector_store %arg10[%swap3A_466, %swap3A_467, %swap3A_468], %broadcast_in_dim3A_463 {strides = array<i32>} : memref<16x2x128xf32, #tpu.memory_space<vmem>>, vector<16xf32>,
    %broadcast_in_dim3A_470 = arith.constant 0.000000e+00 : f32
    %broadcast_in_dim3A_471 = vector.broadcast %broadcast_in_dim3A_470 : f32 to vector<16xf32>
    %swap3A_472 = arith.constant 3 : i32
    %swap3A_473 = arith.constant 1 : i32
    %swap3A_474 = arith.index_cast %swap3A_472 : i32 to index
    %swap3A_475 = arith.index_cast %swap3A_473 : i32 to index
    %swap3A_476 = arith.constant 48 : index
    %swap3A_477 = tpu.vector_load %arg10[%swap3A_474, %swap3A_475, %swap3A_476] {strides = array<i32>} : memref<16x2x128xf32, #tpu.memory_space<vmem>>, vector<16xf32>,
    tpu.vector_store %arg10[%swap3A_474, %swap3A_475, %swap3A_476], %broadcast_in_dim3A_471 {strides = array<i32>} : memref<16x2x128xf32, #tpu.memory_space<vmem>>, vector<16xf32>,
    %broadcast_in_dim3A_478 = arith.constant 0.000000e+00 : f32
    %broadcast_in_dim3A_479 = vector.broadcast %broadcast_in_dim3A_478 : f32 to vector<16xf32>
    %swap3A_480 = arith.constant 3 : i32
    %swap3A_481 = arith.constant 1 : i32
    %swap3A_482 = arith.index_cast %swap3A_480 : i32 to index
    %swap3A_483 = arith.index_cast %swap3A_481 : i32 to index
    %swap3A_484 = arith.constant 64 : index
    %swap3A_485 = tpu.vector_load %arg10[%swap3A_482, %swap3A_483, %swap3A_484] {strides = array<i32>} : memref<16x2x128xf32, #tpu.memory_space<vmem>>, vector<16xf32>,
    tpu.vector_store %arg10[%swap3A_482, %swap3A_483, %swap3A_484], %broadcast_in_dim3A_479 {strides = array<i32>} : memref<16x2x128xf32, #tpu.memory_space<vmem>>, vector<16xf32>,
    %broadcast_in_dim3A_486 = arith.constant 0.000000e+00 : f32
    %broadcast_in_dim3A_487 = vector.broadcast %broadcast_in_dim3A_486 : f32 to vector<16xf32>
    %swap3A_488 = arith.constant 3 : i32
    %swap3A_489 = arith.constant 1 : i32
    %swap3A_490 = arith.index_cast %swap3A_488 : i32 to index
    %swap3A_491 = arith.index_cast %swap3A_489 : i32 to index
    %swap3A_492 = arith.constant 80 : index
    %swap3A_493 = tpu.vector_load %arg10[%swap3A_490, %swap3A_491, %swap3A_492] {strides = array<i32>} : memref<16x2x128xf32, #tpu.memory_space<vmem>>, vector<16xf32>,
    tpu.vector_store %arg10[%swap3A_490, %swap3A_491, %swap3A_492], %broadcast_in_dim3A_487 {strides = array<i32>} : memref<16x2x128xf32, #tpu.memory_space<vmem>>, vector<16xf32>,
    %broadcast_in_dim3A_494 = arith.constant 0.000000e+00 : f32
    %broadcast_in_dim3A_495 = vector.broadcast %broadcast_in_dim3A_494 : f32 to vector<16xf32>
    %swap3A_496 = arith.constant 3 : i32
    %swap3A_497 = arith.constant 1 : i32
    %swap3A_498 = arith.index_cast %swap3A_496 : i32 to index
    %swap3A_499 = arith.index_cast %swap3A_497 : i32 to index
    %swap3A_500 = arith.constant 96 : index
    %swap3A_501 = tpu.vector_load %arg10[%swap3A_498, %swap3A_499, %swap3A_500] {strides = array<i32>} : memref<16x2x128xf32, #tpu.memory_space<vmem>>, vector<16xf32>,
    tpu.vector_store %arg10[%swap3A_498, %swap3A_499, %swap3A_500], %broadcast_in_dim3A_495 {strides = array<i32>} : memref<16x2x128xf32, #tpu.memory_space<vmem>>, vector<16xf32>,
    %broadcast_in_dim3A_502 = arith.constant 0.000000e+00 : f32
    %broadcast_in_dim3A_503 = vector.broadcast %broadcast_in_dim3A_502 : f32 to vector<16xf32>
    %swap3A_504 = arith.constant 3 : i32
    %swap3A_505 = arith.constant 1 : i32
    %swap3A_506 = arith.index_cast %swap3A_504 : i32 to index
    %swap3A_507 = arith.index_cast %swap3A_505 : i32 to index
    %swap3A_508 = arith.constant 112 : index
    %swap3A_509 = tpu.vector_load %arg10[%swap3A_506, %swap3A_507, %swap3A_508] {strides = array<i32>} : memref<16x2x128xf32, #tpu.memory_space<vmem>>, vector<16xf32>,
    tpu.vector_store %arg10[%swap3A_506, %swap3A_507, %swap3A_508], %broadcast_in_dim3A_503 {strides = array<i32>} : memref<16x2x128xf32, #tpu.memory_space<vmem>>, vector<16xf32>,
    %broadcast_in_dim3A_510 = arith.constant 0.000000e+00 : f32
    %broadcast_in_dim3A_511 = vector.broadcast %broadcast_in_dim3A_510 : f32 to vector<16xf32>
    %swap3A_512 = arith.constant 4 : i32
    %swap3A_513 = arith.constant 0 : i32
    %swap3A_514 = arith.index_cast %swap3A_512 : i32 to index
    %swap3A_515 = arith.index_cast %swap3A_513 : i32 to index
    %swap3A_516 = arith.constant 0 : index
    %swap3A_517 = tpu.vector_load %arg10[%swap3A_514, %swap3A_515, %swap3A_516] {strides = array<i32>} : memref<16x2x128xf32, #tpu.memory_space<vmem>>, vector<16xf32>,
    tpu.vector_store %arg10[%swap3A_514, %swap3A_515, %swap3A_516], %broadcast_in_dim3A_511 {strides = array<i32>} : memref<16x2x128xf32, #tpu.memory_space<vmem>>, vector<16xf32>,
    %broadcast_in_dim3A_518 = arith.constant 0.000000e+00 : f32
    %broadcast_in_dim3A_519 = vector.broadcast %broadcast_in_dim3A_518 : f32 to vector<16xf32>
    %swap3A_520 = arith.constant 4 : i32
    %swap3A_521 = arith.constant 0 : i32
    %swap3A_522 = arith.index_cast %swap3A_520 : i32 to index
    %swap3A_523 = arith.index_cast %swap3A_521 : i32 to index
    %swap3A_524 = arith.constant 16 : index
    %swap3A_525 = tpu.vector_load %arg10[%swap3A_522, %swap3A_523, %swap3A_524] {strides = array<i32>} : memref<16x2x128xf32, #tpu.memory_space<vmem>>, vector<16xf32>,
    tpu.vector_store %arg10[%swap3A_522, %swap3A_523, %swap3A_524], %broadcast_in_dim3A_519 {strides = array<i32>} : memref<16x2x128xf32, #tpu.memory_space<vmem>>, vector<16xf32>,
    %broadcast_in_dim3A_526 = arith.constant 0.000000e+00 : f32
    %broadcast_in_dim3A_527 = vector.broadcast %broadcast_in_dim3A_526 : f32 to vector<16xf32>
    %swap3A_528 = arith.constant 4 : i32
    %swap3A_529 = arith.constant 0 : i32
    %swap3A_530 = arith.index_cast %swap3A_528 : i32 to index
    %swap3A_531 = arith.index_cast %swap3A_529 : i32 to index
    %swap3A_532 = arith.constant 32 : index
    %swap3A_533 = tpu.vector_load %arg10[%swap3A_530, %swap3A_531, %swap3A_532] {strides = array<i32>} : memref<16x2x128xf32, #tpu.memory_space<vmem>>, vector<16xf32>,
    tpu.vector_store %arg10[%swap3A_530, %swap3A_531, %swap3A_532], %broadcast_in_dim3A_527 {strides = array<i32>} : memref<16x2x128xf32, #tpu.memory_space<vmem>>, vector<16xf32>,
    %broadcast_in_dim3A_534 = arith.constant 0.000000e+00 : f32
    %broadcast_in_dim3A_535 = vector.broadcast %broadcast_in_dim3A_534 : f32 to vector<16xf32>
    %swap3A_536 = arith.constant 4 : i32
    %swap3A_537 = arith.constant 0 : i32
    %swap3A_538 = arith.index_cast %swap3A_536 : i32 to index
    %swap3A_539 = arith.index_cast %swap3A_537 : i32 to index
    %swap3A_540 = arith.constant 48 : index
    %swap3A_541 = tpu.vector_load %arg10[%swap3A_538, %swap3A_539, %swap3A_540] {strides = array<i32>} : memref<16x2x128xf32, #tpu.memory_space<vmem>>, vector<16xf32>,
    tpu.vector_store %arg10[%swap3A_538, %swap3A_539, %swap3A_540], %broadcast_in_dim3A_535 {strides = array<i32>} : memref<16x2x128xf32, #tpu.memory_space<vmem>>, vector<16xf32>,
    %broadcast_in_dim3A_542 = arith.constant 0.000000e+00 : f32
    %broadcast_in_dim3A_543 = vector.broadcast %broadcast_in_dim3A_542 : f32 to vector<16xf32>
    %swap3A_544 = arith.constant 4 : i32
    %swap3A_545 = arith.constant 0 : i32
    %swap3A_546 = arith.index_cast %swap3A_544 : i32 to index
    %swap3A_547 = arith.index_cast %swap3A_545 : i32 to index
    %swap3A_548 = arith.constant 64 : index
    %swap3A_549 = tpu.vector_load %arg10[%swap3A_546, %swap3A_547, %swap3A_548] {strides = array<i32>} : memref<16x2x128xf32, #tpu.memory_space<vmem>>, vector<16xf32>,
    tpu.vector_store %arg10[%swap3A_546, %swap3A_547, %swap3A_548], %broadcast_in_dim3A_543 {strides = array<i32>} : memref<16x2x128xf32, #tpu.memory_space<vmem>>, vector<16xf32>,
    %broadcast_in_dim3A_550 = arith.constant 0.000000e+00 : f32
    %broadcast_in_dim3A_551 = vector.broadcast %broadcast_in_dim3A_550 : f32 to vector<16xf32>
    %swap3A_552 = arith.constant 4 : i32
    %swap3A_553 = arith.constant 0 : i32
    %swap3A_554 = arith.index_cast %swap3A_552 : i32 to index
    %swap3A_555 = arith.index_cast %swap3A_553 : i32 to index
    %swap3A_556 = arith.constant 80 : index
    %swap3A_557 = tpu.vector_load %arg10[%swap3A_554, %swap3A_555, %swap3A_556] {strides = array<i32>} : memref<16x2x128xf32, #tpu.memory_space<vmem>>, vector<16xf32>,
    tpu.vector_store %arg10[%swap3A_554, %swap3A_555, %swap3A_556], %broadcast_in_dim3A_551 {strides = array<i32>} : memref<16x2x128xf32, #tpu.memory_space<vmem>>, vector<16xf32>,
    %broadcast_in_dim3A_558 = arith.constant 0.000000e+00 : f32
    %broadcast_in_dim3A_559 = vector.broadcast %broadcast_in_dim3A_558 : f32 to vector<16xf32>
    %swap3A_560 = arith.constant 4 : i32
    %swap3A_561 = arith.constant 0 : i32
    %swap3A_562 = arith.index_cast %swap3A_560 : i32 to index
    %swap3A_563 = arith.index_cast %swap3A_561 : i32 to index
    %swap3A_564 = arith.constant 96 : index
    %swap3A_565 = tpu.vector_load %arg10[%swap3A_562, %swap3A_563, %swap3A_564] {strides = array<i32>} : memref<16x2x128xf32, #tpu.memory_space<vmem>>, vector<16xf32>,
    tpu.vector_store %arg10[%swap3A_562, %swap3A_563, %swap3A_564], %broadcast_in_dim3A_559 {strides = array<i32>} : memref<16x2x128xf32, #tpu.memory_space<vmem>>, vector<16xf32>,
    %broadcast_in_dim3A_566 = arith.constant 0.000000e+00 : f32
    %broadcast_in_dim3A_567 = vector.broadcast %broadcast_in_dim3A_566 : f32 to vector<16xf32>
    %swap3A_568 = arith.constant 4 : i32
    %swap3A_569 = arith.constant 0 : i32
    %swap3A_570 = arith.index_cast %swap3A_568 : i32 to index
    %swap3A_571 = arith.index_cast %swap3A_569 : i32 to index
    %swap3A_572 = arith.constant 112 : index
    %swap3A_573 = tpu.vector_load %arg10[%swap3A_570, %swap3A_571, %swap3A_572] {strides = array<i32>} : memref<16x2x128xf32, #tpu.memory_space<vmem>>, vector<16xf32>,
    tpu.vector_store %arg10[%swap3A_570, %swap3A_571, %swap3A_572], %broadcast_in_dim3A_567 {strides = array<i32>} : memref<16x2x128xf32, #tpu.memory_space<vmem>>, vector<16xf32>,
    %broadcast_in_dim3A_574 = arith.constant 0.000000e+00 : f32
    %broadcast_in_dim3A_575 = vector.broadcast %broadcast_in_dim3A_574 : f32 to vector<16xf32>
    %swap3A_576 = arith.constant 4 : i32
    %swap3A_577 = arith.constant 1 : i32
    %swap3A_578 = arith.index_cast %swap3A_576 : i32 to index
    %swap3A_579 = arith.index_cast %swap3A_577 : i32 to index
    %swap3A_580 = arith.constant 0 : index
    %swap3A_581 = tpu.vector_load %arg10[%swap3A_578, %swap3A_579, %swap3A_580] {strides = array<i32>} : memref<16x2x128xf32, #tpu.memory_space<vmem>>, vector<16xf32>,
    tpu.vector_store %arg10[%swap3A_578, %swap3A_579, %swap3A_580], %broadcast_in_dim3A_575 {strides = array<i32>} : memref<16x2x128xf32, #tpu.memory_space<vmem>>, vector<16xf32>,
    %broadcast_in_dim3A_582 = arith.constant 0.000000e+00 : f32
    %broadcast_in_dim3A_583 = vector.broadcast %broadcast_in_dim3A_582 : f32 to vector<16xf32>
    %swap3A_584 = arith.constant 4 : i32
    %swap3A_585 = arith.constant 1 : i32
    %swap3A_586 = arith.index_cast %swap3A_584 : i32 to index
    %swap3A_587 = arith.index_cast %swap3A_585 : i32 to index
    %swap3A_588 = arith.constant 16 : index
    %swap3A_589 = tpu.vector_load %arg10[%swap3A_586, %swap3A_587, %swap3A_588] {strides = array<i32>} : memref<16x2x128xf32, #tpu.memory_space<vmem>>, vector<16xf32>,
    tpu.vector_store %arg10[%swap3A_586, %swap3A_587, %swap3A_588], %broadcast_in_dim3A_583 {strides = array<i32>} : memref<16x2x128xf32, #tpu.memory_space<vmem>>, vector<16xf32>,
    %broadcast_in_dim3A_590 = arith.constant 0.000000e+00 : f32
    %broadcast_in_dim3A_591 = vector.broadcast %broadcast_in_dim3A_590 : f32 to vector<16xf32>
    %swap3A_592 = arith.constant 4 : i32
    %swap3A_593 = arith.constant 1 : i32
    %swap3A_594 = arith.index_cast %swap3A_592 : i32 to index
    %swap3A_595 = arith.index_cast %swap3A_593 : i32 to index
    %swap3A_596 = arith.constant 32 : index
    %swap3A_597 = tpu.vector_load %arg10[%swap3A_594, %swap3A_595, %swap3A_596] {strides = array<i32>} : memref<16x2x128xf32, #tpu.memory_space<vmem>>, vector<16xf32>,
    tpu.vector_store %arg10[%swap3A_594, %swap3A_595, %swap3A_596], %broadcast_in_dim3A_591 {strides = array<i32>} : memref<16x2x128xf32, #tpu.memory_space<vmem>>, vector<16xf32>,
    %broadcast_in_dim3A_598 = arith.constant 0.000000e+00 : f32
    %broadcast_in_dim3A_599 = vector.broadcast %broadcast_in_dim3A_598 : f32 to vector<16xf32>
    %swap3A_600 = arith.constant 4 : i32
    %swap3A_601 = arith.constant 1 : i32
    %swap3A_602 = arith.index_cast %swap3A_600 : i32 to index
    %swap3A_603 = arith.index_cast %swap3A_601 : i32 to index
    %swap3A_604 = arith.constant 48 : index
    %swap3A_605 = tpu.vector_load %arg10[%swap3A_602, %swap3A_603, %swap3A_604] {strides = array<i32>} : memref<16x2x128xf32, #tpu.memory_space<vmem>>, vector<16xf32>,
    tpu.vector_store %arg10[%swap3A_602, %swap3A_603, %swap3A_604], %broadcast_in_dim3A_599 {strides = array<i32>} : memref<16x2x128xf32, #tpu.memory_space<vmem>>, vector<16xf32>,
    %broadcast_in_dim3A_606 = arith.constant 0.000000e+00 : f32
    %broadcast_in_dim3A_607 = vector.broadcast %broadcast_in_dim3A_606 : f32 to vector<16xf32>
    %swap3A_608 = arith.constant 4 : i32
    %swap3A_609 = arith.constant 1 : i32
    %swap3A_610 = arith.index_cast %swap3A_608 : i32 to index
    %swap3A_611 = arith.index_cast %swap3A_609 : i32 to index
    %swap3A_612 = arith.constant 64 : index
    %swap3A_613 = tpu.vector_load %arg10[%swap3A_610, %swap3A_611, %swap3A_612] {strides = array<i32>} : memref<16x2x128xf32, #tpu.memory_space<vmem>>, vector<16xf32>,
    tpu.vector_store %arg10[%swap3A_610, %swap3A_611, %swap3A_612], %broadcast_in_dim3A_607 {strides = array<i32>} : memref<16x2x128xf32, #tpu.memory_space<vmem>>, vector<16xf32>,
    %broadcast_in_dim3A_614 = arith.constant 0.000000e+00 : f32
    %broadcast_in_dim3A_615 = vector.broadcast %broadcast_in_dim3A_614 : f32 to vector<16xf32>
    %swap3A_616 = arith.constant 4 : i32
    %swap3A_617 = arith.constant 1 : i32
    %swap3A_618 = arith.index_cast %swap3A_616 : i32 to index
    %swap3A_619 = arith.index_cast %swap3A_617 : i32 to index
    %swap3A_620 = arith.constant 80 : index
    %swap3A_621 = tpu.vector_load %arg10[%swap3A_618, %swap3A_619, %swap3A_620] {strides = array<i32>} : memref<16x2x128xf32, #tpu.memory_space<vmem>>, vector<16xf32>,
    tpu.vector_store %arg10[%swap3A_618, %swap3A_619, %swap3A_620], %broadcast_in_dim3A_615 {strides = array<i32>} : memref<16x2x128xf32, #tpu.memory_space<vmem>>, vector<16xf32>,
    %broadcast_in_dim3A_622 = arith.constant 0.000000e+00 : f32
    %broadcast_in_dim3A_623 = vector.broadcast %broadcast_in_dim3A_622 : f32 to vector<16xf32>
    %swap3A_624 = arith.constant 4 : i32
    %swap3A_625 = arith.constant 1 : i32
    %swap3A_626 = arith.index_cast %swap3A_624 : i32 to index
    %swap3A_627 = arith.index_cast %swap3A_625 : i32 to index
    %swap3A_628 = arith.constant 96 : index
    %swap3A_629 = tpu.vector_load %arg10[%swap3A_626, %swap3A_627, %swap3A_628] {strides = array<i32>} : memref<16x2x128xf32, #tpu.memory_space<vmem>>, vector<16xf32>,
    tpu.vector_store %arg10[%swap3A_626, %swap3A_627, %swap3A_628], %broadcast_in_dim3A_623 {strides = array<i32>} : memref<16x2x128xf32, #tpu.memory_space<vmem>>, vector<16xf32>,
    %broadcast_in_dim3A_630 = arith.constant 0.000000e+00 : f32
    %broadcast_in_dim3A_631 = vector.broadcast %broadcast_in_dim3A_630 : f32 to vector<16xf32>
    %swap3A_632 = arith.constant 4 : i32
    %swap3A_633 = arith.constant 1 : i32
    %swap3A_634 = arith.index_cast %swap3A_632 : i32 to index
    %swap3A_635 = arith.index_cast %swap3A_633 : i32 to index
    %swap3A_636 = arith.constant 112 : index
    %swap3A_637 = tpu.vector_load %arg10[%swap3A_634, %swap3A_635, %swap3A_636] {strides = array<i32>} : memref<16x2x128xf32, #tpu.memory_space<vmem>>, vector<16xf32>,
    tpu.vector_store %arg10[%swap3A_634, %swap3A_635, %swap3A_636], %broadcast_in_dim3A_631 {strides = array<i32>} : memref<16x2x128xf32, #tpu.memory_space<vmem>>, vector<16xf32>,
    %broadcast_in_dim3A_638 = arith.constant 0.000000e+00 : f32
    %broadcast_in_dim3A_639 = vector.broadcast %broadcast_in_dim3A_638 : f32 to vector<16xf32>
    %swap3A_640 = arith.constant 5 : i32
    %swap3A_641 = arith.constant 0 : i32
    %swap3A_642 = arith.index_cast %swap3A_640 : i32 to index
    %swap3A_643 = arith.index_cast %swap3A_641 : i32 to index
    %swap3A_644 = arith.constant 0 : index
    %swap3A_645 = tpu.vector_load %arg10[%swap3A_642, %swap3A_643, %swap3A_644] {strides = array<i32>} : memref<16x2x128xf32, #tpu.memory_space<vmem>>, vector<16xf32>,
    tpu.vector_store %arg10[%swap3A_642, %swap3A_643, %swap3A_644], %broadcast_in_dim3A_639 {strides = array<i32>} : memref<16x2x128xf32, #tpu.memory_space<vmem>>, vector<16xf32>,
    %broadcast_in_dim3A_646 = arith.constant 0.000000e+00 : f32
    %broadcast_in_dim3A_647 = vector.broadcast %broadcast_in_dim3A_646 : f32 to vector<16xf32>
    %swap3A_648 = arith.constant 5 : i32
    %swap3A_649 = arith.constant 0 : i32
    %swap3A_650 = arith.index_cast %swap3A_648 : i32 to index
    %swap3A_651 = arith.index_cast %swap3A_649 : i32 to index
    %swap3A_652 = arith.constant 16 : index
    %swap3A_653 = tpu.vector_load %arg10[%swap3A_650, %swap3A_651, %swap3A_652] {strides = array<i32>} : memref<16x2x128xf32, #tpu.memory_space<vmem>>, vector<16xf32>,
    tpu.vector_store %arg10[%swap3A_650, %swap3A_651, %swap3A_652], %broadcast_in_dim3A_647 {strides = array<i32>} : memref<16x2x128xf32, #tpu.memory_space<vmem>>, vector<16xf32>,
    %broadcast_in_dim3A_654 = arith.constant 0.000000e+00 : f32
    %broadcast_in_dim3A_655 = vector.broadcast %broadcast_in_dim3A_654 : f32 to vector<16xf32>
    %swap3A_656 = arith.constant 5 : i32
    %swap3A_657 = arith.constant 0 : i32
    %swap3A_658 = arith.index_cast %swap3A_656 : i32 to index
    %swap3A_659 = arith.index_cast %swap3A_657 : i32 to index
    %swap3A_660 = arith.constant 32 : index
    %swap3A_661 = tpu.vector_load %arg10[%swap3A_658, %swap3A_659, %swap3A_660] {strides = array<i32>} : memref<16x2x128xf32, #tpu.memory_space<vmem>>, vector<16xf32>,
    tpu.vector_store %arg10[%swap3A_658, %swap3A_659, %swap3A_660], %broadcast_in_dim3A_655 {strides = array<i32>} : memref<16x2x128xf32, #tpu.memory_space<vmem>>, vector<16xf32>,
    %broadcast_in_dim3A_662 = arith.constant 0.000000e+00 : f32
    %broadcast_in_dim3A_663 = vector.broadcast %broadcast_in_dim3A_662 : f32 to vector<16xf32>
    %swap3A_664 = arith.constant 5 : i32
    %swap3A_665 = arith.constant 0 : i32
    %swap3A_666 = arith.index_cast %swap3A_664 : i32 to index
    %swap3A_667 = arith.index_cast %swap3A_665 : i32 to index
    %swap3A_668 = arith.constant 48 : index
    %swap3A_669 = tpu.vector_load %arg10[%swap3A_666, %swap3A_667, %swap3A_668] {strides = array<i32>} : memref<16x2x128xf32, #tpu.memory_space<vmem>>, vector<16xf32>,
    tpu.vector_store %arg10[%swap3A_666, %swap3A_667, %swap3A_668], %broadcast_in_dim3A_663 {strides = array<i32>} : memref<16x2x128xf32, #tpu.memory_space<vmem>>, vector<16xf32>,
    %broadcast_in_dim3A_670 = arith.constant 0.000000e+00 : f32
    %broadcast_in_dim3A_671 = vector.broadcast %broadcast_in_dim3A_670 : f32 to vector<16xf32>
    %swap3A_672 = arith.constant 5 : i32
    %swap3A_673 = arith.constant 0 : i32
    %swap3A_674 = arith.index_cast %swap3A_672 : i32 to index
    %swap3A_675 = arith.index_cast %swap3A_673 : i32 to index
    %swap3A_676 = arith.constant 64 : index
    %swap3A_677 = tpu.vector_load %arg10[%swap3A_674, %swap3A_675, %swap3A_676] {strides = array<i32>} : memref<16x2x128xf32, #tpu.memory_space<vmem>>, vector<16xf32>,
    tpu.vector_store %arg10[%swap3A_674, %swap3A_675, %swap3A_676], %broadcast_in_dim3A_671 {strides = array<i32>} : memref<16x2x128xf32, #tpu.memory_space<vmem>>, vector<16xf32>,
    %broadcast_in_dim3A_678 = arith.constant 0.000000e+00 : f32
    %broadcast_in_dim3A_679 = vector.broadcast %broadcast_in_dim3A_678 : f32 to vector<16xf32>
    %swap3A_680 = arith.constant 5 : i32
    %swap3A_681 = arith.constant 0 : i32
    %swap3A_682 = arith.index_cast %swap3A_680 : i32 to index
    %swap3A_683 = arith.index_cast %swap3A_681 : i32 to index
    %swap3A_684 = arith.constant 80 : index
    %swap3A_685 = tpu.vector_load %arg10[%swap3A_682, %swap3A_683, %swap3A_684] {strides = array<i32>} : memref<16x2x128xf32, #tpu.memory_space<vmem>>, vector<16xf32>,
    tpu.vector_store %arg10[%swap3A_682, %swap3A_683, %swap3A_684], %broadcast_in_dim3A_679 {strides = array<i32>} : memref<16x2x128xf32, #tpu.memory_space<vmem>>, vector<16xf32>,
    %broadcast_in_dim3A_686 = arith.constant 0.000000e+00 : f32
    %broadcast_in_dim3A_687 = vector.broadcast %broadcast_in_dim3A_686 : f32 to vector<16xf32>
    %swap3A_688 = arith.constant 5 : i32
    %swap3A_689 = arith.constant 0 : i32
    %swap3A_690 = arith.index_cast %swap3A_688 : i32 to index
    %swap3A_691 = arith.index_cast %swap3A_689 : i32 to index
    %swap3A_692 = arith.constant 96 : index
    %swap3A_693 = tpu.vector_load %arg10[%swap3A_690, %swap3A_691, %swap3A_692] {strides = array<i32>} : memref<16x2x128xf32, #tpu.memory_space<vmem>>, vector<16xf32>,
    tpu.vector_store %arg10[%swap3A_690, %swap3A_691, %swap3A_692], %broadcast_in_dim3A_687 {strides = array<i32>} : memref<16x2x128xf32, #tpu.memory_space<vmem>>, vector<16xf32>,
    %broadcast_in_dim3A_694 = arith.constant 0.000000e+00 : f32
    %broadcast_in_dim3A_695 = vector.broadcast %broadcast_in_dim3A_694 : f32 to vector<16xf32>
    %swap3A_696 = arith.constant 5 : i32
    %swap3A_697 = arith.constant 0 : i32
    %swap3A_698 = arith.index_cast %swap3A_696 : i32 to index
    %swap3A_699 = arith.index_cast %swap3A_697 : i32 to index
    %swap3A_700 = arith.constant 112 : index
    %swap3A_701 = tpu.vector_load %arg10[%swap3A_698, %swap3A_699, %swap3A_700] {strides = array<i32>} : memref<16x2x128xf32, #tpu.memory_space<vmem>>, vector<16xf32>,
    tpu.vector_store %arg10[%swap3A_698, %swap3A_699, %swap3A_700], %broadcast_in_dim3A_695 {strides = array<i32>} : memref<16x2x128xf32, #tpu.memory_space<vmem>>, vector<16xf32>,
    %broadcast_in_dim3A_702 = arith.constant 0.000000e+00 : f32
    %broadcast_in_dim3A_703 = vector.broadcast %broadcast_in_dim3A_702 : f32 to vector<16xf32>
    %swap3A_704 = arith.constant 5 : i32
    %swap3A_705 = arith.constant 1 : i32
    %swap3A_706 = arith.index_cast %swap3A_704 : i32 to index
    %swap3A_707 = arith.index_cast %swap3A_705 : i32 to index
    %swap3A_708 = arith.constant 0 : index
    %swap3A_709 = tpu.vector_load %arg10[%swap3A_706, %swap3A_707, %swap3A_708] {strides = array<i32>} : memref<16x2x128xf32, #tpu.memory_space<vmem>>, vector<16xf32>,
    tpu.vector_store %arg10[%swap3A_706, %swap3A_707, %swap3A_708], %broadcast_in_dim3A_703 {strides = array<i32>} : memref<16x2x128xf32, #tpu.memory_space<vmem>>, vector<16xf32>,
    %broadcast_in_dim3A_710 = arith.constant 0.000000e+00 : f32
    %broadcast_in_dim3A_711 = vector.broadcast %broadcast_in_dim3A_710 : f32 to vector<16xf32>
    %swap3A_712 = arith.constant 5 : i32
    %swap3A_713 = arith.constant 1 : i32
    %swap3A_714 = arith.index_cast %swap3A_712 : i32 to index
    %swap3A_715 = arith.index_cast %swap3A_713 : i32 to index
    %swap3A_716 = arith.constant 16 : index
    %swap3A_717 = tpu.vector_load %arg10[%swap3A_714, %swap3A_715, %swap3A_716] {strides = array<i32>} : memref<16x2x128xf32, #tpu.memory_space<vmem>>, vector<16xf32>,
    tpu.vector_store %arg10[%swap3A_714, %swap3A_715, %swap3A_716], %broadcast_in_dim3A_711 {strides = array<i32>} : memref<16x2x128xf32, #tpu.memory_space<vmem>>, vector<16xf32>,
    %broadcast_in_dim3A_718 = arith.constant 0.000000e+00 : f32
    %broadcast_in_dim3A_719 = vector.broadcast %broadcast_in_dim3A_718 : f32 to vector<16xf32>
    %swap3A_720 = arith.constant 5 : i32
    %swap3A_721 = arith.constant 1 : i32
    %swap3A_722 = arith.index_cast %swap3A_720 : i32 to index
    %swap3A_723 = arith.index_cast %swap3A_721 : i32 to index
    %swap3A_724 = arith.constant 32 : index
    %swap3A_725 = tpu.vector_load %arg10[%swap3A_722, %swap3A_723, %swap3A_724] {strides = array<i32>} : memref<16x2x128xf32, #tpu.memory_space<vmem>>, vector<16xf32>,
    tpu.vector_store %arg10[%swap3A_722, %swap3A_723, %swap3A_724], %broadcast_in_dim3A_719 {strides = array<i32>} : memref<16x2x128xf32, #tpu.memory_space<vmem>>, vector<16xf32>,
    %broadcast_in_dim3A_726 = arith.constant 0.000000e+00 : f32
    %broadcast_in_dim3A_727 = vector.broadcast %broadcast_in_dim3A_726 : f32 to vector<16xf32>
    %swap3A_728 = arith.constant 5 : i32
    %swap3A_729 = arith.constant 1 : i32
    %swap3A_730 = arith.index_cast %swap3A_728 : i32 to index
    %swap3A_731 = arith.index_cast %swap3A_729 : i32 to index
    %swap3A_732 = arith.constant 48 : index
    %swap3A_733 = tpu.vector_load %arg10[%swap3A_730, %swap3A_731, %swap3A_732] {strides = array<i32>} : memref<16x2x128xf32, #tpu.memory_space<vmem>>, vector<16xf32>,
    tpu.vector_store %arg10[%swap3A_730, %swap3A_731, %swap3A_732], %broadcast_in_dim3A_727 {strides = array<i32>} : memref<16x2x128xf32, #tpu.memory_space<vmem>>, vector<16xf32>,
    %broadcast_in_dim3A_734 = arith.constant 0.000000e+00 : f32
    %broadcast_in_dim3A_735 = vector.broadcast %broadcast_in_dim3A_734 : f32 to vector<16xf32>
    %swap3A_736 = arith.constant 5 : i32
    %swap3A_737 = arith.constant 1 : i32
    %swap3A_738 = arith.index_cast %swap3A_736 : i32 to index
    %swap3A_739 = arith.index_cast %swap3A_737 : i32 to index
    %swap3A_740 = arith.constant 64 : index
    %swap3A_741 = tpu.vector_load %arg10[%swap3A_738, %swap3A_739, %swap3A_740] {strides = array<i32>} : memref<16x2x128xf32, #tpu.memory_space<vmem>>, vector<16xf32>,
    tpu.vector_store %arg10[%swap3A_738, %swap3A_739, %swap3A_740], %broadcast_in_dim3A_735 {strides = array<i32>} : memref<16x2x128xf32, #tpu.memory_space<vmem>>, vector<16xf32>,
    %broadcast_in_dim3A_742 = arith.constant 0.000000e+00 : f32
    %broadcast_in_dim3A_743 = vector.broadcast %broadcast_in_dim3A_742 : f32 to vector<16xf32>
    %swap3A_744 = arith.constant 5 : i32
    %swap3A_745 = arith.constant 1 : i32
    %swap3A_746 = arith.index_cast %swap3A_744 : i32 to index
    %swap3A_747 = arith.index_cast %swap3A_745 : i32 to index
    %swap3A_748 = arith.constant 80 : index
    %swap3A_749 = tpu.vector_load %arg10[%swap3A_746, %swap3A_747, %swap3A_748] {strides = array<i32>} : memref<16x2x128xf32, #tpu.memory_space<vmem>>, vector<16xf32>,
    tpu.vector_store %arg10[%swap3A_746, %swap3A_747, %swap3A_748], %broadcast_in_dim3A_743 {strides = array<i32>} : memref<16x2x128xf32, #tpu.memory_space<vmem>>, vector<16xf32>,
    %broadcast_in_dim3A_750 = arith.constant 0.000000e+00 : f32
    %broadcast_in_dim3A_751 = vector.broadcast %broadcast_in_dim3A_750 : f32 to vector<16xf32>
    %swap3A_752 = arith.constant 5 : i32
    %swap3A_753 = arith.constant 1 : i32
    %swap3A_754 = arith.index_cast %swap3A_752 : i32 to index
    %swap3A_755 = arith.index_cast %swap3A_753 : i32 to index
    %swap3A_756 = arith.constant 96 : index
    %swap3A_757 = tpu.vector_load %arg10[%swap3A_754, %swap3A_755, %swap3A_756] {strides = array<i32>} : memref<16x2x128xf32, #tpu.memory_space<vmem>>, vector<16xf32>,
    tpu.vector_store %arg10[%swap3A_754, %swap3A_755, %swap3A_756], %broadcast_in_dim3A_751 {strides = array<i32>} : memref<16x2x128xf32, #tpu.memory_space<vmem>>, vector<16xf32>,
    %broadcast_in_dim3A_758 = arith.constant 0.000000e+00 : f32
    %broadcast_in_dim3A_759 = vector.broadcast %broadcast_in_dim3A_758 : f32 to vector<16xf32>
    %swap3A_760 = arith.constant 5 : i32
    %swap3A_761 = arith.constant 1 : i32
    %swap3A_762 = arith.index_cast %swap3A_760 : i32 to index
    %swap3A_763 = arith.index_cast %swap3A_761 : i32 to index
    %swap3A_764 = arith.constant 112 : index
    %swap3A_765 = tpu.vector_load %arg10[%swap3A_762, %swap3A_763, %swap3A_764] {strides = array<i32>} : memref<16x2x128xf32, #tpu.memory_space<vmem>>, vector<16xf32>,
    tpu.vector_store %arg10[%swap3A_762, %swap3A_763, %swap3A_764], %broadcast_in_dim3A_759 {strides = array<i32>} : memref<16x2x128xf32, #tpu.memory_space<vmem>>, vector<16xf32>,
    %broadcast_in_dim3A_766 = arith.constant 0.000000e+00 : f32
    %broadcast_in_dim3A_767 = vector.broadcast %broadcast_in_dim3A_766 : f32 to vector<16xf32>
    %swap3A_768 = arith.constant 6 : i32
    %swap3A_769 = arith.constant 0 : i32
    %swap3A_770 = arith.index_cast %swap3A_768 : i32 to index
    %swap3A_771 = arith.index_cast %swap3A_769 : i32 to index
    %swap3A_772 = arith.constant 0 : index
    %swap3A_773 = tpu.vector_load %arg10[%swap3A_770, %swap3A_771, %swap3A_772] {strides = array<i32>} : memref<16x2x128xf32, #tpu.memory_space<vmem>>, vector<16xf32>,
    tpu.vector_store %arg10[%swap3A_770, %swap3A_771, %swap3A_772], %broadcast_in_dim3A_767 {strides = array<i32>} : memref<16x2x128xf32, #tpu.memory_space<vmem>>, vector<16xf32>,
    %broadcast_in_dim3A_774 = arith.constant 0.000000e+00 : f32
    %broadcast_in_dim3A_775 = vector.broadcast %broadcast_in_dim3A_774 : f32 to vector<16xf32>
    %swap3A_776 = arith.constant 6 : i32
    %swap3A_777 = arith.constant 0 : i32
    %swap3A_778 = arith.index_cast %swap3A_776 : i32 to index
    %swap3A_779 = arith.index_cast %swap3A_777 : i32 to index
    %swap3A_780 = arith.constant 16 : index
    %swap3A_781 = tpu.vector_load %arg10[%swap3A_778, %swap3A_779, %swap3A_780] {strides = array<i32>} : memref<16x2x128xf32, #tpu.memory_space<vmem>>, vector<16xf32>,
    tpu.vector_store %arg10[%swap3A_778, %swap3A_779, %swap3A_780], %broadcast_in_dim3A_775 {strides = array<i32>} : memref<16x2x128xf32, #tpu.memory_space<vmem>>, vector<16xf32>,
    %broadcast_in_dim3A_782 = arith.constant 0.000000e+00 : f32
    %broadcast_in_dim3A_783 = vector.broadcast %broadcast_in_dim3A_782 : f32 to vector<16xf32>
    %swap3A_784 = arith.constant 6 : i32
    %swap3A_785 = arith.constant 0 : i32
    %swap3A_786 = arith.index_cast %swap3A_784 : i32 to index
    %swap3A_787 = arith.index_cast %swap3A_785 : i32 to index
    %swap3A_788 = arith.constant 32 : index
    %swap3A_789 = tpu.vector_load %arg10[%swap3A_786, %swap3A_787, %swap3A_788] {strides = array<i32>} : memref<16x2x128xf32, #tpu.memory_space<vmem>>, vector<16xf32>,
    tpu.vector_store %arg10[%swap3A_786, %swap3A_787, %swap3A_788], %broadcast_in_dim3A_783 {strides = array<i32>} : memref<16x2x128xf32, #tpu.memory_space<vmem>>, vector<16xf32>,
    %broadcast_in_dim3A_790 = arith.constant 0.000000e+00 : f32
    %broadcast_in_dim3A_791 = vector.broadcast %broadcast_in_dim3A_790 : f32 to vector<16xf32>
    %swap3A_792 = arith.constant 6 : i32
    %swap3A_793 = arith.constant 0 : i32
    %swap3A_794 = arith.index_cast %swap3A_792 : i32 to index
    %swap3A_795 = arith.index_cast %swap3A_793 : i32 to index
    %swap3A_796 = arith.constant 48 : index
    %swap3A_797 = tpu.vector_load %arg10[%swap3A_794, %swap3A_795, %swap3A_796] {strides = array<i32>} : memref<16x2x128xf32, #tpu.memory_space<vmem>>, vector<16xf32>,
    tpu.vector_store %arg10[%swap3A_794, %swap3A_795, %swap3A_796], %broadcast_in_dim3A_791 {strides = array<i32>} : memref<16x2x128xf32, #tpu.memory_space<vmem>>, vector<16xf32>,
    %broadcast_in_dim3A_798 = arith.constant 0.000000e+00 : f32
    %broadcast_in_dim3A_799 = vector.broadcast %broadcast_in_dim3A_798 : f32 to vector<16xf32>
    %swap3A_800 = arith.constant 6 : i32
    %swap3A_801 = arith.constant 0 : i32
    %swap3A_802 = arith.index_cast %swap3A_800 : i32 to index
    %swap3A_803 = arith.index_cast %swap3A_801 : i32 to index
    %swap3A_804 = arith.constant 64 : index
    %swap3A_805 = tpu.vector_load %arg10[%swap3A_802, %swap3A_803, %swap3A_804] {strides = array<i32>} : memref<16x2x128xf32, #tpu.memory_space<vmem>>, vector<16xf32>,
    tpu.vector_store %arg10[%swap3A_802, %swap3A_803, %swap3A_804], %broadcast_in_dim3A_799 {strides = array<i32>} : memref<16x2x128xf32, #tpu.memory_space<vmem>>, vector<16xf32>,
    %broadcast_in_dim3A_806 = arith.constant 0.000000e+00 : f32
    %broadcast_in_dim3A_807 = vector.broadcast %broadcast_in_dim3A_806 : f32 to vector<16xf32>
    %swap3A_808 = arith.constant 6 : i32
    %swap3A_809 = arith.constant 0 : i32
    %swap3A_810 = arith.index_cast %swap3A_808 : i32 to index
    %swap3A_811 = arith.index_cast %swap3A_809 : i32 to index
    %swap3A_812 = arith.constant 80 : index
    %swap3A_813 = tpu.vector_load %arg10[%swap3A_810, %swap3A_811, %swap3A_812] {strides = array<i32>} : memref<16x2x128xf32, #tpu.memory_space<vmem>>, vector<16xf32>,
    tpu.vector_store %arg10[%swap3A_810, %swap3A_811, %swap3A_812], %broadcast_in_dim3A_807 {strides = array<i32>} : memref<16x2x128xf32, #tpu.memory_space<vmem>>, vector<16xf32>,
    %broadcast_in_dim3A_814 = arith.constant 0.000000e+00 : f32
    %broadcast_in_dim3A_815 = vector.broadcast %broadcast_in_dim3A_814 : f32 to vector<16xf32>
    %swap3A_816 = arith.constant 6 : i32
    %swap3A_817 = arith.constant 0 : i32
    %swap3A_818 = arith.index_cast %swap3A_816 : i32 to index
    %swap3A_819 = arith.index_cast %swap3A_817 : i32 to index
    %swap3A_820 = arith.constant 96 : index
    %swap3A_821 = tpu.vector_load %arg10[%swap3A_818, %swap3A_819, %swap3A_820] {strides = array<i32>} : memref<16x2x128xf32, #tpu.memory_space<vmem>>, vector<16xf32>,
    tpu.vector_store %arg10[%swap3A_818, %swap3A_819, %swap3A_820], %broadcast_in_dim3A_815 {strides = array<i32>} : memref<16x2x128xf32, #tpu.memory_space<vmem>>, vector<16xf32>,
    %broadcast_in_dim3A_822 = arith.constant 0.000000e+00 : f32
    %broadcast_in_dim3A_823 = vector.broadcast %broadcast_in_dim3A_822 : f32 to vector<16xf32>
    %swap3A_824 = arith.constant 6 : i32
    %swap3A_825 = arith.constant 0 : i32
    %swap3A_826 = arith.index_cast %swap3A_824 : i32 to index
    %swap3A_827 = arith.index_cast %swap3A_825 : i32 to index
    %swap3A_828 = arith.constant 112 : index
    %swap3A_829 = tpu.vector_load %arg10[%swap3A_826, %swap3A_827, %swap3A_828] {strides = array<i32>} : memref<16x2x128xf32, #tpu.memory_space<vmem>>, vector<16xf32>,
    tpu.vector_store %arg10[%swap3A_826, %swap3A_827, %swap3A_828], %broadcast_in_dim3A_823 {strides = array<i32>} : memref<16x2x128xf32, #tpu.memory_space<vmem>>, vector<16xf32>,
    %broadcast_in_dim3A_830 = arith.constant 0.000000e+00 : f32
    %broadcast_in_dim3A_831 = vector.broadcast %broadcast_in_dim3A_830 : f32 to vector<16xf32>
    %swap3A_832 = arith.constant 6 : i32
    %swap3A_833 = arith.constant 1 : i32
    %swap3A_834 = arith.index_cast %swap3A_832 : i32 to index
    %swap3A_835 = arith.index_cast %swap3A_833 : i32 to index
    %swap3A_836 = arith.constant 0 : index
    %swap3A_837 = tpu.vector_load %arg10[%swap3A_834, %swap3A_835, %swap3A_836] {strides = array<i32>} : memref<16x2x128xf32, #tpu.memory_space<vmem>>, vector<16xf32>,
    tpu.vector_store %arg10[%swap3A_834, %swap3A_835, %swap3A_836], %broadcast_in_dim3A_831 {strides = array<i32>} : memref<16x2x128xf32, #tpu.memory_space<vmem>>, vector<16xf32>,
    %broadcast_in_dim3A_838 = arith.constant 0.000000e+00 : f32
    %broadcast_in_dim3A_839 = vector.broadcast %broadcast_in_dim3A_838 : f32 to vector<16xf32>
    %swap3A_840 = arith.constant 6 : i32
    %swap3A_841 = arith.constant 1 : i32
    %swap3A_842 = arith.index_cast %swap3A_840 : i32 to index
    %swap3A_843 = arith.index_cast %swap3A_841 : i32 to index
    %swap3A_844 = arith.constant 16 : index
    %swap3A_845 = tpu.vector_load %arg10[%swap3A_842, %swap3A_843, %swap3A_844] {strides = array<i32>} : memref<16x2x128xf32, #tpu.memory_space<vmem>>, vector<16xf32>,
    tpu.vector_store %arg10[%swap3A_842, %swap3A_843, %swap3A_844], %broadcast_in_dim3A_839 {strides = array<i32>} : memref<16x2x128xf32, #tpu.memory_space<vmem>>, vector<16xf32>,
    %broadcast_in_dim3A_846 = arith.constant 0.000000e+00 : f32
    %broadcast_in_dim3A_847 = vector.broadcast %broadcast_in_dim3A_846 : f32 to vector<16xf32>
    %swap3A_848 = arith.constant 6 : i32
    %swap3A_849 = arith.constant 1 : i32
    %swap3A_850 = arith.index_cast %swap3A_848 : i32 to index
    %swap3A_851 = arith.index_cast %swap3A_849 : i32 to index
    %swap3A_852 = arith.constant 32 : index
    %swap3A_853 = tpu.vector_load %arg10[%swap3A_850, %swap3A_851, %swap3A_852] {strides = array<i32>} : memref<16x2x128xf32, #tpu.memory_space<vmem>>, vector<16xf32>,
    tpu.vector_store %arg10[%swap3A_850, %swap3A_851, %swap3A_852], %broadcast_in_dim3A_847 {strides = array<i32>} : memref<16x2x128xf32, #tpu.memory_space<vmem>>, vector<16xf32>,
    %broadcast_in_dim3A_854 = arith.constant 0.000000e+00 : f32
    %broadcast_in_dim3A_855 = vector.broadcast %broadcast_in_dim3A_854 : f32 to vector<16xf32>
    %swap3A_856 = arith.constant 6 : i32
    %swap3A_857 = arith.constant 1 : i32
    %swap3A_858 = arith.index_cast %swap3A_856 : i32 to index
    %swap3A_859 = arith.index_cast %swap3A_857 : i32 to index
    %swap3A_860 = arith.constant 48 : index
    %swap3A_861 = tpu.vector_load %arg10[%swap3A_858, %swap3A_859, %swap3A_860] {strides = array<i32>} : memref<16x2x128xf32, #tpu.memory_space<vmem>>, vector<16xf32>,
    tpu.vector_store %arg10[%swap3A_858, %swap3A_859, %swap3A_860], %broadcast_in_dim3A_855 {strides = array<i32>} : memref<16x2x128xf32, #tpu.memory_space<vmem>>, vector<16xf32>,
    %broadcast_in_dim3A_862 = arith.constant 0.000000e+00 : f32
    %broadcast_in_dim3A_863 = vector.broadcast %broadcast_in_dim3A_862 : f32 to vector<16xf32>
    %swap3A_864 = arith.constant 6 : i32
    %swap3A_865 = arith.constant 1 : i32
    %swap3A_866 = arith.index_cast %swap3A_864 : i32 to index
    %swap3A_867 = arith.index_cast %swap3A_865 : i32 to index
    %swap3A_868 = arith.constant 64 : index
    %swap3A_869 = tpu.vector_load %arg10[%swap3A_866, %swap3A_867, %swap3A_868] {strides = array<i32>} : memref<16x2x128xf32, #tpu.memory_space<vmem>>, vector<16xf32>,
    tpu.vector_store %arg10[%swap3A_866, %swap3A_867, %swap3A_868], %broadcast_in_dim3A_863 {strides = array<i32>} : memref<16x2x128xf32, #tpu.memory_space<vmem>>, vector<16xf32>,
    %broadcast_in_dim3A_870 = arith.constant 0.000000e+00 : f32
    %broadcast_in_dim3A_871 = vector.broadcast %broadcast_in_dim3A_870 : f32 to vector<16xf32>
    %swap3A_872 = arith.constant 6 : i32
    %swap3A_873 = arith.constant 1 : i32
    %swap3A_874 = arith.index_cast %swap3A_872 : i32 to index
    %swap3A_875 = arith.index_cast %swap3A_873 : i32 to index
    %swap3A_876 = arith.constant 80 : index
    %swap3A_877 = tpu.vector_load %arg10[%swap3A_874, %swap3A_875, %swap3A_876] {strides = array<i32>} : memref<16x2x128xf32, #tpu.memory_space<vmem>>, vector<16xf32>,
    tpu.vector_store %arg10[%swap3A_874, %swap3A_875, %swap3A_876], %broadcast_in_dim3A_871 {strides = array<i32>} : memref<16x2x128xf32, #tpu.memory_space<vmem>>, vector<16xf32>,
    %broadcast_in_dim3A_878 = arith.constant 0.000000e+00 : f32
    %broadcast_in_dim3A_879 = vector.broadcast %broadcast_in_dim3A_878 : f32 to vector<16xf32>
    %swap3A_880 = arith.constant 6 : i32
    %swap3A_881 = arith.constant 1 : i32
    %swap3A_882 = arith.index_cast %swap3A_880 : i32 to index
    %swap3A_883 = arith.index_cast %swap3A_881 : i32 to index
    %swap3A_884 = arith.constant 96 : index
    %swap3A_885 = tpu.vector_load %arg10[%swap3A_882, %swap3A_883, %swap3A_884] {strides = array<i32>} : memref<16x2x128xf32, #tpu.memory_space<vmem>>, vector<16xf32>,
    tpu.vector_store %arg10[%swap3A_882, %swap3A_883, %swap3A_884], %broadcast_in_dim3A_879 {strides = array<i32>} : memref<16x2x128xf32, #tpu.memory_space<vmem>>, vector<16xf32>,
    %broadcast_in_dim3A_886 = arith.constant 0.000000e+00 : f32
    %broadcast_in_dim3A_887 = vector.broadcast %broadcast_in_dim3A_886 : f32 to vector<16xf32>
    %swap3A_888 = arith.constant 6 : i32
    %swap3A_889 = arith.constant 1 : i32
    %swap3A_890 = arith.index_cast %swap3A_888 : i32 to index
    %swap3A_891 = arith.index_cast %swap3A_889 : i32 to index
    %swap3A_892 = arith.constant 112 : index
    %swap3A_893 = tpu.vector_load %arg10[%swap3A_890, %swap3A_891, %swap3A_892] {strides = array<i32>} : memref<16x2x128xf32, #tpu.memory_space<vmem>>, vector<16xf32>,
    tpu.vector_store %arg10[%swap3A_890, %swap3A_891, %swap3A_892], %broadcast_in_dim3A_887 {strides = array<i32>} : memref<16x2x128xf32, #tpu.memory_space<vmem>>, vector<16xf32>,
    %broadcast_in_dim3A_894 = arith.constant 0.000000e+00 : f32
    %broadcast_in_dim3A_895 = vector.broadcast %broadcast_in_dim3A_894 : f32 to vector<16xf32>
    %swap3A_896 = arith.constant 7 : i32
    %swap3A_897 = arith.constant 0 : i32
    %swap3A_898 = arith.index_cast %swap3A_896 : i32 to index
    %swap3A_899 = arith.index_cast %swap3A_897 : i32 to index
    %swap3A_900 = arith.constant 0 : index
    %swap3A_901 = tpu.vector_load %arg10[%swap3A_898, %swap3A_899, %swap3A_900] {strides = array<i32>} : memref<16x2x128xf32, #tpu.memory_space<vmem>>, vector<16xf32>,
    tpu.vector_store %arg10[%swap3A_898, %swap3A_899, %swap3A_900], %broadcast_in_dim3A_895 {strides = array<i32>} : memref<16x2x128xf32, #tpu.memory_space<vmem>>, vector<16xf32>,
    %broadcast_in_dim3A_902 = arith.constant 0.000000e+00 : f32
    %broadcast_in_dim3A_903 = vector.broadcast %broadcast_in_dim3A_902 : f32 to vector<16xf32>
    %swap3A_904 = arith.constant 7 : i32
    %swap3A_905 = arith.constant 0 : i32
    %swap3A_906 = arith.index_cast %swap3A_904 : i32 to index
    %swap3A_907 = arith.index_cast %swap3A_905 : i32 to index
    %swap3A_908 = arith.constant 16 : index
    %swap3A_909 = tpu.vector_load %arg10[%swap3A_906, %swap3A_907, %swap3A_908] {strides = array<i32>} : memref<16x2x128xf32, #tpu.memory_space<vmem>>, vector<16xf32>,
    tpu.vector_store %arg10[%swap3A_906, %swap3A_907, %swap3A_908], %broadcast_in_dim3A_903 {strides = array<i32>} : memref<16x2x128xf32, #tpu.memory_space<vmem>>, vector<16xf32>,
    %broadcast_in_dim3A_910 = arith.constant 0.000000e+00 : f32
    %broadcast_in_dim3A_911 = vector.broadcast %broadcast_in_dim3A_910 : f32 to vector<16xf32>
    %swap3A_912 = arith.constant 7 : i32
    %swap3A_913 = arith.constant 0 : i32
    %swap3A_914 = arith.index_cast %swap3A_912 : i32 to index
    %swap3A_915 = arith.index_cast %swap3A_913 : i32 to index
    %swap3A_916 = arith.constant 32 : index
    %swap3A_917 = tpu.vector_load %arg10[%swap3A_914, %swap3A_915, %swap3A_916] {strides = array<i32>} : memref<16x2x128xf32, #tpu.memory_space<vmem>>, vector<16xf32>,
    tpu.vector_store %arg10[%swap3A_914, %swap3A_915, %swap3A_916], %broadcast_in_dim3A_911 {strides = array<i32>} : memref<16x2x128xf32, #tpu.memory_space<vmem>>, vector<16xf32>,
    %broadcast_in_dim3A_918 = arith.constant 0.000000e+00 : f32
    %broadcast_in_dim3A_919 = vector.broadcast %broadcast_in_dim3A_918 : f32 to vector<16xf32>
    %swap3A_920 = arith.constant 7 : i32
    %swap3A_921 = arith.constant 0 : i32
    %swap3A_922 = arith.index_cast %swap3A_920 : i32 to index
    %swap3A_923 = arith.index_cast %swap3A_921 : i32 to index
    %swap3A_924 = arith.constant 48 : index
    %swap3A_925 = tpu.vector_load %arg10[%swap3A_922, %swap3A_923, %swap3A_924] {strides = array<i32>} : memref<16x2x128xf32, #tpu.memory_space<vmem>>, vector<16xf32>,
    tpu.vector_store %arg10[%swap3A_922, %swap3A_923, %swap3A_924], %broadcast_in_dim3A_919 {strides = array<i32>} : memref<16x2x128xf32, #tpu.memory_space<vmem>>, vector<16xf32>,
    %broadcast_in_dim3A_926 = arith.constant 0.000000e+00 : f32
    %broadcast_in_dim3A_927 = vector.broadcast %broadcast_in_dim3A_926 : f32 to vector<16xf32>
    %swap3A_928 = arith.constant 7 : i32
    %swap3A_929 = arith.constant 0 : i32
    %swap3A_930 = arith.index_cast %swap3A_928 : i32 to index
    %swap3A_931 = arith.index_cast %swap3A_929 : i32 to index
    %swap3A_932 = arith.constant 64 : index
    %swap3A_933 = tpu.vector_load %arg10[%swap3A_930, %swap3A_931, %swap3A_932] {strides = array<i32>} : memref<16x2x128xf32, #tpu.memory_space<vmem>>, vector<16xf32>,
    tpu.vector_store %arg10[%swap3A_930, %swap3A_931, %swap3A_932], %broadcast_in_dim3A_927 {strides = array<i32>} : memref<16x2x128xf32, #tpu.memory_space<vmem>>, vector<16xf32>,
    %broadcast_in_dim3A_934 = arith.constant 0.000000e+00 : f32
    %broadcast_in_dim3A_935 = vector.broadcast %broadcast_in_dim3A_934 : f32 to vector<16xf32>
    %swap3A_936 = arith.constant 7 : i32
    %swap3A_937 = arith.constant 0 : i32
    %swap3A_938 = arith.index_cast %swap3A_936 : i32 to index
    %swap3A_939 = arith.index_cast %swap3A_937 : i32 to index
    %swap3A_940 = arith.constant 80 : index
    %swap3A_941 = tpu.vector_load %arg10[%swap3A_938, %swap3A_939, %swap3A_940] {strides = array<i32>} : memref<16x2x128xf32, #tpu.memory_space<vmem>>, vector<16xf32>,
    tpu.vector_store %arg10[%swap3A_938, %swap3A_939, %swap3A_940], %broadcast_in_dim3A_935 {strides = array<i32>} : memref<16x2x128xf32, #tpu.memory_space<vmem>>, vector<16xf32>,
    %broadcast_in_dim3A_942 = arith.constant 0.000000e+00 : f32
    %broadcast_in_dim3A_943 = vector.broadcast %broadcast_in_dim3A_942 : f32 to vector<16xf32>
    %swap3A_944 = arith.constant 7 : i32
    %swap3A_945 = arith.constant 0 : i32
    %swap3A_946 = arith.index_cast %swap3A_944 : i32 to index
    %swap3A_947 = arith.index_cast %swap3A_945 : i32 to index
    %swap3A_948 = arith.constant 96 : index
    %swap3A_949 = tpu.vector_load %arg10[%swap3A_946, %swap3A_947, %swap3A_948] {strides = array<i32>} : memref<16x2x128xf32, #tpu.memory_space<vmem>>, vector<16xf32>,
    tpu.vector_store %arg10[%swap3A_946, %swap3A_947, %swap3A_948], %broadcast_in_dim3A_943 {strides = array<i32>} : memref<16x2x128xf32, #tpu.memory_space<vmem>>, vector<16xf32>,
    %broadcast_in_dim3A_950 = arith.constant 0.000000e+00 : f32
    %broadcast_in_dim3A_951 = vector.broadcast %broadcast_in_dim3A_950 : f32 to vector<16xf32>
    %swap3A_952 = arith.constant 7 : i32
    %swap3A_953 = arith.constant 0 : i32
    %swap3A_954 = arith.index_cast %swap3A_952 : i32 to index
    %swap3A_955 = arith.index_cast %swap3A_953 : i32 to index
    %swap3A_956 = arith.constant 112 : index
    %swap3A_957 = tpu.vector_load %arg10[%swap3A_954, %swap3A_955, %swap3A_956] {strides = array<i32>} : memref<16x2x128xf32, #tpu.memory_space<vmem>>, vector<16xf32>,
    tpu.vector_store %arg10[%swap3A_954, %swap3A_955, %swap3A_956], %broadcast_in_dim3A_951 {strides = array<i32>} : memref<16x2x128xf32, #tpu.memory_space<vmem>>, vector<16xf32>,
    %broadcast_in_dim3A_958 = arith.constant 0.000000e+00 : f32
    %broadcast_in_dim3A_959 = vector.broadcast %broadcast_in_dim3A_958 : f32 to vector<16xf32>
    %swap3A_960 = arith.constant 7 : i32
    %swap3A_961 = arith.constant 1 : i32
    %swap3A_962 = arith.index_cast %swap3A_960 : i32 to index
    %swap3A_963 = arith.index_cast %swap3A_961 : i32 to index
    %swap3A_964 = arith.constant 0 : index
    %swap3A_965 = tpu.vector_load %arg10[%swap3A_962, %swap3A_963, %swap3A_964] {strides = array<i32>} : memref<16x2x128xf32, #tpu.memory_space<vmem>>, vector<16xf32>,
    tpu.vector_store %arg10[%swap3A_962, %swap3A_963, %swap3A_964], %broadcast_in_dim3A_959 {strides = array<i32>} : memref<16x2x128xf32, #tpu.memory_space<vmem>>, vector<16xf32>,
    %broadcast_in_dim3A_966 = arith.constant 0.000000e+00 : f32
    %broadcast_in_dim3A_967 = vector.broadcast %broadcast_in_dim3A_966 : f32 to vector<16xf32>
    %swap3A_968 = arith.constant 7 : i32
    %swap3A_969 = arith.constant 1 : i32
    %swap3A_970 = arith.index_cast %swap3A_968 : i32 to index
    %swap3A_971 = arith.index_cast %swap3A_969 : i32 to index
    %swap3A_972 = arith.constant 16 : index
    %swap3A_973 = tpu.vector_load %arg10[%swap3A_970, %swap3A_971, %swap3A_972] {strides = array<i32>} : memref<16x2x128xf32, #tpu.memory_space<vmem>>, vector<16xf32>,
    tpu.vector_store %arg10[%swap3A_970, %swap3A_971, %swap3A_972], %broadcast_in_dim3A_967 {strides = array<i32>} : memref<16x2x128xf32, #tpu.memory_space<vmem>>, vector<16xf32>,
    %broadcast_in_dim3A_974 = arith.constant 0.000000e+00 : f32
    %broadcast_in_dim3A_975 = vector.broadcast %broadcast_in_dim3A_974 : f32 to vector<16xf32>
    %swap3A_976 = arith.constant 7 : i32
    %swap3A_977 = arith.constant 1 : i32
    %swap3A_978 = arith.index_cast %swap3A_976 : i32 to index
    %swap3A_979 = arith.index_cast %swap3A_977 : i32 to index
    %swap3A_980 = arith.constant 32 : index
    %swap3A_981 = tpu.vector_load %arg10[%swap3A_978, %swap3A_979, %swap3A_980] {strides = array<i32>} : memref<16x2x128xf32, #tpu.memory_space<vmem>>, vector<16xf32>,
    tpu.vector_store %arg10[%swap3A_978, %swap3A_979, %swap3A_980], %broadcast_in_dim3A_975 {strides = array<i32>} : memref<16x2x128xf32, #tpu.memory_space<vmem>>, vector<16xf32>,
    %broadcast_in_dim3A_982 = arith.constant 0.000000e+00 : f32
    %broadcast_in_dim3A_983 = vector.broadcast %broadcast_in_dim3A_982 : f32 to vector<16xf32>
    %swap3A_984 = arith.constant 7 : i32
    %swap3A_985 = arith.constant 1 : i32
    %swap3A_986 = arith.index_cast %swap3A_984 : i32 to index
    %swap3A_987 = arith.index_cast %swap3A_985 : i32 to index
    %swap3A_988 = arith.constant 48 : index
    %swap3A_989 = tpu.vector_load %arg10[%swap3A_986, %swap3A_987, %swap3A_988] {strides = array<i32>} : memref<16x2x128xf32, #tpu.memory_space<vmem>>, vector<16xf32>,
    tpu.vector_store %arg10[%swap3A_986, %swap3A_987, %swap3A_988], %broadcast_in_dim3A_983 {strides = array<i32>} : memref<16x2x128xf32, #tpu.memory_space<vmem>>, vector<16xf32>,
    %broadcast_in_dim3A_990 = arith.constant 0.000000e+00 : f32
    %broadcast_in_dim3A_991 = vector.broadcast %broadcast_in_dim3A_990 : f32 to vector<16xf32>
    %swap3A_992 = arith.constant 7 : i32
    %swap3A_993 = arith.constant 1 : i32
    %swap3A_994 = arith.index_cast %swap3A_992 : i32 to index
    %swap3A_995 = arith.index_cast %swap3A_993 : i32 to index
    %swap3A_996 = arith.constant 64 : index
    %swap3A_997 = tpu.vector_load %arg10[%swap3A_994, %swap3A_995, %swap3A_996] {strides = array<i32>} : memref<16x2x128xf32, #tpu.memory_space<vmem>>, vector<16xf32>,
    tpu.vector_store %arg10[%swap3A_994, %swap3A_995, %swap3A_996], %broadcast_in_dim3A_991 {strides = array<i32>} : memref<16x2x128xf32, #tpu.memory_space<vmem>>, vector<16xf32>,
    %broadcast_in_dim3A_998 = arith.constant 0.000000e+00 : f32
    %broadcast_in_dim3A_999 = vector.broadcast %broadcast_in_dim3A_998 : f32 to vector<16xf32>
    %swap3A_1000 = arith.constant 7 : i32
    %swap3A_1001 = arith.constant 1 : i32
    %swap3A_1002 = arith.index_cast %swap3A_1000 : i32 to index
    %swap3A_1003 = arith.index_cast %swap3A_1001 : i32 to index
    %swap3A_1004 = arith.constant 80 : index
    %swap3A_1005 = tpu.vector_load %arg10[%swap3A_1002, %swap3A_1003, %swap3A_1004] {strides = array<i32>} : memref<16x2x128xf32, #tpu.memory_space<vmem>>, vector<16xf32>,
    tpu.vector_store %arg10[%swap3A_1002, %swap3A_1003, %swap3A_1004], %broadcast_in_dim3A_999 {strides = array<i32>} : memref<16x2x128xf32, #tpu.memory_space<vmem>>, vector<16xf32>,
    %broadcast_in_dim3A_1006 = arith.constant 0.000000e+00 : f32
    %broadcast_in_dim3A_1007 = vector.broadcast %broadcast_in_dim3A_1006 : f32 to vector<16xf32>
    %swap3A_1008 = arith.constant 7 : i32
    %swap3A_1009 = arith.constant 1 : i32
    %swap3A_1010 = arith.index_cast %swap3A_1008 : i32 to index
    %swap3A_1011 = arith.index_cast %swap3A_1009 : i32 to index
    %swap3A_1012 = arith.constant 96 : index
    %swap3A_1013 = tpu.vector_load %arg10[%swap3A_1010, %swap3A_1011, %swap3A_1012] {strides = array<i32>} : memref<16x2x128xf32, #tpu.memory_space<vmem>>, vector<16xf32>,
    tpu.vector_store %arg10[%swap3A_1010, %swap3A_1011, %swap3A_1012], %broadcast_in_dim3A_1007 {strides = array<i32>} : memref<16x2x128xf32, #tpu.memory_space<vmem>>, vector<16xf32>,
    %broadcast_in_dim3A_1014 = arith.constant 0.000000e+00 : f32
    %broadcast_in_dim3A_1015 = vector.broadcast %broadcast_in_dim3A_1014 : f32 to vector<16xf32>
    %swap3A_1016 = arith.constant 7 : i32
    %swap3A_1017 = arith.constant 1 : i32
    %swap3A_1018 = arith.index_cast %swap3A_1016 : i32 to index
    %swap3A_1019 = arith.index_cast %swap3A_1017 : i32 to index
    %swap3A_1020 = arith.constant 112 : index
    %swap3A_1021 = tpu.vector_load %arg10[%swap3A_1018, %swap3A_1019, %swap3A_1020] {strides = array<i32>} : memref<16x2x128xf32, #tpu.memory_space<vmem>>, vector<16xf32>,
    tpu.vector_store %arg10[%swap3A_1018, %swap3A_1019, %swap3A_1020], %broadcast_in_dim3A_1015 {strides = array<i32>} : memref<16x2x128xf32, #tpu.memory_space<vmem>>, vector<16xf32>,
    %broadcast_in_dim3A_1022 = arith.constant 0.000000e+00 : f32
    %broadcast_in_dim3A_1023 = vector.broadcast %broadcast_in_dim3A_1022 : f32 to vector<16xf32>
    %swap3A_1024 = arith.constant 8 : i32
    %swap3A_1025 = arith.constant 0 : i32
    %swap3A_1026 = arith.index_cast %swap3A_1024 : i32 to index
    %swap3A_1027 = arith.index_cast %swap3A_1025 : i32 to index
    %swap3A_1028 = arith.constant 0 : index
    %swap3A_1029 = tpu.vector_load %arg10[%swap3A_1026, %swap3A_1027, %swap3A_1028] {strides = array<i32>} : memref<16x2x128xf32, #tpu.memory_space<vmem>>, vector<16xf32>,
    tpu.vector_store %arg10[%swap3A_1026, %swap3A_1027, %swap3A_1028], %broadcast_in_dim3A_1023 {strides = array<i32>} : memref<16x2x128xf32, #tpu.memory_space<vmem>>, vector<16xf32>,
    %broadcast_in_dim3A_1030 = arith.constant 0.000000e+00 : f32
    %broadcast_in_dim3A_1031 = vector.broadcast %broadcast_in_dim3A_1030 : f32 to vector<16xf32>
    %swap3A_1032 = arith.constant 8 : i32
    %swap3A_1033 = arith.constant 0 : i32
    %swap3A_1034 = arith.index_cast %swap3A_1032 : i32 to index
    %swap3A_1035 = arith.index_cast %swap3A_1033 : i32 to index
    %swap3A_1036 = arith.constant 16 : index
    %swap3A_1037 = tpu.vector_load %arg10[%swap3A_1034, %swap3A_1035, %swap3A_1036] {strides = array<i32>} : memref<16x2x128xf32, #tpu.memory_space<vmem>>, vector<16xf32>,
    tpu.vector_store %arg10[%swap3A_1034, %swap3A_1035, %swap3A_1036], %broadcast_in_dim3A_1031 {strides = array<i32>} : memref<16x2x128xf32, #tpu.memory_space<vmem>>, vector<16xf32>,
    %broadcast_in_dim3A_1038 = arith.constant 0.000000e+00 : f32
    %broadcast_in_dim3A_1039 = vector.broadcast %broadcast_in_dim3A_1038 : f32 to vector<16xf32>
    %swap3A_1040 = arith.constant 8 : i32
    %swap3A_1041 = arith.constant 0 : i32
    %swap3A_1042 = arith.index_cast %swap3A_1040 : i32 to index
    %swap3A_1043 = arith.index_cast %swap3A_1041 : i32 to index
    %swap3A_1044 = arith.constant 32 : index
    %swap3A_1045 = tpu.vector_load %arg10[%swap3A_1042, %swap3A_1043, %swap3A_1044] {strides = array<i32>} : memref<16x2x128xf32, #tpu.memory_space<vmem>>, vector<16xf32>,
    tpu.vector_store %arg10[%swap3A_1042, %swap3A_1043, %swap3A_1044], %broadcast_in_dim3A_1039 {strides = array<i32>} : memref<16x2x128xf32, #tpu.memory_space<vmem>>, vector<16xf32>,
    %broadcast_in_dim3A_1046 = arith.constant 0.000000e+00 : f32
    %broadcast_in_dim3A_1047 = vector.broadcast %broadcast_in_dim3A_1046 : f32 to vector<16xf32>
    %swap3A_1048 = arith.constant 8 : i32
    %swap3A_1049 = arith.constant 0 : i32
    %swap3A_1050 = arith.index_cast %swap3A_1048 : i32 to index
    %swap3A_1051 = arith.index_cast %swap3A_1049 : i32 to index
    %swap3A_1052 = arith.constant 48 : index
    %swap3A_1053 = tpu.vector_load %arg10[%swap3A_1050, %swap3A_1051, %swap3A_1052] {strides = array<i32>} : memref<16x2x128xf32, #tpu.memory_space<vmem>>, vector<16xf32>,
    tpu.vector_store %arg10[%swap3A_1050, %swap3A_1051, %swap3A_1052], %broadcast_in_dim3A_1047 {strides = array<i32>} : memref<16x2x128xf32, #tpu.memory_space<vmem>>, vector<16xf32>,
    %broadcast_in_dim3A_1054 = arith.constant 0.000000e+00 : f32
    %broadcast_in_dim3A_1055 = vector.broadcast %broadcast_in_dim3A_1054 : f32 to vector<16xf32>
    %swap3A_1056 = arith.constant 8 : i32
    %swap3A_1057 = arith.constant 0 : i32
    %swap3A_1058 = arith.index_cast %swap3A_1056 : i32 to index
    %swap3A_1059 = arith.index_cast %swap3A_1057 : i32 to index
    %swap3A_1060 = arith.constant 64 : index
    %swap3A_1061 = tpu.vector_load %arg10[%swap3A_1058, %swap3A_1059, %swap3A_1060] {strides = array<i32>} : memref<16x2x128xf32, #tpu.memory_space<vmem>>, vector<16xf32>,
    tpu.vector_store %arg10[%swap3A_1058, %swap3A_1059, %swap3A_1060], %broadcast_in_dim3A_1055 {strides = array<i32>} : memref<16x2x128xf32, #tpu.memory_space<vmem>>, vector<16xf32>,
    %broadcast_in_dim3A_1062 = arith.constant 0.000000e+00 : f32
    %broadcast_in_dim3A_1063 = vector.broadcast %broadcast_in_dim3A_1062 : f32 to vector<16xf32>
    %swap3A_1064 = arith.constant 8 : i32
    %swap3A_1065 = arith.constant 0 : i32
    %swap3A_1066 = arith.index_cast %swap3A_1064 : i32 to index
    %swap3A_1067 = arith.index_cast %swap3A_1065 : i32 to index
    %swap3A_1068 = arith.constant 80 : index
    %swap3A_1069 = tpu.vector_load %arg10[%swap3A_1066, %swap3A_1067, %swap3A_1068] {strides = array<i32>} : memref<16x2x128xf32, #tpu.memory_space<vmem>>, vector<16xf32>,
    tpu.vector_store %arg10[%swap3A_1066, %swap3A_1067, %swap3A_1068], %broadcast_in_dim3A_1063 {strides = array<i32>} : memref<16x2x128xf32, #tpu.memory_space<vmem>>, vector<16xf32>,
    %broadcast_in_dim3A_1070 = arith.constant 0.000000e+00 : f32
    %broadcast_in_dim3A_1071 = vector.broadcast %broadcast_in_dim3A_1070 : f32 to vector<16xf32>
    %swap3A_1072 = arith.constant 8 : i32
    %swap3A_1073 = arith.constant 0 : i32
    %swap3A_1074 = arith.index_cast %swap3A_1072 : i32 to index
    %swap3A_1075 = arith.index_cast %swap3A_1073 : i32 to index
    %swap3A_1076 = arith.constant 96 : index
    %swap3A_1077 = tpu.vector_load %arg10[%swap3A_1074, %swap3A_1075, %swap3A_1076] {strides = array<i32>} : memref<16x2x128xf32, #tpu.memory_space<vmem>>, vector<16xf32>,
    tpu.vector_store %arg10[%swap3A_1074, %swap3A_1075, %swap3A_1076], %broadcast_in_dim3A_1071 {strides = array<i32>} : memref<16x2x128xf32, #tpu.memory_space<vmem>>, vector<16xf32>,
    %broadcast_in_dim3A_1078 = arith.constant 0.000000e+00 : f32
    %broadcast_in_dim3A_1079 = vector.broadcast %broadcast_in_dim3A_1078 : f32 to vector<16xf32>
    %swap3A_1080 = arith.constant 8 : i32
    %swap3A_1081 = arith.constant 0 : i32
    %swap3A_1082 = arith.index_cast %swap3A_1080 : i32 to index
    %swap3A_1083 = arith.index_cast %swap3A_1081 : i32 to index
    %swap3A_1084 = arith.constant 112 : index
    %swap3A_1085 = tpu.vector_load %arg10[%swap3A_1082, %swap3A_1083, %swap3A_1084] {strides = array<i32>} : memref<16x2x128xf32, #tpu.memory_space<vmem>>, vector<16xf32>,
    tpu.vector_store %arg10[%swap3A_1082, %swap3A_1083, %swap3A_1084], %broadcast_in_dim3A_1079 {strides = array<i32>} : memref<16x2x128xf32, #tpu.memory_space<vmem>>, vector<16xf32>,
    %broadcast_in_dim3A_1086 = arith.constant 0.000000e+00 : f32
    %broadcast_in_dim3A_1087 = vector.broadcast %broadcast_in_dim3A_1086 : f32 to vector<16xf32>
    %swap3A_1088 = arith.constant 8 : i32
    %swap3A_1089 = arith.constant 1 : i32
    %swap3A_1090 = arith.index_cast %swap3A_1088 : i32 to index
    %swap3A_1091 = arith.index_cast %swap3A_1089 : i32 to index
    %swap3A_1092 = arith.constant 0 : index
    %swap3A_1093 = tpu.vector_load %arg10[%swap3A_1090, %swap3A_1091, %swap3A_1092] {strides = array<i32>} : memref<16x2x128xf32, #tpu.memory_space<vmem>>, vector<16xf32>,
    tpu.vector_store %arg10[%swap3A_1090, %swap3A_1091, %swap3A_1092], %broadcast_in_dim3A_1087 {strides = array<i32>} : memref<16x2x128xf32, #tpu.memory_space<vmem>>, vector<16xf32>,
    %broadcast_in_dim3A_1094 = arith.constant 0.000000e+00 : f32
    %broadcast_in_dim3A_1095 = vector.broadcast %broadcast_in_dim3A_1094 : f32 to vector<16xf32>
    %swap3A_1096 = arith.constant 8 : i32
    %swap3A_1097 = arith.constant 1 : i32
    %swap3A_1098 = arith.index_cast %swap3A_1096 : i32 to index
    %swap3A_1099 = arith.index_cast %swap3A_1097 : i32 to index
    %swap3A_1100 = arith.constant 16 : index
    %swap3A_1101 = tpu.vector_load %arg10[%swap3A_1098, %swap3A_1099, %swap3A_1100] {strides = array<i32>} : memref<16x2x128xf32, #tpu.memory_space<vmem>>, vector<16xf32>,
    tpu.vector_store %arg10[%swap3A_1098, %swap3A_1099, %swap3A_1100], %broadcast_in_dim3A_1095 {strides = array<i32>} : memref<16x2x128xf32, #tpu.memory_space<vmem>>, vector<16xf32>,
    %broadcast_in_dim3A_1102 = arith.constant 0.000000e+00 : f32
    %broadcast_in_dim3A_1103 = vector.broadcast %broadcast_in_dim3A_1102 : f32 to vector<16xf32>
    %swap3A_1104 = arith.constant 8 : i32
    %swap3A_1105 = arith.constant 1 : i32
    %swap3A_1106 = arith.index_cast %swap3A_1104 : i32 to index
    %swap3A_1107 = arith.index_cast %swap3A_1105 : i32 to index
    %swap3A_1108 = arith.constant 32 : index
    %swap3A_1109 = tpu.vector_load %arg10[%swap3A_1106, %swap3A_1107, %swap3A_1108] {strides = array<i32>} : memref<16x2x128xf32, #tpu.memory_space<vmem>>, vector<16xf32>,
    tpu.vector_store %arg10[%swap3A_1106, %swap3A_1107, %swap3A_1108], %broadcast_in_dim3A_1103 {strides = array<i32>} : memref<16x2x128xf32, #tpu.memory_space<vmem>>, vector<16xf32>,
    %broadcast_in_dim3A_1110 = arith.constant 0.000000e+00 : f32
    %broadcast_in_dim3A_1111 = vector.broadcast %broadcast_in_dim3A_1110 : f32 to vector<16xf32>
    %swap3A_1112 = arith.constant 8 : i32
    %swap3A_1113 = arith.constant 1 : i32
    %swap3A_1114 = arith.index_cast %swap3A_1112 : i32 to index
    %swap3A_1115 = arith.index_cast %swap3A_1113 : i32 to index
    %swap3A_1116 = arith.constant 48 : index
    %swap3A_1117 = tpu.vector_load %arg10[%swap3A_1114, %swap3A_1115, %swap3A_1116] {strides = array<i32>} : memref<16x2x128xf32, #tpu.memory_space<vmem>>, vector<16xf32>,
    tpu.vector_store %arg10[%swap3A_1114, %swap3A_1115, %swap3A_1116], %broadcast_in_dim3A_1111 {strides = array<i32>} : memref<16x2x128xf32, #tpu.memory_space<vmem>>, vector<16xf32>,
    %broadcast_in_dim3A_1118 = arith.constant 0.000000e+00 : f32
    %broadcast_in_dim3A_1119 = vector.broadcast %broadcast_in_dim3A_1118 : f32 to vector<16xf32>
    %swap3A_1120 = arith.constant 8 : i32
    %swap3A_1121 = arith.constant 1 : i32
    %swap3A_1122 = arith.index_cast %swap3A_1120 : i32 to index
    %swap3A_1123 = arith.index_cast %swap3A_1121 : i32 to index
    %swap3A_1124 = arith.constant 64 : index
    %swap3A_1125 = tpu.vector_load %arg10[%swap3A_1122, %swap3A_1123, %swap3A_1124] {strides = array<i32>} : memref<16x2x128xf32, #tpu.memory_space<vmem>>, vector<16xf32>,
    tpu.vector_store %arg10[%swap3A_1122, %swap3A_1123, %swap3A_1124], %broadcast_in_dim3A_1119 {strides = array<i32>} : memref<16x2x128xf32, #tpu.memory_space<vmem>>, vector<16xf32>,
    %broadcast_in_dim3A_1126 = arith.constant 0.000000e+00 : f32
    %broadcast_in_dim3A_1127 = vector.broadcast %broadcast_in_dim3A_1126 : f32 to vector<16xf32>
    %swap3A_1128 = arith.constant 8 : i32
    %swap3A_1129 = arith.constant 1 : i32
    %swap3A_1130 = arith.index_cast %swap3A_1128 : i32 to index
    %swap3A_1131 = arith.index_cast %swap3A_1129 : i32 to index
    %swap3A_1132 = arith.constant 80 : index
    %swap3A_1133 = tpu.vector_load %arg10[%swap3A_1130, %swap3A_1131, %swap3A_1132] {strides = array<i32>} : memref<16x2x128xf32, #tpu.memory_space<vmem>>, vector<16xf32>,
    tpu.vector_store %arg10[%swap3A_1130, %swap3A_1131, %swap3A_1132], %broadcast_in_dim3A_1127 {strides = array<i32>} : memref<16x2x128xf32, #tpu.memory_space<vmem>>, vector<16xf32>,
    %broadcast_in_dim3A_1134 = arith.constant 0.000000e+00 : f32
    %broadcast_in_dim3A_1135 = vector.broadcast %broadcast_in_dim3A_1134 : f32 to vector<16xf32>
    %swap3A_1136 = arith.constant 8 : i32
    %swap3A_1137 = arith.constant 1 : i32
    %swap3A_1138 = arith.index_cast %swap3A_1136 : i32 to index
    %swap3A_1139 = arith.index_cast %swap3A_1137 : i32 to index
    %swap3A_1140 = arith.constant 96 : index
    %swap3A_1141 = tpu.vector_load %arg10[%swap3A_1138, %swap3A_1139, %swap3A_1140] {strides = array<i32>} : memref<16x2x128xf32, #tpu.memory_space<vmem>>, vector<16xf32>,
    tpu.vector_store %arg10[%swap3A_1138, %swap3A_1139, %swap3A_1140], %broadcast_in_dim3A_1135 {strides = array<i32>} : memref<16x2x128xf32, #tpu.memory_space<vmem>>, vector<16xf32>,
    %broadcast_in_dim3A_1142 = arith.constant 0.000000e+00 : f32
    %broadcast_in_dim3A_1143 = vector.broadcast %broadcast_in_dim3A_1142 : f32 to vector<16xf32>
    %swap3A_1144 = arith.constant 8 : i32
    %swap3A_1145 = arith.constant 1 : i32
    %swap3A_1146 = arith.index_cast %swap3A_1144 : i32 to index
    %swap3A_1147 = arith.index_cast %swap3A_1145 : i32 to index
    %swap3A_1148 = arith.constant 112 : index
    %swap3A_1149 = tpu.vector_load %arg10[%swap3A_1146, %swap3A_1147, %swap3A_1148] {strides = array<i32>} : memref<16x2x128xf32, #tpu.memory_space<vmem>>, vector<16xf32>,
    tpu.vector_store %arg10[%swap3A_1146, %swap3A_1147, %swap3A_1148], %broadcast_in_dim3A_1143 {strides = array<i32>} : memref<16x2x128xf32, #tpu.memory_space<vmem>>, vector<16xf32>,
    %broadcast_in_dim3A_1150 = arith.constant 0.000000e+00 : f32
    %broadcast_in_dim3A_1151 = vector.broadcast %broadcast_in_dim3A_1150 : f32 to vector<16xf32>
    %swap3A_1152 = arith.constant 9 : i32
    %swap3A_1153 = arith.constant 0 : i32
    %swap3A_1154 = arith.index_cast %swap3A_1152 : i32 to index
    %swap3A_1155 = arith.index_cast %swap3A_1153 : i32 to index
    %swap3A_1156 = arith.constant 0 : index
    %swap3A_1157 = tpu.vector_load %arg10[%swap3A_1154, %swap3A_1155, %swap3A_1156] {strides = array<i32>} : memref<16x2x128xf32, #tpu.memory_space<vmem>>, vector<16xf32>,
    tpu.vector_store %arg10[%swap3A_1154, %swap3A_1155, %swap3A_1156], %broadcast_in_dim3A_1151 {strides = array<i32>} : memref<16x2x128xf32, #tpu.memory_space<vmem>>, vector<16xf32>,
    %broadcast_in_dim3A_1158 = arith.constant 0.000000e+00 : f32
    %broadcast_in_dim3A_1159 = vector.broadcast %broadcast_in_dim3A_1158 : f32 to vector<16xf32>
    %swap3A_1160 = arith.constant 9 : i32
    %swap3A_1161 = arith.constant 0 : i32
    %swap3A_1162 = arith.index_cast %swap3A_1160 : i32 to index
    %swap3A_1163 = arith.index_cast %swap3A_1161 : i32 to index
    %swap3A_1164 = arith.constant 16 : index
    %swap3A_1165 = tpu.vector_load %arg10[%swap3A_1162, %swap3A_1163, %swap3A_1164] {strides = array<i32>} : memref<16x2x128xf32, #tpu.memory_space<vmem>>, vector<16xf32>,
    tpu.vector_store %arg10[%swap3A_1162, %swap3A_1163, %swap3A_1164], %broadcast_in_dim3A_1159 {strides = array<i32>} : memref<16x2x128xf32, #tpu.memory_space<vmem>>, vector<16xf32>,
    %broadcast_in_dim3A_1166 = arith.constant 0.000000e+00 : f32
    %broadcast_in_dim3A_1167 = vector.broadcast %broadcast_in_dim3A_1166 : f32 to vector<16xf32>
    %swap3A_1168 = arith.constant 9 : i32
    %swap3A_1169 = arith.constant 0 : i32
    %swap3A_1170 = arith.index_cast %swap3A_1168 : i32 to index
    %swap3A_1171 = arith.index_cast %swap3A_1169 : i32 to index
    %swap3A_1172 = arith.constant 32 : index
    %swap3A_1173 = tpu.vector_load %arg10[%swap3A_1170, %swap3A_1171, %swap3A_1172] {strides = array<i32>} : memref<16x2x128xf32, #tpu.memory_space<vmem>>, vector<16xf32>,
    tpu.vector_store %arg10[%swap3A_1170, %swap3A_1171, %swap3A_1172], %broadcast_in_dim3A_1167 {strides = array<i32>} : memref<16x2x128xf32, #tpu.memory_space<vmem>>, vector<16xf32>,
    %broadcast_in_dim3A_1174 = arith.constant 0.000000e+00 : f32
    %broadcast_in_dim3A_1175 = vector.broadcast %broadcast_in_dim3A_1174 : f32 to vector<16xf32>
    %swap3A_1176 = arith.constant 9 : i32
    %swap3A_1177 = arith.constant 0 : i32
    %swap3A_1178 = arith.index_cast %swap3A_1176 : i32 to index
    %swap3A_1179 = arith.index_cast %swap3A_1177 : i32 to index
    %swap3A_1180 = arith.constant 48 : index
    %swap3A_1181 = tpu.vector_load %arg10[%swap3A_1178, %swap3A_1179, %swap3A_1180] {strides = array<i32>} : memref<16x2x128xf32, #tpu.memory_space<vmem>>, vector<16xf32>,
    tpu.vector_store %arg10[%swap3A_1178, %swap3A_1179, %swap3A_1180], %broadcast_in_dim3A_1175 {strides = array<i32>} : memref<16x2x128xf32, #tpu.memory_space<vmem>>, vector<16xf32>,
    %broadcast_in_dim3A_1182 = arith.constant 0.000000e+00 : f32
    %broadcast_in_dim3A_1183 = vector.broadcast %broadcast_in_dim3A_1182 : f32 to vector<16xf32>
    %swap3A_1184 = arith.constant 9 : i32
    %swap3A_1185 = arith.constant 0 : i32
    %swap3A_1186 = arith.index_cast %swap3A_1184 : i32 to index
    %swap3A_1187 = arith.index_cast %swap3A_1185 : i32 to index
    %swap3A_1188 = arith.constant 64 : index
    %swap3A_1189 = tpu.vector_load %arg10[%swap3A_1186, %swap3A_1187, %swap3A_1188] {strides = array<i32>} : memref<16x2x128xf32, #tpu.memory_space<vmem>>, vector<16xf32>,
    tpu.vector_store %arg10[%swap3A_1186, %swap3A_1187, %swap3A_1188], %broadcast_in_dim3A_1183 {strides = array<i32>} : memref<16x2x128xf32, #tpu.memory_space<vmem>>, vector<16xf32>,
    %broadcast_in_dim3A_1190 = arith.constant 0.000000e+00 : f32
    %broadcast_in_dim3A_1191 = vector.broadcast %broadcast_in_dim3A_1190 : f32 to vector<16xf32>
    %swap3A_1192 = arith.constant 9 : i32
    %swap3A_1193 = arith.constant 0 : i32
    %swap3A_1194 = arith.index_cast %swap3A_1192 : i32 to index
    %swap3A_1195 = arith.index_cast %swap3A_1193 : i32 to index
    %swap3A_1196 = arith.constant 80 : index
    %swap3A_1197 = tpu.vector_load %arg10[%swap3A_1194, %swap3A_1195, %swap3A_1196] {strides = array<i32>} : memref<16x2x128xf32, #tpu.memory_space<vmem>>, vector<16xf32>,
    tpu.vector_store %arg10[%swap3A_1194, %swap3A_1195, %swap3A_1196], %broadcast_in_dim3A_1191 {strides = array<i32>} : memref<16x2x128xf32, #tpu.memory_space<vmem>>, vector<16xf32>,
    %broadcast_in_dim3A_1198 = arith.constant 0.000000e+00 : f32
    %broadcast_in_dim3A_1199 = vector.broadcast %broadcast_in_dim3A_1198 : f32 to vector<16xf32>
    %swap3A_1200 = arith.constant 9 : i32
    %swap3A_1201 = arith.constant 0 : i32
    %swap3A_1202 = arith.index_cast %swap3A_1200 : i32 to index
    %swap3A_1203 = arith.index_cast %swap3A_1201 : i32 to index
    %swap3A_1204 = arith.constant 96 : index
    %swap3A_1205 = tpu.vector_load %arg10[%swap3A_1202, %swap3A_1203, %swap3A_1204] {strides = array<i32>} : memref<16x2x128xf32, #tpu.memory_space<vmem>>, vector<16xf32>,
    tpu.vector_store %arg10[%swap3A_1202, %swap3A_1203, %swap3A_1204], %broadcast_in_dim3A_1199 {strides = array<i32>} : memref<16x2x128xf32, #tpu.memory_space<vmem>>, vector<16xf32>,
    %broadcast_in_dim3A_1206 = arith.constant 0.000000e+00 : f32
    %broadcast_in_dim3A_1207 = vector.broadcast %broadcast_in_dim3A_1206 : f32 to vector<16xf32>
    %swap3A_1208 = arith.constant 9 : i32
    %swap3A_1209 = arith.constant 0 : i32
    %swap3A_1210 = arith.index_cast %swap3A_1208 : i32 to index
    %swap3A_1211 = arith.index_cast %swap3A_1209 : i32 to index
    %swap3A_1212 = arith.constant 112 : index
    %swap3A_1213 = tpu.vector_load %arg10[%swap3A_1210, %swap3A_1211, %swap3A_1212] {strides = array<i32>} : memref<16x2x128xf32, #tpu.memory_space<vmem>>, vector<16xf32>,
    tpu.vector_store %arg10[%swap3A_1210, %swap3A_1211, %swap3A_1212], %broadcast_in_dim3A_1207 {strides = array<i32>} : memref<16x2x128xf32, #tpu.memory_space<vmem>>, vector<16xf32>,
    %broadcast_in_dim3A_1214 = arith.constant 0.000000e+00 : f32
    %broadcast_in_dim3A_1215 = vector.broadcast %broadcast_in_dim3A_1214 : f32 to vector<16xf32>
    %swap3A_1216 = arith.constant 9 : i32
    %swap3A_1217 = arith.constant 1 : i32
    %swap3A_1218 = arith.index_cast %swap3A_1216 : i32 to index
    %swap3A_1219 = arith.index_cast %swap3A_1217 : i32 to index
    %swap3A_1220 = arith.constant 0 : index
    %swap3A_1221 = tpu.vector_load %arg10[%swap3A_1218, %swap3A_1219, %swap3A_1220] {strides = array<i32>} : memref<16x2x128xf32, #tpu.memory_space<vmem>>, vector<16xf32>,
    tpu.vector_store %arg10[%swap3A_1218, %swap3A_1219, %swap3A_1220], %broadcast_in_dim3A_1215 {strides = array<i32>} : memref<16x2x128xf32, #tpu.memory_space<vmem>>, vector<16xf32>,
    %broadcast_in_dim3A_1222 = arith.constant 0.000000e+00 : f32
    %broadcast_in_dim3A_1223 = vector.broadcast %broadcast_in_dim3A_1222 : f32 to vector<16xf32>
    %swap3A_1224 = arith.constant 9 : i32
    %swap3A_1225 = arith.constant 1 : i32
    %swap3A_1226 = arith.index_cast %swap3A_1224 : i32 to index
    %swap3A_1227 = arith.index_cast %swap3A_1225 : i32 to index
    %swap3A_1228 = arith.constant 16 : index
    %swap3A_1229 = tpu.vector_load %arg10[%swap3A_1226, %swap3A_1227, %swap3A_1228] {strides = array<i32>} : memref<16x2x128xf32, #tpu.memory_space<vmem>>, vector<16xf32>,
    tpu.vector_store %arg10[%swap3A_1226, %swap3A_1227, %swap3A_1228], %broadcast_in_dim3A_1223 {strides = array<i32>} : memref<16x2x128xf32, #tpu.memory_space<vmem>>, vector<16xf32>,
    %broadcast_in_dim3A_1230 = arith.constant 0.000000e+00 : f32
    %broadcast_in_dim3A_1231 = vector.broadcast %broadcast_in_dim3A_1230 : f32 to vector<16xf32>
    %swap3A_1232 = arith.constant 9 : i32
    %swap3A_1233 = arith.constant 1 : i32
    %swap3A_1234 = arith.index_cast %swap3A_1232 : i32 to index
    %swap3A_1235 = arith.index_cast %swap3A_1233 : i32 to index
    %swap3A_1236 = arith.constant 32 : index
    %swap3A_1237 = tpu.vector_load %arg10[%swap3A_1234, %swap3A_1235, %swap3A_1236] {strides = array<i32>} : memref<16x2x128xf32, #tpu.memory_space<vmem>>, vector<16xf32>,
    tpu.vector_store %arg10[%swap3A_1234, %swap3A_1235, %swap3A_1236], %broadcast_in_dim3A_1231 {strides = array<i32>} : memref<16x2x128xf32, #tpu.memory_space<vmem>>, vector<16xf32>,
    %broadcast_in_dim3A_1238 = arith.constant 0.000000e+00 : f32
    %broadcast_in_dim3A_1239 = vector.broadcast %broadcast_in_dim3A_1238 : f32 to vector<16xf32>
    %swap3A_1240 = arith.constant 9 : i32
    %swap3A_1241 = arith.constant 1 : i32
    %swap3A_1242 = arith.index_cast %swap3A_1240 : i32 to index
    %swap3A_1243 = arith.index_cast %swap3A_1241 : i32 to index
    %swap3A_1244 = arith.constant 48 : index
    %swap3A_1245 = tpu.vector_load %arg10[%swap3A_1242, %swap3A_1243, %swap3A_1244] {strides = array<i32>} : memref<16x2x128xf32, #tpu.memory_space<vmem>>, vector<16xf32>,
    tpu.vector_store %arg10[%swap3A_1242, %swap3A_1243, %swap3A_1244], %broadcast_in_dim3A_1239 {strides = array<i32>} : memref<16x2x128xf32, #tpu.memory_space<vmem>>, vector<16xf32>,
    %broadcast_in_dim3A_1246 = arith.constant 0.000000e+00 : f32
    %broadcast_in_dim3A_1247 = vector.broadcast %broadcast_in_dim3A_1246 : f32 to vector<16xf32>
    %swap3A_1248 = arith.constant 9 : i32
    %swap3A_1249 = arith.constant 1 : i32
    %swap3A_1250 = arith.index_cast %swap3A_1248 : i32 to index
    %swap3A_1251 = arith.index_cast %swap3A_1249 : i32 to index
    %swap3A_1252 = arith.constant 64 : index
    %swap3A_1253 = tpu.vector_load %arg10[%swap3A_1250, %swap3A_1251, %swap3A_1252] {strides = array<i32>} : memref<16x2x128xf32, #tpu.memory_space<vmem>>, vector<16xf32>,
    tpu.vector_store %arg10[%swap3A_1250, %swap3A_1251, %swap3A_1252], %broadcast_in_dim3A_1247 {strides = array<i32>} : memref<16x2x128xf32, #tpu.memory_space<vmem>>, vector<16xf32>,
    %broadcast_in_dim3A_1254 = arith.constant 0.000000e+00 : f32
    %broadcast_in_dim3A_1255 = vector.broadcast %broadcast_in_dim3A_1254 : f32 to vector<16xf32>
    %swap3A_1256 = arith.constant 9 : i32
    %swap3A_1257 = arith.constant 1 : i32
    %swap3A_1258 = arith.index_cast %swap3A_1256 : i32 to index
    %swap3A_1259 = arith.index_cast %swap3A_1257 : i32 to index
    %swap3A_1260 = arith.constant 80 : index
    %swap3A_1261 = tpu.vector_load %arg10[%swap3A_1258, %swap3A_1259, %swap3A_1260] {strides = array<i32>} : memref<16x2x128xf32, #tpu.memory_space<vmem>>, vector<16xf32>,
    tpu.vector_store %arg10[%swap3A_1258, %swap3A_1259, %swap3A_1260], %broadcast_in_dim3A_1255 {strides = array<i32>} : memref<16x2x128xf32, #tpu.memory_space<vmem>>, vector<16xf32>,
    %broadcast_in_dim3A_1262 = arith.constant 0.000000e+00 : f32
    %broadcast_in_dim3A_1263 = vector.broadcast %broadcast_in_dim3A_1262 : f32 to vector<16xf32>
    %swap3A_1264 = arith.constant 9 : i32
    %swap3A_1265 = arith.constant 1 : i32
    %swap3A_1266 = arith.index_cast %swap3A_1264 : i32 to index
    %swap3A_1267 = arith.index_cast %swap3A_1265 : i32 to index
    %swap3A_1268 = arith.constant 96 : index
    %swap3A_1269 = tpu.vector_load %arg10[%swap3A_1266, %swap3A_1267, %swap3A_1268] {strides = array<i32>} : memref<16x2x128xf32, #tpu.memory_space<vmem>>, vector<16xf32>,
    tpu.vector_store %arg10[%swap3A_1266, %swap3A_1267, %swap3A_1268], %broadcast_in_dim3A_1263 {strides = array<i32>} : memref<16x2x128xf32, #tpu.memory_space<vmem>>, vector<16xf32>,
    %broadcast_in_dim3A_1270 = arith.constant 0.000000e+00 : f32
    %broadcast_in_dim3A_1271 = vector.broadcast %broadcast_in_dim3A_1270 : f32 to vector<16xf32>
    %swap3A_1272 = arith.constant 9 : i32
    %swap3A_1273 = arith.constant 1 : i32
    %swap3A_1274 = arith.index_cast %swap3A_1272 : i32 to index
    %swap3A_1275 = arith.index_cast %swap3A_1273 : i32 to index
    %swap3A_1276 = arith.constant 112 : index
    %swap3A_1277 = tpu.vector_load %arg10[%swap3A_1274, %swap3A_1275, %swap3A_1276] {strides = array<i32>} : memref<16x2x128xf32, #tpu.memory_space<vmem>>, vector<16xf32>,
    tpu.vector_store %arg10[%swap3A_1274, %swap3A_1275, %swap3A_1276], %broadcast_in_dim3A_1271 {strides = array<i32>} : memref<16x2x128xf32, #tpu.memory_space<vmem>>, vector<16xf32>,
    %broadcast_in_dim3A_1278 = arith.constant 0.000000e+00 : f32
    %broadcast_in_dim3A_1279 = vector.broadcast %broadcast_in_dim3A_1278 : f32 to vector<16xf32>
    %swap3A_1280 = arith.constant 10 : i32
    %swap3A_1281 = arith.constant 0 : i32
    %swap3A_1282 = arith.index_cast %swap3A_1280 : i32 to index
    %swap3A_1283 = arith.index_cast %swap3A_1281 : i32 to index
    %swap3A_1284 = arith.constant 0 : index
    %swap3A_1285 = tpu.vector_load %arg10[%swap3A_1282, %swap3A_1283, %swap3A_1284] {strides = array<i32>} : memref<16x2x128xf32, #tpu.memory_space<vmem>>, vector<16xf32>,
    tpu.vector_store %arg10[%swap3A_1282, %swap3A_1283, %swap3A_1284], %broadcast_in_dim3A_1279 {strides = array<i32>} : memref<16x2x128xf32, #tpu.memory_space<vmem>>, vector<16xf32>,
    %broadcast_in_dim3A_1286 = arith.constant 0.000000e+00 : f32
    %broadcast_in_dim3A_1287 = vector.broadcast %broadcast_in_dim3A_1286 : f32 to vector<16xf32>
    %swap3A_1288 = arith.constant 10 : i32
    %swap3A_1289 = arith.constant 0 : i32
    %swap3A_1290 = arith.index_cast %swap3A_1288 : i32 to index
    %swap3A_1291 = arith.index_cast %swap3A_1289 : i32 to index
    %swap3A_1292 = arith.constant 16 : index
    %swap3A_1293 = tpu.vector_load %arg10[%swap3A_1290, %swap3A_1291, %swap3A_1292] {strides = array<i32>} : memref<16x2x128xf32, #tpu.memory_space<vmem>>, vector<16xf32>,
    tpu.vector_store %arg10[%swap3A_1290, %swap3A_1291, %swap3A_1292], %broadcast_in_dim3A_1287 {strides = array<i32>} : memref<16x2x128xf32, #tpu.memory_space<vmem>>, vector<16xf32>,
    %broadcast_in_dim3A_1294 = arith.constant 0.000000e+00 : f32
    %broadcast_in_dim3A_1295 = vector.broadcast %broadcast_in_dim3A_1294 : f32 to vector<16xf32>
    %swap3A_1296 = arith.constant 10 : i32
    %swap3A_1297 = arith.constant 0 : i32
    %swap3A_1298 = arith.index_cast %swap3A_1296 : i32 to index
    %swap3A_1299 = arith.index_cast %swap3A_1297 : i32 to index
    %swap3A_1300 = arith.constant 32 : index
    %swap3A_1301 = tpu.vector_load %arg10[%swap3A_1298, %swap3A_1299, %swap3A_1300] {strides = array<i32>} : memref<16x2x128xf32, #tpu.memory_space<vmem>>, vector<16xf32>,
    tpu.vector_store %arg10[%swap3A_1298, %swap3A_1299, %swap3A_1300], %broadcast_in_dim3A_1295 {strides = array<i32>} : memref<16x2x128xf32, #tpu.memory_space<vmem>>, vector<16xf32>,
    %broadcast_in_dim3A_1302 = arith.constant 0.000000e+00 : f32
    %broadcast_in_dim3A_1303 = vector.broadcast %broadcast_in_dim3A_1302 : f32 to vector<16xf32>
    %swap3A_1304 = arith.constant 10 : i32
    %swap3A_1305 = arith.constant 0 : i32
    %swap3A_1306 = arith.index_cast %swap3A_1304 : i32 to index
    %swap3A_1307 = arith.index_cast %swap3A_1305 : i32 to index
    %swap3A_1308 = arith.constant 48 : index
    %swap3A_1309 = tpu.vector_load %arg10[%swap3A_1306, %swap3A_1307, %swap3A_1308] {strides = array<i32>} : memref<16x2x128xf32, #tpu.memory_space<vmem>>, vector<16xf32>,
    tpu.vector_store %arg10[%swap3A_1306, %swap3A_1307, %swap3A_1308], %broadcast_in_dim3A_1303 {strides = array<i32>} : memref<16x2x128xf32, #tpu.memory_space<vmem>>, vector<16xf32>,
    %broadcast_in_dim3A_1310 = arith.constant 0.000000e+00 : f32
    %broadcast_in_dim3A_1311 = vector.broadcast %broadcast_in_dim3A_1310 : f32 to vector<16xf32>
    %swap3A_1312 = arith.constant 10 : i32
    %swap3A_1313 = arith.constant 0 : i32
    %swap3A_1314 = arith.index_cast %swap3A_1312 : i32 to index
    %swap3A_1315 = arith.index_cast %swap3A_1313 : i32 to index
    %swap3A_1316 = arith.constant 64 : index
    %swap3A_1317 = tpu.vector_load %arg10[%swap3A_1314, %swap3A_1315, %swap3A_1316] {strides = array<i32>} : memref<16x2x128xf32, #tpu.memory_space<vmem>>, vector<16xf32>,
    tpu.vector_store %arg10[%swap3A_1314, %swap3A_1315, %swap3A_1316], %broadcast_in_dim3A_1311 {strides = array<i32>} : memref<16x2x128xf32, #tpu.memory_space<vmem>>, vector<16xf32>,
    %broadcast_in_dim3A_1318 = arith.constant 0.000000e+00 : f32
    %broadcast_in_dim3A_1319 = vector.broadcast %broadcast_in_dim3A_1318 : f32 to vector<16xf32>
    %swap3A_1320 = arith.constant 10 : i32
    %swap3A_1321 = arith.constant 0 : i32
    %swap3A_1322 = arith.index_cast %swap3A_1320 : i32 to index
    %swap3A_1323 = arith.index_cast %swap3A_1321 : i32 to index
    %swap3A_1324 = arith.constant 80 : index
    %swap3A_1325 = tpu.vector_load %arg10[%swap3A_1322, %swap3A_1323, %swap3A_1324] {strides = array<i32>} : memref<16x2x128xf32, #tpu.memory_space<vmem>>, vector<16xf32>,
    tpu.vector_store %arg10[%swap3A_1322, %swap3A_1323, %swap3A_1324], %broadcast_in_dim3A_1319 {strides = array<i32>} : memref<16x2x128xf32, #tpu.memory_space<vmem>>, vector<16xf32>,
    %broadcast_in_dim3A_1326 = arith.constant 0.000000e+00 : f32
    %broadcast_in_dim3A_1327 = vector.broadcast %broadcast_in_dim3A_1326 : f32 to vector<16xf32>
    %swap3A_1328 = arith.constant 10 : i32
    %swap3A_1329 = arith.constant 0 : i32
    %swap3A_1330 = arith.index_cast %swap3A_1328 : i32 to index
    %swap3A_1331 = arith.index_cast %swap3A_1329 : i32 to index
    %swap3A_1332 = arith.constant 96 : index
    %swap3A_1333 = tpu.vector_load %arg10[%swap3A_1330, %swap3A_1331, %swap3A_1332] {strides = array<i32>} : memref<16x2x128xf32, #tpu.memory_space<vmem>>, vector<16xf32>,
    tpu.vector_store %arg10[%swap3A_1330, %swap3A_1331, %swap3A_1332], %broadcast_in_dim3A_1327 {strides = array<i32>} : memref<16x2x128xf32, #tpu.memory_space<vmem>>, vector<16xf32>,
    %broadcast_in_dim3A_1334 = arith.constant 0.000000e+00 : f32
    %broadcast_in_dim3A_1335 = vector.broadcast %broadcast_in_dim3A_1334 : f32 to vector<16xf32>
    %swap3A_1336 = arith.constant 10 : i32
    %swap3A_1337 = arith.constant 0 : i32
    %swap3A_1338 = arith.index_cast %swap3A_1336 : i32 to index
    %swap3A_1339 = arith.index_cast %swap3A_1337 : i32 to index
    %swap3A_1340 = arith.constant 112 : index
    %swap3A_1341 = tpu.vector_load %arg10[%swap3A_1338, %swap3A_1339, %swap3A_1340] {strides = array<i32>} : memref<16x2x128xf32, #tpu.memory_space<vmem>>, vector<16xf32>,
    tpu.vector_store %arg10[%swap3A_1338, %swap3A_1339, %swap3A_1340], %broadcast_in_dim3A_1335 {strides = array<i32>} : memref<16x2x128xf32, #tpu.memory_space<vmem>>, vector<16xf32>,
    %broadcast_in_dim3A_1342 = arith.constant 0.000000e+00 : f32
    %broadcast_in_dim3A_1343 = vector.broadcast %broadcast_in_dim3A_1342 : f32 to vector<16xf32>
    %swap3A_1344 = arith.constant 10 : i32
    %swap3A_1345 = arith.constant 1 : i32
    %swap3A_1346 = arith.index_cast %swap3A_1344 : i32 to index
    %swap3A_1347 = arith.index_cast %swap3A_1345 : i32 to index
    %swap3A_1348 = arith.constant 0 : index
    %swap3A_1349 = tpu.vector_load %arg10[%swap3A_1346, %swap3A_1347, %swap3A_1348] {strides = array<i32>} : memref<16x2x128xf32, #tpu.memory_space<vmem>>, vector<16xf32>,
    tpu.vector_store %arg10[%swap3A_1346, %swap3A_1347, %swap3A_1348], %broadcast_in_dim3A_1343 {strides = array<i32>} : memref<16x2x128xf32, #tpu.memory_space<vmem>>, vector<16xf32>,
    %broadcast_in_dim3A_1350 = arith.constant 0.000000e+00 : f32
    %broadcast_in_dim3A_1351 = vector.broadcast %broadcast_in_dim3A_1350 : f32 to vector<16xf32>
    %swap3A_1352 = arith.constant 10 : i32
    %swap3A_1353 = arith.constant 1 : i32
    %swap3A_1354 = arith.index_cast %swap3A_1352 : i32 to index
    %swap3A_1355 = arith.index_cast %swap3A_1353 : i32 to index
    %swap3A_1356 = arith.constant 16 : index
    %swap3A_1357 = tpu.vector_load %arg10[%swap3A_1354, %swap3A_1355, %swap3A_1356] {strides = array<i32>} : memref<16x2x128xf32, #tpu.memory_space<vmem>>, vector<16xf32>,
    tpu.vector_store %arg10[%swap3A_1354, %swap3A_1355, %swap3A_1356], %broadcast_in_dim3A_1351 {strides = array<i32>} : memref<16x2x128xf32, #tpu.memory_space<vmem>>, vector<16xf32>,
    %broadcast_in_dim3A_1358 = arith.constant 0.000000e+00 : f32
    %broadcast_in_dim3A_1359 = vector.broadcast %broadcast_in_dim3A_1358 : f32 to vector<16xf32>
    %swap3A_1360 = arith.constant 10 : i32
    %swap3A_1361 = arith.constant 1 : i32
    %swap3A_1362 = arith.index_cast %swap3A_1360 : i32 to index
    %swap3A_1363 = arith.index_cast %swap3A_1361 : i32 to index
    %swap3A_1364 = arith.constant 32 : index
    %swap3A_1365 = tpu.vector_load %arg10[%swap3A_1362, %swap3A_1363, %swap3A_1364] {strides = array<i32>} : memref<16x2x128xf32, #tpu.memory_space<vmem>>, vector<16xf32>,
    tpu.vector_store %arg10[%swap3A_1362, %swap3A_1363, %swap3A_1364], %broadcast_in_dim3A_1359 {strides = array<i32>} : memref<16x2x128xf32, #tpu.memory_space<vmem>>, vector<16xf32>,
    %broadcast_in_dim3A_1366 = arith.constant 0.000000e+00 : f32
    %broadcast_in_dim3A_1367 = vector.broadcast %broadcast_in_dim3A_1366 : f32 to vector<16xf32>
    %swap3A_1368 = arith.constant 10 : i32
    %swap3A_1369 = arith.constant 1 : i32
    %swap3A_1370 = arith.index_cast %swap3A_1368 : i32 to index
    %swap3A_1371 = arith.index_cast %swap3A_1369 : i32 to index
    %swap3A_1372 = arith.constant 48 : index
    %swap3A_1373 = tpu.vector_load %arg10[%swap3A_1370, %swap3A_1371, %swap3A_1372] {strides = array<i32>} : memref<16x2x128xf32, #tpu.memory_space<vmem>>, vector<16xf32>,
    tpu.vector_store %arg10[%swap3A_1370, %swap3A_1371, %swap3A_1372], %broadcast_in_dim3A_1367 {strides = array<i32>} : memref<16x2x128xf32, #tpu.memory_space<vmem>>, vector<16xf32>,
    %broadcast_in_dim3A_1374 = arith.constant 0.000000e+00 : f32
    %broadcast_in_dim3A_1375 = vector.broadcast %broadcast_in_dim3A_1374 : f32 to vector<16xf32>
    %swap3A_1376 = arith.constant 10 : i32
    %swap3A_1377 = arith.constant 1 : i32
    %swap3A_1378 = arith.index_cast %swap3A_1376 : i32 to index
    %swap3A_1379 = arith.index_cast %swap3A_1377 : i32 to index
    %swap3A_1380 = arith.constant 64 : index
    %swap3A_1381 = tpu.vector_load %arg10[%swap3A_1378, %swap3A_1379, %swap3A_1380] {strides = array<i32>} : memref<16x2x128xf32, #tpu.memory_space<vmem>>, vector<16xf32>,
    tpu.vector_store %arg10[%swap3A_1378, %swap3A_1379, %swap3A_1380], %broadcast_in_dim3A_1375 {strides = array<i32>} : memref<16x2x128xf32, #tpu.memory_space<vmem>>, vector<16xf32>,
    %broadcast_in_dim3A_1382 = arith.constant 0.000000e+00 : f32
    %broadcast_in_dim3A_1383 = vector.broadcast %broadcast_in_dim3A_1382 : f32 to vector<16xf32>
    %swap3A_1384 = arith.constant 10 : i32
    %swap3A_1385 = arith.constant 1 : i32
    %swap3A_1386 = arith.index_cast %swap3A_1384 : i32 to index
    %swap3A_1387 = arith.index_cast %swap3A_1385 : i32 to index
    %swap3A_1388 = arith.constant 80 : index
    %swap3A_1389 = tpu.vector_load %arg10[%swap3A_1386, %swap3A_1387, %swap3A_1388] {strides = array<i32>} : memref<16x2x128xf32, #tpu.memory_space<vmem>>, vector<16xf32>,
    tpu.vector_store %arg10[%swap3A_1386, %swap3A_1387, %swap3A_1388], %broadcast_in_dim3A_1383 {strides = array<i32>} : memref<16x2x128xf32, #tpu.memory_space<vmem>>, vector<16xf32>,
    %broadcast_in_dim3A_1390 = arith.constant 0.000000e+00 : f32
    %broadcast_in_dim3A_1391 = vector.broadcast %broadcast_in_dim3A_1390 : f32 to vector<16xf32>
    %swap3A_1392 = arith.constant 10 : i32
    %swap3A_1393 = arith.constant 1 : i32
    %swap3A_1394 = arith.index_cast %swap3A_1392 : i32 to index
    %swap3A_1395 = arith.index_cast %swap3A_1393 : i32 to index
    %swap3A_1396 = arith.constant 96 : index
    %swap3A_1397 = tpu.vector_load %arg10[%swap3A_1394, %swap3A_1395, %swap3A_1396] {strides = array<i32>} : memref<16x2x128xf32, #tpu.memory_space<vmem>>, vector<16xf32>,
    tpu.vector_store %arg10[%swap3A_1394, %swap3A_1395, %swap3A_1396], %broadcast_in_dim3A_1391 {strides = array<i32>} : memref<16x2x128xf32, #tpu.memory_space<vmem>>, vector<16xf32>,
    %broadcast_in_dim3A_1398 = arith.constant 0.000000e+00 : f32
    %broadcast_in_dim3A_1399 = vector.broadcast %broadcast_in_dim3A_1398 : f32 to vector<16xf32>
    %swap3A_1400 = arith.constant 10 : i32
    %swap3A_1401 = arith.constant 1 : i32
    %swap3A_1402 = arith.index_cast %swap3A_1400 : i32 to index
    %swap3A_1403 = arith.index_cast %swap3A_1401 : i32 to index
    %swap3A_1404 = arith.constant 112 : index
    %swap3A_1405 = tpu.vector_load %arg10[%swap3A_1402, %swap3A_1403, %swap3A_1404] {strides = array<i32>} : memref<16x2x128xf32, #tpu.memory_space<vmem>>, vector<16xf32>,
    tpu.vector_store %arg10[%swap3A_1402, %swap3A_1403, %swap3A_1404], %broadcast_in_dim3A_1399 {strides = array<i32>} : memref<16x2x128xf32, #tpu.memory_space<vmem>>, vector<16xf32>,
    %broadcast_in_dim3A_1406 = arith.constant 0.000000e+00 : f32
    %broadcast_in_dim3A_1407 = vector.broadcast %broadcast_in_dim3A_1406 : f32 to vector<16xf32>
    %swap3A_1408 = arith.constant 11 : i32
    %swap3A_1409 = arith.constant 0 : i32
    %swap3A_1410 = arith.index_cast %swap3A_1408 : i32 to index
    %swap3A_1411 = arith.index_cast %swap3A_1409 : i32 to index
    %swap3A_1412 = arith.constant 0 : index
    %swap3A_1413 = tpu.vector_load %arg10[%swap3A_1410, %swap3A_1411, %swap3A_1412] {strides = array<i32>} : memref<16x2x128xf32, #tpu.memory_space<vmem>>, vector<16xf32>,
    tpu.vector_store %arg10[%swap3A_1410, %swap3A_1411, %swap3A_1412], %broadcast_in_dim3A_1407 {strides = array<i32>} : memref<16x2x128xf32, #tpu.memory_space<vmem>>, vector<16xf32>,
    %broadcast_in_dim3A_1414 = arith.constant 0.000000e+00 : f32
    %broadcast_in_dim3A_1415 = vector.broadcast %broadcast_in_dim3A_1414 : f32 to vector<16xf32>
    %swap3A_1416 = arith.constant 11 : i32
    %swap3A_1417 = arith.constant 0 : i32
    %swap3A_1418 = arith.index_cast %swap3A_1416 : i32 to index
    %swap3A_1419 = arith.index_cast %swap3A_1417 : i32 to index
    %swap3A_1420 = arith.constant 16 : index
    %swap3A_1421 = tpu.vector_load %arg10[%swap3A_1418, %swap3A_1419, %swap3A_1420] {strides = array<i32>} : memref<16x2x128xf32, #tpu.memory_space<vmem>>, vector<16xf32>,
    tpu.vector_store %arg10[%swap3A_1418, %swap3A_1419, %swap3A_1420], %broadcast_in_dim3A_1415 {strides = array<i32>} : memref<16x2x128xf32, #tpu.memory_space<vmem>>, vector<16xf32>,
    %broadcast_in_dim3A_1422 = arith.constant 0.000000e+00 : f32
    %broadcast_in_dim3A_1423 = vector.broadcast %broadcast_in_dim3A_1422 : f32 to vector<16xf32>
    %swap3A_1424 = arith.constant 11 : i32
    %swap3A_1425 = arith.constant 0 : i32
    %swap3A_1426 = arith.index_cast %swap3A_1424 : i32 to index
    %swap3A_1427 = arith.index_cast %swap3A_1425 : i32 to index
    %swap3A_1428 = arith.constant 32 : index
    %swap3A_1429 = tpu.vector_load %arg10[%swap3A_1426, %swap3A_1427, %swap3A_1428] {strides = array<i32>} : memref<16x2x128xf32, #tpu.memory_space<vmem>>, vector<16xf32>,
    tpu.vector_store %arg10[%swap3A_1426, %swap3A_1427, %swap3A_1428], %broadcast_in_dim3A_1423 {strides = array<i32>} : memref<16x2x128xf32, #tpu.memory_space<vmem>>, vector<16xf32>,
    %broadcast_in_dim3A_1430 = arith.constant 0.000000e+00 : f32
    %broadcast_in_dim3A_1431 = vector.broadcast %broadcast_in_dim3A_1430 : f32 to vector<16xf32>
    %swap3A_1432 = arith.constant 11 : i32
    %swap3A_1433 = arith.constant 0 : i32
    %swap3A_1434 = arith.index_cast %swap3A_1432 : i32 to index
    %swap3A_1435 = arith.index_cast %swap3A_1433 : i32 to index
    %swap3A_1436 = arith.constant 48 : index
    %swap3A_1437 = tpu.vector_load %arg10[%swap3A_1434, %swap3A_1435, %swap3A_1436] {strides = array<i32>} : memref<16x2x128xf32, #tpu.memory_space<vmem>>, vector<16xf32>,
    tpu.vector_store %arg10[%swap3A_1434, %swap3A_1435, %swap3A_1436], %broadcast_in_dim3A_1431 {strides = array<i32>} : memref<16x2x128xf32, #tpu.memory_space<vmem>>, vector<16xf32>,
    %broadcast_in_dim3A_1438 = arith.constant 0.000000e+00 : f32
    %broadcast_in_dim3A_1439 = vector.broadcast %broadcast_in_dim3A_1438 : f32 to vector<16xf32>
    %swap3A_1440 = arith.constant 11 : i32
    %swap3A_1441 = arith.constant 0 : i32
    %swap3A_1442 = arith.index_cast %swap3A_1440 : i32 to index
    %swap3A_1443 = arith.index_cast %swap3A_1441 : i32 to index
    %swap3A_1444 = arith.constant 64 : index
    %swap3A_1445 = tpu.vector_load %arg10[%swap3A_1442, %swap3A_1443, %swap3A_1444] {strides = array<i32>} : memref<16x2x128xf32, #tpu.memory_space<vmem>>, vector<16xf32>,
    tpu.vector_store %arg10[%swap3A_1442, %swap3A_1443, %swap3A_1444], %broadcast_in_dim3A_1439 {strides = array<i32>} : memref<16x2x128xf32, #tpu.memory_space<vmem>>, vector<16xf32>,
    %broadcast_in_dim3A_1446 = arith.constant 0.000000e+00 : f32
    %broadcast_in_dim3A_1447 = vector.broadcast %broadcast_in_dim3A_1446 : f32 to vector<16xf32>
    %swap3A_1448 = arith.constant 11 : i32
    %swap3A_1449 = arith.constant 0 : i32
    %swap3A_1450 = arith.index_cast %swap3A_1448 : i32 to index
    %swap3A_1451 = arith.index_cast %swap3A_1449 : i32 to index
    %swap3A_1452 = arith.constant 80 : index
    %swap3A_1453 = tpu.vector_load %arg10[%swap3A_1450, %swap3A_1451, %swap3A_1452] {strides = array<i32>} : memref<16x2x128xf32, #tpu.memory_space<vmem>>, vector<16xf32>,
    tpu.vector_store %arg10[%swap3A_1450, %swap3A_1451, %swap3A_1452], %broadcast_in_dim3A_1447 {strides = array<i32>} : memref<16x2x128xf32, #tpu.memory_space<vmem>>, vector<16xf32>,
    %broadcast_in_dim3A_1454 = arith.constant 0.000000e+00 : f32
    %broadcast_in_dim3A_1455 = vector.broadcast %broadcast_in_dim3A_1454 : f32 to vector<16xf32>
    %swap3A_1456 = arith.constant 11 : i32
    %swap3A_1457 = arith.constant 0 : i32
    %swap3A_1458 = arith.index_cast %swap3A_1456 : i32 to index
    %swap3A_1459 = arith.index_cast %swap3A_1457 : i32 to index
    %swap3A_1460 = arith.constant 96 : index
    %swap3A_1461 = tpu.vector_load %arg10[%swap3A_1458, %swap3A_1459, %swap3A_1460] {strides = array<i32>} : memref<16x2x128xf32, #tpu.memory_space<vmem>>, vector<16xf32>,
    tpu.vector_store %arg10[%swap3A_1458, %swap3A_1459, %swap3A_1460], %broadcast_in_dim3A_1455 {strides = array<i32>} : memref<16x2x128xf32, #tpu.memory_space<vmem>>, vector<16xf32>,
    %broadcast_in_dim3A_1462 = arith.constant 0.000000e+00 : f32
    %broadcast_in_dim3A_1463 = vector.broadcast %broadcast_in_dim3A_1462 : f32 to vector<16xf32>
    %swap3A_1464 = arith.constant 11 : i32
    %swap3A_1465 = arith.constant 0 : i32
    %swap3A_1466 = arith.index_cast %swap3A_1464 : i32 to index
    %swap3A_1467 = arith.index_cast %swap3A_1465 : i32 to index
    %swap3A_1468 = arith.constant 112 : index
    %swap3A_1469 = tpu.vector_load %arg10[%swap3A_1466, %swap3A_1467, %swap3A_1468] {strides = array<i32>} : memref<16x2x128xf32, #tpu.memory_space<vmem>>, vector<16xf32>,
    tpu.vector_store %arg10[%swap3A_1466, %swap3A_1467, %swap3A_1468], %broadcast_in_dim3A_1463 {strides = array<i32>} : memref<16x2x128xf32, #tpu.memory_space<vmem>>, vector<16xf32>,
    %broadcast_in_dim3A_1470 = arith.constant 0.000000e+00 : f32
    %broadcast_in_dim3A_1471 = vector.broadcast %broadcast_in_dim3A_1470 : f32 to vector<16xf32>
    %swap3A_1472 = arith.constant 11 : i32
    %swap3A_1473 = arith.constant 1 : i32
    %swap3A_1474 = arith.index_cast %swap3A_1472 : i32 to index
    %swap3A_1475 = arith.index_cast %swap3A_1473 : i32 to index
    %swap3A_1476 = arith.constant 0 : index
    %swap3A_1477 = tpu.vector_load %arg10[%swap3A_1474, %swap3A_1475, %swap3A_1476] {strides = array<i32>} : memref<16x2x128xf32, #tpu.memory_space<vmem>>, vector<16xf32>,
    tpu.vector_store %arg10[%swap3A_1474, %swap3A_1475, %swap3A_1476], %broadcast_in_dim3A_1471 {strides = array<i32>} : memref<16x2x128xf32, #tpu.memory_space<vmem>>, vector<16xf32>,
    %broadcast_in_dim3A_1478 = arith.constant 0.000000e+00 : f32
    %broadcast_in_dim3A_1479 = vector.broadcast %broadcast_in_dim3A_1478 : f32 to vector<16xf32>
    %swap3A_1480 = arith.constant 11 : i32
    %swap3A_1481 = arith.constant 1 : i32
    %swap3A_1482 = arith.index_cast %swap3A_1480 : i32 to index
    %swap3A_1483 = arith.index_cast %swap3A_1481 : i32 to index
    %swap3A_1484 = arith.constant 16 : index
    %swap3A_1485 = tpu.vector_load %arg10[%swap3A_1482, %swap3A_1483, %swap3A_1484] {strides = array<i32>} : memref<16x2x128xf32, #tpu.memory_space<vmem>>, vector<16xf32>,
    tpu.vector_store %arg10[%swap3A_1482, %swap3A_1483, %swap3A_1484], %broadcast_in_dim3A_1479 {strides = array<i32>} : memref<16x2x128xf32, #tpu.memory_space<vmem>>, vector<16xf32>,
    %broadcast_in_dim3A_1486 = arith.constant 0.000000e+00 : f32
    %broadcast_in_dim3A_1487 = vector.broadcast %broadcast_in_dim3A_1486 : f32 to vector<16xf32>
    %swap3A_1488 = arith.constant 11 : i32
    %swap3A_1489 = arith.constant 1 : i32
    %swap3A_1490 = arith.index_cast %swap3A_1488 : i32 to index
    %swap3A_1491 = arith.index_cast %swap3A_1489 : i32 to index
    %swap3A_1492 = arith.constant 32 : index
    %swap3A_1493 = tpu.vector_load %arg10[%swap3A_1490, %swap3A_1491, %swap3A_1492] {strides = array<i32>} : memref<16x2x128xf32, #tpu.memory_space<vmem>>, vector<16xf32>,
    tpu.vector_store %arg10[%swap3A_1490, %swap3A_1491, %swap3A_1492], %broadcast_in_dim3A_1487 {strides = array<i32>} : memref<16x2x128xf32, #tpu.memory_space<vmem>>, vector<16xf32>,
    %broadcast_in_dim3A_1494 = arith.constant 0.000000e+00 : f32
    %broadcast_in_dim3A_1495 = vector.broadcast %broadcast_in_dim3A_1494 : f32 to vector<16xf32>
    %swap3A_1496 = arith.constant 11 : i32
    %swap3A_1497 = arith.constant 1 : i32
    %swap3A_1498 = arith.index_cast %swap3A_1496 : i32 to index
    %swap3A_1499 = arith.index_cast %swap3A_1497 : i32 to index
    %swap3A_1500 = arith.constant 48 : index
    %swap3A_1501 = tpu.vector_load %arg10[%swap3A_1498, %swap3A_1499, %swap3A_1500] {strides = array<i32>} : memref<16x2x128xf32, #tpu.memory_space<vmem>>, vector<16xf32>,
    tpu.vector_store %arg10[%swap3A_1498, %swap3A_1499, %swap3A_1500], %broadcast_in_dim3A_1495 {strides = array<i32>} : memref<16x2x128xf32, #tpu.memory_space<vmem>>, vector<16xf32>,
    %broadcast_in_dim3A_1502 = arith.constant 0.000000e+00 : f32
    %broadcast_in_dim3A_1503 = vector.broadcast %broadcast_in_dim3A_1502 : f32 to vector<16xf32>
    %swap3A_1504 = arith.constant 11 : i32
    %swap3A_1505 = arith.constant 1 : i32
    %swap3A_1506 = arith.index_cast %swap3A_1504 : i32 to index
    %swap3A_1507 = arith.index_cast %swap3A_1505 : i32 to index
    %swap3A_1508 = arith.constant 64 : index
    %swap3A_1509 = tpu.vector_load %arg10[%swap3A_1506, %swap3A_1507, %swap3A_1508] {strides = array<i32>} : memref<16x2x128xf32, #tpu.memory_space<vmem>>, vector<16xf32>,
    tpu.vector_store %arg10[%swap3A_1506, %swap3A_1507, %swap3A_1508], %broadcast_in_dim3A_1503 {strides = array<i32>} : memref<16x2x128xf32, #tpu.memory_space<vmem>>, vector<16xf32>,
    %broadcast_in_dim3A_1510 = arith.constant 0.000000e+00 : f32
    %broadcast_in_dim3A_1511 = vector.broadcast %broadcast_in_dim3A_1510 : f32 to vector<16xf32>
    %swap3A_1512 = arith.constant 11 : i32
    %swap3A_1513 = arith.constant 1 : i32
    %swap3A_1514 = arith.index_cast %swap3A_1512 : i32 to index
    %swap3A_1515 = arith.index_cast %swap3A_1513 : i32 to index
    %swap3A_1516 = arith.constant 80 : index
    %swap3A_1517 = tpu.vector_load %arg10[%swap3A_1514, %swap3A_1515, %swap3A_1516] {strides = array<i32>} : memref<16x2x128xf32, #tpu.memory_space<vmem>>, vector<16xf32>,
    tpu.vector_store %arg10[%swap3A_1514, %swap3A_1515, %swap3A_1516], %broadcast_in_dim3A_1511 {strides = array<i32>} : memref<16x2x128xf32, #tpu.memory_space<vmem>>, vector<16xf32>,
    %broadcast_in_dim3A_1518 = arith.constant 0.000000e+00 : f32
    %broadcast_in_dim3A_1519 = vector.broadcast %broadcast_in_dim3A_1518 : f32 to vector<16xf32>
    %swap3A_1520 = arith.constant 11 : i32
    %swap3A_1521 = arith.constant 1 : i32
    %swap3A_1522 = arith.index_cast %swap3A_1520 : i32 to index
    %swap3A_1523 = arith.index_cast %swap3A_1521 : i32 to index
    %swap3A_1524 = arith.constant 96 : index
    %swap3A_1525 = tpu.vector_load %arg10[%swap3A_1522, %swap3A_1523, %swap3A_1524] {strides = array<i32>} : memref<16x2x128xf32, #tpu.memory_space<vmem>>, vector<16xf32>,
    tpu.vector_store %arg10[%swap3A_1522, %swap3A_1523, %swap3A_1524], %broadcast_in_dim3A_1519 {strides = array<i32>} : memref<16x2x128xf32, #tpu.memory_space<vmem>>, vector<16xf32>,
    %broadcast_in_dim3A_1526 = arith.constant 0.000000e+00 : f32
    %broadcast_in_dim3A_1527 = vector.broadcast %broadcast_in_dim3A_1526 : f32 to vector<16xf32>
    %swap3A_1528 = arith.constant 11 : i32
    %swap3A_1529 = arith.constant 1 : i32
    %swap3A_1530 = arith.index_cast %swap3A_1528 : i32 to index
    %swap3A_1531 = arith.index_cast %swap3A_1529 : i32 to index
    %swap3A_1532 = arith.constant 112 : index
    %swap3A_1533 = tpu.vector_load %arg10[%swap3A_1530, %swap3A_1531, %swap3A_1532] {strides = array<i32>} : memref<16x2x128xf32, #tpu.memory_space<vmem>>, vector<16xf32>,
    tpu.vector_store %arg10[%swap3A_1530, %swap3A_1531, %swap3A_1532], %broadcast_in_dim3A_1527 {strides = array<i32>} : memref<16x2x128xf32, #tpu.memory_space<vmem>>, vector<16xf32>,
    %broadcast_in_dim3A_1534 = arith.constant 0.000000e+00 : f32
    %broadcast_in_dim3A_1535 = vector.broadcast %broadcast_in_dim3A_1534 : f32 to vector<16xf32>
    %swap3A_1536 = arith.constant 12 : i32
    %swap3A_1537 = arith.constant 0 : i32
    %swap3A_1538 = arith.index_cast %swap3A_1536 : i32 to index
    %swap3A_1539 = arith.index_cast %swap3A_1537 : i32 to index
    %swap3A_1540 = arith.constant 0 : index
    %swap3A_1541 = tpu.vector_load %arg10[%swap3A_1538, %swap3A_1539, %swap3A_1540] {strides = array<i32>} : memref<16x2x128xf32, #tpu.memory_space<vmem>>, vector<16xf32>,
    tpu.vector_store %arg10[%swap3A_1538, %swap3A_1539, %swap3A_1540], %broadcast_in_dim3A_1535 {strides = array<i32>} : memref<16x2x128xf32, #tpu.memory_space<vmem>>, vector<16xf32>,
    %broadcast_in_dim3A_1542 = arith.constant 0.000000e+00 : f32
    %broadcast_in_dim3A_1543 = vector.broadcast %broadcast_in_dim3A_1542 : f32 to vector<16xf32>
    %swap3A_1544 = arith.constant 12 : i32
    %swap3A_1545 = arith.constant 0 : i32
    %swap3A_1546 = arith.index_cast %swap3A_1544 : i32 to index
    %swap3A_1547 = arith.index_cast %swap3A_1545 : i32 to index
    %swap3A_1548 = arith.constant 16 : index
    %swap3A_1549 = tpu.vector_load %arg10[%swap3A_1546, %swap3A_1547, %swap3A_1548] {strides = array<i32>} : memref<16x2x128xf32, #tpu.memory_space<vmem>>, vector<16xf32>,
    tpu.vector_store %arg10[%swap3A_1546, %swap3A_1547, %swap3A_1548], %broadcast_in_dim3A_1543 {strides = array<i32>} : memref<16x2x128xf32, #tpu.memory_space<vmem>>, vector<16xf32>,
    %broadcast_in_dim3A_1550 = arith.constant 0.000000e+00 : f32
    %broadcast_in_dim3A_1551 = vector.broadcast %broadcast_in_dim3A_1550 : f32 to vector<16xf32>
    %swap3A_1552 = arith.constant 12 : i32
    %swap3A_1553 = arith.constant 0 : i32
    %swap3A_1554 = arith.index_cast %swap3A_1552 : i32 to index
    %swap3A_1555 = arith.index_cast %swap3A_1553 : i32 to index
    %swap3A_1556 = arith.constant 32 : index
    %swap3A_1557 = tpu.vector_load %arg10[%swap3A_1554, %swap3A_1555, %swap3A_1556] {strides = array<i32>} : memref<16x2x128xf32, #tpu.memory_space<vmem>>, vector<16xf32>,
    tpu.vector_store %arg10[%swap3A_1554, %swap3A_1555, %swap3A_1556], %broadcast_in_dim3A_1551 {strides = array<i32>} : memref<16x2x128xf32, #tpu.memory_space<vmem>>, vector<16xf32>,
    %broadcast_in_dim3A_1558 = arith.constant 0.000000e+00 : f32
    %broadcast_in_dim3A_1559 = vector.broadcast %broadcast_in_dim3A_1558 : f32 to vector<16xf32>
    %swap3A_1560 = arith.constant 12 : i32
    %swap3A_1561 = arith.constant 0 : i32
    %swap3A_1562 = arith.index_cast %swap3A_1560 : i32 to index
    %swap3A_1563 = arith.index_cast %swap3A_1561 : i32 to index
    %swap3A_1564 = arith.constant 48 : index
    %swap3A_1565 = tpu.vector_load %arg10[%swap3A_1562, %swap3A_1563, %swap3A_1564] {strides = array<i32>} : memref<16x2x128xf32, #tpu.memory_space<vmem>>, vector<16xf32>,
    tpu.vector_store %arg10[%swap3A_1562, %swap3A_1563, %swap3A_1564], %broadcast_in_dim3A_1559 {strides = array<i32>} : memref<16x2x128xf32, #tpu.memory_space<vmem>>, vector<16xf32>,
    %broadcast_in_dim3A_1566 = arith.constant 0.000000e+00 : f32
    %broadcast_in_dim3A_1567 = vector.broadcast %broadcast_in_dim3A_1566 : f32 to vector<16xf32>
    %swap3A_1568 = arith.constant 12 : i32
    %swap3A_1569 = arith.constant 0 : i32
    %swap3A_1570 = arith.index_cast %swap3A_1568 : i32 to index
    %swap3A_1571 = arith.index_cast %swap3A_1569 : i32 to index
    %swap3A_1572 = arith.constant 64 : index
    %swap3A_1573 = tpu.vector_load %arg10[%swap3A_1570, %swap3A_1571, %swap3A_1572] {strides = array<i32>} : memref<16x2x128xf32, #tpu.memory_space<vmem>>, vector<16xf32>,
    tpu.vector_store %arg10[%swap3A_1570, %swap3A_1571, %swap3A_1572], %broadcast_in_dim3A_1567 {strides = array<i32>} : memref<16x2x128xf32, #tpu.memory_space<vmem>>, vector<16xf32>,
    %broadcast_in_dim3A_1574 = arith.constant 0.000000e+00 : f32
    %broadcast_in_dim3A_1575 = vector.broadcast %broadcast_in_dim3A_1574 : f32 to vector<16xf32>
    %swap3A_1576 = arith.constant 12 : i32
    %swap3A_1577 = arith.constant 0 : i32
    %swap3A_1578 = arith.index_cast %swap3A_1576 : i32 to index
    %swap3A_1579 = arith.index_cast %swap3A_1577 : i32 to index
    %swap3A_1580 = arith.constant 80 : index
    %swap3A_1581 = tpu.vector_load %arg10[%swap3A_1578, %swap3A_1579, %swap3A_1580] {strides = array<i32>} : memref<16x2x128xf32, #tpu.memory_space<vmem>>, vector<16xf32>,
    tpu.vector_store %arg10[%swap3A_1578, %swap3A_1579, %swap3A_1580], %broadcast_in_dim3A_1575 {strides = array<i32>} : memref<16x2x128xf32, #tpu.memory_space<vmem>>, vector<16xf32>,
    %broadcast_in_dim3A_1582 = arith.constant 0.000000e+00 : f32
    %broadcast_in_dim3A_1583 = vector.broadcast %broadcast_in_dim3A_1582 : f32 to vector<16xf32>
    %swap3A_1584 = arith.constant 12 : i32
    %swap3A_1585 = arith.constant 0 : i32
    %swap3A_1586 = arith.index_cast %swap3A_1584 : i32 to index
    %swap3A_1587 = arith.index_cast %swap3A_1585 : i32 to index
    %swap3A_1588 = arith.constant 96 : index
    %swap3A_1589 = tpu.vector_load %arg10[%swap3A_1586, %swap3A_1587, %swap3A_1588] {strides = array<i32>} : memref<16x2x128xf32, #tpu.memory_space<vmem>>, vector<16xf32>,
    tpu.vector_store %arg10[%swap3A_1586, %swap3A_1587, %swap3A_1588], %broadcast_in_dim3A_1583 {strides = array<i32>} : memref<16x2x128xf32, #tpu.memory_space<vmem>>, vector<16xf32>,
    %broadcast_in_dim3A_1590 = arith.constant 0.000000e+00 : f32
    %broadcast_in_dim3A_1591 = vector.broadcast %broadcast_in_dim3A_1590 : f32 to vector<16xf32>
    %swap3A_1592 = arith.constant 12 : i32
    %swap3A_1593 = arith.constant 0 : i32
    %swap3A_1594 = arith.index_cast %swap3A_1592 : i32 to index
    %swap3A_1595 = arith.index_cast %swap3A_1593 : i32 to index
    %swap3A_1596 = arith.constant 112 : index
    %swap3A_1597 = tpu.vector_load %arg10[%swap3A_1594, %swap3A_1595, %swap3A_1596] {strides = array<i32>} : memref<16x2x128xf32, #tpu.memory_space<vmem>>, vector<16xf32>,
    tpu.vector_store %arg10[%swap3A_1594, %swap3A_1595, %swap3A_1596], %broadcast_in_dim3A_1591 {strides = array<i32>} : memref<16x2x128xf32, #tpu.memory_space<vmem>>, vector<16xf32>,
    %broadcast_in_dim3A_1598 = arith.constant 0.000000e+00 : f32
    %broadcast_in_dim3A_1599 = vector.broadcast %broadcast_in_dim3A_1598 : f32 to vector<16xf32>
    %swap3A_1600 = arith.constant 12 : i32
    %swap3A_1601 = arith.constant 1 : i32
    %swap3A_1602 = arith.index_cast %swap3A_1600 : i32 to index
    %swap3A_1603 = arith.index_cast %swap3A_1601 : i32 to index
    %swap3A_1604 = arith.constant 0 : index
    %swap3A_1605 = tpu.vector_load %arg10[%swap3A_1602, %swap3A_1603, %swap3A_1604] {strides = array<i32>} : memref<16x2x128xf32, #tpu.memory_space<vmem>>, vector<16xf32>,
    tpu.vector_store %arg10[%swap3A_1602, %swap3A_1603, %swap3A_1604], %broadcast_in_dim3A_1599 {strides = array<i32>} : memref<16x2x128xf32, #tpu.memory_space<vmem>>, vector<16xf32>,
    %broadcast_in_dim3A_1606 = arith.constant 0.000000e+00 : f32
    %broadcast_in_dim3A_1607 = vector.broadcast %broadcast_in_dim3A_1606 : f32 to vector<16xf32>
    %swap3A_1608 = arith.constant 12 : i32
    %swap3A_1609 = arith.constant 1 : i32
    %swap3A_1610 = arith.index_cast %swap3A_1608 : i32 to index
    %swap3A_1611 = arith.index_cast %swap3A_1609 : i32 to index
    %swap3A_1612 = arith.constant 16 : index
    %swap3A_1613 = tpu.vector_load %arg10[%swap3A_1610, %swap3A_1611, %swap3A_1612] {strides = array<i32>} : memref<16x2x128xf32, #tpu.memory_space<vmem>>, vector<16xf32>,
    tpu.vector_store %arg10[%swap3A_1610, %swap3A_1611, %swap3A_1612], %broadcast_in_dim3A_1607 {strides = array<i32>} : memref<16x2x128xf32, #tpu.memory_space<vmem>>, vector<16xf32>,
    %broadcast_in_dim3A_1614 = arith.constant 0.000000e+00 : f32
    %broadcast_in_dim3A_1615 = vector.broadcast %broadcast_in_dim3A_1614 : f32 to vector<16xf32>
    %swap3A_1616 = arith.constant 12 : i32
    %swap3A_1617 = arith.constant 1 : i32
    %swap3A_1618 = arith.index_cast %swap3A_1616 : i32 to index
    %swap3A_1619 = arith.index_cast %swap3A_1617 : i32 to index
    %swap3A_1620 = arith.constant 32 : index
    %swap3A_1621 = tpu.vector_load %arg10[%swap3A_1618, %swap3A_1619, %swap3A_1620] {strides = array<i32>} : memref<16x2x128xf32, #tpu.memory_space<vmem>>, vector<16xf32>,
    tpu.vector_store %arg10[%swap3A_1618, %swap3A_1619, %swap3A_1620], %broadcast_in_dim3A_1615 {strides = array<i32>} : memref<16x2x128xf32, #tpu.memory_space<vmem>>, vector<16xf32>,
    %broadcast_in_dim3A_1622 = arith.constant 0.000000e+00 : f32
    %broadcast_in_dim3A_1623 = vector.broadcast %broadcast_in_dim3A_1622 : f32 to vector<16xf32>
    %swap3A_1624 = arith.constant 12 : i32
    %swap3A_1625 = arith.constant 1 : i32
    %swap3A_1626 = arith.index_cast %swap3A_1624 : i32 to index
    %swap3A_1627 = arith.index_cast %swap3A_1625 : i32 to index
    %swap3A_1628 = arith.constant 48 : index
    %swap3A_1629 = tpu.vector_load %arg10[%swap3A_1626, %swap3A_1627, %swap3A_1628] {strides = array<i32>} : memref<16x2x128xf32, #tpu.memory_space<vmem>>, vector<16xf32>,
    tpu.vector_store %arg10[%swap3A_1626, %swap3A_1627, %swap3A_1628], %broadcast_in_dim3A_1623 {strides = array<i32>} : memref<16x2x128xf32, #tpu.memory_space<vmem>>, vector<16xf32>,
    %broadcast_in_dim3A_1630 = arith.constant 0.000000e+00 : f32
    %broadcast_in_dim3A_1631 = vector.broadcast %broadcast_in_dim3A_1630 : f32 to vector<16xf32>
    %swap3A_1632 = arith.constant 12 : i32
    %swap3A_1633 = arith.constant 1 : i32
    %swap3A_1634 = arith.index_cast %swap3A_1632 : i32 to index
    %swap3A_1635 = arith.index_cast %swap3A_1633 : i32 to index
    %swap3A_1636 = arith.constant 64 : index
    %swap3A_1637 = tpu.vector_load %arg10[%swap3A_1634, %swap3A_1635, %swap3A_1636] {strides = array<i32>} : memref<16x2x128xf32, #tpu.memory_space<vmem>>, vector<16xf32>,
    tpu.vector_store %arg10[%swap3A_1634, %swap3A_1635, %swap3A_1636], %broadcast_in_dim3A_1631 {strides = array<i32>} : memref<16x2x128xf32, #tpu.memory_space<vmem>>, vector<16xf32>,
    %broadcast_in_dim3A_1638 = arith.constant 0.000000e+00 : f32
    %broadcast_in_dim3A_1639 = vector.broadcast %broadcast_in_dim3A_1638 : f32 to vector<16xf32>
    %swap3A_1640 = arith.constant 12 : i32
    %swap3A_1641 = arith.constant 1 : i32
    %swap3A_1642 = arith.index_cast %swap3A_1640 : i32 to index
    %swap3A_1643 = arith.index_cast %swap3A_1641 : i32 to index
    %swap3A_1644 = arith.constant 80 : index
    %swap3A_1645 = tpu.vector_load %arg10[%swap3A_1642, %swap3A_1643, %swap3A_1644] {strides = array<i32>} : memref<16x2x128xf32, #tpu.memory_space<vmem>>, vector<16xf32>,
    tpu.vector_store %arg10[%swap3A_1642, %swap3A_1643, %swap3A_1644], %broadcast_in_dim3A_1639 {strides = array<i32>} : memref<16x2x128xf32, #tpu.memory_space<vmem>>, vector<16xf32>,
    %broadcast_in_dim3A_1646 = arith.constant 0.000000e+00 : f32
    %broadcast_in_dim3A_1647 = vector.broadcast %broadcast_in_dim3A_1646 : f32 to vector<16xf32>
    %swap3A_1648 = arith.constant 12 : i32
    %swap3A_1649 = arith.constant 1 : i32
    %swap3A_1650 = arith.index_cast %swap3A_1648 : i32 to index
    %swap3A_1651 = arith.index_cast %swap3A_1649 : i32 to index
    %swap3A_1652 = arith.constant 96 : index
    %swap3A_1653 = tpu.vector_load %arg10[%swap3A_1650, %swap3A_1651, %swap3A_1652] {strides = array<i32>} : memref<16x2x128xf32, #tpu.memory_space<vmem>>, vector<16xf32>,
    tpu.vector_store %arg10[%swap3A_1650, %swap3A_1651, %swap3A_1652], %broadcast_in_dim3A_1647 {strides = array<i32>} : memref<16x2x128xf32, #tpu.memory_space<vmem>>, vector<16xf32>,
    %broadcast_in_dim3A_1654 = arith.constant 0.000000e+00 : f32
    %broadcast_in_dim3A_1655 = vector.broadcast %broadcast_in_dim3A_1654 : f32 to vector<16xf32>
    %swap3A_1656 = arith.constant 12 : i32
    %swap3A_1657 = arith.constant 1 : i32
    %swap3A_1658 = arith.index_cast %swap3A_1656 : i32 to index
    %swap3A_1659 = arith.index_cast %swap3A_1657 : i32 to index
    %swap3A_1660 = arith.constant 112 : index
    %swap3A_1661 = tpu.vector_load %arg10[%swap3A_1658, %swap3A_1659, %swap3A_1660] {strides = array<i32>} : memref<16x2x128xf32, #tpu.memory_space<vmem>>, vector<16xf32>,
    tpu.vector_store %arg10[%swap3A_1658, %swap3A_1659, %swap3A_1660], %broadcast_in_dim3A_1655 {strides = array<i32>} : memref<16x2x128xf32, #tpu.memory_space<vmem>>, vector<16xf32>,
    %broadcast_in_dim3A_1662 = arith.constant 0.000000e+00 : f32
    %broadcast_in_dim3A_1663 = vector.broadcast %broadcast_in_dim3A_1662 : f32 to vector<16xf32>
    %swap3A_1664 = arith.constant 13 : i32
    %swap3A_1665 = arith.constant 0 : i32
    %swap3A_1666 = arith.index_cast %swap3A_1664 : i32 to index
    %swap3A_1667 = arith.index_cast %swap3A_1665 : i32 to index
    %swap3A_1668 = arith.constant 0 : index
    %swap3A_1669 = tpu.vector_load %arg10[%swap3A_1666, %swap3A_1667, %swap3A_1668] {strides = array<i32>} : memref<16x2x128xf32, #tpu.memory_space<vmem>>, vector<16xf32>,
    tpu.vector_store %arg10[%swap3A_1666, %swap3A_1667, %swap3A_1668], %broadcast_in_dim3A_1663 {strides = array<i32>} : memref<16x2x128xf32, #tpu.memory_space<vmem>>, vector<16xf32>,
    %broadcast_in_dim3A_1670 = arith.constant 0.000000e+00 : f32
    %broadcast_in_dim3A_1671 = vector.broadcast %broadcast_in_dim3A_1670 : f32 to vector<16xf32>
    %swap3A_1672 = arith.constant 13 : i32
    %swap3A_1673 = arith.constant 0 : i32
    %swap3A_1674 = arith.index_cast %swap3A_1672 : i32 to index
    %swap3A_1675 = arith.index_cast %swap3A_1673 : i32 to index
    %swap3A_1676 = arith.constant 16 : index
    %swap3A_1677 = tpu.vector_load %arg10[%swap3A_1674, %swap3A_1675, %swap3A_1676] {strides = array<i32>} : memref<16x2x128xf32, #tpu.memory_space<vmem>>, vector<16xf32>,
    tpu.vector_store %arg10[%swap3A_1674, %swap3A_1675, %swap3A_1676], %broadcast_in_dim3A_1671 {strides = array<i32>} : memref<16x2x128xf32, #tpu.memory_space<vmem>>, vector<16xf32>,
    %broadcast_in_dim3A_1678 = arith.constant 0.000000e+00 : f32
    %broadcast_in_dim3A_1679 = vector.broadcast %broadcast_in_dim3A_1678 : f32 to vector<16xf32>
    %swap3A_1680 = arith.constant 13 : i32
    %swap3A_1681 = arith.constant 0 : i32
    %swap3A_1682 = arith.index_cast %swap3A_1680 : i32 to index
    %swap3A_1683 = arith.index_cast %swap3A_1681 : i32 to index
    %swap3A_1684 = arith.constant 32 : index
    %swap3A_1685 = tpu.vector_load %arg10[%swap3A_1682, %swap3A_1683, %swap3A_1684] {strides = array<i32>} : memref<16x2x128xf32, #tpu.memory_space<vmem>>, vector<16xf32>,
    tpu.vector_store %arg10[%swap3A_1682, %swap3A_1683, %swap3A_1684], %broadcast_in_dim3A_1679 {strides = array<i32>} : memref<16x2x128xf32, #tpu.memory_space<vmem>>, vector<16xf32>,
    %broadcast_in_dim3A_1686 = arith.constant 0.000000e+00 : f32
    %broadcast_in_dim3A_1687 = vector.broadcast %broadcast_in_dim3A_1686 : f32 to vector<16xf32>
    %swap3A_1688 = arith.constant 13 : i32
    %swap3A_1689 = arith.constant 0 : i32
    %swap3A_1690 = arith.index_cast %swap3A_1688 : i32 to index
    %swap3A_1691 = arith.index_cast %swap3A_1689 : i32 to index
    %swap3A_1692 = arith.constant 48 : index
    %swap3A_1693 = tpu.vector_load %arg10[%swap3A_1690, %swap3A_1691, %swap3A_1692] {strides = array<i32>} : memref<16x2x128xf32, #tpu.memory_space<vmem>>, vector<16xf32>,
    tpu.vector_store %arg10[%swap3A_1690, %swap3A_1691, %swap3A_1692], %broadcast_in_dim3A_1687 {strides = array<i32>} : memref<16x2x128xf32, #tpu.memory_space<vmem>>, vector<16xf32>,
    %broadcast_in_dim3A_1694 = arith.constant 0.000000e+00 : f32
    %broadcast_in_dim3A_1695 = vector.broadcast %broadcast_in_dim3A_1694 : f32 to vector<16xf32>
    %swap3A_1696 = arith.constant 13 : i32
    %swap3A_1697 = arith.constant 0 : i32
    %swap3A_1698 = arith.index_cast %swap3A_1696 : i32 to index
    %swap3A_1699 = arith.index_cast %swap3A_1697 : i32 to index
    %swap3A_1700 = arith.constant 64 : index
    %swap3A_1701 = tpu.vector_load %arg10[%swap3A_1698, %swap3A_1699, %swap3A_1700] {strides = array<i32>} : memref<16x2x128xf32, #tpu.memory_space<vmem>>, vector<16xf32>,
    tpu.vector_store %arg10[%swap3A_1698, %swap3A_1699, %swap3A_1700], %broadcast_in_dim3A_1695 {strides = array<i32>} : memref<16x2x128xf32, #tpu.memory_space<vmem>>, vector<16xf32>,
    %broadcast_in_dim3A_1702 = arith.constant 0.000000e+00 : f32
    %broadcast_in_dim3A_1703 = vector.broadcast %broadcast_in_dim3A_1702 : f32 to vector<16xf32>
    %swap3A_1704 = arith.constant 13 : i32
    %swap3A_1705 = arith.constant 0 : i32
    %swap3A_1706 = arith.index_cast %swap3A_1704 : i32 to index
    %swap3A_1707 = arith.index_cast %swap3A_1705 : i32 to index
    %swap3A_1708 = arith.constant 80 : index
    %swap3A_1709 = tpu.vector_load %arg10[%swap3A_1706, %swap3A_1707, %swap3A_1708] {strides = array<i32>} : memref<16x2x128xf32, #tpu.memory_space<vmem>>, vector<16xf32>,
    tpu.vector_store %arg10[%swap3A_1706, %swap3A_1707, %swap3A_1708], %broadcast_in_dim3A_1703 {strides = array<i32>} : memref<16x2x128xf32, #tpu.memory_space<vmem>>, vector<16xf32>,
    %broadcast_in_dim3A_1710 = arith.constant 0.000000e+00 : f32
    %broadcast_in_dim3A_1711 = vector.broadcast %broadcast_in_dim3A_1710 : f32 to vector<16xf32>
    %swap3A_1712 = arith.constant 13 : i32
    %swap3A_1713 = arith.constant 0 : i32
    %swap3A_1714 = arith.index_cast %swap3A_1712 : i32 to index
    %swap3A_1715 = arith.index_cast %swap3A_1713 : i32 to index
    %swap3A_1716 = arith.constant 96 : index
    %swap3A_1717 = tpu.vector_load %arg10[%swap3A_1714, %swap3A_1715, %swap3A_1716] {strides = array<i32>} : memref<16x2x128xf32, #tpu.memory_space<vmem>>, vector<16xf32>,
    tpu.vector_store %arg10[%swap3A_1714, %swap3A_1715, %swap3A_1716], %broadcast_in_dim3A_1711 {strides = array<i32>} : memref<16x2x128xf32, #tpu.memory_space<vmem>>, vector<16xf32>,
    %broadcast_in_dim3A_1718 = arith.constant 0.000000e+00 : f32
    %broadcast_in_dim3A_1719 = vector.broadcast %broadcast_in_dim3A_1718 : f32 to vector<16xf32>
    %swap3A_1720 = arith.constant 13 : i32
    %swap3A_1721 = arith.constant 0 : i32
    %swap3A_1722 = arith.index_cast %swap3A_1720 : i32 to index
    %swap3A_1723 = arith.index_cast %swap3A_1721 : i32 to index
    %swap3A_1724 = arith.constant 112 : index
    %swap3A_1725 = tpu.vector_load %arg10[%swap3A_1722, %swap3A_1723, %swap3A_1724] {strides = array<i32>} : memref<16x2x128xf32, #tpu.memory_space<vmem>>, vector<16xf32>,
    tpu.vector_store %arg10[%swap3A_1722, %swap3A_1723, %swap3A_1724], %broadcast_in_dim3A_1719 {strides = array<i32>} : memref<16x2x128xf32, #tpu.memory_space<vmem>>, vector<16xf32>,
    %broadcast_in_dim3A_1726 = arith.constant 0.000000e+00 : f32
    %broadcast_in_dim3A_1727 = vector.broadcast %broadcast_in_dim3A_1726 : f32 to vector<16xf32>
    %swap3A_1728 = arith.constant 13 : i32
    %swap3A_1729 = arith.constant 1 : i32
    %swap3A_1730 = arith.index_cast %swap3A_1728 : i32 to index
    %swap3A_1731 = arith.index_cast %swap3A_1729 : i32 to index
    %swap3A_1732 = arith.constant 0 : index
    %swap3A_1733 = tpu.vector_load %arg10[%swap3A_1730, %swap3A_1731, %swap3A_1732] {strides = array<i32>} : memref<16x2x128xf32, #tpu.memory_space<vmem>>, vector<16xf32>,
    tpu.vector_store %arg10[%swap3A_1730, %swap3A_1731, %swap3A_1732], %broadcast_in_dim3A_1727 {strides = array<i32>} : memref<16x2x128xf32, #tpu.memory_space<vmem>>, vector<16xf32>,
    %broadcast_in_dim3A_1734 = arith.constant 0.000000e+00 : f32
    %broadcast_in_dim3A_1735 = vector.broadcast %broadcast_in_dim3A_1734 : f32 to vector<16xf32>
    %swap3A_1736 = arith.constant 13 : i32
    %swap3A_1737 = arith.constant 1 : i32
    %swap3A_1738 = arith.index_cast %swap3A_1736 : i32 to index
    %swap3A_1739 = arith.index_cast %swap3A_1737 : i32 to index
    %swap3A_1740 = arith.constant 16 : index
    %swap3A_1741 = tpu.vector_load %arg10[%swap3A_1738, %swap3A_1739, %swap3A_1740] {strides = array<i32>} : memref<16x2x128xf32, #tpu.memory_space<vmem>>, vector<16xf32>,
    tpu.vector_store %arg10[%swap3A_1738, %swap3A_1739, %swap3A_1740], %broadcast_in_dim3A_1735 {strides = array<i32>} : memref<16x2x128xf32, #tpu.memory_space<vmem>>, vector<16xf32>,
    %broadcast_in_dim3A_1742 = arith.constant 0.000000e+00 : f32
    %broadcast_in_dim3A_1743 = vector.broadcast %broadcast_in_dim3A_1742 : f32 to vector<16xf32>
    %swap3A_1744 = arith.constant 13 : i32
    %swap3A_1745 = arith.constant 1 : i32
    %swap3A_1746 = arith.index_cast %swap3A_1744 : i32 to index
    %swap3A_1747 = arith.index_cast %swap3A_1745 : i32 to index
    %swap3A_1748 = arith.constant 32 : index
    %swap3A_1749 = tpu.vector_load %arg10[%swap3A_1746, %swap3A_1747, %swap3A_1748] {strides = array<i32>} : memref<16x2x128xf32, #tpu.memory_space<vmem>>, vector<16xf32>,
    tpu.vector_store %arg10[%swap3A_1746, %swap3A_1747, %swap3A_1748], %broadcast_in_dim3A_1743 {strides = array<i32>} : memref<16x2x128xf32, #tpu.memory_space<vmem>>, vector<16xf32>,
    %broadcast_in_dim3A_1750 = arith.constant 0.000000e+00 : f32
    %broadcast_in_dim3A_1751 = vector.broadcast %broadcast_in_dim3A_1750 : f32 to vector<16xf32>
    %swap3A_1752 = arith.constant 13 : i32
    %swap3A_1753 = arith.constant 1 : i32
    %swap3A_1754 = arith.index_cast %swap3A_1752 : i32 to index
    %swap3A_1755 = arith.index_cast %swap3A_1753 : i32 to index
    %swap3A_1756 = arith.constant 48 : index
    %swap3A_1757 = tpu.vector_load %arg10[%swap3A_1754, %swap3A_1755, %swap3A_1756] {strides = array<i32>} : memref<16x2x128xf32, #tpu.memory_space<vmem>>, vector<16xf32>,
    tpu.vector_store %arg10[%swap3A_1754, %swap3A_1755, %swap3A_1756], %broadcast_in_dim3A_1751 {strides = array<i32>} : memref<16x2x128xf32, #tpu.memory_space<vmem>>, vector<16xf32>,
    %broadcast_in_dim3A_1758 = arith.constant 0.000000e+00 : f32
    %broadcast_in_dim3A_1759 = vector.broadcast %broadcast_in_dim3A_1758 : f32 to vector<16xf32>
    %swap3A_1760 = arith.constant 13 : i32
    %swap3A_1761 = arith.constant 1 : i32
    %swap3A_1762 = arith.index_cast %swap3A_1760 : i32 to index
    %swap3A_1763 = arith.index_cast %swap3A_1761 : i32 to index
    %swap3A_1764 = arith.constant 64 : index
    %swap3A_1765 = tpu.vector_load %arg10[%swap3A_1762, %swap3A_1763, %swap3A_1764] {strides = array<i32>} : memref<16x2x128xf32, #tpu.memory_space<vmem>>, vector<16xf32>,
    tpu.vector_store %arg10[%swap3A_1762, %swap3A_1763, %swap3A_1764], %broadcast_in_dim3A_1759 {strides = array<i32>} : memref<16x2x128xf32, #tpu.memory_space<vmem>>, vector<16xf32>,
    %broadcast_in_dim3A_1766 = arith.constant 0.000000e+00 : f32
    %broadcast_in_dim3A_1767 = vector.broadcast %broadcast_in_dim3A_1766 : f32 to vector<16xf32>
    %swap3A_1768 = arith.constant 13 : i32
    %swap3A_1769 = arith.constant 1 : i32
    %swap3A_1770 = arith.index_cast %swap3A_1768 : i32 to index
    %swap3A_1771 = arith.index_cast %swap3A_1769 : i32 to index
    %swap3A_1772 = arith.constant 80 : index
    %swap3A_1773 = tpu.vector_load %arg10[%swap3A_1770, %swap3A_1771, %swap3A_1772] {strides = array<i32>} : memref<16x2x128xf32, #tpu.memory_space<vmem>>, vector<16xf32>,
    tpu.vector_store %arg10[%swap3A_1770, %swap3A_1771, %swap3A_1772], %broadcast_in_dim3A_1767 {strides = array<i32>} : memref<16x2x128xf32, #tpu.memory_space<vmem>>, vector<16xf32>,
    %broadcast_in_dim3A_1774 = arith.constant 0.000000e+00 : f32
    %broadcast_in_dim3A_1775 = vector.broadcast %broadcast_in_dim3A_1774 : f32 to vector<16xf32>
    %swap3A_1776 = arith.constant 13 : i32
    %swap3A_1777 = arith.constant 1 : i32
    %swap3A_1778 = arith.index_cast %swap3A_1776 : i32 to index
    %swap3A_1779 = arith.index_cast %swap3A_1777 : i32 to index
    %swap3A_1780 = arith.constant 96 : index
    %swap3A_1781 = tpu.vector_load %arg10[%swap3A_1778, %swap3A_1779, %swap3A_1780] {strides = array<i32>} : memref<16x2x128xf32, #tpu.memory_space<vmem>>, vector<16xf32>,
    tpu.vector_store %arg10[%swap3A_1778, %swap3A_1779, %swap3A_1780], %broadcast_in_dim3A_1775 {strides = array<i32>} : memref<16x2x128xf32, #tpu.memory_space<vmem>>, vector<16xf32>,
    %broadcast_in_dim3A_1782 = arith.constant 0.000000e+00 : f32
    %broadcast_in_dim3A_1783 = vector.broadcast %broadcast_in_dim3A_1782 : f32 to vector<16xf32>
    %swap3A_1784 = arith.constant 13 : i32
    %swap3A_1785 = arith.constant 1 : i32
    %swap3A_1786 = arith.index_cast %swap3A_1784 : i32 to index
    %swap3A_1787 = arith.index_cast %swap3A_1785 : i32 to index
    %swap3A_1788 = arith.constant 112 : index
    %swap3A_1789 = tpu.vector_load %arg10[%swap3A_1786, %swap3A_1787, %swap3A_1788] {strides = array<i32>} : memref<16x2x128xf32, #tpu.memory_space<vmem>>, vector<16xf32>,
    tpu.vector_store %arg10[%swap3A_1786, %swap3A_1787, %swap3A_1788], %broadcast_in_dim3A_1783 {strides = array<i32>} : memref<16x2x128xf32, #tpu.memory_space<vmem>>, vector<16xf32>,
    %broadcast_in_dim3A_1790 = arith.constant 0.000000e+00 : f32
    %broadcast_in_dim3A_1791 = vector.broadcast %broadcast_in_dim3A_1790 : f32 to vector<16xf32>
    %swap3A_1792 = arith.constant 14 : i32
    %swap3A_1793 = arith.constant 0 : i32
    %swap3A_1794 = arith.index_cast %swap3A_1792 : i32 to index
    %swap3A_1795 = arith.index_cast %swap3A_1793 : i32 to index
    %swap3A_1796 = arith.constant 0 : index
    %swap3A_1797 = tpu.vector_load %arg10[%swap3A_1794, %swap3A_1795, %swap3A_1796] {strides = array<i32>} : memref<16x2x128xf32, #tpu.memory_space<vmem>>, vector<16xf32>,
    tpu.vector_store %arg10[%swap3A_1794, %swap3A_1795, %swap3A_1796], %broadcast_in_dim3A_1791 {strides = array<i32>} : memref<16x2x128xf32, #tpu.memory_space<vmem>>, vector<16xf32>,
    %broadcast_in_dim3A_1798 = arith.constant 0.000000e+00 : f32
    %broadcast_in_dim3A_1799 = vector.broadcast %broadcast_in_dim3A_1798 : f32 to vector<16xf32>
    %swap3A_1800 = arith.constant 14 : i32
    %swap3A_1801 = arith.constant 0 : i32
    %swap3A_1802 = arith.index_cast %swap3A_1800 : i32 to index
    %swap3A_1803 = arith.index_cast %swap3A_1801 : i32 to index
    %swap3A_1804 = arith.constant 16 : index
    %swap3A_1805 = tpu.vector_load %arg10[%swap3A_1802, %swap3A_1803, %swap3A_1804] {strides = array<i32>} : memref<16x2x128xf32, #tpu.memory_space<vmem>>, vector<16xf32>,
    tpu.vector_store %arg10[%swap3A_1802, %swap3A_1803, %swap3A_1804], %broadcast_in_dim3A_1799 {strides = array<i32>} : memref<16x2x128xf32, #tpu.memory_space<vmem>>, vector<16xf32>,
    %broadcast_in_dim3A_1806 = arith.constant 0.000000e+00 : f32
    %broadcast_in_dim3A_1807 = vector.broadcast %broadcast_in_dim3A_1806 : f32 to vector<16xf32>
    %swap3A_1808 = arith.constant 14 : i32
    %swap3A_1809 = arith.constant 0 : i32
    %swap3A_1810 = arith.index_cast %swap3A_1808 : i32 to index
    %swap3A_1811 = arith.index_cast %swap3A_1809 : i32 to index
    %swap3A_1812 = arith.constant 32 : index
    %swap3A_1813 = tpu.vector_load %arg10[%swap3A_1810, %swap3A_1811, %swap3A_1812] {strides = array<i32>} : memref<16x2x128xf32, #tpu.memory_space<vmem>>, vector<16xf32>,
    tpu.vector_store %arg10[%swap3A_1810, %swap3A_1811, %swap3A_1812], %broadcast_in_dim3A_1807 {strides = array<i32>} : memref<16x2x128xf32, #tpu.memory_space<vmem>>, vector<16xf32>,
    %broadcast_in_dim3A_1814 = arith.constant 0.000000e+00 : f32
    %broadcast_in_dim3A_1815 = vector.broadcast %broadcast_in_dim3A_1814 : f32 to vector<16xf32>
    %swap3A_1816 = arith.constant 14 : i32
    %swap3A_1817 = arith.constant 0 : i32
    %swap3A_1818 = arith.index_cast %swap3A_1816 : i32 to index
    %swap3A_1819 = arith.index_cast %swap3A_1817 : i32 to index
    %swap3A_1820 = arith.constant 48 : index
    %swap3A_1821 = tpu.vector_load %arg10[%swap3A_1818, %swap3A_1819, %swap3A_1820] {strides = array<i32>} : memref<16x2x128xf32, #tpu.memory_space<vmem>>, vector<16xf32>,
    tpu.vector_store %arg10[%swap3A_1818, %swap3A_1819, %swap3A_1820], %broadcast_in_dim3A_1815 {strides = array<i32>} : memref<16x2x128xf32, #tpu.memory_space<vmem>>, vector<16xf32>,
    %broadcast_in_dim3A_1822 = arith.constant 0.000000e+00 : f32
    %broadcast_in_dim3A_1823 = vector.broadcast %broadcast_in_dim3A_1822 : f32 to vector<16xf32>
    %swap3A_1824 = arith.constant 14 : i32
    %swap3A_1825 = arith.constant 0 : i32
    %swap3A_1826 = arith.index_cast %swap3A_1824 : i32 to index
    %swap3A_1827 = arith.index_cast %swap3A_1825 : i32 to index
    %swap3A_1828 = arith.constant 64 : index
    %swap3A_1829 = tpu.vector_load %arg10[%swap3A_1826, %swap3A_1827, %swap3A_1828] {strides = array<i32>} : memref<16x2x128xf32, #tpu.memory_space<vmem>>, vector<16xf32>,
    tpu.vector_store %arg10[%swap3A_1826, %swap3A_1827, %swap3A_1828], %broadcast_in_dim3A_1823 {strides = array<i32>} : memref<16x2x128xf32, #tpu.memory_space<vmem>>, vector<16xf32>,
    %broadcast_in_dim3A_1830 = arith.constant 0.000000e+00 : f32
    %broadcast_in_dim3A_1831 = vector.broadcast %broadcast_in_dim3A_1830 : f32 to vector<16xf32>
    %swap3A_1832 = arith.constant 14 : i32
    %swap3A_1833 = arith.constant 0 : i32
    %swap3A_1834 = arith.index_cast %swap3A_1832 : i32 to index
    %swap3A_1835 = arith.index_cast %swap3A_1833 : i32 to index
    %swap3A_1836 = arith.constant 80 : index
    %swap3A_1837 = tpu.vector_load %arg10[%swap3A_1834, %swap3A_1835, %swap3A_1836] {strides = array<i32>} : memref<16x2x128xf32, #tpu.memory_space<vmem>>, vector<16xf32>,
    tpu.vector_store %arg10[%swap3A_1834, %swap3A_1835, %swap3A_1836], %broadcast_in_dim3A_1831 {strides = array<i32>} : memref<16x2x128xf32, #tpu.memory_space<vmem>>, vector<16xf32>,
    %broadcast_in_dim3A_1838 = arith.constant 0.000000e+00 : f32
    %broadcast_in_dim3A_1839 = vector.broadcast %broadcast_in_dim3A_1838 : f32 to vector<16xf32>
    %swap3A_1840 = arith.constant 14 : i32
    %swap3A_1841 = arith.constant 0 : i32
    %swap3A_1842 = arith.index_cast %swap3A_1840 : i32 to index
    %swap3A_1843 = arith.index_cast %swap3A_1841 : i32 to index
    %swap3A_1844 = arith.constant 96 : index
    %swap3A_1845 = tpu.vector_load %arg10[%swap3A_1842, %swap3A_1843, %swap3A_1844] {strides = array<i32>} : memref<16x2x128xf32, #tpu.memory_space<vmem>>, vector<16xf32>,
    tpu.vector_store %arg10[%swap3A_1842, %swap3A_1843, %swap3A_1844], %broadcast_in_dim3A_1839 {strides = array<i32>} : memref<16x2x128xf32, #tpu.memory_space<vmem>>, vector<16xf32>,
    %broadcast_in_dim3A_1846 = arith.constant 0.000000e+00 : f32
    %broadcast_in_dim3A_1847 = vector.broadcast %broadcast_in_dim3A_1846 : f32 to vector<16xf32>
    %swap3A_1848 = arith.constant 14 : i32
    %swap3A_1849 = arith.constant 0 : i32
    %swap3A_1850 = arith.index_cast %swap3A_1848 : i32 to index
    %swap3A_1851 = arith.index_cast %swap3A_1849 : i32 to index
    %swap3A_1852 = arith.constant 112 : index
    %swap3A_1853 = tpu.vector_load %arg10[%swap3A_1850, %swap3A_1851, %swap3A_1852] {strides = array<i32>} : memref<16x2x128xf32, #tpu.memory_space<vmem>>, vector<16xf32>,
    tpu.vector_store %arg10[%swap3A_1850, %swap3A_1851, %swap3A_1852], %broadcast_in_dim3A_1847 {strides = array<i32>} : memref<16x2x128xf32, #tpu.memory_space<vmem>>, vector<16xf32>,
    %broadcast_in_dim3A_1854 = arith.constant 0.000000e+00 : f32
    %broadcast_in_dim3A_1855 = vector.broadcast %broadcast_in_dim3A_1854 : f32 to vector<16xf32>
    %swap3A_1856 = arith.constant 14 : i32
    %swap3A_1857 = arith.constant 1 : i32
    %swap3A_1858 = arith.index_cast %swap3A_1856 : i32 to index
    %swap3A_1859 = arith.index_cast %swap3A_1857 : i32 to index
    %swap3A_1860 = arith.constant 0 : index
    %swap3A_1861 = tpu.vector_load %arg10[%swap3A_1858, %swap3A_1859, %swap3A_1860] {strides = array<i32>} : memref<16x2x128xf32, #tpu.memory_space<vmem>>, vector<16xf32>,
    tpu.vector_store %arg10[%swap3A_1858, %swap3A_1859, %swap3A_1860], %broadcast_in_dim3A_1855 {strides = array<i32>} : memref<16x2x128xf32, #tpu.memory_space<vmem>>, vector<16xf32>,
    %broadcast_in_dim3A_1862 = arith.constant 0.000000e+00 : f32
    %broadcast_in_dim3A_1863 = vector.broadcast %broadcast_in_dim3A_1862 : f32 to vector<16xf32>
    %swap3A_1864 = arith.constant 14 : i32
    %swap3A_1865 = arith.constant 1 : i32
    %swap3A_1866 = arith.index_cast %swap3A_1864 : i32 to index
    %swap3A_1867 = arith.index_cast %swap3A_1865 : i32 to index
    %swap3A_1868 = arith.constant 16 : index
    %swap3A_1869 = tpu.vector_load %arg10[%swap3A_1866, %swap3A_1867, %swap3A_1868] {strides = array<i32>} : memref<16x2x128xf32, #tpu.memory_space<vmem>>, vector<16xf32>,
    tpu.vector_store %arg10[%swap3A_1866, %swap3A_1867, %swap3A_1868], %broadcast_in_dim3A_1863 {strides = array<i32>} : memref<16x2x128xf32, #tpu.memory_space<vmem>>, vector<16xf32>,
    %broadcast_in_dim3A_1870 = arith.constant 0.000000e+00 : f32
    %broadcast_in_dim3A_1871 = vector.broadcast %broadcast_in_dim3A_1870 : f32 to vector<16xf32>
    %swap3A_1872 = arith.constant 14 : i32
    %swap3A_1873 = arith.constant 1 : i32
    %swap3A_1874 = arith.index_cast %swap3A_1872 : i32 to index
    %swap3A_1875 = arith.index_cast %swap3A_1873 : i32 to index
    %swap3A_1876 = arith.constant 32 : index
    %swap3A_1877 = tpu.vector_load %arg10[%swap3A_1874, %swap3A_1875, %swap3A_1876] {strides = array<i32>} : memref<16x2x128xf32, #tpu.memory_space<vmem>>, vector<16xf32>,
    tpu.vector_store %arg10[%swap3A_1874, %swap3A_1875, %swap3A_1876], %broadcast_in_dim3A_1871 {strides = array<i32>} : memref<16x2x128xf32, #tpu.memory_space<vmem>>, vector<16xf32>,
    %broadcast_in_dim3A_1878 = arith.constant 0.000000e+00 : f32
    %broadcast_in_dim3A_1879 = vector.broadcast %broadcast_in_dim3A_1878 : f32 to vector<16xf32>
    %swap3A_1880 = arith.constant 14 : i32
    %swap3A_1881 = arith.constant 1 : i32
    %swap3A_1882 = arith.index_cast %swap3A_1880 : i32 to index
    %swap3A_1883 = arith.index_cast %swap3A_1881 : i32 to index
    %swap3A_1884 = arith.constant 48 : index
    %swap3A_1885 = tpu.vector_load %arg10[%swap3A_1882, %swap3A_1883, %swap3A_1884] {strides = array<i32>} : memref<16x2x128xf32, #tpu.memory_space<vmem>>, vector<16xf32>,
    tpu.vector_store %arg10[%swap3A_1882, %swap3A_1883, %swap3A_1884], %broadcast_in_dim3A_1879 {strides = array<i32>} : memref<16x2x128xf32, #tpu.memory_space<vmem>>, vector<16xf32>,
    %broadcast_in_dim3A_1886 = arith.constant 0.000000e+00 : f32
    %broadcast_in_dim3A_1887 = vector.broadcast %broadcast_in_dim3A_1886 : f32 to vector<16xf32>
    %swap3A_1888 = arith.constant 14 : i32
    %swap3A_1889 = arith.constant 1 : i32
    %swap3A_1890 = arith.index_cast %swap3A_1888 : i32 to index
    %swap3A_1891 = arith.index_cast %swap3A_1889 : i32 to index
    %swap3A_1892 = arith.constant 64 : index
    %swap3A_1893 = tpu.vector_load %arg10[%swap3A_1890, %swap3A_1891, %swap3A_1892] {strides = array<i32>} : memref<16x2x128xf32, #tpu.memory_space<vmem>>, vector<16xf32>,
    tpu.vector_store %arg10[%swap3A_1890, %swap3A_1891, %swap3A_1892], %broadcast_in_dim3A_1887 {strides = array<i32>} : memref<16x2x128xf32, #tpu.memory_space<vmem>>, vector<16xf32>,
    %broadcast_in_dim3A_1894 = arith.constant 0.000000e+00 : f32
    %broadcast_in_dim3A_1895 = vector.broadcast %broadcast_in_dim3A_1894 : f32 to vector<16xf32>
    %swap3A_1896 = arith.constant 14 : i32
    %swap3A_1897 = arith.constant 1 : i32
    %swap3A_1898 = arith.index_cast %swap3A_1896 : i32 to index
    %swap3A_1899 = arith.index_cast %swap3A_1897 : i32 to index
    %swap3A_1900 = arith.constant 80 : index
    %swap3A_1901 = tpu.vector_load %arg10[%swap3A_1898, %swap3A_1899, %swap3A_1900] {strides = array<i32>} : memref<16x2x128xf32, #tpu.memory_space<vmem>>, vector<16xf32>,
    tpu.vector_store %arg10[%swap3A_1898, %swap3A_1899, %swap3A_1900], %broadcast_in_dim3A_1895 {strides = array<i32>} : memref<16x2x128xf32, #tpu.memory_space<vmem>>, vector<16xf32>,
    %broadcast_in_dim3A_1902 = arith.constant 0.000000e+00 : f32
    %broadcast_in_dim3A_1903 = vector.broadcast %broadcast_in_dim3A_1902 : f32 to vector<16xf32>
    %swap3A_1904 = arith.constant 14 : i32
    %swap3A_1905 = arith.constant 1 : i32
    %swap3A_1906 = arith.index_cast %swap3A_1904 : i32 to index
    %swap3A_1907 = arith.index_cast %swap3A_1905 : i32 to index
    %swap3A_1908 = arith.constant 96 : index
    %swap3A_1909 = tpu.vector_load %arg10[%swap3A_1906, %swap3A_1907, %swap3A_1908] {strides = array<i32>} : memref<16x2x128xf32, #tpu.memory_space<vmem>>, vector<16xf32>,
    tpu.vector_store %arg10[%swap3A_1906, %swap3A_1907, %swap3A_1908], %broadcast_in_dim3A_1903 {strides = array<i32>} : memref<16x2x128xf32, #tpu.memory_space<vmem>>, vector<16xf32>,
    %broadcast_in_dim3A_1910 = arith.constant 0.000000e+00 : f32
    %broadcast_in_dim3A_1911 = vector.broadcast %broadcast_in_dim3A_1910 : f32 to vector<16xf32>
    %swap3A_1912 = arith.constant 14 : i32
    %swap3A_1913 = arith.constant 1 : i32
    %swap3A_1914 = arith.index_cast %swap3A_1912 : i32 to index
    %swap3A_1915 = arith.index_cast %swap3A_1913 : i32 to index
    %swap3A_1916 = arith.constant 112 : index
    %swap3A_1917 = tpu.vector_load %arg10[%swap3A_1914, %swap3A_1915, %swap3A_1916] {strides = array<i32>} : memref<16x2x128xf32, #tpu.memory_space<vmem>>, vector<16xf32>,
    tpu.vector_store %arg10[%swap3A_1914, %swap3A_1915, %swap3A_1916], %broadcast_in_dim3A_1911 {strides = array<i32>} : memref<16x2x128xf32, #tpu.memory_space<vmem>>, vector<16xf32>,
    %broadcast_in_dim3A_1918 = arith.constant 0.000000e+00 : f32
    %broadcast_in_dim3A_1919 = vector.broadcast %broadcast_in_dim3A_1918 : f32 to vector<16xf32>
    %swap3A_1920 = arith.constant 15 : i32
    %swap3A_1921 = arith.constant 0 : i32
    %swap3A_1922 = arith.index_cast %swap3A_1920 : i32 to index
    %swap3A_1923 = arith.index_cast %swap3A_1921 : i32 to index
    %swap3A_1924 = arith.constant 0 : index
    %swap3A_1925 = tpu.vector_load %arg10[%swap3A_1922, %swap3A_1923, %swap3A_1924] {strides = array<i32>} : memref<16x2x128xf32, #tpu.memory_space<vmem>>, vector<16xf32>,
    tpu.vector_store %arg10[%swap3A_1922, %swap3A_1923, %swap3A_1924], %broadcast_in_dim3A_1919 {strides = array<i32>} : memref<16x2x128xf32, #tpu.memory_space<vmem>>, vector<16xf32>,
    %broadcast_in_dim3A_1926 = arith.constant 0.000000e+00 : f32
    %broadcast_in_dim3A_1927 = vector.broadcast %broadcast_in_dim3A_1926 : f32 to vector<16xf32>
    %swap3A_1928 = arith.constant 15 : i32
    %swap3A_1929 = arith.constant 0 : i32
    %swap3A_1930 = arith.index_cast %swap3A_1928 : i32 to index
    %swap3A_1931 = arith.index_cast %swap3A_1929 : i32 to index
    %swap3A_1932 = arith.constant 16 : index
    %swap3A_1933 = tpu.vector_load %arg10[%swap3A_1930, %swap3A_1931, %swap3A_1932] {strides = array<i32>} : memref<16x2x128xf32, #tpu.memory_space<vmem>>, vector<16xf32>,
    tpu.vector_store %arg10[%swap3A_1930, %swap3A_1931, %swap3A_1932], %broadcast_in_dim3A_1927 {strides = array<i32>} : memref<16x2x128xf32, #tpu.memory_space<vmem>>, vector<16xf32>,
    %broadcast_in_dim3A_1934 = arith.constant 0.000000e+00 : f32
    %broadcast_in_dim3A_1935 = vector.broadcast %broadcast_in_dim3A_1934 : f32 to vector<16xf32>
    %swap3A_1936 = arith.constant 15 : i32
    %swap3A_1937 = arith.constant 0 : i32
    %swap3A_1938 = arith.index_cast %swap3A_1936 : i32 to index
    %swap3A_1939 = arith.index_cast %swap3A_1937 : i32 to index
    %swap3A_1940 = arith.constant 32 : index
    %swap3A_1941 = tpu.vector_load %arg10[%swap3A_1938, %swap3A_1939, %swap3A_1940] {strides = array<i32>} : memref<16x2x128xf32, #tpu.memory_space<vmem>>, vector<16xf32>,
    tpu.vector_store %arg10[%swap3A_1938, %swap3A_1939, %swap3A_1940], %broadcast_in_dim3A_1935 {strides = array<i32>} : memref<16x2x128xf32, #tpu.memory_space<vmem>>, vector<16xf32>,
    %broadcast_in_dim3A_1942 = arith.constant 0.000000e+00 : f32
    %broadcast_in_dim3A_1943 = vector.broadcast %broadcast_in_dim3A_1942 : f32 to vector<16xf32>
    %swap3A_1944 = arith.constant 15 : i32
    %swap3A_1945 = arith.constant 0 : i32
    %swap3A_1946 = arith.index_cast %swap3A_1944 : i32 to index
    %swap3A_1947 = arith.index_cast %swap3A_1945 : i32 to index
    %swap3A_1948 = arith.constant 48 : index
    %swap3A_1949 = tpu.vector_load %arg10[%swap3A_1946, %swap3A_1947, %swap3A_1948] {strides = array<i32>} : memref<16x2x128xf32, #tpu.memory_space<vmem>>, vector<16xf32>,
    tpu.vector_store %arg10[%swap3A_1946, %swap3A_1947, %swap3A_1948], %broadcast_in_dim3A_1943 {strides = array<i32>} : memref<16x2x128xf32, #tpu.memory_space<vmem>>, vector<16xf32>,
    %broadcast_in_dim3A_1950 = arith.constant 0.000000e+00 : f32
    %broadcast_in_dim3A_1951 = vector.broadcast %broadcast_in_dim3A_1950 : f32 to vector<16xf32>
    %swap3A_1952 = arith.constant 15 : i32
    %swap3A_1953 = arith.constant 0 : i32
    %swap3A_1954 = arith.index_cast %swap3A_1952 : i32 to index
    %swap3A_1955 = arith.index_cast %swap3A_1953 : i32 to index
    %swap3A_1956 = arith.constant 64 : index
    %swap3A_1957 = tpu.vector_load %arg10[%swap3A_1954, %swap3A_1955, %swap3A_1956] {strides = array<i32>} : memref<16x2x128xf32, #tpu.memory_space<vmem>>, vector<16xf32>,
    tpu.vector_store %arg10[%swap3A_1954, %swap3A_1955, %swap3A_1956], %broadcast_in_dim3A_1951 {strides = array<i32>} : memref<16x2x128xf32, #tpu.memory_space<vmem>>, vector<16xf32>,
    %broadcast_in_dim3A_1958 = arith.constant 0.000000e+00 : f32
    %broadcast_in_dim3A_1959 = vector.broadcast %broadcast_in_dim3A_1958 : f32 to vector<16xf32>
    %swap3A_1960 = arith.constant 15 : i32
    %swap3A_1961 = arith.constant 0 : i32
    %swap3A_1962 = arith.index_cast %swap3A_1960 : i32 to index
    %swap3A_1963 = arith.index_cast %swap3A_1961 : i32 to index
    %swap3A_1964 = arith.constant 80 : index
    %swap3A_1965 = tpu.vector_load %arg10[%swap3A_1962, %swap3A_1963, %swap3A_1964] {strides = array<i32>} : memref<16x2x128xf32, #tpu.memory_space<vmem>>, vector<16xf32>,
    tpu.vector_store %arg10[%swap3A_1962, %swap3A_1963, %swap3A_1964], %broadcast_in_dim3A_1959 {strides = array<i32>} : memref<16x2x128xf32, #tpu.memory_space<vmem>>, vector<16xf32>,
    %broadcast_in_dim3A_1966 = arith.constant 0.000000e+00 : f32
    %broadcast_in_dim3A_1967 = vector.broadcast %broadcast_in_dim3A_1966 : f32 to vector<16xf32>
    %swap3A_1968 = arith.constant 15 : i32
    %swap3A_1969 = arith.constant 0 : i32
    %swap3A_1970 = arith.index_cast %swap3A_1968 : i32 to index
    %swap3A_1971 = arith.index_cast %swap3A_1969 : i32 to index
    %swap3A_1972 = arith.constant 96 : index
    %swap3A_1973 = tpu.vector_load %arg10[%swap3A_1970, %swap3A_1971, %swap3A_1972] {strides = array<i32>} : memref<16x2x128xf32, #tpu.memory_space<vmem>>, vector<16xf32>,
    tpu.vector_store %arg10[%swap3A_1970, %swap3A_1971, %swap3A_1972], %broadcast_in_dim3A_1967 {strides = array<i32>} : memref<16x2x128xf32, #tpu.memory_space<vmem>>, vector<16xf32>,
    %broadcast_in_dim3A_1974 = arith.constant 0.000000e+00 : f32
    %broadcast_in_dim3A_1975 = vector.broadcast %broadcast_in_dim3A_1974 : f32 to vector<16xf32>
    %swap3A_1976 = arith.constant 15 : i32
    %swap3A_1977 = arith.constant 0 : i32
    %swap3A_1978 = arith.index_cast %swap3A_1976 : i32 to index
    %swap3A_1979 = arith.index_cast %swap3A_1977 : i32 to index
    %swap3A_1980 = arith.constant 112 : index
    %swap3A_1981 = tpu.vector_load %arg10[%swap3A_1978, %swap3A_1979, %swap3A_1980] {strides = array<i32>} : memref<16x2x128xf32, #tpu.memory_space<vmem>>, vector<16xf32>,
    tpu.vector_store %arg10[%swap3A_1978, %swap3A_1979, %swap3A_1980], %broadcast_in_dim3A_1975 {strides = array<i32>} : memref<16x2x128xf32, #tpu.memory_space<vmem>>, vector<16xf32>,
    %broadcast_in_dim3A_1982 = arith.constant 0.000000e+00 : f32
    %broadcast_in_dim3A_1983 = vector.broadcast %broadcast_in_dim3A_1982 : f32 to vector<16xf32>
    %swap3A_1984 = arith.constant 15 : i32
    %swap3A_1985 = arith.constant 1 : i32
    %swap3A_1986 = arith.index_cast %swap3A_1984 : i32 to index
    %swap3A_1987 = arith.index_cast %swap3A_1985 : i32 to index
    %swap3A_1988 = arith.constant 0 : index
    %swap3A_1989 = tpu.vector_load %arg10[%swap3A_1986, %swap3A_1987, %swap3A_1988] {strides = array<i32>} : memref<16x2x128xf32, #tpu.memory_space<vmem>>, vector<16xf32>,
    tpu.vector_store %arg10[%swap3A_1986, %swap3A_1987, %swap3A_1988], %broadcast_in_dim3A_1983 {strides = array<i32>} : memref<16x2x128xf32, #tpu.memory_space<vmem>>, vector<16xf32>,
    %broadcast_in_dim3A_1990 = arith.constant 0.000000e+00 : f32
    %broadcast_in_dim3A_1991 = vector.broadcast %broadcast_in_dim3A_1990 : f32 to vector<16xf32>
    %swap3A_1992 = arith.constant 15 : i32
    %swap3A_1993 = arith.constant 1 : i32
    %swap3A_1994 = arith.index_cast %swap3A_1992 : i32 to index
    %swap3A_1995 = arith.index_cast %swap3A_1993 : i32 to index
    %swap3A_1996 = arith.constant 16 : index
    %swap3A_1997 = tpu.vector_load %arg10[%swap3A_1994, %swap3A_1995, %swap3A_1996] {strides = array<i32>} : memref<16x2x128xf32, #tpu.memory_space<vmem>>, vector<16xf32>,
    tpu.vector_store %arg10[%swap3A_1994, %swap3A_1995, %swap3A_1996], %broadcast_in_dim3A_1991 {strides = array<i32>} : memref<16x2x128xf32, #tpu.memory_space<vmem>>, vector<16xf32>,
    %broadcast_in_dim3A_1998 = arith.constant 0.000000e+00 : f32
    %broadcast_in_dim3A_1999 = vector.broadcast %broadcast_in_dim3A_1998 : f32 to vector<16xf32>
    %swap3A_2000 = arith.constant 15 : i32
    %swap3A_2001 = arith.constant 1 : i32
    %swap3A_2002 = arith.index_cast %swap3A_2000 : i32 to index
    %swap3A_2003 = arith.index_cast %swap3A_2001 : i32 to index
    %swap3A_2004 = arith.constant 32 : index
    %swap3A_2005 = tpu.vector_load %arg10[%swap3A_2002, %swap3A_2003, %swap3A_2004] {strides = array<i32>} : memref<16x2x128xf32, #tpu.memory_space<vmem>>, vector<16xf32>,
    tpu.vector_store %arg10[%swap3A_2002, %swap3A_2003, %swap3A_2004], %broadcast_in_dim3A_1999 {strides = array<i32>} : memref<16x2x128xf32, #tpu.memory_space<vmem>>, vector<16xf32>,
    %broadcast_in_dim3A_2006 = arith.constant 0.000000e+00 : f32
    %broadcast_in_dim3A_2007 = vector.broadcast %broadcast_in_dim3A_2006 : f32 to vector<16xf32>
    %swap3A_2008 = arith.constant 15 : i32
    %swap3A_2009 = arith.constant 1 : i32
    %swap3A_2010 = arith.index_cast %swap3A_2008 : i32 to index
    %swap3A_2011 = arith.index_cast %swap3A_2009 : i32 to index
    %swap3A_2012 = arith.constant 48 : index
    %swap3A_2013 = tpu.vector_load %arg10[%swap3A_2010, %swap3A_2011, %swap3A_2012] {strides = array<i32>} : memref<16x2x128xf32, #tpu.memory_space<vmem>>, vector<16xf32>,
    tpu.vector_store %arg10[%swap3A_2010, %swap3A_2011, %swap3A_2012], %broadcast_in_dim3A_2007 {strides = array<i32>} : memref<16x2x128xf32, #tpu.memory_space<vmem>>, vector<16xf32>,
    %broadcast_in_dim3A_2014 = arith.constant 0.000000e+00 : f32
    %broadcast_in_dim3A_2015 = vector.broadcast %broadcast_in_dim3A_2014 : f32 to vector<16xf32>
    %swap3A_2016 = arith.constant 15 : i32
    %swap3A_2017 = arith.constant 1 : i32
    %swap3A_2018 = arith.index_cast %swap3A_2016 : i32 to index
    %swap3A_2019 = arith.index_cast %swap3A_2017 : i32 to index
    %swap3A_2020 = arith.constant 64 : index
    %swap3A_2021 = tpu.vector_load %arg10[%swap3A_2018, %swap3A_2019, %swap3A_2020] {strides = array<i32>} : memref<16x2x128xf32, #tpu.memory_space<vmem>>, vector<16xf32>,
    tpu.vector_store %arg10[%swap3A_2018, %swap3A_2019, %swap3A_2020], %broadcast_in_dim3A_2015 {strides = array<i32>} : memref<16x2x128xf32, #tpu.memory_space<vmem>>, vector<16xf32>,
    %broadcast_in_dim3A_2022 = arith.constant 0.000000e+00 : f32
    %broadcast_in_dim3A_2023 = vector.broadcast %broadcast_in_dim3A_2022 : f32 to vector<16xf32>
    %swap3A_2024 = arith.constant 15 : i32
    %swap3A_2025 = arith.constant 1 : i32
    %swap3A_2026 = arith.index_cast %swap3A_2024 : i32 to index
    %swap3A_2027 = arith.index_cast %swap3A_2025 : i32 to index
    %swap3A_2028 = arith.constant 80 : index
    %swap3A_2029 = tpu.vector_load %arg10[%swap3A_2026, %swap3A_2027, %swap3A_2028] {strides = array<i32>} : memref<16x2x128xf32, #tpu.memory_space<vmem>>, vector<16xf32>,
    tpu.vector_store %arg10[%swap3A_2026, %swap3A_2027, %swap3A_2028], %broadcast_in_dim3A_2023 {strides = array<i32>} : memref<16x2x128xf32, #tpu.memory_space<vmem>>, vector<16xf32>,
    %broadcast_in_dim3A_2030 = arith.constant 0.000000e+00 : f32
    %broadcast_in_dim3A_2031 = vector.broadcast %broadcast_in_dim3A_2030 : f32 to vector<16xf32>
    %swap3A_2032 = arith.constant 15 : i32
    %swap3A_2033 = arith.constant 1 : i32
    %swap3A_2034 = arith.index_cast %swap3A_2032 : i32 to index
    %swap3A_2035 = arith.index_cast %swap3A_2033 : i32 to index
    %swap3A_2036 = arith.constant 96 : index
    %swap3A_2037 = tpu.vector_load %arg10[%swap3A_2034, %swap3A_2035, %swap3A_2036] {strides = array<i32>} : memref<16x2x128xf32, #tpu.memory_space<vmem>>, vector<16xf32>,
    tpu.vector_store %arg10[%swap3A_2034, %swap3A_2035, %swap3A_2036], %broadcast_in_dim3A_2031 {strides = array<i32>} : memref<16x2x128xf32, #tpu.memory_space<vmem>>, vector<16xf32>,
    %broadcast_in_dim3A_2038 = arith.constant 0.000000e+00 : f32
    %broadcast_in_dim3A_2039 = vector.broadcast %broadcast_in_dim3A_2038 : f32 to vector<16xf32>
    %swap3A_2040 = arith.constant 15 : i32
    %swap3A_2041 = arith.constant 1 : i32
    %swap3A_2042 = arith.index_cast %swap3A_2040 : i32 to index
    %swap3A_2043 = arith.index_cast %swap3A_2041 : i32 to index
    %swap3A_2044 = arith.constant 112 : index
    %swap3A_2045 = tpu.vector_load %arg10[%swap3A_2042, %swap3A_2043, %swap3A_2044] {strides = array<i32>} : memref<16x2x128xf32, #tpu.memory_space<vmem>>, vector<16xf32>,
    tpu.vector_store %arg10[%swap3A_2042, %swap3A_2043, %swap3A_2044], %broadcast_in_dim3A_2039 {strides = array<i32>} : memref<16x2x128xf32, #tpu.memory_space<vmem>>, vector<16xf32>,
    %scan3A = arith.constant 0 : i32
    %scan3A_2046 = arith.constant 0 : i32
    %scan3A_2047 = arith.constant 21 : i32
    %scan3A_2048 = arith.addi %scan3A_2046, %scan3A_2047 : i32
    %scan3A_2049 = arith.constant 1 : i32
    scf.for %scan3A_2067 = %scan3A_2046 to %scan3A_2048 step %scan3A_2049  : i32 {
      %mul3A_2068 = arith.constant 336 : i32
      %mul3A_2069 = arith.muli %arg1, %mul3A_2068 : i32
      %mul3A_2070 = arith.constant 16 : i32
      %mul3A_2071 = arith.muli %scan3A_2067, %mul3A_2070 : i32
      %add3A_2072 = arith.addi %mul3A_2069, %mul3A_2071 : i32
      "tpu.region"() ({
        %run_scoped3A = tpu.sem_alloc : memref<!tpu.dma_semaphore, #tpu.memory_space<semaphore_mem>>
        %dma_start3A = arith.constant 0 : i32
        %dma_start3A_2073 = arith.constant 0 : i32
        %dma_start3A_2074 = tpu.memref_slice %arg13[%add3A_2072, %dma_start3A, %dma_start3A_2073] : memref<5376x2x128xf32, #tpu.memory_space<vmem_shared>> -> memref<16x2x128xf32, #tpu.memory_space<vmem_shared>>
        %dma_start3A_2075 = arith.constant 0 : i32
        %dma_start3A_2076 = arith.constant 0 : i32
        %dma_start3A_2077 = tpu.memref_slice %arg13[%add3A_2072, %dma_start3A_2075, %dma_start3A_2076] : memref<5376x2x128xf32, #tpu.memory_space<vmem_shared>> -> memref<16x2x128xf32, #tpu.memory_space<vmem_shared>>
        tpu.enqueue_dma source(%arg10 : memref<16x2x128xf32, #tpu.memory_space<vmem>>) target(%dma_start3A_2077 : memref<16x2x128xf32, #tpu.memory_space<vmem_shared>>) target_semaphore(%run_scoped3A : memref<!tpu.dma_semaphore, #tpu.memory_space<semaphore_mem>>)
        %dma_wait3A = arith.constant 0 : i32
        %dma_wait3A_2078 = arith.constant 0 : i32
        %dma_wait3A_2079 = tpu.memref_slice %arg13[%add3A_2072, %dma_wait3A, %dma_wait3A_2078] : memref<5376x2x128xf32, #tpu.memory_space<vmem_shared>> -> memref<16x2x128xf32, #tpu.memory_space<vmem_shared>>
        %dma_wait3A_2080 = arith.constant 0 : i32
        %dma_wait3A_2081 = arith.constant 0 : i32
        %dma_wait3A_2082 = tpu.memref_slice %arg13[%add3A_2072, %dma_wait3A_2080, %dma_wait3A_2081] : memref<5376x2x128xf32, #tpu.memory_space<vmem_shared>> -> memref<16x2x128xf32, #tpu.memory_space<vmem_shared>>
        tpu.wait_dma2 semaphore(%run_scoped3A : memref<!tpu.dma_semaphore, #tpu.memory_space<semaphore_mem>>) src(%arg10 : memref<16x2x128xf32, #tpu.memory_space<vmem>>) dst(%dma_wait3A_2082 : memref<16x2x128xf32, #tpu.memory_space<vmem_shared>>)
        tpu.yield
      }) : () -> ()
    }
    %scan3A_2050 = arith.constant 21 : i32
    %barrier3A = arith.constant 0 : index
    tpu.barrier barrier_id(%barrier3A)
    %mul3A = arith.constant 5120 : i32
    %mul3A_2051 = arith.muli %arg0, %mul3A : i32
    %iota3A = tpu.iota {dimensions = array<i32: 0>} : vector<16xi32>
    %scan3A_2052 = arith.constant 0 : i32
    %scan3A_2053 = arith.constant 0 : i32
    %scan3A_2054 = arith.constant 10 : i32
    %scan3A_2055 = arith.addi %scan3A_2053, %scan3A_2054 : i32
    %scan3A_2056 = arith.constant 1 : i32
    scf.for %scan3A_2067 = %scan3A_2053 to %scan3A_2055 step %scan3A_2056  : i32 {
      %mul3A_2068 = arith.constant 16 : i32
      %mul3A_2069 = arith.muli %scan3A_2067, %mul3A_2068 : i32
      %add3A_2070 = arith.addi %arg1, %mul3A_2069 : i32
      %lt3A = arith.constant 156 : i32
      %lt3A_2071 = arith.cmpi slt, %add3A_2070, %lt3A : i32
      %convert_element_type3A_2072 = arith.extui %lt3A_2071 : i1 to i32
      %cond3A_2073 = arith.constant 0 : i32
      %cond3A_2074 = arith.cmpi ne, %convert_element_type3A_2072, %cond3A_2073 : i32
      scf.if %cond3A_2074 {
        %mul3A_2075 = arith.constant 1024 : i32
        %mul3A_2076 = arith.muli %add3A_2070, %mul3A_2075 : i32
        %run_scoped3A = arith.constant 0 : i32
        "tpu.region"() ({
          %run_scoped3A_2150 = tpu.sem_alloc : memref<!tpu.dma_semaphore, #tpu.memory_space<semaphore_mem>>
          %dma_start3A = arith.constant 0 : i32
          %dma_start3A_2151 = tpu.memref_slice %arg5[%dma_start3A] : memref<1152xi32, #tpu.memory_space<vmem>> -> memref<1024xi32, #tpu.memory_space<vmem>>
          %dma_start3A_2152 = tpu.memref_slice %arg3[%run_scoped3A, %mul3A_2076] : memref<2x160000xi32, #tpu.memory_space<hbm>> -> memref<1x1024xi32, #tpu.memory_space<hbm>>
          %dma_start3A_2153 = tpu.memref_squeeze %dma_start3A_2152 : memref<1x1024xi32, #tpu.memory_space<hbm>> -> memref<1024xi32, #tpu.memory_space<hbm>>
          %dma_start3A_2154 = arith.constant 0 : i32
          %dma_start3A_2155 = tpu.memref_slice %arg5[%dma_start3A_2154] : memref<1152xi32, #tpu.memory_space<vmem>> -> memref<1024xi32, #tpu.memory_space<vmem>>
          %dma_start3A_2156 = tpu.memref_slice %arg3[%run_scoped3A, %mul3A_2076] : memref<2x160000xi32, #tpu.memory_space<hbm>> -> memref<1x1024xi32, #tpu.memory_space<hbm>>
          %dma_start3A_2157 = tpu.memref_squeeze %dma_start3A_2156 : memref<1x1024xi32, #tpu.memory_space<hbm>> -> memref<1024xi32, #tpu.memory_space<hbm>>
          tpu.enqueue_dma source(%dma_start3A_2157 : memref<1024xi32, #tpu.memory_space<hbm>>) target(%dma_start3A_2155 : memref<1024xi32, #tpu.memory_space<vmem>>) target_semaphore(%run_scoped3A_2150 : memref<!tpu.dma_semaphore, #tpu.memory_space<semaphore_mem>>)
          %dma_wait3A = arith.constant 0 : i32
          %dma_wait3A_2158 = tpu.memref_slice %arg5[%dma_wait3A] : memref<1152xi32, #tpu.memory_space<vmem>> -> memref<1024xi32, #tpu.memory_space<vmem>>
          %dma_wait3A_2159 = tpu.memref_slice %arg3[%run_scoped3A, %mul3A_2076] : memref<2x160000xi32, #tpu.memory_space<hbm>> -> memref<1x1024xi32, #tpu.memory_space<hbm>>
          %dma_wait3A_2160 = tpu.memref_squeeze %dma_wait3A_2159 : memref<1x1024xi32, #tpu.memory_space<hbm>> -> memref<1024xi32, #tpu.memory_space<hbm>>
          %dma_wait3A_2161 = arith.constant 0 : i32
          %dma_wait3A_2162 = tpu.memref_slice %arg5[%dma_wait3A_2161] : memref<1152xi32, #tpu.memory_space<vmem>> -> memref<1024xi32, #tpu.memory_space<vmem>>
          %dma_wait3A_2163 = tpu.memref_slice %arg3[%run_scoped3A, %mul3A_2076] : memref<2x160000xi32, #tpu.memory_space<hbm>> -> memref<1x1024xi32, #tpu.memory_space<hbm>>
          %dma_wait3A_2164 = tpu.memref_squeeze %dma_wait3A_2163 : memref<1x1024xi32, #tpu.memory_space<hbm>> -> memref<1024xi32, #tpu.memory_space<hbm>>
          tpu.wait_dma2 semaphore(%run_scoped3A_2150 : memref<!tpu.dma_semaphore, #tpu.memory_space<semaphore_mem>>) src(%dma_wait3A_2164 : memref<1024xi32, #tpu.memory_space<hbm>>) dst(%dma_wait3A_2162 : memref<1024xi32, #tpu.memory_space<vmem>>)
          tpu.yield
        }) : () -> ()
        %run_scoped3A_2077 = arith.constant 1 : i32
        "tpu.region"() ({
          %run_scoped3A_2150 = tpu.sem_alloc : memref<!tpu.dma_semaphore, #tpu.memory_space<semaphore_mem>>
          %dma_start3A = arith.constant 0 : i32
          %dma_start3A_2151 = tpu.memref_slice %arg6[%dma_start3A] : memref<1152xi32, #tpu.memory_space<vmem>> -> memref<1024xi32, #tpu.memory_space<vmem>>
          %dma_start3A_2152 = tpu.memref_slice %arg3[%run_scoped3A_2077, %mul3A_2076] : memref<2x160000xi32, #tpu.memory_space<hbm>> -> memref<1x1024xi32, #tpu.memory_space<hbm>>
          %dma_start3A_2153 = tpu.memref_squeeze %dma_start3A_2152 : memref<1x1024xi32, #tpu.memory_space<hbm>> -> memref<1024xi32, #tpu.memory_space<hbm>>
          %dma_start3A_2154 = arith.constant 0 : i32
          %dma_start3A_2155 = tpu.memref_slice %arg6[%dma_start3A_2154] : memref<1152xi32, #tpu.memory_space<vmem>> -> memref<1024xi32, #tpu.memory_space<vmem>>
          %dma_start3A_2156 = tpu.memref_slice %arg3[%run_scoped3A_2077, %mul3A_2076] : memref<2x160000xi32, #tpu.memory_space<hbm>> -> memref<1x1024xi32, #tpu.memory_space<hbm>>
          %dma_start3A_2157 = tpu.memref_squeeze %dma_start3A_2156 : memref<1x1024xi32, #tpu.memory_space<hbm>> -> memref<1024xi32, #tpu.memory_space<hbm>>
          tpu.enqueue_dma source(%dma_start3A_2157 : memref<1024xi32, #tpu.memory_space<hbm>>) target(%dma_start3A_2155 : memref<1024xi32, #tpu.memory_space<vmem>>) target_semaphore(%run_scoped3A_2150 : memref<!tpu.dma_semaphore, #tpu.memory_space<semaphore_mem>>)
          %dma_wait3A = arith.constant 0 : i32
          %dma_wait3A_2158 = tpu.memref_slice %arg6[%dma_wait3A] : memref<1152xi32, #tpu.memory_space<vmem>> -> memref<1024xi32, #tpu.memory_space<vmem>>
          %dma_wait3A_2159 = tpu.memref_slice %arg3[%run_scoped3A_2077, %mul3A_2076] : memref<2x160000xi32, #tpu.memory_space<hbm>> -> memref<1x1024xi32, #tpu.memory_space<hbm>>
          %dma_wait3A_2160 = tpu.memref_squeeze %dma_wait3A_2159 : memref<1x1024xi32, #tpu.memory_space<hbm>> -> memref<1024xi32, #tpu.memory_space<hbm>>
          %dma_wait3A_2161 = arith.constant 0 : i32
          %dma_wait3A_2162 = tpu.memref_slice %arg6[%dma_wait3A_2161] : memref<1152xi32, #tpu.memory_space<vmem>> -> memref<1024xi32, #tpu.memory_space<vmem>>
          %dma_wait3A_2163 = tpu.memref_slice %arg3[%run_scoped3A_2077, %mul3A_2076] : memref<2x160000xi32, #tpu.memory_space<hbm>> -> memref<1x1024xi32, #tpu.memory_space<hbm>>
          %dma_wait3A_2164 = tpu.memref_squeeze %dma_wait3A_2163 : memref<1x1024xi32, #tpu.memory_space<hbm>> -> memref<1024xi32, #tpu.memory_space<hbm>>
          tpu.wait_dma2 semaphore(%run_scoped3A_2150 : memref<!tpu.dma_semaphore, #tpu.memory_space<semaphore_mem>>) src(%dma_wait3A_2164 : memref<1024xi32, #tpu.memory_space<hbm>>) dst(%dma_wait3A_2162 : memref<1024xi32, #tpu.memory_space<vmem>>)
          tpu.yield
        }) : () -> ()
        %scan3A_2078 = arith.constant 0 : i32
        %scan3A_2079 = arith.constant 0 : i32
        %scan3A_2080 = arith.constant 64 : i32
        %scan3A_2081 = arith.addi %scan3A_2079, %scan3A_2080 : i32
        %scan3A_2082 = arith.constant 1 : i32
        %scan3A_2083 = scf.for %scan3A_2150 = %scan3A_2079 to %scan3A_2081 step %scan3A_2082 iter_args(%scan3A_2151 = %scan3A_2078) -> (i32)  : i32 {
          %mul3A_2152 = arith.constant 16 : i32
          %mul3A_2153 = arith.muli %scan3A_2150, %mul3A_2152 : i32
          %get3A = arith.index_cast %mul3A_2153 : i32 to index
          %get3A_2154 = tpu.vector_load %arg5[%get3A] {strides = array<i32>} : memref<1152xi32, #tpu.memory_space<vmem>>, vector<16xi32>,
          %get3A_2155 = arith.index_cast %mul3A_2153 : i32 to index
          %get3A_2156 = tpu.vector_load %arg6[%get3A_2155] {strides = array<i32>} : memref<1152xi32, #tpu.memory_space<vmem>>, vector<16xi32>,
          %ge3A = vector.broadcast %mul3A_2051 : i32 to vector<16xi32>
          %ge3A_2157 = arith.cmpi sge, %get3A_2156, %ge3A : vector<16xi32>
          %add3A_2158 = arith.constant 5120 : i32
          %add3A_2159 = arith.addi %mul3A_2051, %add3A_2158 : i32
          %lt3A_2160 = vector.broadcast %add3A_2159 : i32 to vector<16xi32>
          %lt3A_2161 = arith.cmpi slt, %get3A_2156, %lt3A_2160 : vector<16xi32>
          %and3A_2162 = arith.andi %ge3A_2157, %lt3A_2161 : vector<16xi1>
          %swap3A_2163 = arith.index_cast %scan3A_2151 : i32 to index
          %swap3A_2164 = tpu.vector_load %arg5[%swap3A_2163] masked %and3A_2162 {strides = array<i32>} : memref<1152xi32, #tpu.memory_space<vmem>>, vector<16xi32>, vector<16xi1>
          tpu.vector_store %arg5[%swap3A_2163], %get3A_2154 masked %and3A_2162 {strides = array<i32>} : memref<1152xi32, #tpu.memory_space<vmem>>, vector<16xi32>, vector<16xi1>
          %sub3A_2165 = vector.broadcast %mul3A_2051 : i32 to vector<16xi32>
          %sub3A_2166 = arith.subi %get3A_2156, %sub3A_2165 : vector<16xi32>
          %swap3A_2167 = arith.index_cast %scan3A_2151 : i32 to index
          %swap3A_2168 = tpu.vector_load %arg6[%swap3A_2167] masked %and3A_2162 {strides = array<i32>} : memref<1152xi32, #tpu.memory_space<vmem>>, vector<16xi32>, vector<16xi1>
          tpu.vector_store %arg6[%swap3A_2167], %sub3A_2166 masked %and3A_2162 {strides = array<i32>} : memref<1152xi32, #tpu.memory_space<vmem>>, vector<16xi32>, vector<16xi1>
          %all_reduce_population_count3A = tpu.all_reduce %and3A_2162 {dim = 0 : i64, kind = #tpu.reduction_kind<sum>} : vector<16xi1> -> vector<16xi32>
          %slice3A = vector.extract_strided_slice %all_reduce_population_count3A {offsets = [0], sizes = [1], strides = [1]} : vector<16xi32> to vector<1xi32>
          %squeeze3A = vector.extract %slice3A[0] : i32 from vector<1xi32>
          %add3A_2169 = arith.addi %scan3A_2151, %squeeze3A : i32
          scf.yield %add3A_2169 : i32
        }
        %scan3A_2084 = arith.constant 64 : i32
        %scan3A_2085 = arith.constant 0 : i32
        %scan3A_2086 = arith.constant 0 : i32
        %scan3A_2087 = arith.constant 8 : i32
        %scan3A_2088 = arith.addi %scan3A_2086, %scan3A_2087 : i32
        %scan3A_2089 = arith.constant 1 : i32
        scf.for %scan3A_2150 = %scan3A_2086 to %scan3A_2088 step %scan3A_2089  : i32 {
          %mul3A_2151 = arith.constant 16 : i32
          %mul3A_2152 = arith.muli %scan3A_2150, %mul3A_2151 : i32
          %add3A_2153 = arith.addi %scan3A_2083, %mul3A_2152 : i32
          %jit3A_2154 = arith.constant 8 : i32
          %eq3A_2155 = arith.constant 0 : i32
          %eq3A_2156 = arith.cmpi eq, %jit3A_2154, %eq3A_2155 : i32
          %jit3A_2157 = arith.constant 1 : i32
          %select_n3A_2158 = arith.select %eq3A_2156, %jit3A_2157, %jit3A_2154 : i32
          %rem3A_2159 = arith.remsi %scan3A_2150, %select_n3A_2158 : i32
          %ne3A_2160 = arith.constant 0 : i32
          %ne3A_2161 = arith.cmpi ne, %rem3A_2159, %ne3A_2160 : i32
          %lt3A_2162 = arith.constant 0 : i32
          %lt3A_2163 = arith.cmpi slt, %rem3A_2159, %lt3A_2162 : i32
          %lt3A_2164 = arith.constant 0 : i32
          %lt3A_2165 = arith.cmpi slt, %select_n3A_2158, %lt3A_2164 : i32
          %ne3A_2166 = arith.xori %lt3A_2163, %lt3A_2165 : i1
          %and3A_2167 = arith.andi %ne3A_2166, %ne3A_2161 : i1
          %add3A_2168 = arith.addi %rem3A_2159, %select_n3A_2158 : i32
          %select_n3A_2169 = arith.select %and3A_2167, %add3A_2168, %rem3A_2159 : i32
          %mul3A_2170 = arith.constant 16 : i32
          %mul3A_2171 = arith.muli %select_n3A_2169, %mul3A_2170 : i32
          %add3A_2172 = vector.broadcast %mul3A_2171 : i32 to vector<16xi32>
          %add3A_2173 = arith.addi %add3A_2172, %iota3A : vector<16xi32>
          %add3A_2174 = arith.constant 10000 : i32
          %add3A_2175 = vector.broadcast %add3A_2174 : i32 to vector<16xi32>
          %add3A_2176 = arith.addi %add3A_2175, %add3A_2173 : vector<16xi32>
          %swap3A_2177 = arith.index_cast %add3A_2153 : i32 to index
          %swap3A_2178 = tpu.vector_load %arg5[%swap3A_2177] {strides = array<i32>} : memref<1152xi32, #tpu.memory_space<vmem>>, vector<16xi32>,
          tpu.vector_store %arg5[%swap3A_2177], %add3A_2176 {strides = array<i32>} : memref<1152xi32, #tpu.memory_space<vmem>>, vector<16xi32>,
          %add3A_2179 = arith.constant 5120 : i32
          %add3A_2180 = vector.broadcast %add3A_2179 : i32 to vector<16xi32>
          %add3A_2181 = arith.addi %add3A_2180, %add3A_2173 : vector<16xi32>
          %swap3A_2182 = arith.index_cast %add3A_2153 : i32 to index
          %swap3A_2183 = tpu.vector_load %arg6[%swap3A_2182] {strides = array<i32>} : memref<1152xi32, #tpu.memory_space<vmem>>, vector<16xi32>,
          tpu.vector_store %arg6[%swap3A_2182], %add3A_2181 {strides = array<i32>} : memref<1152xi32, #tpu.memory_space<vmem>>, vector<16xi32>,
        }
        %scan3A_2090 = arith.constant 8 : i32
        %add3A_2091 = arith.constant 64 : i32
        %add3A_2092 = arith.addi %scan3A_2083, %add3A_2091 : i32
        %sub3A = arith.constant 1 : i32
        %sub3A_2093 = arith.subi %add3A_2092, %sub3A : i32
        %jit3A = arith.constant 64 : i32
        %div3A = arith.divsi %sub3A_2093, %jit3A : i32
        %sign3A = arith.constant 0 : i32
        %sign3A_2094 = arith.cmpi sgt, %sub3A_2093, %sign3A : i32
        %sign3A_2095 = arith.extui %sign3A_2094 : i1 to i32
        %sign3A_2096 = arith.constant 0 : i32
        %sign3A_2097 = arith.cmpi slt, %sub3A_2093, %sign3A_2096 : i32
        %sign3A_2098 = arith.extui %sign3A_2097 : i1 to i32
        %sign3A_2099 = arith.subi %sign3A_2095, %sign3A_2098 : i32
        %sign3A_2100 = arith.constant 0 : i32
        %sign3A_2101 = arith.cmpi sgt, %jit3A, %sign3A_2100 : i32
        %sign3A_2102 = arith.extui %sign3A_2101 : i1 to i32
        %sign3A_2103 = arith.constant 0 : i32
        %sign3A_2104 = arith.cmpi slt, %jit3A, %sign3A_2103 : i32
        %sign3A_2105 = arith.extui %sign3A_2104 : i1 to i32
        %sign3A_2106 = arith.subi %sign3A_2102, %sign3A_2105 : i32
        %ne3A = arith.cmpi ne, %sign3A_2099, %sign3A_2106 : i32
        %rem3A = arith.remsi %sub3A_2093, %jit3A : i32
        %ne3A_2107 = arith.constant 0 : i32
        %ne3A_2108 = arith.cmpi ne, %rem3A, %ne3A_2107 : i32
        %and3A = arith.andi %ne3A, %ne3A_2108 : i1
        %sub3A_2109 = arith.constant 1 : i32
        %sub3A_2110 = arith.subi %div3A, %sub3A_2109 : i32
        %select_n3A = arith.select %and3A, %sub3A_2110, %div3A : i32
        %add3A_2111 = arith.constant 1 : i32
        %add3A_2112 = arith.addi %select_n3A, %add3A_2111 : i32
        %jit3A_2113 = arith.constant 2 : i32
        %div3A_2114 = arith.divsi %add3A_2112, %jit3A_2113 : i32
        %sign3A_2115 = arith.constant 0 : i32
        %sign3A_2116 = arith.cmpi sgt, %add3A_2112, %sign3A_2115 : i32
        %sign3A_2117 = arith.extui %sign3A_2116 : i1 to i32
        %sign3A_2118 = arith.constant 0 : i32
        %sign3A_2119 = arith.cmpi slt, %add3A_2112, %sign3A_2118 : i32
        %sign3A_2120 = arith.extui %sign3A_2119 : i1 to i32
        %sign3A_2121 = arith.subi %sign3A_2117, %sign3A_2120 : i32
        %sign3A_2122 = arith.constant 0 : i32
        %sign3A_2123 = arith.cmpi sgt, %jit3A_2113, %sign3A_2122 : i32
        %sign3A_2124 = arith.extui %sign3A_2123 : i1 to i32
        %sign3A_2125 = arith.constant 0 : i32
        %sign3A_2126 = arith.cmpi slt, %jit3A_2113, %sign3A_2125 : i32
        %sign3A_2127 = arith.extui %sign3A_2126 : i1 to i32
        %sign3A_2128 = arith.subi %sign3A_2124, %sign3A_2127 : i32
        %ne3A_2129 = arith.cmpi ne, %sign3A_2121, %sign3A_2128 : i32
        %rem3A_2130 = arith.remsi %add3A_2112, %jit3A_2113 : i32
        %ne3A_2131 = arith.constant 0 : i32
        %ne3A_2132 = arith.cmpi ne, %rem3A_2130, %ne3A_2131 : i32
        %and3A_2133 = arith.andi %ne3A_2129, %ne3A_2132 : i1
        %sub3A_2134 = arith.constant 1 : i32
        %sub3A_2135 = arith.subi %div3A_2114, %sub3A_2134 : i32
        %select_n3A_2136 = arith.select %and3A_2133, %sub3A_2135, %div3A_2114 : i32
        %gt3A = arith.constant 0 : i32
        %gt3A_2137 = arith.cmpi sgt, %select_n3A_2136, %gt3A : i32
        %convert_element_type3A_2138 = arith.extui %gt3A_2137 : i1 to i32
        %cond3A_2139 = arith.constant 0 : i32
        %cond3A_2140 = arith.cmpi ne, %convert_element_type3A_2138, %cond3A_2139 : i32
        scf.if %cond3A_2140 {
          %dma_start3A = arith.constant 0 : i32
          %dma_start3A_2150 = tpu.memref_slice %arg5[%dma_start3A] : memref<1152xi32, #tpu.memory_space<vmem>> -> memref<64xi32, #tpu.memory_space<vmem>>
          %dma_start3A_2151 = arith.constant 0 : i32
          %dma_start3A_2152 = arith.constant 0 : i32
          %dma_start3A_2153 = arith.constant 0 : i32
          %dma_start3A_2154 = tpu.memref_slice %arg2[%dma_start3A_2151, %dma_start3A_2152, %dma_start3A_2153] : memref<10240x2x128xf32, #tpu.memory_space<hbm>> -> memref<10240x2x128xf32, #tpu.memory_space<hbm>>
          tpu.enqueue_indirect_dma source(%dma_start3A_2154 : memref<10240x2x128xf32, #tpu.memory_space<hbm>>) target(%arg8 : memref<64x2x128xf32, #tpu.memory_space<vmem>>) offsets(%dma_start3A_2150 : memref<64xi32, #tpu.memory_space<vmem>>) semaphore(%arg11 : memref<!tpu.dma_semaphore, #tpu.memory_space<semaphore_mem>>)
        } else {
        }
        %while3A = arith.constant 0 : i32
        %while3A_2141 = arith.constant 0 : i32
        %while3A_2142 = arith.subi %select_n3A_2136, %while3A_2141 : i32
        %while3A_2143 = arith.addi %while3A_2141, %while3A_2142 : i32
        %while3A_2144 = arith.constant 1 : i32
        %while3A_2145 = arith.divsi %while3A_2142, %while3A_2144 : i32
        %while3A_2146 = arith.muli %while3A_2145, %while3A_2144 : i32
        %while3A_2147 = arith.addi %while3A_2141, %while3A_2146 : i32
        %while3A_2148 = arith.constant 1 : i32
        scf.for %while3A_2150 = %while3A_2141 to %while3A_2147 step %while3A_2148  : i32 {
          %mul3A_2151 = arith.constant 2 : i32
          %mul3A_2152 = arith.muli %mul3A_2151, %while3A_2150 : i32
          %add3A_2153 = arith.constant 1 : i32
          %add3A_2154 = arith.addi %mul3A_2152, %add3A_2153 : i32
          %mul3A_2155 = arith.constant 64 : i32
          %mul3A_2156 = arith.muli %add3A_2154, %mul3A_2155 : i32
          %dma_start3A = tpu.memref_slice %arg5[%mul3A_2156] : memref<1152xi32, #tpu.memory_space<vmem>> -> memref<64xi32, #tpu.memory_space<vmem>>
          %dma_start3A_2157 = arith.constant 0 : i32
          %dma_start3A_2158 = arith.constant 0 : i32
          %dma_start3A_2159 = arith.constant 0 : i32
          %dma_start3A_2160 = tpu.memref_slice %arg2[%dma_start3A_2157, %dma_start3A_2158, %dma_start3A_2159] : memref<10240x2x128xf32, #tpu.memory_space<hbm>> -> memref<10240x2x128xf32, #tpu.memory_space<hbm>>
          tpu.enqueue_indirect_dma source(%dma_start3A_2160 : memref<10240x2x128xf32, #tpu.memory_space<hbm>>) target(%arg9 : memref<64x2x128xf32, #tpu.memory_space<vmem>>) offsets(%dma_start3A : memref<64xi32, #tpu.memory_space<vmem>>) semaphore(%arg12 : memref<!tpu.dma_semaphore, #tpu.memory_space<semaphore_mem>>)
          %dma_wait3A = arith.constant 0 : i32
          %dma_wait3A_2161 = tpu.memref_slice %arg5[%dma_wait3A] : memref<1152xi32, #tpu.memory_space<vmem>> -> memref<64xi32, #tpu.memory_space<vmem>>
          %dma_wait3A_2162 = arith.constant 0 : i32
          %dma_wait3A_2163 = arith.constant 0 : i32
          %dma_wait3A_2164 = arith.constant 0 : i32
          %dma_wait3A_2165 = tpu.memref_slice %arg2[%dma_wait3A_2162, %dma_wait3A_2163, %dma_wait3A_2164] : memref<10240x2x128xf32, #tpu.memory_space<hbm>> -> memref<10240x2x128xf32, #tpu.memory_space<hbm>>
          tpu.wait_indirect_dma semaphore(%arg11 : memref<!tpu.dma_semaphore, #tpu.memory_space<semaphore_mem>>) src(%dma_wait3A_2165 : memref<10240x2x128xf32, #tpu.memory_space<hbm>>) dst(%arg8 : memref<64x2x128xf32, #tpu.memory_space<vmem>>)
          %mul3A_2166 = arith.constant 64 : i32
          %mul3A_2167 = arith.muli %mul3A_2152, %mul3A_2166 : i32
          %add3A_2168 = arith.constant 0 : i32
          %add3A_2169 = arith.addi %mul3A_2167, %add3A_2168 : i32
          %get3A = arith.index_cast %add3A_2169 : i32 to index
          %get3A_2170 = tpu.vector_load %arg6[%get3A] {strides = array<i32>} : memref<1152xi32, #tpu.memory_space<vmem>>, vector<16xi32>,
          %swap3A_2171 = arith.constant 0 : index
          %swap3A_2172 = tpu.vector_load %arg7[%swap3A_2171] {strides = array<i32>} : memref<64xi32, #tpu.memory_space<vmem>>, vector<16xi32>,
          tpu.vector_store %arg7[%swap3A_2171], %get3A_2170 {strides = array<i32>} : memref<64xi32, #tpu.memory_space<vmem>>, vector<16xi32>,
          %mul3A_2173 = arith.constant 64 : i32
          %mul3A_2174 = arith.muli %mul3A_2152, %mul3A_2173 : i32
          %add3A_2175 = arith.constant 16 : i32
          %add3A_2176 = arith.addi %mul3A_2174, %add3A_2175 : i32
          %get3A_2177 = arith.index_cast %add3A_2176 : i32 to index
          %get3A_2178 = tpu.vector_load %arg6[%get3A_2177] {strides = array<i32>} : memref<1152xi32, #tpu.memory_space<vmem>>, vector<16xi32>,
          %swap3A_2179 = arith.constant 16 : index
          %swap3A_2180 = tpu.vector_load %arg7[%swap3A_2179] {strides = array<i32>} : memref<64xi32, #tpu.memory_space<vmem>>, vector<16xi32>,
          tpu.vector_store %arg7[%swap3A_2179], %get3A_2178 {strides = array<i32>} : memref<64xi32, #tpu.memory_space<vmem>>, vector<16xi32>,
          %mul3A_2181 = arith.constant 64 : i32
          %mul3A_2182 = arith.muli %mul3A_2152, %mul3A_2181 : i32
          %add3A_2183 = arith.constant 32 : i32
          %add3A_2184 = arith.addi %mul3A_2182, %add3A_2183 : i32
          %get3A_2185 = arith.index_cast %add3A_2184 : i32 to index
          %get3A_2186 = tpu.vector_load %arg6[%get3A_2185] {strides = array<i32>} : memref<1152xi32, #tpu.memory_space<vmem>>, vector<16xi32>,
          %swap3A_2187 = arith.constant 32 : index
          %swap3A_2188 = tpu.vector_load %arg7[%swap3A_2187] {strides = array<i32>} : memref<64xi32, #tpu.memory_space<vmem>>, vector<16xi32>,
          tpu.vector_store %arg7[%swap3A_2187], %get3A_2186 {strides = array<i32>} : memref<64xi32, #tpu.memory_space<vmem>>, vector<16xi32>,
          %mul3A_2189 = arith.constant 64 : i32
          %mul3A_2190 = arith.muli %mul3A_2152, %mul3A_2189 : i32
          %add3A_2191 = arith.constant 48 : i32
          %add3A_2192 = arith.addi %mul3A_2190, %add3A_2191 : i32
          %get3A_2193 = arith.index_cast %add3A_2192 : i32 to index
          %get3A_2194 = tpu.vector_load %arg6[%get3A_2193] {strides = array<i32>} : memref<1152xi32, #tpu.memory_space<vmem>>, vector<16xi32>,
          %swap3A_2195 = arith.constant 48 : index
          %swap3A_2196 = tpu.vector_load %arg7[%swap3A_2195] {strides = array<i32>} : memref<64xi32, #tpu.memory_space<vmem>>, vector<16xi32>,
          tpu.vector_store %arg7[%swap3A_2195], %get3A_2194 {strides = array<i32>} : memref<64xi32, #tpu.memory_space<vmem>>, vector<16xi32>,
          "tpu.region"() ({
            %run_scoped3A_2243 = tpu.sem_alloc : memref<!tpu.dma_semaphore, #tpu.memory_space<semaphore_mem>>
            %dma_start3A_2244 = arith.constant 0 : i32
            %dma_start3A_2245 = arith.constant 0 : i32
            %dma_start3A_2246 = arith.constant 0 : i32
            %dma_start3A_2247 = tpu.memref_slice %arg13[%dma_start3A_2244, %dma_start3A_2245, %dma_start3A_2246] : memref<5376x2x128xf32, #tpu.memory_space<vmem_shared>> -> memref<5376x2x128xf32, #tpu.memory_space<vmem_shared>>
            tpu.enqueue_indirect_dma source(%arg8 : memref<64x2x128xf32, #tpu.memory_space<vmem>>) target(%dma_start3A_2247 : memref<5376x2x128xf32, #tpu.memory_space<vmem_shared>>) offsets(%arg7 : memref<64xi32, #tpu.memory_space<vmem>>) semaphore(%run_scoped3A_2243 : memref<!tpu.dma_semaphore, #tpu.memory_space<semaphore_mem>>) {add = true}
            %dma_wait3A_2248 = arith.constant 0 : i32
            %dma_wait3A_2249 = arith.constant 0 : i32
            %dma_wait3A_2250 = arith.constant 0 : i32
            %dma_wait3A_2251 = tpu.memref_slice %arg13[%dma_wait3A_2248, %dma_wait3A_2249, %dma_wait3A_2250] : memref<5376x2x128xf32, #tpu.memory_space<vmem_shared>> -> memref<5376x2x128xf32, #tpu.memory_space<vmem_shared>>
            tpu.wait_indirect_dma semaphore(%run_scoped3A_2243 : memref<!tpu.dma_semaphore, #tpu.memory_space<semaphore_mem>>) src(%arg8 : memref<64x2x128xf32, #tpu.memory_space<vmem>>) dst(%dma_wait3A_2251 : memref<5376x2x128xf32, #tpu.memory_space<vmem_shared>>)
            tpu.yield
          }) : () -> ()
          %add3A_2197 = arith.constant 1 : i32
          %add3A_2198 = arith.addi %while3A_2150, %add3A_2197 : i32
          %lt3A_2199 = arith.cmpi slt, %add3A_2198, %select_n3A_2136 : i32
          %convert_element_type3A_2200 = arith.extui %lt3A_2199 : i1 to i32
          %cond3A_2201 = arith.constant 0 : i32
          %cond3A_2202 = arith.cmpi ne, %convert_element_type3A_2200, %cond3A_2201 : i32
          scf.if %cond3A_2202 {
            %add3A_2243 = arith.constant 2 : i32
            %add3A_2244 = arith.addi %mul3A_2152, %add3A_2243 : i32
            %mul3A_2245 = arith.constant 64 : i32
            %mul3A_2246 = arith.muli %add3A_2244, %mul3A_2245 : i32
            %dma_start3A_2247 = tpu.memref_slice %arg5[%mul3A_2246] : memref<1152xi32, #tpu.memory_space<vmem>> -> memref<64xi32, #tpu.memory_space<vmem>>
            %dma_start3A_2248 = arith.constant 0 : i32
            %dma_start3A_2249 = arith.constant 0 : i32
            %dma_start3A_2250 = arith.constant 0 : i32
            %dma_start3A_2251 = tpu.memref_slice %arg2[%dma_start3A_2248, %dma_start3A_2249, %dma_start3A_2250] : memref<10240x2x128xf32, #tpu.memory_space<hbm>> -> memref<10240x2x128xf32, #tpu.memory_space<hbm>>
            tpu.enqueue_indirect_dma source(%dma_start3A_2251 : memref<10240x2x128xf32, #tpu.memory_space<hbm>>) target(%arg8 : memref<64x2x128xf32, #tpu.memory_space<vmem>>) offsets(%dma_start3A_2247 : memref<64xi32, #tpu.memory_space<vmem>>) semaphore(%arg11 : memref<!tpu.dma_semaphore, #tpu.memory_space<semaphore_mem>>)
          } else {
          }
          %dma_wait3A_2203 = arith.constant 0 : i32
          %dma_wait3A_2204 = tpu.memref_slice %arg5[%dma_wait3A_2203] : memref<1152xi32, #tpu.memory_space<vmem>> -> memref<64xi32, #tpu.memory_space<vmem>>
          %dma_wait3A_2205 = arith.constant 0 : i32
          %dma_wait3A_2206 = arith.constant 0 : i32
          %dma_wait3A_2207 = arith.constant 0 : i32
          %dma_wait3A_2208 = tpu.memref_slice %arg2[%dma_wait3A_2205, %dma_wait3A_2206, %dma_wait3A_2207] : memref<10240x2x128xf32, #tpu.memory_space<hbm>> -> memref<10240x2x128xf32, #tpu.memory_space<hbm>>
          tpu.wait_indirect_dma semaphore(%arg12 : memref<!tpu.dma_semaphore, #tpu.memory_space<semaphore_mem>>) src(%dma_wait3A_2208 : memref<10240x2x128xf32, #tpu.memory_space<hbm>>) dst(%arg9 : memref<64x2x128xf32, #tpu.memory_space<vmem>>)
          %add3A_2209 = arith.constant 1 : i32
          %add3A_2210 = arith.addi %mul3A_2152, %add3A_2209 : i32
          %mul3A_2211 = arith.constant 64 : i32
          %mul3A_2212 = arith.muli %add3A_2210, %mul3A_2211 : i32
          %add3A_2213 = arith.constant 0 : i32
          %add3A_2214 = arith.addi %mul3A_2212, %add3A_2213 : i32
          %get3A_2215 = arith.index_cast %add3A_2214 : i32 to index
          %get3A_2216 = tpu.vector_load %arg6[%get3A_2215] {strides = array<i32>} : memref<1152xi32, #tpu.memory_space<vmem>>, vector<16xi32>,
          %swap3A_2217 = arith.constant 0 : index
          %swap3A_2218 = tpu.vector_load %arg7[%swap3A_2217] {strides = array<i32>} : memref<64xi32, #tpu.memory_space<vmem>>, vector<16xi32>,
          tpu.vector_store %arg7[%swap3A_2217], %get3A_2216 {strides = array<i32>} : memref<64xi32, #tpu.memory_space<vmem>>, vector<16xi32>,
          %mul3A_2219 = arith.constant 64 : i32
          %mul3A_2220 = arith.muli %add3A_2210, %mul3A_2219 : i32
          %add3A_2221 = arith.constant 16 : i32
          %add3A_2222 = arith.addi %mul3A_2220, %add3A_2221 : i32
          %get3A_2223 = arith.index_cast %add3A_2222 : i32 to index
          %get3A_2224 = tpu.vector_load %arg6[%get3A_2223] {strides = array<i32>} : memref<1152xi32, #tpu.memory_space<vmem>>, vector<16xi32>,
          %swap3A_2225 = arith.constant 16 : index
          %swap3A_2226 = tpu.vector_load %arg7[%swap3A_2225] {strides = array<i32>} : memref<64xi32, #tpu.memory_space<vmem>>, vector<16xi32>,
          tpu.vector_store %arg7[%swap3A_2225], %get3A_2224 {strides = array<i32>} : memref<64xi32, #tpu.memory_space<vmem>>, vector<16xi32>,
          %mul3A_2227 = arith.constant 64 : i32
          %mul3A_2228 = arith.muli %add3A_2210, %mul3A_2227 : i32
          %add3A_2229 = arith.constant 32 : i32
          %add3A_2230 = arith.addi %mul3A_2228, %add3A_2229 : i32
          %get3A_2231 = arith.index_cast %add3A_2230 : i32 to index
          %get3A_2232 = tpu.vector_load %arg6[%get3A_2231] {strides = array<i32>} : memref<1152xi32, #tpu.memory_space<vmem>>, vector<16xi32>,
          %swap3A_2233 = arith.constant 32 : index
          %swap3A_2234 = tpu.vector_load %arg7[%swap3A_2233] {strides = array<i32>} : memref<64xi32, #tpu.memory_space<vmem>>, vector<16xi32>,
          tpu.vector_store %arg7[%swap3A_2233], %get3A_2232 {strides = array<i32>} : memref<64xi32, #tpu.memory_space<vmem>>, vector<16xi32>,
          %mul3A_2235 = arith.constant 64 : i32
          %mul3A_2236 = arith.muli %add3A_2210, %mul3A_2235 : i32
          %add3A_2237 = arith.constant 48 : i32
          %add3A_2238 = arith.addi %mul3A_2236, %add3A_2237 : i32
          %get3A_2239 = arith.index_cast %add3A_2238 : i32 to index
          %get3A_2240 = tpu.vector_load %arg6[%get3A_2239] {strides = array<i32>} : memref<1152xi32, #tpu.memory_space<vmem>>, vector<16xi32>,
          %swap3A_2241 = arith.constant 48 : index
          %swap3A_2242 = tpu.vector_load %arg7[%swap3A_2241] {strides = array<i32>} : memref<64xi32, #tpu.memory_space<vmem>>, vector<16xi32>,
          tpu.vector_store %arg7[%swap3A_2241], %get3A_2240 {strides = array<i32>} : memref<64xi32, #tpu.memory_space<vmem>>, vector<16xi32>,
          "tpu.region"() ({
            %run_scoped3A_2243 = tpu.sem_alloc : memref<!tpu.dma_semaphore, #tpu.memory_space<semaphore_mem>>
            %dma_start3A_2244 = arith.constant 0 : i32
            %dma_start3A_2245 = arith.constant 0 : i32
            %dma_start3A_2246 = arith.constant 0 : i32
            %dma_start3A_2247 = tpu.memref_slice %arg13[%dma_start3A_2244, %dma_start3A_2245, %dma_start3A_2246] : memref<5376x2x128xf32, #tpu.memory_space<vmem_shared>> -> memref<5376x2x128xf32, #tpu.memory_space<vmem_shared>>
            tpu.enqueue_indirect_dma source(%arg9 : memref<64x2x128xf32, #tpu.memory_space<vmem>>) target(%dma_start3A_2247 : memref<5376x2x128xf32, #tpu.memory_space<vmem_shared>>) offsets(%arg7 : memref<64xi32, #tpu.memory_space<vmem>>) semaphore(%run_scoped3A_2243 : memref<!tpu.dma_semaphore, #tpu.memory_space<semaphore_mem>>) {add = true}
            %dma_wait3A_2248 = arith.constant 0 : i32
            %dma_wait3A_2249 = arith.constant 0 : i32
            %dma_wait3A_2250 = arith.constant 0 : i32
            %dma_wait3A_2251 = tpu.memref_slice %arg13[%dma_wait3A_2248, %dma_wait3A_2249, %dma_wait3A_2250] : memref<5376x2x128xf32, #tpu.memory_space<vmem_shared>> -> memref<5376x2x128xf32, #tpu.memory_space<vmem_shared>>
            tpu.wait_indirect_dma semaphore(%run_scoped3A_2243 : memref<!tpu.dma_semaphore, #tpu.memory_space<semaphore_mem>>) src(%arg9 : memref<64x2x128xf32, #tpu.memory_space<vmem>>) dst(%dma_wait3A_2251 : memref<5376x2x128xf32, #tpu.memory_space<vmem_shared>>)
            tpu.yield
          }) : () -> ()
        }
        %while3A_2149 = arith.constant 1 : i32
        scf.for %while3A_2150 = %while3A_2147 to %while3A_2143 step %while3A_2149  : i32 {
          %mul3A_2151 = arith.constant 2 : i32
          %mul3A_2152 = arith.muli %mul3A_2151, %while3A_2150 : i32
          %add3A_2153 = arith.constant 1 : i32
          %add3A_2154 = arith.addi %mul3A_2152, %add3A_2153 : i32
          %mul3A_2155 = arith.constant 64 : i32
          %mul3A_2156 = arith.muli %add3A_2154, %mul3A_2155 : i32
          %dma_start3A = tpu.memref_slice %arg5[%mul3A_2156] : memref<1152xi32, #tpu.memory_space<vmem>> -> memref<64xi32, #tpu.memory_space<vmem>>
          %dma_start3A_2157 = arith.constant 0 : i32
          %dma_start3A_2158 = arith.constant 0 : i32
          %dma_start3A_2159 = arith.constant 0 : i32
          %dma_start3A_2160 = tpu.memref_slice %arg2[%dma_start3A_2157, %dma_start3A_2158, %dma_start3A_2159] : memref<10240x2x128xf32, #tpu.memory_space<hbm>> -> memref<10240x2x128xf32, #tpu.memory_space<hbm>>
          tpu.enqueue_indirect_dma source(%dma_start3A_2160 : memref<10240x2x128xf32, #tpu.memory_space<hbm>>) target(%arg9 : memref<64x2x128xf32, #tpu.memory_space<vmem>>) offsets(%dma_start3A : memref<64xi32, #tpu.memory_space<vmem>>) semaphore(%arg12 : memref<!tpu.dma_semaphore, #tpu.memory_space<semaphore_mem>>)
          %dma_wait3A = arith.constant 0 : i32
          %dma_wait3A_2161 = tpu.memref_slice %arg5[%dma_wait3A] : memref<1152xi32, #tpu.memory_space<vmem>> -> memref<64xi32, #tpu.memory_space<vmem>>
          %dma_wait3A_2162 = arith.constant 0 : i32
          %dma_wait3A_2163 = arith.constant 0 : i32
          %dma_wait3A_2164 = arith.constant 0 : i32
          %dma_wait3A_2165 = tpu.memref_slice %arg2[%dma_wait3A_2162, %dma_wait3A_2163, %dma_wait3A_2164] : memref<10240x2x128xf32, #tpu.memory_space<hbm>> -> memref<10240x2x128xf32, #tpu.memory_space<hbm>>
          tpu.wait_indirect_dma semaphore(%arg11 : memref<!tpu.dma_semaphore, #tpu.memory_space<semaphore_mem>>) src(%dma_wait3A_2165 : memref<10240x2x128xf32, #tpu.memory_space<hbm>>) dst(%arg8 : memref<64x2x128xf32, #tpu.memory_space<vmem>>)
          %mul3A_2166 = arith.constant 64 : i32
          %mul3A_2167 = arith.muli %mul3A_2152, %mul3A_2166 : i32
          %add3A_2168 = arith.constant 0 : i32
          %add3A_2169 = arith.addi %mul3A_2167, %add3A_2168 : i32
          %get3A = arith.index_cast %add3A_2169 : i32 to index
          %get3A_2170 = tpu.vector_load %arg6[%get3A] {strides = array<i32>} : memref<1152xi32, #tpu.memory_space<vmem>>, vector<16xi32>,
          %swap3A_2171 = arith.constant 0 : index
          %swap3A_2172 = tpu.vector_load %arg7[%swap3A_2171] {strides = array<i32>} : memref<64xi32, #tpu.memory_space<vmem>>, vector<16xi32>,
          tpu.vector_store %arg7[%swap3A_2171], %get3A_2170 {strides = array<i32>} : memref<64xi32, #tpu.memory_space<vmem>>, vector<16xi32>,
          %mul3A_2173 = arith.constant 64 : i32
          %mul3A_2174 = arith.muli %mul3A_2152, %mul3A_2173 : i32
          %add3A_2175 = arith.constant 16 : i32
          %add3A_2176 = arith.addi %mul3A_2174, %add3A_2175 : i32
          %get3A_2177 = arith.index_cast %add3A_2176 : i32 to index
          %get3A_2178 = tpu.vector_load %arg6[%get3A_2177] {strides = array<i32>} : memref<1152xi32, #tpu.memory_space<vmem>>, vector<16xi32>,
          %swap3A_2179 = arith.constant 16 : index
          %swap3A_2180 = tpu.vector_load %arg7[%swap3A_2179] {strides = array<i32>} : memref<64xi32, #tpu.memory_space<vmem>>, vector<16xi32>,
          tpu.vector_store %arg7[%swap3A_2179], %get3A_2178 {strides = array<i32>} : memref<64xi32, #tpu.memory_space<vmem>>, vector<16xi32>,
          %mul3A_2181 = arith.constant 64 : i32
          %mul3A_2182 = arith.muli %mul3A_2152, %mul3A_2181 : i32
          %add3A_2183 = arith.constant 32 : i32
          %add3A_2184 = arith.addi %mul3A_2182, %add3A_2183 : i32
          %get3A_2185 = arith.index_cast %add3A_2184 : i32 to index
          %get3A_2186 = tpu.vector_load %arg6[%get3A_2185] {strides = array<i32>} : memref<1152xi32, #tpu.memory_space<vmem>>, vector<16xi32>,
          %swap3A_2187 = arith.constant 32 : index
          %swap3A_2188 = tpu.vector_load %arg7[%swap3A_2187] {strides = array<i32>} : memref<64xi32, #tpu.memory_space<vmem>>, vector<16xi32>,
          tpu.vector_store %arg7[%swap3A_2187], %get3A_2186 {strides = array<i32>} : memref<64xi32, #tpu.memory_space<vmem>>, vector<16xi32>,
          %mul3A_2189 = arith.constant 64 : i32
          %mul3A_2190 = arith.muli %mul3A_2152, %mul3A_2189 : i32
          %add3A_2191 = arith.constant 48 : i32
          %add3A_2192 = arith.addi %mul3A_2190, %add3A_2191 : i32
          %get3A_2193 = arith.index_cast %add3A_2192 : i32 to index
          %get3A_2194 = tpu.vector_load %arg6[%get3A_2193] {strides = array<i32>} : memref<1152xi32, #tpu.memory_space<vmem>>, vector<16xi32>,
          %swap3A_2195 = arith.constant 48 : index
          %swap3A_2196 = tpu.vector_load %arg7[%swap3A_2195] {strides = array<i32>} : memref<64xi32, #tpu.memory_space<vmem>>, vector<16xi32>,
          tpu.vector_store %arg7[%swap3A_2195], %get3A_2194 {strides = array<i32>} : memref<64xi32, #tpu.memory_space<vmem>>, vector<16xi32>,
          "tpu.region"() ({
            %run_scoped3A_2243 = tpu.sem_alloc : memref<!tpu.dma_semaphore, #tpu.memory_space<semaphore_mem>>
            %dma_start3A_2244 = arith.constant 0 : i32
            %dma_start3A_2245 = arith.constant 0 : i32
            %dma_start3A_2246 = arith.constant 0 : i32
            %dma_start3A_2247 = tpu.memref_slice %arg13[%dma_start3A_2244, %dma_start3A_2245, %dma_start3A_2246] : memref<5376x2x128xf32, #tpu.memory_space<vmem_shared>> -> memref<5376x2x128xf32, #tpu.memory_space<vmem_shared>>
            tpu.enqueue_indirect_dma source(%arg8 : memref<64x2x128xf32, #tpu.memory_space<vmem>>) target(%dma_start3A_2247 : memref<5376x2x128xf32, #tpu.memory_space<vmem_shared>>) offsets(%arg7 : memref<64xi32, #tpu.memory_space<vmem>>) semaphore(%run_scoped3A_2243 : memref<!tpu.dma_semaphore, #tpu.memory_space<semaphore_mem>>) {add = true}
            %dma_wait3A_2248 = arith.constant 0 : i32
            %dma_wait3A_2249 = arith.constant 0 : i32
            %dma_wait3A_2250 = arith.constant 0 : i32
            %dma_wait3A_2251 = tpu.memref_slice %arg13[%dma_wait3A_2248, %dma_wait3A_2249, %dma_wait3A_2250] : memref<5376x2x128xf32, #tpu.memory_space<vmem_shared>> -> memref<5376x2x128xf32, #tpu.memory_space<vmem_shared>>
            tpu.wait_indirect_dma semaphore(%run_scoped3A_2243 : memref<!tpu.dma_semaphore, #tpu.memory_space<semaphore_mem>>) src(%arg8 : memref<64x2x128xf32, #tpu.memory_space<vmem>>) dst(%dma_wait3A_2251 : memref<5376x2x128xf32, #tpu.memory_space<vmem_shared>>)
            tpu.yield
          }) : () -> ()
          %add3A_2197 = arith.constant 1 : i32
          %add3A_2198 = arith.addi %while3A_2150, %add3A_2197 : i32
          %lt3A_2199 = arith.cmpi slt, %add3A_2198, %select_n3A_2136 : i32
          %convert_element_type3A_2200 = arith.extui %lt3A_2199 : i1 to i32
          %cond3A_2201 = arith.constant 0 : i32
          %cond3A_2202 = arith.cmpi ne, %convert_element_type3A_2200, %cond3A_2201 : i32
          scf.if %cond3A_2202 {
            %add3A_2243 = arith.constant 2 : i32
            %add3A_2244 = arith.addi %mul3A_2152, %add3A_2243 : i32
            %mul3A_2245 = arith.constant 64 : i32
            %mul3A_2246 = arith.muli %add3A_2244, %mul3A_2245 : i32
            %dma_start3A_2247 = tpu.memref_slice %arg5[%mul3A_2246] : memref<1152xi32, #tpu.memory_space<vmem>> -> memref<64xi32, #tpu.memory_space<vmem>>
            %dma_start3A_2248 = arith.constant 0 : i32
            %dma_start3A_2249 = arith.constant 0 : i32
            %dma_start3A_2250 = arith.constant 0 : i32
            %dma_start3A_2251 = tpu.memref_slice %arg2[%dma_start3A_2248, %dma_start3A_2249, %dma_start3A_2250] : memref<10240x2x128xf32, #tpu.memory_space<hbm>> -> memref<10240x2x128xf32, #tpu.memory_space<hbm>>
            tpu.enqueue_indirect_dma source(%dma_start3A_2251 : memref<10240x2x128xf32, #tpu.memory_space<hbm>>) target(%arg8 : memref<64x2x128xf32, #tpu.memory_space<vmem>>) offsets(%dma_start3A_2247 : memref<64xi32, #tpu.memory_space<vmem>>) semaphore(%arg11 : memref<!tpu.dma_semaphore, #tpu.memory_space<semaphore_mem>>)
          } else {
          }
          %dma_wait3A_2203 = arith.constant 0 : i32
          %dma_wait3A_2204 = tpu.memref_slice %arg5[%dma_wait3A_2203] : memref<1152xi32, #tpu.memory_space<vmem>> -> memref<64xi32, #tpu.memory_space<vmem>>
          %dma_wait3A_2205 = arith.constant 0 : i32
          %dma_wait3A_2206 = arith.constant 0 : i32
          %dma_wait3A_2207 = arith.constant 0 : i32
          %dma_wait3A_2208 = tpu.memref_slice %arg2[%dma_wait3A_2205, %dma_wait3A_2206, %dma_wait3A_2207] : memref<10240x2x128xf32, #tpu.memory_space<hbm>> -> memref<10240x2x128xf32, #tpu.memory_space<hbm>>
          tpu.wait_indirect_dma semaphore(%arg12 : memref<!tpu.dma_semaphore, #tpu.memory_space<semaphore_mem>>) src(%dma_wait3A_2208 : memref<10240x2x128xf32, #tpu.memory_space<hbm>>) dst(%arg9 : memref<64x2x128xf32, #tpu.memory_space<vmem>>)
          %add3A_2209 = arith.constant 1 : i32
          %add3A_2210 = arith.addi %mul3A_2152, %add3A_2209 : i32
          %mul3A_2211 = arith.constant 64 : i32
          %mul3A_2212 = arith.muli %add3A_2210, %mul3A_2211 : i32
          %add3A_2213 = arith.constant 0 : i32
          %add3A_2214 = arith.addi %mul3A_2212, %add3A_2213 : i32
          %get3A_2215 = arith.index_cast %add3A_2214 : i32 to index
          %get3A_2216 = tpu.vector_load %arg6[%get3A_2215] {strides = array<i32>} : memref<1152xi32, #tpu.memory_space<vmem>>, vector<16xi32>,
          %swap3A_2217 = arith.constant 0 : index
          %swap3A_2218 = tpu.vector_load %arg7[%swap3A_2217] {strides = array<i32>} : memref<64xi32, #tpu.memory_space<vmem>>, vector<16xi32>,
          tpu.vector_store %arg7[%swap3A_2217], %get3A_2216 {strides = array<i32>} : memref<64xi32, #tpu.memory_space<vmem>>, vector<16xi32>,
          %mul3A_2219 = arith.constant 64 : i32
          %mul3A_2220 = arith.muli %add3A_2210, %mul3A_2219 : i32
          %add3A_2221 = arith.constant 16 : i32
          %add3A_2222 = arith.addi %mul3A_2220, %add3A_2221 : i32
          %get3A_2223 = arith.index_cast %add3A_2222 : i32 to index
          %get3A_2224 = tpu.vector_load %arg6[%get3A_2223] {strides = array<i32>} : memref<1152xi32, #tpu.memory_space<vmem>>, vector<16xi32>,
          %swap3A_2225 = arith.constant 16 : index
          %swap3A_2226 = tpu.vector_load %arg7[%swap3A_2225] {strides = array<i32>} : memref<64xi32, #tpu.memory_space<vmem>>, vector<16xi32>,
          tpu.vector_store %arg7[%swap3A_2225], %get3A_2224 {strides = array<i32>} : memref<64xi32, #tpu.memory_space<vmem>>, vector<16xi32>,
          %mul3A_2227 = arith.constant 64 : i32
          %mul3A_2228 = arith.muli %add3A_2210, %mul3A_2227 : i32
          %add3A_2229 = arith.constant 32 : i32
          %add3A_2230 = arith.addi %mul3A_2228, %add3A_2229 : i32
          %get3A_2231 = arith.index_cast %add3A_2230 : i32 to index
          %get3A_2232 = tpu.vector_load %arg6[%get3A_2231] {strides = array<i32>} : memref<1152xi32, #tpu.memory_space<vmem>>, vector<16xi32>,
          %swap3A_2233 = arith.constant 32 : index
          %swap3A_2234 = tpu.vector_load %arg7[%swap3A_2233] {strides = array<i32>} : memref<64xi32, #tpu.memory_space<vmem>>, vector<16xi32>,
          tpu.vector_store %arg7[%swap3A_2233], %get3A_2232 {strides = array<i32>} : memref<64xi32, #tpu.memory_space<vmem>>, vector<16xi32>,
          %mul3A_2235 = arith.constant 64 : i32
          %mul3A_2236 = arith.muli %add3A_2210, %mul3A_2235 : i32
          %add3A_2237 = arith.constant 48 : i32
          %add3A_2238 = arith.addi %mul3A_2236, %add3A_2237 : i32
          %get3A_2239 = arith.index_cast %add3A_2238 : i32 to index
          %get3A_2240 = tpu.vector_load %arg6[%get3A_2239] {strides = array<i32>} : memref<1152xi32, #tpu.memory_space<vmem>>, vector<16xi32>,
          %swap3A_2241 = arith.constant 48 : index
          %swap3A_2242 = tpu.vector_load %arg7[%swap3A_2241] {strides = array<i32>} : memref<64xi32, #tpu.memory_space<vmem>>, vector<16xi32>,
          tpu.vector_store %arg7[%swap3A_2241], %get3A_2240 {strides = array<i32>} : memref<64xi32, #tpu.memory_space<vmem>>, vector<16xi32>,
          "tpu.region"() ({
            %run_scoped3A_2243 = tpu.sem_alloc : memref<!tpu.dma_semaphore, #tpu.memory_space<semaphore_mem>>
            %dma_start3A_2244 = arith.constant 0 : i32
            %dma_start3A_2245 = arith.constant 0 : i32
            %dma_start3A_2246 = arith.constant 0 : i32
            %dma_start3A_2247 = tpu.memref_slice %arg13[%dma_start3A_2244, %dma_start3A_2245, %dma_start3A_2246] : memref<5376x2x128xf32, #tpu.memory_space<vmem_shared>> -> memref<5376x2x128xf32, #tpu.memory_space<vmem_shared>>
            tpu.enqueue_indirect_dma source(%arg9 : memref<64x2x128xf32, #tpu.memory_space<vmem>>) target(%dma_start3A_2247 : memref<5376x2x128xf32, #tpu.memory_space<vmem_shared>>) offsets(%arg7 : memref<64xi32, #tpu.memory_space<vmem>>) semaphore(%run_scoped3A_2243 : memref<!tpu.dma_semaphore, #tpu.memory_space<semaphore_mem>>) {add = true}
            %dma_wait3A_2248 = arith.constant 0 : i32
            %dma_wait3A_2249 = arith.constant 0 : i32
            %dma_wait3A_2250 = arith.constant 0 : i32
            %dma_wait3A_2251 = tpu.memref_slice %arg13[%dma_wait3A_2248, %dma_wait3A_2249, %dma_wait3A_2250] : memref<5376x2x128xf32, #tpu.memory_space<vmem_shared>> -> memref<5376x2x128xf32, #tpu.memory_space<vmem_shared>>
            tpu.wait_indirect_dma semaphore(%run_scoped3A_2243 : memref<!tpu.dma_semaphore, #tpu.memory_space<semaphore_mem>>) src(%arg9 : memref<64x2x128xf32, #tpu.memory_space<vmem>>) dst(%dma_wait3A_2251 : memref<5376x2x128xf32, #tpu.memory_space<vmem_shared>>)
            tpu.yield
          }) : () -> ()
        }
      } else {
      }
    }
    %scan3A_2057 = arith.constant 10 : i32
    %eq3A = arith.constant 12 : i32
    %eq3A_2058 = arith.cmpi eq, %arg1, %eq3A : i32
    %convert_element_type3A = arith.extui %eq3A_2058 : i1 to i32
    %cond3A = arith.constant 0 : i32
    %cond3A_2059 = arith.cmpi ne, %convert_element_type3A, %cond3A : i32
    scf.if %cond3A_2059 {
      %run_scoped3A = arith.constant 0 : i32
      "tpu.region"() ({
        %run_scoped3A_2140 = tpu.sem_alloc : memref<!tpu.dma_semaphore, #tpu.memory_space<semaphore_mem>>
        %dma_start3A = arith.constant 0 : i32
        %dma_start3A_2141 = tpu.memref_slice %arg5[%dma_start3A] : memref<1152xi32, #tpu.memory_space<vmem>> -> memref<256xi32, #tpu.memory_space<vmem>>
        %dma_start3A_2142 = arith.constant 159744 : i32
        %dma_start3A_2143 = tpu.memref_slice %arg3[%run_scoped3A, %dma_start3A_2142] : memref<2x160000xi32, #tpu.memory_space<hbm>> -> memref<1x256xi32, #tpu.memory_space<hbm>>
        %dma_start3A_2144 = tpu.memref_squeeze %dma_start3A_2143 : memref<1x256xi32, #tpu.memory_space<hbm>> -> memref<256xi32, #tpu.memory_space<hbm>>
        %dma_start3A_2145 = arith.constant 0 : i32
        %dma_start3A_2146 = tpu.memref_slice %arg5[%dma_start3A_2145] : memref<1152xi32, #tpu.memory_space<vmem>> -> memref<256xi32, #tpu.memory_space<vmem>>
        %dma_start3A_2147 = arith.constant 159744 : i32
        %dma_start3A_2148 = tpu.memref_slice %arg3[%run_scoped3A, %dma_start3A_2147] : memref<2x160000xi32, #tpu.memory_space<hbm>> -> memref<1x256xi32, #tpu.memory_space<hbm>>
        %dma_start3A_2149 = tpu.memref_squeeze %dma_start3A_2148 : memref<1x256xi32, #tpu.memory_space<hbm>> -> memref<256xi32, #tpu.memory_space<hbm>>
        tpu.enqueue_dma source(%dma_start3A_2149 : memref<256xi32, #tpu.memory_space<hbm>>) target(%dma_start3A_2146 : memref<256xi32, #tpu.memory_space<vmem>>) target_semaphore(%run_scoped3A_2140 : memref<!tpu.dma_semaphore, #tpu.memory_space<semaphore_mem>>)
        %dma_wait3A = arith.constant 0 : i32
        %dma_wait3A_2150 = tpu.memref_slice %arg5[%dma_wait3A] : memref<1152xi32, #tpu.memory_space<vmem>> -> memref<256xi32, #tpu.memory_space<vmem>>
        %dma_wait3A_2151 = arith.constant 159744 : i32
        %dma_wait3A_2152 = tpu.memref_slice %arg3[%run_scoped3A, %dma_wait3A_2151] : memref<2x160000xi32, #tpu.memory_space<hbm>> -> memref<1x256xi32, #tpu.memory_space<hbm>>
        %dma_wait3A_2153 = tpu.memref_squeeze %dma_wait3A_2152 : memref<1x256xi32, #tpu.memory_space<hbm>> -> memref<256xi32, #tpu.memory_space<hbm>>
        %dma_wait3A_2154 = arith.constant 0 : i32
        %dma_wait3A_2155 = tpu.memref_slice %arg5[%dma_wait3A_2154] : memref<1152xi32, #tpu.memory_space<vmem>> -> memref<256xi32, #tpu.memory_space<vmem>>
        %dma_wait3A_2156 = arith.constant 159744 : i32
        %dma_wait3A_2157 = tpu.memref_slice %arg3[%run_scoped3A, %dma_wait3A_2156] : memref<2x160000xi32, #tpu.memory_space<hbm>> -> memref<1x256xi32, #tpu.memory_space<hbm>>
        %dma_wait3A_2158 = tpu.memref_squeeze %dma_wait3A_2157 : memref<1x256xi32, #tpu.memory_space<hbm>> -> memref<256xi32, #tpu.memory_space<hbm>>
        tpu.wait_dma2 semaphore(%run_scoped3A_2140 : memref<!tpu.dma_semaphore, #tpu.memory_space<semaphore_mem>>) src(%dma_wait3A_2158 : memref<256xi32, #tpu.memory_space<hbm>>) dst(%dma_wait3A_2155 : memref<256xi32, #tpu.memory_space<vmem>>)
        tpu.yield
      }) : () -> ()
      %run_scoped3A_2067 = arith.constant 1 : i32
      "tpu.region"() ({
        %run_scoped3A_2140 = tpu.sem_alloc : memref<!tpu.dma_semaphore, #tpu.memory_space<semaphore_mem>>
        %dma_start3A = arith.constant 0 : i32
        %dma_start3A_2141 = tpu.memref_slice %arg6[%dma_start3A] : memref<1152xi32, #tpu.memory_space<vmem>> -> memref<256xi32, #tpu.memory_space<vmem>>
        %dma_start3A_2142 = arith.constant 159744 : i32
        %dma_start3A_2143 = tpu.memref_slice %arg3[%run_scoped3A_2067, %dma_start3A_2142] : memref<2x160000xi32, #tpu.memory_space<hbm>> -> memref<1x256xi32, #tpu.memory_space<hbm>>
        %dma_start3A_2144 = tpu.memref_squeeze %dma_start3A_2143 : memref<1x256xi32, #tpu.memory_space<hbm>> -> memref<256xi32, #tpu.memory_space<hbm>>
        %dma_start3A_2145 = arith.constant 0 : i32
        %dma_start3A_2146 = tpu.memref_slice %arg6[%dma_start3A_2145] : memref<1152xi32, #tpu.memory_space<vmem>> -> memref<256xi32, #tpu.memory_space<vmem>>
        %dma_start3A_2147 = arith.constant 159744 : i32
        %dma_start3A_2148 = tpu.memref_slice %arg3[%run_scoped3A_2067, %dma_start3A_2147] : memref<2x160000xi32, #tpu.memory_space<hbm>> -> memref<1x256xi32, #tpu.memory_space<hbm>>
        %dma_start3A_2149 = tpu.memref_squeeze %dma_start3A_2148 : memref<1x256xi32, #tpu.memory_space<hbm>> -> memref<256xi32, #tpu.memory_space<hbm>>
        tpu.enqueue_dma source(%dma_start3A_2149 : memref<256xi32, #tpu.memory_space<hbm>>) target(%dma_start3A_2146 : memref<256xi32, #tpu.memory_space<vmem>>) target_semaphore(%run_scoped3A_2140 : memref<!tpu.dma_semaphore, #tpu.memory_space<semaphore_mem>>)
        %dma_wait3A = arith.constant 0 : i32
        %dma_wait3A_2150 = tpu.memref_slice %arg6[%dma_wait3A] : memref<1152xi32, #tpu.memory_space<vmem>> -> memref<256xi32, #tpu.memory_space<vmem>>
        %dma_wait3A_2151 = arith.constant 159744 : i32
        %dma_wait3A_2152 = tpu.memref_slice %arg3[%run_scoped3A_2067, %dma_wait3A_2151] : memref<2x160000xi32, #tpu.memory_space<hbm>> -> memref<1x256xi32, #tpu.memory_space<hbm>>
        %dma_wait3A_2153 = tpu.memref_squeeze %dma_wait3A_2152 : memref<1x256xi32, #tpu.memory_space<hbm>> -> memref<256xi32, #tpu.memory_space<hbm>>
        %dma_wait3A_2154 = arith.constant 0 : i32
        %dma_wait3A_2155 = tpu.memref_slice %arg6[%dma_wait3A_2154] : memref<1152xi32, #tpu.memory_space<vmem>> -> memref<256xi32, #tpu.memory_space<vmem>>
        %dma_wait3A_2156 = arith.constant 159744 : i32
        %dma_wait3A_2157 = tpu.memref_slice %arg3[%run_scoped3A_2067, %dma_wait3A_2156] : memref<2x160000xi32, #tpu.memory_space<hbm>> -> memref<1x256xi32, #tpu.memory_space<hbm>>
        %dma_wait3A_2158 = tpu.memref_squeeze %dma_wait3A_2157 : memref<1x256xi32, #tpu.memory_space<hbm>> -> memref<256xi32, #tpu.memory_space<hbm>>
        tpu.wait_dma2 semaphore(%run_scoped3A_2140 : memref<!tpu.dma_semaphore, #tpu.memory_space<semaphore_mem>>) src(%dma_wait3A_2158 : memref<256xi32, #tpu.memory_space<hbm>>) dst(%dma_wait3A_2155 : memref<256xi32, #tpu.memory_space<vmem>>)
        tpu.yield
      }) : () -> ()
      %scan3A_2068 = arith.constant 0 : i32
      %scan3A_2069 = arith.constant 0 : i32
      %scan3A_2070 = arith.constant 16 : i32
      %scan3A_2071 = arith.addi %scan3A_2069, %scan3A_2070 : i32
      %scan3A_2072 = arith.constant 1 : i32
      %scan3A_2073 = scf.for %scan3A_2140 = %scan3A_2069 to %scan3A_2071 step %scan3A_2072 iter_args(%scan3A_2141 = %scan3A_2068) -> (i32)  : i32 {
        %mul3A_2142 = arith.constant 16 : i32
        %mul3A_2143 = arith.muli %scan3A_2140, %mul3A_2142 : i32
        %get3A = arith.index_cast %mul3A_2143 : i32 to index
        %get3A_2144 = tpu.vector_load %arg5[%get3A] {strides = array<i32>} : memref<1152xi32, #tpu.memory_space<vmem>>, vector<16xi32>,
        %get3A_2145 = arith.index_cast %mul3A_2143 : i32 to index
        %get3A_2146 = tpu.vector_load %arg6[%get3A_2145] {strides = array<i32>} : memref<1152xi32, #tpu.memory_space<vmem>>, vector<16xi32>,
        %ge3A = vector.broadcast %mul3A_2051 : i32 to vector<16xi32>
        %ge3A_2147 = arith.cmpi sge, %get3A_2146, %ge3A : vector<16xi32>
        %add3A_2148 = arith.constant 5120 : i32
        %add3A_2149 = arith.addi %mul3A_2051, %add3A_2148 : i32
        %lt3A = vector.broadcast %add3A_2149 : i32 to vector<16xi32>
        %lt3A_2150 = arith.cmpi slt, %get3A_2146, %lt3A : vector<16xi32>
        %and3A_2151 = arith.andi %ge3A_2147, %lt3A_2150 : vector<16xi1>
        %swap3A_2152 = arith.index_cast %scan3A_2141 : i32 to index
        %swap3A_2153 = tpu.vector_load %arg5[%swap3A_2152] masked %and3A_2151 {strides = array<i32>} : memref<1152xi32, #tpu.memory_space<vmem>>, vector<16xi32>, vector<16xi1>
        tpu.vector_store %arg5[%swap3A_2152], %get3A_2144 masked %and3A_2151 {strides = array<i32>} : memref<1152xi32, #tpu.memory_space<vmem>>, vector<16xi32>, vector<16xi1>
        %sub3A_2154 = vector.broadcast %mul3A_2051 : i32 to vector<16xi32>
        %sub3A_2155 = arith.subi %get3A_2146, %sub3A_2154 : vector<16xi32>
        %swap3A_2156 = arith.index_cast %scan3A_2141 : i32 to index
        %swap3A_2157 = tpu.vector_load %arg6[%swap3A_2156] masked %and3A_2151 {strides = array<i32>} : memref<1152xi32, #tpu.memory_space<vmem>>, vector<16xi32>, vector<16xi1>
        tpu.vector_store %arg6[%swap3A_2156], %sub3A_2155 masked %and3A_2151 {strides = array<i32>} : memref<1152xi32, #tpu.memory_space<vmem>>, vector<16xi32>, vector<16xi1>
        %all_reduce_population_count3A = tpu.all_reduce %and3A_2151 {dim = 0 : i64, kind = #tpu.reduction_kind<sum>} : vector<16xi1> -> vector<16xi32>
        %slice3A = vector.extract_strided_slice %all_reduce_population_count3A {offsets = [0], sizes = [1], strides = [1]} : vector<16xi32> to vector<1xi32>
        %squeeze3A = vector.extract %slice3A[0] : i32 from vector<1xi32>
        %add3A_2158 = arith.addi %scan3A_2141, %squeeze3A : i32
        scf.yield %add3A_2158 : i32
      }
      %scan3A_2074 = arith.constant 16 : i32
      %scan3A_2075 = arith.constant 0 : i32
      %scan3A_2076 = arith.constant 0 : i32
      %scan3A_2077 = arith.constant 8 : i32
      %scan3A_2078 = arith.addi %scan3A_2076, %scan3A_2077 : i32
      %scan3A_2079 = arith.constant 1 : i32
      scf.for %scan3A_2140 = %scan3A_2076 to %scan3A_2078 step %scan3A_2079  : i32 {
        %mul3A_2141 = arith.constant 16 : i32
        %mul3A_2142 = arith.muli %scan3A_2140, %mul3A_2141 : i32
        %add3A_2143 = arith.addi %scan3A_2073, %mul3A_2142 : i32
        %jit3A_2144 = arith.constant 8 : i32
        %eq3A_2145 = arith.constant 0 : i32
        %eq3A_2146 = arith.cmpi eq, %jit3A_2144, %eq3A_2145 : i32
        %jit3A_2147 = arith.constant 1 : i32
        %select_n3A_2148 = arith.select %eq3A_2146, %jit3A_2147, %jit3A_2144 : i32
        %rem3A_2149 = arith.remsi %scan3A_2140, %select_n3A_2148 : i32
        %ne3A_2150 = arith.constant 0 : i32
        %ne3A_2151 = arith.cmpi ne, %rem3A_2149, %ne3A_2150 : i32
        %lt3A = arith.constant 0 : i32
        %lt3A_2152 = arith.cmpi slt, %rem3A_2149, %lt3A : i32
        %lt3A_2153 = arith.constant 0 : i32
        %lt3A_2154 = arith.cmpi slt, %select_n3A_2148, %lt3A_2153 : i32
        %ne3A_2155 = arith.xori %lt3A_2152, %lt3A_2154 : i1
        %and3A_2156 = arith.andi %ne3A_2155, %ne3A_2151 : i1
        %add3A_2157 = arith.addi %rem3A_2149, %select_n3A_2148 : i32
        %select_n3A_2158 = arith.select %and3A_2156, %add3A_2157, %rem3A_2149 : i32
        %mul3A_2159 = arith.constant 16 : i32
        %mul3A_2160 = arith.muli %select_n3A_2158, %mul3A_2159 : i32
        %add3A_2161 = vector.broadcast %mul3A_2160 : i32 to vector<16xi32>
        %add3A_2162 = arith.addi %add3A_2161, %iota3A : vector<16xi32>
        %add3A_2163 = arith.constant 10000 : i32
        %add3A_2164 = vector.broadcast %add3A_2163 : i32 to vector<16xi32>
        %add3A_2165 = arith.addi %add3A_2164, %add3A_2162 : vector<16xi32>
        %swap3A_2166 = arith.index_cast %add3A_2143 : i32 to index
        %swap3A_2167 = tpu.vector_load %arg5[%swap3A_2166] {strides = array<i32>} : memref<1152xi32, #tpu.memory_space<vmem>>, vector<16xi32>,
        tpu.vector_store %arg5[%swap3A_2166], %add3A_2165 {strides = array<i32>} : memref<1152xi32, #tpu.memory_space<vmem>>, vector<16xi32>,
        %add3A_2168 = arith.constant 5120 : i32
        %add3A_2169 = vector.broadcast %add3A_2168 : i32 to vector<16xi32>
        %add3A_2170 = arith.addi %add3A_2169, %add3A_2162 : vector<16xi32>
        %swap3A_2171 = arith.index_cast %add3A_2143 : i32 to index
        %swap3A_2172 = tpu.vector_load %arg6[%swap3A_2171] {strides = array<i32>} : memref<1152xi32, #tpu.memory_space<vmem>>, vector<16xi32>,
        tpu.vector_store %arg6[%swap3A_2171], %add3A_2170 {strides = array<i32>} : memref<1152xi32, #tpu.memory_space<vmem>>, vector<16xi32>,
      }
      %scan3A_2080 = arith.constant 8 : i32
      %add3A_2081 = arith.constant 64 : i32
      %add3A_2082 = arith.addi %scan3A_2073, %add3A_2081 : i32
      %sub3A = arith.constant 1 : i32
      %sub3A_2083 = arith.subi %add3A_2082, %sub3A : i32
      %jit3A = arith.constant 64 : i32
      %div3A = arith.divsi %sub3A_2083, %jit3A : i32
      %sign3A = arith.constant 0 : i32
      %sign3A_2084 = arith.cmpi sgt, %sub3A_2083, %sign3A : i32
      %sign3A_2085 = arith.extui %sign3A_2084 : i1 to i32
      %sign3A_2086 = arith.constant 0 : i32
      %sign3A_2087 = arith.cmpi slt, %sub3A_2083, %sign3A_2086 : i32
      %sign3A_2088 = arith.extui %sign3A_2087 : i1 to i32
      %sign3A_2089 = arith.subi %sign3A_2085, %sign3A_2088 : i32
      %sign3A_2090 = arith.constant 0 : i32
      %sign3A_2091 = arith.cmpi sgt, %jit3A, %sign3A_2090 : i32
      %sign3A_2092 = arith.extui %sign3A_2091 : i1 to i32
      %sign3A_2093 = arith.constant 0 : i32
      %sign3A_2094 = arith.cmpi slt, %jit3A, %sign3A_2093 : i32
      %sign3A_2095 = arith.extui %sign3A_2094 : i1 to i32
      %sign3A_2096 = arith.subi %sign3A_2092, %sign3A_2095 : i32
      %ne3A = arith.cmpi ne, %sign3A_2089, %sign3A_2096 : i32
      %rem3A = arith.remsi %sub3A_2083, %jit3A : i32
      %ne3A_2097 = arith.constant 0 : i32
      %ne3A_2098 = arith.cmpi ne, %rem3A, %ne3A_2097 : i32
      %and3A = arith.andi %ne3A, %ne3A_2098 : i1
      %sub3A_2099 = arith.constant 1 : i32
      %sub3A_2100 = arith.subi %div3A, %sub3A_2099 : i32
      %select_n3A = arith.select %and3A, %sub3A_2100, %div3A : i32
      %add3A_2101 = arith.constant 1 : i32
      %add3A_2102 = arith.addi %select_n3A, %add3A_2101 : i32
      %jit3A_2103 = arith.constant 2 : i32
      %div3A_2104 = arith.divsi %add3A_2102, %jit3A_2103 : i32
      %sign3A_2105 = arith.constant 0 : i32
      %sign3A_2106 = arith.cmpi sgt, %add3A_2102, %sign3A_2105 : i32
      %sign3A_2107 = arith.extui %sign3A_2106 : i1 to i32
      %sign3A_2108 = arith.constant 0 : i32
      %sign3A_2109 = arith.cmpi slt, %add3A_2102, %sign3A_2108 : i32
      %sign3A_2110 = arith.extui %sign3A_2109 : i1 to i32
      %sign3A_2111 = arith.subi %sign3A_2107, %sign3A_2110 : i32
      %sign3A_2112 = arith.constant 0 : i32
      %sign3A_2113 = arith.cmpi sgt, %jit3A_2103, %sign3A_2112 : i32
      %sign3A_2114 = arith.extui %sign3A_2113 : i1 to i32
      %sign3A_2115 = arith.constant 0 : i32
      %sign3A_2116 = arith.cmpi slt, %jit3A_2103, %sign3A_2115 : i32
      %sign3A_2117 = arith.extui %sign3A_2116 : i1 to i32
      %sign3A_2118 = arith.subi %sign3A_2114, %sign3A_2117 : i32
      %ne3A_2119 = arith.cmpi ne, %sign3A_2111, %sign3A_2118 : i32
      %rem3A_2120 = arith.remsi %add3A_2102, %jit3A_2103 : i32
      %ne3A_2121 = arith.constant 0 : i32
      %ne3A_2122 = arith.cmpi ne, %rem3A_2120, %ne3A_2121 : i32
      %and3A_2123 = arith.andi %ne3A_2119, %ne3A_2122 : i1
      %sub3A_2124 = arith.constant 1 : i32
      %sub3A_2125 = arith.subi %div3A_2104, %sub3A_2124 : i32
      %select_n3A_2126 = arith.select %and3A_2123, %sub3A_2125, %div3A_2104 : i32
      %gt3A = arith.constant 0 : i32
      %gt3A_2127 = arith.cmpi sgt, %select_n3A_2126, %gt3A : i32
      %convert_element_type3A_2128 = arith.extui %gt3A_2127 : i1 to i32
      %cond3A_2129 = arith.constant 0 : i32
      %cond3A_2130 = arith.cmpi ne, %convert_element_type3A_2128, %cond3A_2129 : i32
      scf.if %cond3A_2130 {
        %dma_start3A = arith.constant 0 : i32
        %dma_start3A_2140 = tpu.memref_slice %arg5[%dma_start3A] : memref<1152xi32, #tpu.memory_space<vmem>> -> memref<64xi32, #tpu.memory_space<vmem>>
        %dma_start3A_2141 = arith.constant 0 : i32
        %dma_start3A_2142 = arith.constant 0 : i32
        %dma_start3A_2143 = arith.constant 0 : i32
        %dma_start3A_2144 = tpu.memref_slice %arg2[%dma_start3A_2141, %dma_start3A_2142, %dma_start3A_2143] : memref<10240x2x128xf32, #tpu.memory_space<hbm>> -> memref<10240x2x128xf32, #tpu.memory_space<hbm>>
        tpu.enqueue_indirect_dma source(%dma_start3A_2144 : memref<10240x2x128xf32, #tpu.memory_space<hbm>>) target(%arg8 : memref<64x2x128xf32, #tpu.memory_space<vmem>>) offsets(%dma_start3A_2140 : memref<64xi32, #tpu.memory_space<vmem>>) semaphore(%arg11 : memref<!tpu.dma_semaphore, #tpu.memory_space<semaphore_mem>>)
      } else {
      }
      %while3A = arith.constant 0 : i32
      %while3A_2131 = arith.constant 0 : i32
      %while3A_2132 = arith.subi %select_n3A_2126, %while3A_2131 : i32
      %while3A_2133 = arith.addi %while3A_2131, %while3A_2132 : i32
      %while3A_2134 = arith.constant 1 : i32
      %while3A_2135 = arith.divsi %while3A_2132, %while3A_2134 : i32
      %while3A_2136 = arith.muli %while3A_2135, %while3A_2134 : i32
      %while3A_2137 = arith.addi %while3A_2131, %while3A_2136 : i32
      %while3A_2138 = arith.constant 1 : i32
      scf.for %while3A_2140 = %while3A_2131 to %while3A_2137 step %while3A_2138  : i32 {
        %mul3A_2141 = arith.constant 2 : i32
        %mul3A_2142 = arith.muli %mul3A_2141, %while3A_2140 : i32
        %add3A_2143 = arith.constant 1 : i32
        %add3A_2144 = arith.addi %mul3A_2142, %add3A_2143 : i32
        %mul3A_2145 = arith.constant 64 : i32
        %mul3A_2146 = arith.muli %add3A_2144, %mul3A_2145 : i32
        %dma_start3A = tpu.memref_slice %arg5[%mul3A_2146] : memref<1152xi32, #tpu.memory_space<vmem>> -> memref<64xi32, #tpu.memory_space<vmem>>
        %dma_start3A_2147 = arith.constant 0 : i32
        %dma_start3A_2148 = arith.constant 0 : i32
        %dma_start3A_2149 = arith.constant 0 : i32
        %dma_start3A_2150 = tpu.memref_slice %arg2[%dma_start3A_2147, %dma_start3A_2148, %dma_start3A_2149] : memref<10240x2x128xf32, #tpu.memory_space<hbm>> -> memref<10240x2x128xf32, #tpu.memory_space<hbm>>
        tpu.enqueue_indirect_dma source(%dma_start3A_2150 : memref<10240x2x128xf32, #tpu.memory_space<hbm>>) target(%arg9 : memref<64x2x128xf32, #tpu.memory_space<vmem>>) offsets(%dma_start3A : memref<64xi32, #tpu.memory_space<vmem>>) semaphore(%arg12 : memref<!tpu.dma_semaphore, #tpu.memory_space<semaphore_mem>>)
        %dma_wait3A = arith.constant 0 : i32
        %dma_wait3A_2151 = tpu.memref_slice %arg5[%dma_wait3A] : memref<1152xi32, #tpu.memory_space<vmem>> -> memref<64xi32, #tpu.memory_space<vmem>>
        %dma_wait3A_2152 = arith.constant 0 : i32
        %dma_wait3A_2153 = arith.constant 0 : i32
        %dma_wait3A_2154 = arith.constant 0 : i32
        %dma_wait3A_2155 = tpu.memref_slice %arg2[%dma_wait3A_2152, %dma_wait3A_2153, %dma_wait3A_2154] : memref<10240x2x128xf32, #tpu.memory_space<hbm>> -> memref<10240x2x128xf32, #tpu.memory_space<hbm>>
        tpu.wait_indirect_dma semaphore(%arg11 : memref<!tpu.dma_semaphore, #tpu.memory_space<semaphore_mem>>) src(%dma_wait3A_2155 : memref<10240x2x128xf32, #tpu.memory_space<hbm>>) dst(%arg8 : memref<64x2x128xf32, #tpu.memory_space<vmem>>)
        %mul3A_2156 = arith.constant 64 : i32
        %mul3A_2157 = arith.muli %mul3A_2142, %mul3A_2156 : i32
        %add3A_2158 = arith.constant 0 : i32
        %add3A_2159 = arith.addi %mul3A_2157, %add3A_2158 : i32
        %get3A = arith.index_cast %add3A_2159 : i32 to index
        %get3A_2160 = tpu.vector_load %arg6[%get3A] {strides = array<i32>} : memref<1152xi32, #tpu.memory_space<vmem>>, vector<16xi32>,
        %swap3A_2161 = arith.constant 0 : index
        %swap3A_2162 = tpu.vector_load %arg7[%swap3A_2161] {strides = array<i32>} : memref<64xi32, #tpu.memory_space<vmem>>, vector<16xi32>,
        tpu.vector_store %arg7[%swap3A_2161], %get3A_2160 {strides = array<i32>} : memref<64xi32, #tpu.memory_space<vmem>>, vector<16xi32>,
        %mul3A_2163 = arith.constant 64 : i32
        %mul3A_2164 = arith.muli %mul3A_2142, %mul3A_2163 : i32
        %add3A_2165 = arith.constant 16 : i32
        %add3A_2166 = arith.addi %mul3A_2164, %add3A_2165 : i32
        %get3A_2167 = arith.index_cast %add3A_2166 : i32 to index
        %get3A_2168 = tpu.vector_load %arg6[%get3A_2167] {strides = array<i32>} : memref<1152xi32, #tpu.memory_space<vmem>>, vector<16xi32>,
        %swap3A_2169 = arith.constant 16 : index
        %swap3A_2170 = tpu.vector_load %arg7[%swap3A_2169] {strides = array<i32>} : memref<64xi32, #tpu.memory_space<vmem>>, vector<16xi32>,
        tpu.vector_store %arg7[%swap3A_2169], %get3A_2168 {strides = array<i32>} : memref<64xi32, #tpu.memory_space<vmem>>, vector<16xi32>,
        %mul3A_2171 = arith.constant 64 : i32
        %mul3A_2172 = arith.muli %mul3A_2142, %mul3A_2171 : i32
        %add3A_2173 = arith.constant 32 : i32
        %add3A_2174 = arith.addi %mul3A_2172, %add3A_2173 : i32
        %get3A_2175 = arith.index_cast %add3A_2174 : i32 to index
        %get3A_2176 = tpu.vector_load %arg6[%get3A_2175] {strides = array<i32>} : memref<1152xi32, #tpu.memory_space<vmem>>, vector<16xi32>,
        %swap3A_2177 = arith.constant 32 : index
        %swap3A_2178 = tpu.vector_load %arg7[%swap3A_2177] {strides = array<i32>} : memref<64xi32, #tpu.memory_space<vmem>>, vector<16xi32>,
        tpu.vector_store %arg7[%swap3A_2177], %get3A_2176 {strides = array<i32>} : memref<64xi32, #tpu.memory_space<vmem>>, vector<16xi32>,
        %mul3A_2179 = arith.constant 64 : i32
        %mul3A_2180 = arith.muli %mul3A_2142, %mul3A_2179 : i32
        %add3A_2181 = arith.constant 48 : i32
        %add3A_2182 = arith.addi %mul3A_2180, %add3A_2181 : i32
        %get3A_2183 = arith.index_cast %add3A_2182 : i32 to index
        %get3A_2184 = tpu.vector_load %arg6[%get3A_2183] {strides = array<i32>} : memref<1152xi32, #tpu.memory_space<vmem>>, vector<16xi32>,
        %swap3A_2185 = arith.constant 48 : index
        %swap3A_2186 = tpu.vector_load %arg7[%swap3A_2185] {strides = array<i32>} : memref<64xi32, #tpu.memory_space<vmem>>, vector<16xi32>,
        tpu.vector_store %arg7[%swap3A_2185], %get3A_2184 {strides = array<i32>} : memref<64xi32, #tpu.memory_space<vmem>>, vector<16xi32>,
        "tpu.region"() ({
          %run_scoped3A_2232 = tpu.sem_alloc : memref<!tpu.dma_semaphore, #tpu.memory_space<semaphore_mem>>
          %dma_start3A_2233 = arith.constant 0 : i32
          %dma_start3A_2234 = arith.constant 0 : i32
          %dma_start3A_2235 = arith.constant 0 : i32
          %dma_start3A_2236 = tpu.memref_slice %arg13[%dma_start3A_2233, %dma_start3A_2234, %dma_start3A_2235] : memref<5376x2x128xf32, #tpu.memory_space<vmem_shared>> -> memref<5376x2x128xf32, #tpu.memory_space<vmem_shared>>
          tpu.enqueue_indirect_dma source(%arg8 : memref<64x2x128xf32, #tpu.memory_space<vmem>>) target(%dma_start3A_2236 : memref<5376x2x128xf32, #tpu.memory_space<vmem_shared>>) offsets(%arg7 : memref<64xi32, #tpu.memory_space<vmem>>) semaphore(%run_scoped3A_2232 : memref<!tpu.dma_semaphore, #tpu.memory_space<semaphore_mem>>) {add = true}
          %dma_wait3A_2237 = arith.constant 0 : i32
          %dma_wait3A_2238 = arith.constant 0 : i32
          %dma_wait3A_2239 = arith.constant 0 : i32
          %dma_wait3A_2240 = tpu.memref_slice %arg13[%dma_wait3A_2237, %dma_wait3A_2238, %dma_wait3A_2239] : memref<5376x2x128xf32, #tpu.memory_space<vmem_shared>> -> memref<5376x2x128xf32, #tpu.memory_space<vmem_shared>>
          tpu.wait_indirect_dma semaphore(%run_scoped3A_2232 : memref<!tpu.dma_semaphore, #tpu.memory_space<semaphore_mem>>) src(%arg8 : memref<64x2x128xf32, #tpu.memory_space<vmem>>) dst(%dma_wait3A_2240 : memref<5376x2x128xf32, #tpu.memory_space<vmem_shared>>)
          tpu.yield
        }) : () -> ()
        %add3A_2187 = arith.constant 1 : i32
        %add3A_2188 = arith.addi %while3A_2140, %add3A_2187 : i32
        %lt3A = arith.cmpi slt, %add3A_2188, %select_n3A_2126 : i32
        %convert_element_type3A_2189 = arith.extui %lt3A : i1 to i32
        %cond3A_2190 = arith.constant 0 : i32
        %cond3A_2191 = arith.cmpi ne, %convert_element_type3A_2189, %cond3A_2190 : i32
        scf.if %cond3A_2191 {
          %add3A_2232 = arith.constant 2 : i32
          %add3A_2233 = arith.addi %mul3A_2142, %add3A_2232 : i32
          %mul3A_2234 = arith.constant 64 : i32
          %mul3A_2235 = arith.muli %add3A_2233, %mul3A_2234 : i32
          %dma_start3A_2236 = tpu.memref_slice %arg5[%mul3A_2235] : memref<1152xi32, #tpu.memory_space<vmem>> -> memref<64xi32, #tpu.memory_space<vmem>>
          %dma_start3A_2237 = arith.constant 0 : i32
          %dma_start3A_2238 = arith.constant 0 : i32
          %dma_start3A_2239 = arith.constant 0 : i32
          %dma_start3A_2240 = tpu.memref_slice %arg2[%dma_start3A_2237, %dma_start3A_2238, %dma_start3A_2239] : memref<10240x2x128xf32, #tpu.memory_space<hbm>> -> memref<10240x2x128xf32, #tpu.memory_space<hbm>>
          tpu.enqueue_indirect_dma source(%dma_start3A_2240 : memref<10240x2x128xf32, #tpu.memory_space<hbm>>) target(%arg8 : memref<64x2x128xf32, #tpu.memory_space<vmem>>) offsets(%dma_start3A_2236 : memref<64xi32, #tpu.memory_space<vmem>>) semaphore(%arg11 : memref<!tpu.dma_semaphore, #tpu.memory_space<semaphore_mem>>)
        } else {
        }
        %dma_wait3A_2192 = arith.constant 0 : i32
        %dma_wait3A_2193 = tpu.memref_slice %arg5[%dma_wait3A_2192] : memref<1152xi32, #tpu.memory_space<vmem>> -> memref<64xi32, #tpu.memory_space<vmem>>
        %dma_wait3A_2194 = arith.constant 0 : i32
        %dma_wait3A_2195 = arith.constant 0 : i32
        %dma_wait3A_2196 = arith.constant 0 : i32
        %dma_wait3A_2197 = tpu.memref_slice %arg2[%dma_wait3A_2194, %dma_wait3A_2195, %dma_wait3A_2196] : memref<10240x2x128xf32, #tpu.memory_space<hbm>> -> memref<10240x2x128xf32, #tpu.memory_space<hbm>>
        tpu.wait_indirect_dma semaphore(%arg12 : memref<!tpu.dma_semaphore, #tpu.memory_space<semaphore_mem>>) src(%dma_wait3A_2197 : memref<10240x2x128xf32, #tpu.memory_space<hbm>>) dst(%arg9 : memref<64x2x128xf32, #tpu.memory_space<vmem>>)
        %add3A_2198 = arith.constant 1 : i32
        %add3A_2199 = arith.addi %mul3A_2142, %add3A_2198 : i32
        %mul3A_2200 = arith.constant 64 : i32
        %mul3A_2201 = arith.muli %add3A_2199, %mul3A_2200 : i32
        %add3A_2202 = arith.constant 0 : i32
        %add3A_2203 = arith.addi %mul3A_2201, %add3A_2202 : i32
        %get3A_2204 = arith.index_cast %add3A_2203 : i32 to index
        %get3A_2205 = tpu.vector_load %arg6[%get3A_2204] {strides = array<i32>} : memref<1152xi32, #tpu.memory_space<vmem>>, vector<16xi32>,
        %swap3A_2206 = arith.constant 0 : index
        %swap3A_2207 = tpu.vector_load %arg7[%swap3A_2206] {strides = array<i32>} : memref<64xi32, #tpu.memory_space<vmem>>, vector<16xi32>,
        tpu.vector_store %arg7[%swap3A_2206], %get3A_2205 {strides = array<i32>} : memref<64xi32, #tpu.memory_space<vmem>>, vector<16xi32>,
        %mul3A_2208 = arith.constant 64 : i32
        %mul3A_2209 = arith.muli %add3A_2199, %mul3A_2208 : i32
        %add3A_2210 = arith.constant 16 : i32
        %add3A_2211 = arith.addi %mul3A_2209, %add3A_2210 : i32
        %get3A_2212 = arith.index_cast %add3A_2211 : i32 to index
        %get3A_2213 = tpu.vector_load %arg6[%get3A_2212] {strides = array<i32>} : memref<1152xi32, #tpu.memory_space<vmem>>, vector<16xi32>,
        %swap3A_2214 = arith.constant 16 : index
        %swap3A_2215 = tpu.vector_load %arg7[%swap3A_2214] {strides = array<i32>} : memref<64xi32, #tpu.memory_space<vmem>>, vector<16xi32>,
        tpu.vector_store %arg7[%swap3A_2214], %get3A_2213 {strides = array<i32>} : memref<64xi32, #tpu.memory_space<vmem>>, vector<16xi32>,
        %mul3A_2216 = arith.constant 64 : i32
        %mul3A_2217 = arith.muli %add3A_2199, %mul3A_2216 : i32
        %add3A_2218 = arith.constant 32 : i32
        %add3A_2219 = arith.addi %mul3A_2217, %add3A_2218 : i32
        %get3A_2220 = arith.index_cast %add3A_2219 : i32 to index
        %get3A_2221 = tpu.vector_load %arg6[%get3A_2220] {strides = array<i32>} : memref<1152xi32, #tpu.memory_space<vmem>>, vector<16xi32>,
        %swap3A_2222 = arith.constant 32 : index
        %swap3A_2223 = tpu.vector_load %arg7[%swap3A_2222] {strides = array<i32>} : memref<64xi32, #tpu.memory_space<vmem>>, vector<16xi32>,
        tpu.vector_store %arg7[%swap3A_2222], %get3A_2221 {strides = array<i32>} : memref<64xi32, #tpu.memory_space<vmem>>, vector<16xi32>,
        %mul3A_2224 = arith.constant 64 : i32
        %mul3A_2225 = arith.muli %add3A_2199, %mul3A_2224 : i32
        %add3A_2226 = arith.constant 48 : i32
        %add3A_2227 = arith.addi %mul3A_2225, %add3A_2226 : i32
        %get3A_2228 = arith.index_cast %add3A_2227 : i32 to index
        %get3A_2229 = tpu.vector_load %arg6[%get3A_2228] {strides = array<i32>} : memref<1152xi32, #tpu.memory_space<vmem>>, vector<16xi32>,
        %swap3A_2230 = arith.constant 48 : index
        %swap3A_2231 = tpu.vector_load %arg7[%swap3A_2230] {strides = array<i32>} : memref<64xi32, #tpu.memory_space<vmem>>, vector<16xi32>,
        tpu.vector_store %arg7[%swap3A_2230], %get3A_2229 {strides = array<i32>} : memref<64xi32, #tpu.memory_space<vmem>>, vector<16xi32>,
        "tpu.region"() ({
          %run_scoped3A_2232 = tpu.sem_alloc : memref<!tpu.dma_semaphore, #tpu.memory_space<semaphore_mem>>
          %dma_start3A_2233 = arith.constant 0 : i32
          %dma_start3A_2234 = arith.constant 0 : i32
          %dma_start3A_2235 = arith.constant 0 : i32
          %dma_start3A_2236 = tpu.memref_slice %arg13[%dma_start3A_2233, %dma_start3A_2234, %dma_start3A_2235] : memref<5376x2x128xf32, #tpu.memory_space<vmem_shared>> -> memref<5376x2x128xf32, #tpu.memory_space<vmem_shared>>
          tpu.enqueue_indirect_dma source(%arg9 : memref<64x2x128xf32, #tpu.memory_space<vmem>>) target(%dma_start3A_2236 : memref<5376x2x128xf32, #tpu.memory_space<vmem_shared>>) offsets(%arg7 : memref<64xi32, #tpu.memory_space<vmem>>) semaphore(%run_scoped3A_2232 : memref<!tpu.dma_semaphore, #tpu.memory_space<semaphore_mem>>) {add = true}
          %dma_wait3A_2237 = arith.constant 0 : i32
          %dma_wait3A_2238 = arith.constant 0 : i32
          %dma_wait3A_2239 = arith.constant 0 : i32
          %dma_wait3A_2240 = tpu.memref_slice %arg13[%dma_wait3A_2237, %dma_wait3A_2238, %dma_wait3A_2239] : memref<5376x2x128xf32, #tpu.memory_space<vmem_shared>> -> memref<5376x2x128xf32, #tpu.memory_space<vmem_shared>>
          tpu.wait_indirect_dma semaphore(%run_scoped3A_2232 : memref<!tpu.dma_semaphore, #tpu.memory_space<semaphore_mem>>) src(%arg9 : memref<64x2x128xf32, #tpu.memory_space<vmem>>) dst(%dma_wait3A_2240 : memref<5376x2x128xf32, #tpu.memory_space<vmem_shared>>)
          tpu.yield
        }) : () -> ()
      }
      %while3A_2139 = arith.constant 1 : i32
      scf.for %while3A_2140 = %while3A_2137 to %while3A_2133 step %while3A_2139  : i32 {
        %mul3A_2141 = arith.constant 2 : i32
        %mul3A_2142 = arith.muli %mul3A_2141, %while3A_2140 : i32
        %add3A_2143 = arith.constant 1 : i32
        %add3A_2144 = arith.addi %mul3A_2142, %add3A_2143 : i32
        %mul3A_2145 = arith.constant 64 : i32
        %mul3A_2146 = arith.muli %add3A_2144, %mul3A_2145 : i32
        %dma_start3A = tpu.memref_slice %arg5[%mul3A_2146] : memref<1152xi32, #tpu.memory_space<vmem>> -> memref<64xi32, #tpu.memory_space<vmem>>
        %dma_start3A_2147 = arith.constant 0 : i32
        %dma_start3A_2148 = arith.constant 0 : i32
        %dma_start3A_2149 = arith.constant 0 : i32
        %dma_start3A_2150 = tpu.memref_slice %arg2[%dma_start3A_2147, %dma_start3A_2148, %dma_start3A_2149] : memref<10240x2x128xf32, #tpu.memory_space<hbm>> -> memref<10240x2x128xf32, #tpu.memory_space<hbm>>
        tpu.enqueue_indirect_dma source(%dma_start3A_2150 : memref<10240x2x128xf32, #tpu.memory_space<hbm>>) target(%arg9 : memref<64x2x128xf32, #tpu.memory_space<vmem>>) offsets(%dma_start3A : memref<64xi32, #tpu.memory_space<vmem>>) semaphore(%arg12 : memref<!tpu.dma_semaphore, #tpu.memory_space<semaphore_mem>>)
        %dma_wait3A = arith.constant 0 : i32
        %dma_wait3A_2151 = tpu.memref_slice %arg5[%dma_wait3A] : memref<1152xi32, #tpu.memory_space<vmem>> -> memref<64xi32, #tpu.memory_space<vmem>>
        %dma_wait3A_2152 = arith.constant 0 : i32
        %dma_wait3A_2153 = arith.constant 0 : i32
        %dma_wait3A_2154 = arith.constant 0 : i32
        %dma_wait3A_2155 = tpu.memref_slice %arg2[%dma_wait3A_2152, %dma_wait3A_2153, %dma_wait3A_2154] : memref<10240x2x128xf32, #tpu.memory_space<hbm>> -> memref<10240x2x128xf32, #tpu.memory_space<hbm>>
        tpu.wait_indirect_dma semaphore(%arg11 : memref<!tpu.dma_semaphore, #tpu.memory_space<semaphore_mem>>) src(%dma_wait3A_2155 : memref<10240x2x128xf32, #tpu.memory_space<hbm>>) dst(%arg8 : memref<64x2x128xf32, #tpu.memory_space<vmem>>)
        %mul3A_2156 = arith.constant 64 : i32
        %mul3A_2157 = arith.muli %mul3A_2142, %mul3A_2156 : i32
        %add3A_2158 = arith.constant 0 : i32
        %add3A_2159 = arith.addi %mul3A_2157, %add3A_2158 : i32
        %get3A = arith.index_cast %add3A_2159 : i32 to index
        %get3A_2160 = tpu.vector_load %arg6[%get3A] {strides = array<i32>} : memref<1152xi32, #tpu.memory_space<vmem>>, vector<16xi32>,
        %swap3A_2161 = arith.constant 0 : index
        %swap3A_2162 = tpu.vector_load %arg7[%swap3A_2161] {strides = array<i32>} : memref<64xi32, #tpu.memory_space<vmem>>, vector<16xi32>,
        tpu.vector_store %arg7[%swap3A_2161], %get3A_2160 {strides = array<i32>} : memref<64xi32, #tpu.memory_space<vmem>>, vector<16xi32>,
        %mul3A_2163 = arith.constant 64 : i32
        %mul3A_2164 = arith.muli %mul3A_2142, %mul3A_2163 : i32
        %add3A_2165 = arith.constant 16 : i32
        %add3A_2166 = arith.addi %mul3A_2164, %add3A_2165 : i32
        %get3A_2167 = arith.index_cast %add3A_2166 : i32 to index
        %get3A_2168 = tpu.vector_load %arg6[%get3A_2167] {strides = array<i32>} : memref<1152xi32, #tpu.memory_space<vmem>>, vector<16xi32>,
        %swap3A_2169 = arith.constant 16 : index
        %swap3A_2170 = tpu.vector_load %arg7[%swap3A_2169] {strides = array<i32>} : memref<64xi32, #tpu.memory_space<vmem>>, vector<16xi32>,
        tpu.vector_store %arg7[%swap3A_2169], %get3A_2168 {strides = array<i32>} : memref<64xi32, #tpu.memory_space<vmem>>, vector<16xi32>,
        %mul3A_2171 = arith.constant 64 : i32
        %mul3A_2172 = arith.muli %mul3A_2142, %mul3A_2171 : i32
        %add3A_2173 = arith.constant 32 : i32
        %add3A_2174 = arith.addi %mul3A_2172, %add3A_2173 : i32
        %get3A_2175 = arith.index_cast %add3A_2174 : i32 to index
        %get3A_2176 = tpu.vector_load %arg6[%get3A_2175] {strides = array<i32>} : memref<1152xi32, #tpu.memory_space<vmem>>, vector<16xi32>,
        %swap3A_2177 = arith.constant 32 : index
        %swap3A_2178 = tpu.vector_load %arg7[%swap3A_2177] {strides = array<i32>} : memref<64xi32, #tpu.memory_space<vmem>>, vector<16xi32>,
        tpu.vector_store %arg7[%swap3A_2177], %get3A_2176 {strides = array<i32>} : memref<64xi32, #tpu.memory_space<vmem>>, vector<16xi32>,
        %mul3A_2179 = arith.constant 64 : i32
        %mul3A_2180 = arith.muli %mul3A_2142, %mul3A_2179 : i32
        %add3A_2181 = arith.constant 48 : i32
        %add3A_2182 = arith.addi %mul3A_2180, %add3A_2181 : i32
        %get3A_2183 = arith.index_cast %add3A_2182 : i32 to index
        %get3A_2184 = tpu.vector_load %arg6[%get3A_2183] {strides = array<i32>} : memref<1152xi32, #tpu.memory_space<vmem>>, vector<16xi32>,
        %swap3A_2185 = arith.constant 48 : index
        %swap3A_2186 = tpu.vector_load %arg7[%swap3A_2185] {strides = array<i32>} : memref<64xi32, #tpu.memory_space<vmem>>, vector<16xi32>,
        tpu.vector_store %arg7[%swap3A_2185], %get3A_2184 {strides = array<i32>} : memref<64xi32, #tpu.memory_space<vmem>>, vector<16xi32>,
        "tpu.region"() ({
          %run_scoped3A_2232 = tpu.sem_alloc : memref<!tpu.dma_semaphore, #tpu.memory_space<semaphore_mem>>
          %dma_start3A_2233 = arith.constant 0 : i32
          %dma_start3A_2234 = arith.constant 0 : i32
          %dma_start3A_2235 = arith.constant 0 : i32
          %dma_start3A_2236 = tpu.memref_slice %arg13[%dma_start3A_2233, %dma_start3A_2234, %dma_start3A_2235] : memref<5376x2x128xf32, #tpu.memory_space<vmem_shared>> -> memref<5376x2x128xf32, #tpu.memory_space<vmem_shared>>
          tpu.enqueue_indirect_dma source(%arg8 : memref<64x2x128xf32, #tpu.memory_space<vmem>>) target(%dma_start3A_2236 : memref<5376x2x128xf32, #tpu.memory_space<vmem_shared>>) offsets(%arg7 : memref<64xi32, #tpu.memory_space<vmem>>) semaphore(%run_scoped3A_2232 : memref<!tpu.dma_semaphore, #tpu.memory_space<semaphore_mem>>) {add = true}
          %dma_wait3A_2237 = arith.constant 0 : i32
          %dma_wait3A_2238 = arith.constant 0 : i32
          %dma_wait3A_2239 = arith.constant 0 : i32
          %dma_wait3A_2240 = tpu.memref_slice %arg13[%dma_wait3A_2237, %dma_wait3A_2238, %dma_wait3A_2239] : memref<5376x2x128xf32, #tpu.memory_space<vmem_shared>> -> memref<5376x2x128xf32, #tpu.memory_space<vmem_shared>>
          tpu.wait_indirect_dma semaphore(%run_scoped3A_2232 : memref<!tpu.dma_semaphore, #tpu.memory_space<semaphore_mem>>) src(%arg8 : memref<64x2x128xf32, #tpu.memory_space<vmem>>) dst(%dma_wait3A_2240 : memref<5376x2x128xf32, #tpu.memory_space<vmem_shared>>)
          tpu.yield
        }) : () -> ()
        %add3A_2187 = arith.constant 1 : i32
        %add3A_2188 = arith.addi %while3A_2140, %add3A_2187 : i32
        %lt3A = arith.cmpi slt, %add3A_2188, %select_n3A_2126 : i32
        %convert_element_type3A_2189 = arith.extui %lt3A : i1 to i32
        %cond3A_2190 = arith.constant 0 : i32
        %cond3A_2191 = arith.cmpi ne, %convert_element_type3A_2189, %cond3A_2190 : i32
        scf.if %cond3A_2191 {
          %add3A_2232 = arith.constant 2 : i32
          %add3A_2233 = arith.addi %mul3A_2142, %add3A_2232 : i32
          %mul3A_2234 = arith.constant 64 : i32
          %mul3A_2235 = arith.muli %add3A_2233, %mul3A_2234 : i32
          %dma_start3A_2236 = tpu.memref_slice %arg5[%mul3A_2235] : memref<1152xi32, #tpu.memory_space<vmem>> -> memref<64xi32, #tpu.memory_space<vmem>>
          %dma_start3A_2237 = arith.constant 0 : i32
          %dma_start3A_2238 = arith.constant 0 : i32
          %dma_start3A_2239 = arith.constant 0 : i32
          %dma_start3A_2240 = tpu.memref_slice %arg2[%dma_start3A_2237, %dma_start3A_2238, %dma_start3A_2239] : memref<10240x2x128xf32, #tpu.memory_space<hbm>> -> memref<10240x2x128xf32, #tpu.memory_space<hbm>>
          tpu.enqueue_indirect_dma source(%dma_start3A_2240 : memref<10240x2x128xf32, #tpu.memory_space<hbm>>) target(%arg8 : memref<64x2x128xf32, #tpu.memory_space<vmem>>) offsets(%dma_start3A_2236 : memref<64xi32, #tpu.memory_space<vmem>>) semaphore(%arg11 : memref<!tpu.dma_semaphore, #tpu.memory_space<semaphore_mem>>)
        } else {
        }
        %dma_wait3A_2192 = arith.constant 0 : i32
        %dma_wait3A_2193 = tpu.memref_slice %arg5[%dma_wait3A_2192] : memref<1152xi32, #tpu.memory_space<vmem>> -> memref<64xi32, #tpu.memory_space<vmem>>
        %dma_wait3A_2194 = arith.constant 0 : i32
        %dma_wait3A_2195 = arith.constant 0 : i32
        %dma_wait3A_2196 = arith.constant 0 : i32
        %dma_wait3A_2197 = tpu.memref_slice %arg2[%dma_wait3A_2194, %dma_wait3A_2195, %dma_wait3A_2196] : memref<10240x2x128xf32, #tpu.memory_space<hbm>> -> memref<10240x2x128xf32, #tpu.memory_space<hbm>>
        tpu.wait_indirect_dma semaphore(%arg12 : memref<!tpu.dma_semaphore, #tpu.memory_space<semaphore_mem>>) src(%dma_wait3A_2197 : memref<10240x2x128xf32, #tpu.memory_space<hbm>>) dst(%arg9 : memref<64x2x128xf32, #tpu.memory_space<vmem>>)
        %add3A_2198 = arith.constant 1 : i32
        %add3A_2199 = arith.addi %mul3A_2142, %add3A_2198 : i32
        %mul3A_2200 = arith.constant 64 : i32
        %mul3A_2201 = arith.muli %add3A_2199, %mul3A_2200 : i32
        %add3A_2202 = arith.constant 0 : i32
        %add3A_2203 = arith.addi %mul3A_2201, %add3A_2202 : i32
        %get3A_2204 = arith.index_cast %add3A_2203 : i32 to index
        %get3A_2205 = tpu.vector_load %arg6[%get3A_2204] {strides = array<i32>} : memref<1152xi32, #tpu.memory_space<vmem>>, vector<16xi32>,
        %swap3A_2206 = arith.constant 0 : index
        %swap3A_2207 = tpu.vector_load %arg7[%swap3A_2206] {strides = array<i32>} : memref<64xi32, #tpu.memory_space<vmem>>, vector<16xi32>,
        tpu.vector_store %arg7[%swap3A_2206], %get3A_2205 {strides = array<i32>} : memref<64xi32, #tpu.memory_space<vmem>>, vector<16xi32>,
        %mul3A_2208 = arith.constant 64 : i32
        %mul3A_2209 = arith.muli %add3A_2199, %mul3A_2208 : i32
        %add3A_2210 = arith.constant 16 : i32
        %add3A_2211 = arith.addi %mul3A_2209, %add3A_2210 : i32
        %get3A_2212 = arith.index_cast %add3A_2211 : i32 to index
        %get3A_2213 = tpu.vector_load %arg6[%get3A_2212] {strides = array<i32>} : memref<1152xi32, #tpu.memory_space<vmem>>, vector<16xi32>,
        %swap3A_2214 = arith.constant 16 : index
        %swap3A_2215 = tpu.vector_load %arg7[%swap3A_2214] {strides = array<i32>} : memref<64xi32, #tpu.memory_space<vmem>>, vector<16xi32>,
        tpu.vector_store %arg7[%swap3A_2214], %get3A_2213 {strides = array<i32>} : memref<64xi32, #tpu.memory_space<vmem>>, vector<16xi32>,
        %mul3A_2216 = arith.constant 64 : i32
        %mul3A_2217 = arith.muli %add3A_2199, %mul3A_2216 : i32
        %add3A_2218 = arith.constant 32 : i32
        %add3A_2219 = arith.addi %mul3A_2217, %add3A_2218 : i32
        %get3A_2220 = arith.index_cast %add3A_2219 : i32 to index
        %get3A_2221 = tpu.vector_load %arg6[%get3A_2220] {strides = array<i32>} : memref<1152xi32, #tpu.memory_space<vmem>>, vector<16xi32>,
        %swap3A_2222 = arith.constant 32 : index
        %swap3A_2223 = tpu.vector_load %arg7[%swap3A_2222] {strides = array<i32>} : memref<64xi32, #tpu.memory_space<vmem>>, vector<16xi32>,
        tpu.vector_store %arg7[%swap3A_2222], %get3A_2221 {strides = array<i32>} : memref<64xi32, #tpu.memory_space<vmem>>, vector<16xi32>,
        %mul3A_2224 = arith.constant 64 : i32
        %mul3A_2225 = arith.muli %add3A_2199, %mul3A_2224 : i32
        %add3A_2226 = arith.constant 48 : i32
        %add3A_2227 = arith.addi %mul3A_2225, %add3A_2226 : i32
        %get3A_2228 = arith.index_cast %add3A_2227 : i32 to index
        %get3A_2229 = tpu.vector_load %arg6[%get3A_2228] {strides = array<i32>} : memref<1152xi32, #tpu.memory_space<vmem>>, vector<16xi32>,
        %swap3A_2230 = arith.constant 48 : index
        %swap3A_2231 = tpu.vector_load %arg7[%swap3A_2230] {strides = array<i32>} : memref<64xi32, #tpu.memory_space<vmem>>, vector<16xi32>,
        tpu.vector_store %arg7[%swap3A_2230], %get3A_2229 {strides = array<i32>} : memref<64xi32, #tpu.memory_space<vmem>>, vector<16xi32>,
        "tpu.region"() ({
          %run_scoped3A_2232 = tpu.sem_alloc : memref<!tpu.dma_semaphore, #tpu.memory_space<semaphore_mem>>
          %dma_start3A_2233 = arith.constant 0 : i32
          %dma_start3A_2234 = arith.constant 0 : i32
          %dma_start3A_2235 = arith.constant 0 : i32
          %dma_start3A_2236 = tpu.memref_slice %arg13[%dma_start3A_2233, %dma_start3A_2234, %dma_start3A_2235] : memref<5376x2x128xf32, #tpu.memory_space<vmem_shared>> -> memref<5376x2x128xf32, #tpu.memory_space<vmem_shared>>
          tpu.enqueue_indirect_dma source(%arg9 : memref<64x2x128xf32, #tpu.memory_space<vmem>>) target(%dma_start3A_2236 : memref<5376x2x128xf32, #tpu.memory_space<vmem_shared>>) offsets(%arg7 : memref<64xi32, #tpu.memory_space<vmem>>) semaphore(%run_scoped3A_2232 : memref<!tpu.dma_semaphore, #tpu.memory_space<semaphore_mem>>) {add = true}
          %dma_wait3A_2237 = arith.constant 0 : i32
          %dma_wait3A_2238 = arith.constant 0 : i32
          %dma_wait3A_2239 = arith.constant 0 : i32
          %dma_wait3A_2240 = tpu.memref_slice %arg13[%dma_wait3A_2237, %dma_wait3A_2238, %dma_wait3A_2239] : memref<5376x2x128xf32, #tpu.memory_space<vmem_shared>> -> memref<5376x2x128xf32, #tpu.memory_space<vmem_shared>>
          tpu.wait_indirect_dma semaphore(%run_scoped3A_2232 : memref<!tpu.dma_semaphore, #tpu.memory_space<semaphore_mem>>) src(%arg9 : memref<64x2x128xf32, #tpu.memory_space<vmem>>) dst(%dma_wait3A_2240 : memref<5376x2x128xf32, #tpu.memory_space<vmem_shared>>)
          tpu.yield
        }) : () -> ()
      }
    } else {
    }
    %barrier3A_2060 = arith.constant 0 : index
    tpu.barrier barrier_id(%barrier3A_2060)
    %mul3A_2061 = arith.constant 320 : i32
    %mul3A_2062 = arith.muli %arg1, %mul3A_2061 : i32
    %mul3A_2063 = arith.constant 5120 : i32
    %mul3A_2064 = arith.muli %arg0, %mul3A_2063 : i32
    %mul3A_2065 = arith.constant 320 : i32
    %mul3A_2066 = arith.muli %arg1, %mul3A_2065 : i32
    %add3A = arith.addi %mul3A_2064, %mul3A_2066 : i32
    "tpu.region"() ({
      %run_scoped3A = tpu.sem_alloc : memref<!tpu.dma_semaphore, #tpu.memory_space<semaphore_mem>>
      %dma_start3A = arith.constant 0 : i32
      %dma_start3A_2067 = arith.constant 0 : i32
      %dma_start3A_2068 = tpu.memref_slice %arg4[%add3A, %dma_start3A, %dma_start3A_2067] : memref<10240x2x128xf32, #tpu.memory_space<hbm>> -> memref<320x2x128xf32, #tpu.memory_space<hbm>>
      %dma_start3A_2069 = arith.constant 0 : i32
      %dma_start3A_2070 = arith.constant 0 : i32
      %dma_start3A_2071 = tpu.memref_slice %arg13[%mul3A_2062, %dma_start3A_2069, %dma_start3A_2070] : memref<5376x2x128xf32, #tpu.memory_space<vmem_shared>> -> memref<320x2x128xf32, #tpu.memory_space<vmem_shared>>
      tpu.enqueue_dma source(%dma_start3A_2071 : memref<320x2x128xf32, #tpu.memory_space<vmem_shared>>) target(%dma_start3A_2068 : memref<320x2x128xf32, #tpu.memory_space<hbm>>) target_semaphore(%run_scoped3A : memref<!tpu.dma_semaphore, #tpu.memory_space<semaphore_mem>>)
      %dma_wait3A = arith.constant 0 : i32
      %dma_wait3A_2072 = arith.constant 0 : i32
      %dma_wait3A_2073 = tpu.memref_slice %arg4[%add3A, %dma_wait3A, %dma_wait3A_2072] : memref<10240x2x128xf32, #tpu.memory_space<hbm>> -> memref<320x2x128xf32, #tpu.memory_space<hbm>>
      %dma_wait3A_2074 = arith.constant 0 : i32
      %dma_wait3A_2075 = arith.constant 0 : i32
      %dma_wait3A_2076 = tpu.memref_slice %arg13[%mul3A_2062, %dma_wait3A_2074, %dma_wait3A_2075] : memref<5376x2x128xf32, #tpu.memory_space<vmem_shared>> -> memref<320x2x128xf32, #tpu.memory_space<vmem_shared>>
      tpu.wait_dma2 semaphore(%run_scoped3A : memref<!tpu.dma_semaphore, #tpu.memory_space<semaphore_mem>>) src(%dma_wait3A_2076 : memref<320x2x128xf32, #tpu.memory_space<vmem_shared>>) dst(%dma_wait3A_2073 : memref<320x2x128xf32, #tpu.memory_space<hbm>>)
      tpu.yield
    }) : () -> ()
    return
  }
}

module attributes {stable_mosaic.version = 14 : i64} {
  func.func @_gcn_mm_body(%arg0: memref<10000x256xf32, #tpu.memory_space<vmem>>, %arg1: memref<256x256xf32, #tpu.memory_space<vmem>>, %arg2: memref<10240x1xf32, #tpu.memory_space<vmem>>, %arg3: memref<10240x1xf32, #tpu.memory_space<vmem>>, %arg4: memref<10240x256xf32, #tpu.memory_space<vmem>>, %arg5: memref<10240x256xf32, #tpu.memory_space<vmem>>) attributes {dimension_semantics = [], scalar_prefetch = 0 : i64, scratch_operands = 0 : i64, tpu.core_type = #tpu.core_type<tc>} {
    %get3A = arith.constant 0 : index
    %get3A_0 = arith.constant 0 : index
    %get3A_1 = vector.load %arg0[%get3A, %get3A_0] : memref<10000x256xf32, #tpu.memory_space<vmem>>, vector<10000x256xf32>
    %get3A_2 = arith.constant 0 : index
    %get3A_3 = arith.constant 0 : index
    %get3A_4 = vector.load %arg1[%get3A_2, %get3A_3] : memref<256x256xf32, #tpu.memory_space<vmem>>, vector<256x256xf32>
    %dot_general3A = arith.constant dense<0.000000e+00> : vector<10000x256xf32>
    %dot_general3A_5 = tpu.matmul %get3A_1, %get3A_4, %dot_general3A {dimension_numbers = #tpu.dot_dimension_numbers<[1], [0], [0], [1], [0, 0, 1, 1], [], []>, transpose_lhs_hint = false} : vector<10000x256xf32>, vector<256x256xf32>, vector<10000x256xf32> -> vector<10000x256xf32>
    %get3A_6 = arith.constant 0 : index
    %get3A_7 = arith.constant 0 : index
    %get3A_8 = vector.load %arg2[%get3A_6, %get3A_7] : memref<10240x1xf32, #tpu.memory_space<vmem>>, vector<10240x1xf32>
    %get3A_9 = arith.constant 0 : index
    %get3A_10 = arith.constant 0 : index
    %get3A_11 = vector.load %arg3[%get3A_9, %get3A_10] : memref<10240x1xf32, #tpu.memory_space<vmem>>, vector<10240x1xf32>
    %add3A = arith.addf %get3A_8, %get3A_11 : vector<10240x1xf32>
    %add3A_12 = arith.constant 1.000000e+00 : f32
    %add3A_13 = vector.broadcast %add3A_12 : f32 to vector<10240x1xf32>
    %add3A_14 = arith.addf %add3A, %add3A_13 : vector<10240x1xf32>
    %rsqrt3A = math.rsqrt %add3A_14 : vector<10240x1xf32>
    %broadcast_in_dim3A = arith.constant 0.000000e+00 : f32
    %broadcast_in_dim3A_15 = vector.broadcast %broadcast_in_dim3A : f32 to vector<240x256xf32>
    %concatenate3A = tpu.concatenate %dot_general3A_5, %broadcast_in_dim3A_15 in 0 : vector<10000x256xf32>, vector<240x256xf32> -> vector<10240x256xf32>
    %swap3A = arith.constant 0 : index
    %swap3A_16 = arith.constant 0 : index
    %swap3A_17 = vector.load %arg4[%swap3A, %swap3A_16] : memref<10240x256xf32, #tpu.memory_space<vmem>>, vector<10240x256xf32>
    tpu.vector_store %arg4[%swap3A, %swap3A_16], %concatenate3A {strides = array<i32>} : memref<10240x256xf32, #tpu.memory_space<vmem>>, vector<10240x256xf32>,
    %slice3A = vector.extract_strided_slice %rsqrt3A {offsets = [0, 0], sizes = [10000, 1], strides = [1, 1]} : vector<10240x1xf32> to vector<10000x1xf32>
    %mul3A = vector.broadcast %slice3A : vector<10000x1xf32> to vector<10000x256xf32>
    %mul3A_18 = arith.mulf %dot_general3A_5, %mul3A : vector<10000x256xf32>
    %concatenate3A_19 = tpu.concatenate %mul3A_18, %broadcast_in_dim3A_15 in 0 : vector<10000x256xf32>, vector<240x256xf32> -> vector<10240x256xf32>
    %swap3A_20 = arith.constant 0 : index
    %swap3A_21 = arith.constant 0 : index
    %swap3A_22 = vector.load %arg5[%swap3A_20, %swap3A_21] : memref<10240x256xf32, #tpu.memory_space<vmem>>, vector<10240x256xf32>
    tpu.vector_store %arg5[%swap3A_20, %swap3A_21], %concatenate3A_19 {strides = array<i32>} : memref<10240x256xf32, #tpu.memory_space<vmem>>, vector<10240x256xf32>,
    return
  }
}

module attributes {stable_mosaic.version = 14 : i64} {
  func.func @_mlp1_body(%arg0: memref<10240x256xf32, #tpu.memory_space<vmem>>, %arg1: memref<10240x256xf32, #tpu.memory_space<vmem>>, %arg2: memref<10240x1xf32, #tpu.memory_space<vmem>>, %arg3: memref<10240x1xf32, #tpu.memory_space<vmem>>, %arg4: memref<1x256xf32, #tpu.memory_space<vmem>>, %arg5: memref<256x50xf32, #tpu.memory_space<vmem>>, %arg6: memref<1x50xf32, #tpu.memory_space<vmem>>, %arg7: memref<10240x50xf32, #tpu.memory_space<vmem>>) attributes {dimension_semantics = [], scalar_prefetch = 0 : i64, scratch_operands = 0 : i64, tpu.core_type = #tpu.core_type<tc>} {
    %get3A = arith.constant 0 : index
    %get3A_0 = arith.constant 0 : index
    %get3A_1 = vector.load %arg2[%get3A, %get3A_0] : memref<10240x1xf32, #tpu.memory_space<vmem>>, vector<10240x1xf32>
    %get3A_2 = arith.constant 0 : index
    %get3A_3 = arith.constant 0 : index
    %get3A_4 = vector.load %arg3[%get3A_2, %get3A_3] : memref<10240x1xf32, #tpu.memory_space<vmem>>, vector<10240x1xf32>
    %add3A = arith.addf %get3A_1, %get3A_4 : vector<10240x1xf32>
    %add3A_5 = arith.constant 1.000000e+00 : f32
    %add3A_6 = vector.broadcast %add3A_5 : f32 to vector<10240x1xf32>
    %add3A_7 = arith.addf %add3A, %add3A_6 : vector<10240x1xf32>
    %rsqrt3A = math.rsqrt %add3A_7 : vector<10240x1xf32>
    %get3A_8 = arith.constant 0 : index
    %get3A_9 = arith.constant 0 : index
    %get3A_10 = vector.load %arg0[%get3A_8, %get3A_9] : memref<10240x256xf32, #tpu.memory_space<vmem>>, vector<10240x256xf32>
    %mul3A = vector.broadcast %rsqrt3A : vector<10240x1xf32> to vector<10240x256xf32>
    %mul3A_11 = arith.mulf %mul3A, %get3A_10 : vector<10240x256xf32>
    %mul3A_12 = arith.mulf %rsqrt3A, %rsqrt3A : vector<10240x1xf32>
    %get3A_13 = arith.constant 0 : index
    %get3A_14 = arith.constant 0 : index
    %get3A_15 = vector.load %arg1[%get3A_13, %get3A_14] : memref<10240x256xf32, #tpu.memory_space<vmem>>, vector<10240x256xf32>
    %mul3A_16 = vector.broadcast %mul3A_12 : vector<10240x1xf32> to vector<10240x256xf32>
    %mul3A_17 = arith.mulf %mul3A_16, %get3A_15 : vector<10240x256xf32>
    %add3A_18 = arith.addf %mul3A_11, %mul3A_17 : vector<10240x256xf32>
    %get3A_19 = arith.constant 0 : index
    %get3A_20 = arith.constant 0 : index
    %get3A_21 = vector.load %arg4[%get3A_19, %get3A_20] : memref<1x256xf32, #tpu.memory_space<vmem>>, vector<1x256xf32>
    %add3A_22 = vector.broadcast %get3A_21 : vector<1x256xf32> to vector<10240x256xf32>
    %add3A_23 = arith.addf %add3A_18, %add3A_22 : vector<10240x256xf32>
    %get3A_24 = arith.constant 0 : index
    %get3A_25 = arith.constant 0 : index
    %get3A_26 = vector.load %arg5[%get3A_24, %get3A_25] : memref<256x50xf32, #tpu.memory_space<vmem>>, vector<256x50xf32>
    %dot_general3A = arith.constant dense<0.000000e+00> : vector<10240x50xf32>
    %dot_general3A_27 = tpu.matmul %add3A_23, %get3A_26, %dot_general3A {dimension_numbers = #tpu.dot_dimension_numbers<[1], [0], [0], [1], [0, 0, 1, 1], [], []>, transpose_lhs_hint = false} : vector<10240x256xf32>, vector<256x50xf32>, vector<10240x50xf32> -> vector<10240x50xf32>
    %get3A_28 = arith.constant 0 : index
    %get3A_29 = arith.constant 0 : index
    %get3A_30 = vector.load %arg6[%get3A_28, %get3A_29] : memref<1x50xf32, #tpu.memory_space<vmem>>, vector<1x50xf32>
    %add3A_31 = vector.broadcast %get3A_30 : vector<1x50xf32> to vector<10240x50xf32>
    %add3A_32 = arith.addf %dot_general3A_27, %add3A_31 : vector<10240x50xf32>
    %max3A = arith.constant 0.000000e+00 : f32
    %max3A_33 = vector.broadcast %max3A : f32 to vector<10240x50xf32>
    %max3A_34 = arith.maximumf %add3A_32, %max3A_33 : vector<10240x50xf32>
    %swap3A = arith.constant 0 : index
    %swap3A_35 = arith.constant 0 : index
    %swap3A_36 = vector.load %arg7[%swap3A, %swap3A_35] : memref<10240x50xf32, #tpu.memory_space<vmem>>, vector<10240x50xf32>
    tpu.vector_store %arg7[%swap3A, %swap3A_35], %max3A_34 {strides = array<i32>} : memref<10240x50xf32, #tpu.memory_space<vmem>>, vector<10240x50xf32>,
    return
  }
}

module attributes {stable_mosaic.version = 14 : i64} {
  func.func @_mlp2_body(%arg0: memref<200x2500xf32, #tpu.memory_space<vmem>>, %arg1: memref<2500x2500xf32, #tpu.memory_space<vmem>>, %arg2: memref<1x2500xf32, #tpu.memory_space<vmem>>, %arg3: memref<200x2500xf32, #tpu.memory_space<vmem>>) attributes {dimension_semantics = [], scalar_prefetch = 0 : i64, scratch_operands = 0 : i64, tpu.core_type = #tpu.core_type<tc>} {
    %get3A = arith.constant 0 : index
    %get3A_0 = arith.constant 0 : index
    %get3A_1 = vector.load %arg0[%get3A, %get3A_0] : memref<200x2500xf32, #tpu.memory_space<vmem>>, vector<200x2500xf32>
    %get3A_2 = arith.constant 0 : index
    %get3A_3 = arith.constant 0 : index
    %get3A_4 = vector.load %arg1[%get3A_2, %get3A_3] : memref<2500x2500xf32, #tpu.memory_space<vmem>>, vector<2500x2500xf32>
    %dot_general3A = arith.constant dense<0.000000e+00> : vector<200x2500xf32>
    %dot_general3A_5 = tpu.matmul %get3A_1, %get3A_4, %dot_general3A {dimension_numbers = #tpu.dot_dimension_numbers<[1], [0], [0], [1], [0, 0, 1, 1], [], []>, transpose_lhs_hint = false} : vector<200x2500xf32>, vector<2500x2500xf32>, vector<200x2500xf32> -> vector<200x2500xf32>
    %get3A_6 = arith.constant 0 : index
    %get3A_7 = arith.constant 0 : index
    %get3A_8 = vector.load %arg2[%get3A_6, %get3A_7] : memref<1x2500xf32, #tpu.memory_space<vmem>>, vector<1x2500xf32>
    %add3A = vector.broadcast %get3A_8 : vector<1x2500xf32> to vector<200x2500xf32>
    %add3A_9 = arith.addf %dot_general3A_5, %add3A : vector<200x2500xf32>
    %swap3A = arith.constant 0 : index
    %swap3A_10 = arith.constant 0 : index
    %swap3A_11 = vector.load %arg3[%swap3A, %swap3A_10] : memref<200x2500xf32, #tpu.memory_space<vmem>>, vector<200x2500xf32>
    tpu.vector_store %arg3[%swap3A, %swap3A_10], %add3A_9 {strides = array<i32>} : memref<200x2500xf32, #tpu.memory_space<vmem>>, vector<200x2500xf32>,
    return
  }
}

</mosaic_0001>

<sc_bundles>
// kernel: kernel.10.cloned.1.call-start
scs
__scs_entry_jumppad:
0x0: {  	(pc) =	sbr.rel $0x88, $3  }
0x1: {  	(tag) =	ssettag $0x0;
	lr =	simm.s32 $0x1  }
0x2: {  	[smem:$0x3F99] =	sst lr;
	_ =	strace $0xD0000000  }
0x3: {  	_ = 	snop  }
0x4: {  	_ = 	snop  }
0x5: {  	_ = 	snop  }
0x6: {  	_ = 	snop  }
0x7: {  	_ = 	snop  }
__scs_overlays_trampoline_lowered:
0x8: {  	[smem:$0x3FA8] =	sst s0  }
0x9: {  	[smem:$0x3FA9] =	sst s1  }
0xa: {  	[smem:$0x3FAA] =	sst s2  }
0xb: {  	[smem:$0x3FAB] =	sst s3  }
0xc: {  	[smem:$0x3FAC] =	sst s4  }
0xd: {  	[smem:$0x3FAD] =	sst s5  }
0xe: {  	[smem:$0x3FAE] =	sst s6  }
0xf: {  	[smem:$0x3FAF] =	sst s7  }
0x10: {  	[smem:$0x3FB0] =	sst s8  }
0x11: {  	[smem:$0x3FB1] =	sst s9;
	s0 =	simm.s32 @!p0 $0x0  }
0x12: {  	s1 =	sld [smem:$0x3F97];
	s0 =	simm.s32 @p0 $0x1  }
0x13: {  	[smem:$0x3FB2] =	sst s0;
	s0 =	simm.s32 @!p1 $0x0  }
0x14: {  	s2 =	sld [smem:$0x3F96];
	s0 =	simm.s32 @p1 $0x1  }
0x15: {  	[smem:$0x3FB3] =	sst s0;
	s0 =	simm.s32 @!p2 $0x0  }
0x16: {  	s3 =	sld [smem:$0x3FDB];
	s0 =	simm.s32 @p2 $0x1  }
0x17: {  	s4 =	simm.s32 $0x1BF5;
	[smem:$0x3FB5] =	sst s0  }
0x18: {  	s0 =	sld [smem:$0x3F98];
	_ =	swait.ge [sflag:s4], $0x0  }
0x19: {  	s7 =	sld [smem:$0x3F99]  }
0x1a: {  	s8 =	sadd.s32 $0xFFFFE003, lr  }
0x1b: {  	s9 =	sadd.s32 $0xFFFFFEF7, lr;
	s5 =	simm.s32 $0xFFFFFFFF;
	p2 =	slt.u32 s8, $0xFFFFF086  }
0x1c: {  	p1 =	slt.u32 s9, $0xF7A;
	s5 =	simm.s32 @!p2 $0x0  }
0x1d: {  	s5 =	simm.s32 @p1 $0x1;
	p0 =	seq.s32 s7, s2  }
0x1e: {  	s7 =	smul.u32 @!p0 $0xF7A, s2;
	p2 =	seq.s32 @!p0 s5, $0x0  }
0x1f: {  	s9 =	smul.u32 $0xF7A, s1;
	s8 =	simm.s32 @!p0 $0x1BF5;
	p2 =	por !p2, p0  }
0x20: {  	[sflag:s8] =	ssyncset.s32 @!p0 $0xFFFFF086;
	s6 =	sadd.s32 @!p0 s3, s7;
	s7 =	simm.s32 @!p0 $0x108  }
0x21: {  	s3 =	sadd.s32 s3, s9;
	s6 =	sadd.s32 @!p0 $0x88, s6;
	s7 =	simm.s32 @p2 $0x1082  }
0x22: {  	[simem:s7], [sflag:s8] =	dma.local @!p0 [hbm:s6], $0xF7A  }
0x23: {  	s9 =	sor.u32 $0xD0000000, s2;
	s6 =	simm.s32 $0x108;
	_ =	swait.ge @!p0 [sflag:s8], $0x0  }
0x24: {  	s3 =	sadd.s32 $0x88, s3;
	s6 =	simm.s32 @!p1 $0x1082;
	[sflag:s4] =	ssyncset.s32 $0xFFFFF086  }
0x25: {  	[simem:s6], [sflag:s4] =	dma.local [hbm:s3], $0xF7A  }
0x26: {  	[smem:$0x3F99] =	sst s1;
	(tag) =	ssettag s2;
	_ =	strace s9  }
0x27: {  	s1 =	sld [smem:$0x3FA9]  }
0x28: {  	s2 =	sld [smem:$0x3FAA]  }
0x29: {  	s4 =	sld [smem:$0x3FAC]  }
0x2a: {  	p0 =	seq.s32 s5, $0x0;
	s5 =	sld [smem:$0x3FAD]  }
0x2b: {  	s6 =	sld [smem:$0x3FAE]  }
0x2c: {  	s7 =	sld [smem:$0x3FAF]  }
0x2d: {  	s3 =	simm.s32 $0x108;
	s8 =	sld [smem:$0x3FB0]  }
0x2e: {  	s3 =	simm.s32 @!p0 $0x1082;
	s9 =	sld [smem:$0x3FB1]  }
0x2f: {  	lr =	sadd.s32 s0, s3;
	s0 =	sld [smem:$0x3FA8]  }
0x30: {  	s3 =	sld [smem:$0x3FAB]  }
0x31: {  	[smem:$0x3FB4] =	sst s10  }
0x32: {  	s10 =	sld [smem:$0x3FB2];
	_ =	sdelay $0x3  }
0x33: {  	p0 =	seq.s32 s10, $0x1;
	s10 =	sld [smem:$0x3FB4];
	_ =	sdelay $0x3  }
0x34: {  	[smem:$0x3FB4] =	sst s10  }
0x35: {  	s10 =	sld [smem:$0x3FB3];
	_ =	sdelay $0x3  }
0x36: {  	p1 =	seq.s32 s10, $0x1;
	s10 =	sld [smem:$0x3FB4];
	_ =	sdelay $0x3  }
0x37: {  	[smem:$0x3FB4] =	sst s10  }
0x38: {  	s10 =	sld [smem:$0x3FB5]  }
0x39: {  	_ = 	snop;
	(pc) =	sbr.ind lr, $3  }
0x3a: {  	_ = 	snop  }
0x3b: {  	_ = 	snop  }
0x3c: {  	p2 =	seq.s32 s10, $0x1;
	s10 =	sld [smem:$0x3FB4]  }
0x3d: {  	_ =	shalt  }
0x3e: {  	_ =	shalt  }
0x3f: {  	_ =	shalt  }
0x40: {  	_ =	shalt  }
0x41: {  	_ =	shalt  }
0x42: {  	_ =	shalt  }
0x43: {  	_ =	shalt  }
0x44: {  	_ =	shalt  }
0x45: {  	_ =	shalt  }
0x46: {  	_ =	shalt  }
0x47: {  	_ =	shalt  }
0x48: {  	_ =	shalt  }
0x49: {  	_ =	shalt  }
0x4a: {  	_ =	shalt  }
0x4b: {  	_ =	shalt  }
0x4c: {  	_ =	shalt  }
0x4d: {  	_ =	shalt  }
0x4e: {  	_ =	shalt  }
0x4f: {  	_ =	shalt  }
0x50: {  	_ =	shalt  }
0x51: {  	_ =	shalt  }
0x52: {  	_ =	shalt  }
0x53: {  	_ =	shalt  }
0x54: {  	_ =	shalt  }
0x55: {  	_ =	shalt  }
0x56: {  	_ =	shalt  }
0x57: {  	_ =	shalt  }
0x58: {  	_ =	shalt  }
0x59: {  	_ =	shalt  }
0x5a: {  	_ =	shalt  }
0x5b: {  	_ =	shalt  }
0x5c: {  	_ =	shalt  }
0x5d: {  	_ =	shalt  }
0x5e: {  	_ =	shalt  }
0x5f: {  	_ =	shalt  }
0x60: {  	_ =	shalt  }
0x61: {  	_ =	shalt  }
0x62: {  	_ =	shalt  }
0x63: {  	_ =	shalt  }
0x64: {  	_ =	shalt  }
0x65: {  	_ =	shalt  }
0x66: {  	_ =	shalt  }
0x67: {  	_ =	shalt  }
0x68: {  	_ =	shalt  }
0x69: {  	_ =	shalt  }
0x6a: {  	_ =	shalt  }
0x6b: {  	_ =	shalt  }
0x6c: {  	_ =	shalt  }
0x6d: {  	_ =	shalt  }
0x6e: {  	_ =	shalt  }
0x6f: {  	_ =	shalt  }
0x70: {  	_ =	shalt  }
0x71: {  	_ =	shalt  }
0x72: {  	_ =	shalt  }
0x73: {  	_ =	shalt  }
0x74: {  	_ =	shalt  }
0x75: {  	_ =	shalt  }
0x76: {  	_ =	shalt  }
0x77: {  	_ =	shalt  }
0x78: {  	_ =	shalt  }
0x79: {  	_ =	shalt  }
0x7a: {  	_ =	shalt  }
0x7b: {  	_ =	shalt  }
0x7c: {  	_ =	shalt  }
0x7d: {  	_ =	shalt  }
0x7e: {  	_ =	shalt  }
0x7f: {  	_ =	shalt  }
0x80: {  	_ =	shalt  }
0x81: {  	_ =	shalt  }
0x82: {  	_ =	shalt  }
0x83: {  	_ =	shalt  }
0x84: {  	_ =	shalt  }
0x85: {  	_ =	shalt  }
0x86: {  	_ =	shalt  }
0x87: {  	_ =	shalt  }
.Lfunc_end0:
.L_simem_size_0:
called_computation.1_lowered:
.L_overlay_start_0:
0x88: {  	s2 =	sld [smem:$0x3FD9]  }
0x89: {  	s3 =	sld [smem:$0x3FFE];
	_ =	sdelay $0x1  }
0x8a: {  	s1 =	srdreg.scid  }
0x8b: {  	s0 =	sand.u32 $0x1, s1  }
0x8c: {  	s17 =	sshll.u32 s0, $0xA;
	s2 =	sadd.s32 s3, s2  }
0x8d: {  	s2 =	sadd.s32 s2, s17  }
0x8e: {  	[smem:$0x3FC0] =	sst s2  }
0x8f: {  	_ = 	snop  }
0x90: {  	s2 =	sld [smem:$0x3FC8];
	(tm) =	ssettm $0x1  }
0x91: {  	s18 =	sld [smem:$0x3FFB];
	_ =	sdelay $0x3  }
0x92: {  	_ =	strace s18  }
0x93: {  	s3 =	sld [smem:$0x3FFC];
	_ =	sdelay $0x3  }
0x94: {  	_ =	strace s3  }
0x95: {  	s3 =	sld [smem:$0x3FFD];
	_ =	sdelay $0x3  }
0x96: {  	_ =	strace s3  }
0x97: {  	_ =	strace $0x8FFFFFFF  }
0x98: {  	s19 =	sld [smem:$0x3FDB];
	_ =	sdelay $0x1  }
0x99: {  	s4 =	simm.s32 $_scs_section_size  }
0x9a: {  	s5 =	simm.s32 $_size__tile_overlayer_lowered;
	s6 =	simm.s32 $_tile_overlayer_lowered  }
0x9b: {  	s22 =	simm.s32 $0x1BFF;
	s21 =	sshll.u32 s6, $0x1;
	s3 =	sadd.s32 s4, s19  }
0x9c: {  	s7 =	simm.s32 $0x0;
	s20 =	sshll.u32 s5, $0x1;
	s5 =	sadd.s32 s21, s3  }
0x9d: {  	[timem:s7], [sflag:s22] =	dma.local [hbm:s5], s20  }
0x9e: {  	_ =	swait.ge [sflag:s22], s20  }
0x9f: {  	s4 =	ssub.s32 $0x0, s20;
	[sflag:s22] =	ssyncset.done $0x0  }
0xa0: {  	[sflag:s22] =	ssyncadd.s32 s4;
	_ =	sdelay $0x1  }
0xa1: {  	s23 =	simm.s32 $0x1B8B  }
0xa2: {  	_ =	swait.ge [sflag:s23], $0x1  }
0xa3: {  	[sflag:s23] =	ssyncset.done $0x0  }
0xa4: {  	s25 =	simm.s32 $0x1B8E;
	s24 =	sld [smem:$0x3FFE];
	[sflag:s23] =	ssyncadd.s32 $0xFFFFFFFF  }
0xa5: {  	s26 =	simm.s32 $execute0_lowered;
	[smem:$0x3FD2] =	sst s25  }
0xa6: {  	s5 =	sshll.u32 s26, $0x1;
	_ =	strace $0x80000049;
	[dreg:$0x1] =	wrdreg $0xFFFFFFFF  }
0xa7: {  	s28 =	simm.s32 $_size_execute0_lowered;
	s3 =	sadd.s32 s3, s5;
	[dreg:$0x0] =	wrdreg $0x0  }
0xa8: {  	s5 =	sshll.u32 s28, $0x1;
	[dreg:$0x2] =	wrdreg s3  }
0xa9: {  	[dreg:$0x3] =	wrdreg s5  }
0xaa: {  	[dreg:$0x4] =	wrdreg $0xC0  }
0xab: {  	_ =	task [dreg:s7], $0x5FFFF  }
0xac: {  	[dreg:$0x1] =	wrdreg $0xFFFFFFFF  }
0xad: {  	[dreg:$0x0] =	wrdreg $0x60  }
0xae: {  	[dreg:$0x2] =	wrdreg s24  }
0xaf: {  	[dreg:$0x3] =	wrdreg s2  }
0xb0: {  	[dreg:$0x4] =	wrdreg $0x99800  }
0xb1: {  	[dreg:$0x5] =	wrdreg $0x9  }
0xb2: {  	_ =	task.clear_ibuf [dreg:s7], $0x6FFFF;
	_ =	strace $0x90000049  }
0xb3: {  	s29 =	simm.s32 $0x9;
	_ =	strace $0x8000004B  }
0xb4: {  	_ =	swait.ge [sflag:s29], $0x1  }
0xb5: {  	[sflag:s29] =	ssyncadd.s32 $0xFFFFFFFF  }
0xb6: {  	_ =	strace $0x9000004B  }
0xb7: {  	_ =	sfence  }
0xb8: {  	s30 =	sld [smem:$0x0];
	_ =	sdelay $0x2  }
0xb9: {  	s31 =	sshll.u32 s1, $0xD;
	s1 =	sshrl.u32 s1, $0x2  }
0xba: {  	s3 =	sand.u32 $0x4000, s31;
	s1 =	sadd.s32 s1, s30  }
0xbb: {  	s0 =	sor.u32 s3, s0;
	s1 =	sshll.u32 s1, $0x11  }
0xbc: {  	s0 =	sor.u32 s1, s0  }
0xbd: {  	s0 =	sadd.s32 $0x8F2B, s0  }
0xbe: {  	[sflag:s0] =	ssyncadd.remote.s32 $0x1  }
0xbf: {  	_ =	sfence.sel $0xFFFF  }
0xc0: {  	[dreg:$0x0] =	wrdreg $0xFFFFFFFF;
	(pc) =	sbr.abs _section_cstart, $3  }
0xc1: {  	[dreg:$0x1] =	wrdreg $0xFFFFFFFF  }
0xc2: {  	_ =	task.clear_ibuf [dreg:s7], $0x2FFFF;
	_ =	strace $0x9FFFFFFF  }
0xc3: {  	(tm) =	ssettm $0x7FFFFFFF  }
tec
execute0_lowered:
.L_overlay_start_1:
0x0: {  	(tag) =	ssettag $0x1  }
0x1: {  	s0 =	rddreg [dreg:$0x0]  }
0x2: {  	s2 =	rddreg [dreg:$0x1]  }
0x3: {  	s1 =	srdreg.scid;
	s3 =	rddreg [dreg:$0x2]  }
0x4: {  	s4 =	simm.s32 $0x0;
	s5 =	sand.u32 $0x1, s1;
	s1 =	stileid.u32  }
0x5: {  	[smem:$0x7FF] =	sst s4;
	s14 =	smul.u32 $0x1400, s5  }
0x6: {  	s10 =	sadd.s32 $0x9C00, s2;
	s28 =	sadd.s32 $0x9C10, s2;
	s6 =	smul.u32 $0x140, s1  }
0x7: {  	_ =	strace $0x8000004A;
	s7 =	ssub.s32 $0x2, s5;
	s8 =	smul.u32 $0x54000, s1  }
0x8: {  	s5 =	sadd.s32 $0xA1C00, s0;
	s26 =	smul.u32 $0x50000, s1;
	[dreg:$0x4] =	wrdreg s10  }
0x9: {  	[dreg:$0x5] =	wrdreg s28;
	s24 =	sshrl.u32 s7, $0x1;
	s6 =	sadd.s32 s6, s14  }
0xa: {  	s9 =	ssub.s32 s7, s24;
	s25 =	sshrl.u32 s8, $0x2;
	s8 =	sshrl.u32 s26, $0x2  }
0xb: {  	s6 =	sshll.u32 s6, $0x5;
	s8 =	sadd.s32 s8, s3;
	s9 =	smax.u32 s9, $0x1  }
0xc: {  	s0 =	sadd.s32 s6, s0;
	[dreg:$0x7] =	wrdreg s9;
	s23 =	sshrl.u32 s8, $0x3  }
0xd: {  	s6 =	sadd.s32 s25, s3;
	s0 =	sadd.s32 $0x1C00, s0;
	[dreg:$0x13] =	wrdreg s23  }
0xe: {  	s10 =	sadd.s32 $0x1000, s6;
	[dreg:$0x6] =	wrdreg s0  }
0xf: {  	s11 =	sadd.s32 $0x2000, s6;
	[dreg:$0x8] =	wrdreg s10  }
0x10: {  	s12 =	sadd.s32 $0x3000, s6;
	[dreg:$0x9] =	wrdreg s11  }
0x11: {  	s13 =	sadd.s32 $0x4000, s6;
	[dreg:$0xa] =	wrdreg s12  }
0x12: {  	s16 =	sadd.s32 $0x5000, s6;
	[dreg:$0xb] =	wrdreg s13  }
0x13: {  	s17 =	sadd.s32 $0x6000, s6;
	[dreg:$0xc] =	wrdreg s16  }
0x14: {  	p0 =	sne.s32 s1, $0xC;
	s18 =	sadd.s32 $0x7000, s6;
	[dreg:$0xd] =	wrdreg s17  }
0x15: {  	s7 =	sadd.s32 $0x10, s2;
	s19 =	sadd.s32 $0x8000, s6;
	[dreg:$0xe] =	wrdreg s18  }
0x16: {  	s15 =	sadd.s32 $0x1400, s14;
	s20 =	sadd.s32 $0x9000, s6;
	[dreg:$0xf] =	wrdreg s19  }
0x17: {  	v0 =	vmov s14;
	s14 =	simm.s32 $0x1;
	s21 =	sadd.s32 $0xA000, s6;
	[dreg:$0x10] =	wrdreg s20  }
0x18: {  	v1 =	vmov s15;
	s15 =	simm.s32 $0x980;
	s22 =	sadd.s32 $0xB000, s6;
	[dreg:$0x11] =	wrdreg s21  }
0x19: {  	s9 =	simm.s32 $0x8980;
	s24 =	sadd.s32 $0xC000, s6;
	[dreg:$0x12] =	wrdreg s22  }
0x1a: {  	s25 =	sadd.s32 $0xD000, s6;
	s26 =	sadd.s32 $0xE000, s6;
	[dreg:$0x14] =	wrdreg s24  }
0x1b: {  	s28 =	sadd.s32 $0xF000, s6;
	s29 =	sadd.s32 $0x10000, s6;
	[dreg:$0x15] =	wrdreg s25  }
.Ltmp0:
0x1c: {  	s30 =	sadd.s32 $0x11000, s6;
	[dreg:$0x16] =	wrdreg s26;
	(pc) =	sbr.rel .LBB2_1-.Ltmp0, $4  }
0x1d: {  	s31 =	sadd.s32 $0x12000, s6;
	s8 =	sadd.s32 $0x14000, s6;
	[dreg:$0x17] =	wrdreg s28  }
0x1e: {  	s0 =	sadd.s32 $0x13000, s6;
	s10 =	simm.s32 $0x3;
	s11 =	simm.s32 $0x80  }
0x1f: {  	v4 =	vlaneseq.u32;
	s12 =	simm.s32 $0x100;
	s13 =	simm.s32 $0x480;
	s16 =	simm.s32 $0x40  }
0x20: {  	v2 =	vimm.f32 $0.0e+00;
	v3 =	vor.u32 $0x2710, v4;
	v4 =	vor.u32 $0x1400, v4;
	s17 =	simm.s32 $0x4980;
	s18 =	simm.s32 $0x900;
	s19 =	simm.s32 $0x2  }
.LBB2_20:
0x21: {  	[sflag:s10] =	ssyncset.done $0x0  }
0x22: {  	[sflag:s10] =	ssyncadd.s32 $0xFFFFC000  }
.LBB2_21:
0x23: {  	[bflag:$0x0] =	sbarrier.arrive $0xFFFF  }
0x24: {  	s20 =	sshll.u32 s1, $0x6;
	s21 =	rddreg [dreg:$0x6]  }
0x25: {  	s20 =	sor.u32 $0x1C03, s20;
	s22 =	rddreg [dreg:$0x13]  }
0x26: {  	[hbm:s21], [sflag:s20] =	dma.local [spmem:s22], $0x2800  }
0x27: {  	_ =	swait.ge [sflag:s10], $0x2800  }
0x28: {  	s4 =	sadd.s32 $0x1, s4;
	s28 =	rddreg [dreg:$0x7]  }
0x29: {  	p1 =	sne.s32 s4, s28  }
.Ltmp1:
0x2a: {  	_ = 	snop;
	(pc) =	sbr.rel @!p1 .LBB2_22-.Ltmp1, $3  }
0x2b: {  	_ =	sdelay $0x1  }
0x2c: {  	[sflag:s10] =	ssyncset.done $0x0  }
0x2d: {  	[sflag:s10] =	ssyncadd.s32 $0xFFFFD800  }
.LBB2_1:
0x2e: {  	[tilespmem:$0x8980] =	vst v2  }
0x2f: {  	[tilespmem:$0x8990] =	vst v2  }
0x30: {  	[tilespmem:$0x89A0] =	vst v2  }
0x31: {  	[tilespmem:$0x89B0] =	vst v2  }
0x32: {  	[tilespmem:$0x89C0] =	vst v2  }
0x33: {  	[tilespmem:$0x89D0] =	vst v2  }
0x34: {  	[tilespmem:$0x89E0] =	vst v2  }
0x35: {  	[tilespmem:$0x89F0] =	vst v2  }
0x36: {  	[tilespmem:$0x8A00] =	vst v2  }
0x37: {  	[tilespmem:$0x8A10] =	vst v2  }
0x38: {  	[tilespmem:$0x8A20] =	vst v2  }
0x39: {  	[tilespmem:$0x8A30] =	vst v2  }
0x3a: {  	[tilespmem:$0x8A40] =	vst v2  }
0x3b: {  	[tilespmem:$0x8A50] =	vst v2  }
0x3c: {  	[tilespmem:$0x8A60] =	vst v2  }
0x3d: {  	[tilespmem:$0x8A70] =	vst v2  }
0x3e: {  	[tilespmem:$0x8A80] =	vst v2  }
0x3f: {  	[tilespmem:$0x8A90] =	vst v2  }
0x40: {  	[tilespmem:$0x8AA0] =	vst v2  }
0x41: {  	[tilespmem:$0x8AB0] =	vst v2  }
0x42: {  	[tilespmem:$0x8AC0] =	vst v2  }
0x43: {  	[tilespmem:$0x8AD0] =	vst v2  }
0x44: {  	[tilespmem:$0x8AE0] =	vst v2  }
0x45: {  	[tilespmem:$0x8AF0] =	vst v2  }
0x46: {  	[tilespmem:$0x8B00] =	vst v2  }
0x47: {  	[tilespmem:$0x8B10] =	vst v2  }
0x48: {  	[tilespmem:$0x8B20] =	vst v2  }
0x49: {  	[tilespmem:$0x8B30] =	vst v2  }
0x4a: {  	[tilespmem:$0x8B40] =	vst v2  }
0x4b: {  	[tilespmem:$0x8B50] =	vst v2  }
0x4c: {  	[tilespmem:$0x8B60] =	vst v2  }
0x4d: {  	[tilespmem:$0x8B70] =	vst v2  }
0x4e: {  	[tilespmem:$0x8B80] =	vst v2  }
0x4f: {  	[tilespmem:$0x8B90] =	vst v2  }
0x50: {  	[tilespmem:$0x8BA0] =	vst v2  }
0x51: {  	[tilespmem:$0x8BB0] =	vst v2  }
0x52: {  	[tilespmem:$0x8BC0] =	vst v2  }
0x53: {  	[tilespmem:$0x8BD0] =	vst v2  }
0x54: {  	[tilespmem:$0x8BE0] =	vst v2  }
0x55: {  	[tilespmem:$0x8BF0] =	vst v2  }
0x56: {  	[tilespmem:$0x8C00] =	vst v2  }
0x57: {  	[tilespmem:$0x8C10] =	vst v2  }
0x58: {  	[tilespmem:$0x8C20] =	vst v2  }
0x59: {  	[tilespmem:$0x8C30] =	vst v2  }
0x5a: {  	[tilespmem:$0x8C40] =	vst v2  }
0x5b: {  	[tilespmem:$0x8C50] =	vst v2  }
0x5c: {  	[tilespmem:$0x8C60] =	vst v2  }
0x5d: {  	[tilespmem:$0x8C70] =	vst v2  }
0x5e: {  	[tilespmem:$0x8C80] =	vst v2  }
0x5f: {  	[tilespmem:$0x8C90] =	vst v2  }
0x60: {  	[tilespmem:$0x8CA0] =	vst v2  }
0x61: {  	[tilespmem:$0x8CB0] =	vst v2  }
0x62: {  	[tilespmem:$0x8CC0] =	vst v2  }
0x63: {  	[tilespmem:$0x8CD0] =	vst v2  }
0x64: {  	[tilespmem:$0x8CE0] =	vst v2  }
0x65: {  	[tilespmem:$0x8CF0] =	vst v2  }
0x66: {  	[tilespmem:$0x8D00] =	vst v2  }
0x67: {  	[tilespmem:$0x8D10] =	vst v2  }
0x68: {  	[tilespmem:$0x8D20] =	vst v2  }
0x69: {  	[tilespmem:$0x8D30] =	vst v2  }
0x6a: {  	[tilespmem:$0x8D40] =	vst v2  }
0x6b: {  	[tilespmem:$0x8D50] =	vst v2  }
0x6c: {  	[tilespmem:$0x8D60] =	vst v2  }
0x6d: {  	[tilespmem:$0x8D70] =	vst v2  }
0x6e: {  	[tilespmem:$0x8D80] =	vst v2  }
0x6f: {  	[tilespmem:$0x8D90] =	vst v2  }
0x70: {  	[tilespmem:$0x8DA0] =	vst v2  }
0x71: {  	[tilespmem:$0x8DB0] =	vst v2  }
0x72: {  	[tilespmem:$0x8DC0] =	vst v2  }
0x73: {  	[tilespmem:$0x8DD0] =	vst v2  }
0x74: {  	[tilespmem:$0x8DE0] =	vst v2  }
0x75: {  	[tilespmem:$0x8DF0] =	vst v2  }
0x76: {  	[tilespmem:$0x8E00] =	vst v2  }
0x77: {  	[tilespmem:$0x8E10] =	vst v2  }
0x78: {  	[tilespmem:$0x8E20] =	vst v2  }
0x79: {  	[tilespmem:$0x8E30] =	vst v2  }
0x7a: {  	[tilespmem:$0x8E40] =	vst v2  }
0x7b: {  	[tilespmem:$0x8E50] =	vst v2  }
0x7c: {  	[tilespmem:$0x8E60] =	vst v2  }
0x7d: {  	[tilespmem:$0x8E70] =	vst v2  }
0x7e: {  	[tilespmem:$0x8E80] =	vst v2  }
0x7f: {  	[tilespmem:$0x8E90] =	vst v2  }
0x80: {  	[tilespmem:$0x8EA0] =	vst v2  }
0x81: {  	[tilespmem:$0x8EB0] =	vst v2  }
0x82: {  	[tilespmem:$0x8EC0] =	vst v2  }
0x83: {  	[tilespmem:$0x8ED0] =	vst v2  }
0x84: {  	[tilespmem:$0x8EE0] =	vst v2  }
0x85: {  	[tilespmem:$0x8EF0] =	vst v2  }
0x86: {  	[tilespmem:$0x8F00] =	vst v2  }
0x87: {  	[tilespmem:$0x8F10] =	vst v2  }
0x88: {  	[tilespmem:$0x8F20] =	vst v2  }
0x89: {  	[tilespmem:$0x8F30] =	vst v2  }
0x8a: {  	[tilespmem:$0x8F40] =	vst v2  }
0x8b: {  	[tilespmem:$0x8F50] =	vst v2  }
0x8c: {  	[tilespmem:$0x8F60] =	vst v2  }
0x8d: {  	[tilespmem:$0x8F70] =	vst v2  }
0x8e: {  	[tilespmem:$0x8F80] =	vst v2  }
0x8f: {  	[tilespmem:$0x8F90] =	vst v2  }
0x90: {  	[tilespmem:$0x8FA0] =	vst v2  }
0x91: {  	[tilespmem:$0x8FB0] =	vst v2  }
0x92: {  	[tilespmem:$0x8FC0] =	vst v2  }
0x93: {  	[tilespmem:$0x8FD0] =	vst v2  }
0x94: {  	[tilespmem:$0x8FE0] =	vst v2  }
0x95: {  	[tilespmem:$0x8FF0] =	vst v2  }
0x96: {  	[tilespmem:$0x9000] =	vst v2  }
0x97: {  	[tilespmem:$0x9010] =	vst v2  }
0x98: {  	[tilespmem:$0x9020] =	vst v2  }
0x99: {  	[tilespmem:$0x9030] =	vst v2  }
0x9a: {  	[tilespmem:$0x9040] =	vst v2  }
0x9b: {  	[tilespmem:$0x9050] =	vst v2  }
0x9c: {  	[tilespmem:$0x9060] =	vst v2  }
0x9d: {  	[tilespmem:$0x9070] =	vst v2  }
0x9e: {  	[tilespmem:$0x9080] =	vst v2  }
0x9f: {  	[tilespmem:$0x9090] =	vst v2  }
0xa0: {  	[tilespmem:$0x90A0] =	vst v2  }
0xa1: {  	[tilespmem:$0x90B0] =	vst v2  }
0xa2: {  	[tilespmem:$0x90C0] =	vst v2  }
0xa3: {  	[tilespmem:$0x90D0] =	vst v2  }
0xa4: {  	[tilespmem:$0x90E0] =	vst v2  }
0xa5: {  	[tilespmem:$0x90F0] =	vst v2  }
0xa6: {  	[tilespmem:$0x9100] =	vst v2  }
0xa7: {  	[tilespmem:$0x9110] =	vst v2  }
0xa8: {  	[tilespmem:$0x9120] =	vst v2  }
0xa9: {  	[tilespmem:$0x9130] =	vst v2  }
0xaa: {  	[tilespmem:$0x9140] =	vst v2  }
0xab: {  	[tilespmem:$0x9150] =	vst v2  }
0xac: {  	[tilespmem:$0x9160] =	vst v2  }
0xad: {  	[tilespmem:$0x9170] =	vst v2  }
0xae: {  	[tilespmem:$0x9180] =	vst v2  }
0xaf: {  	[tilespmem:$0x9190] =	vst v2  }
0xb0: {  	[tilespmem:$0x91A0] =	vst v2  }
0xb1: {  	[tilespmem:$0x91B0] =	vst v2  }
0xb2: {  	[tilespmem:$0x91C0] =	vst v2  }
0xb3: {  	[tilespmem:$0x91D0] =	vst v2  }
0xb4: {  	[tilespmem:$0x91E0] =	vst v2  }
0xb5: {  	[tilespmem:$0x91F0] =	vst v2  }
0xb6: {  	[tilespmem:$0x9200] =	vst v2  }
0xb7: {  	[tilespmem:$0x9210] =	vst v2  }
0xb8: {  	[tilespmem:$0x9220] =	vst v2  }
0xb9: {  	[tilespmem:$0x9230] =	vst v2  }
0xba: {  	[tilespmem:$0x9240] =	vst v2  }
0xbb: {  	[tilespmem:$0x9250] =	vst v2  }
0xbc: {  	[tilespmem:$0x9260] =	vst v2  }
0xbd: {  	[tilespmem:$0x9270] =	vst v2  }
0xbe: {  	[tilespmem:$0x9280] =	vst v2  }
0xbf: {  	[tilespmem:$0x9290] =	vst v2  }
0xc0: {  	[tilespmem:$0x92A0] =	vst v2  }
0xc1: {  	[tilespmem:$0x92B0] =	vst v2  }
0xc2: {  	[tilespmem:$0x92C0] =	vst v2  }
0xc3: {  	[tilespmem:$0x92D0] =	vst v2  }
0xc4: {  	[tilespmem:$0x92E0] =	vst v2  }
0xc5: {  	[tilespmem:$0x92F0] =	vst v2  }
0xc6: {  	[tilespmem:$0x9300] =	vst v2  }
0xc7: {  	[tilespmem:$0x9310] =	vst v2  }
0xc8: {  	[tilespmem:$0x9320] =	vst v2  }
0xc9: {  	[tilespmem:$0x9330] =	vst v2  }
0xca: {  	[tilespmem:$0x9340] =	vst v2  }
0xcb: {  	[tilespmem:$0x9350] =	vst v2  }
0xcc: {  	[tilespmem:$0x9360] =	vst v2  }
0xcd: {  	[tilespmem:$0x9370] =	vst v2  }
0xce: {  	[tilespmem:$0x9380] =	vst v2  }
0xcf: {  	[tilespmem:$0x9390] =	vst v2  }
0xd0: {  	[tilespmem:$0x93A0] =	vst v2  }
0xd1: {  	[tilespmem:$0x93B0] =	vst v2  }
0xd2: {  	[tilespmem:$0x93C0] =	vst v2  }
0xd3: {  	[tilespmem:$0x93D0] =	vst v2  }
0xd4: {  	[tilespmem:$0x93E0] =	vst v2  }
0xd5: {  	[tilespmem:$0x93F0] =	vst v2  }
0xd6: {  	[tilespmem:$0x9400] =	vst v2  }
0xd7: {  	[tilespmem:$0x9410] =	vst v2  }
0xd8: {  	[tilespmem:$0x9420] =	vst v2  }
0xd9: {  	[tilespmem:$0x9430] =	vst v2  }
0xda: {  	[tilespmem:$0x9440] =	vst v2  }
0xdb: {  	[tilespmem:$0x9450] =	vst v2  }
0xdc: {  	[tilespmem:$0x9460] =	vst v2  }
0xdd: {  	[tilespmem:$0x9470] =	vst v2  }
0xde: {  	[tilespmem:$0x9480] =	vst v2  }
0xdf: {  	[tilespmem:$0x9490] =	vst v2  }
0xe0: {  	[tilespmem:$0x94A0] =	vst v2  }
0xe1: {  	[tilespmem:$0x94B0] =	vst v2  }
0xe2: {  	[tilespmem:$0x94C0] =	vst v2  }
0xe3: {  	[tilespmem:$0x94D0] =	vst v2  }
0xe4: {  	[tilespmem:$0x94E0] =	vst v2  }
0xe5: {  	[tilespmem:$0x94F0] =	vst v2  }
0xe6: {  	[tilespmem:$0x9500] =	vst v2  }
0xe7: {  	[tilespmem:$0x9510] =	vst v2  }
0xe8: {  	[tilespmem:$0x9520] =	vst v2  }
0xe9: {  	[tilespmem:$0x9530] =	vst v2  }
0xea: {  	[tilespmem:$0x9540] =	vst v2  }
0xeb: {  	[tilespmem:$0x9550] =	vst v2  }
0xec: {  	[tilespmem:$0x9560] =	vst v2  }
0xed: {  	[tilespmem:$0x9570] =	vst v2  }
0xee: {  	[tilespmem:$0x9580] =	vst v2  }
0xef: {  	[tilespmem:$0x9590] =	vst v2  }
0xf0: {  	[tilespmem:$0x95A0] =	vst v2  }
0xf1: {  	[tilespmem:$0x95B0] =	vst v2  }
0xf2: {  	[tilespmem:$0x95C0] =	vst v2  }
0xf3: {  	[tilespmem:$0x95D0] =	vst v2  }
0xf4: {  	[tilespmem:$0x95E0] =	vst v2  }
0xf5: {  	[tilespmem:$0x95F0] =	vst v2  }
0xf6: {  	[tilespmem:$0x9600] =	vst v2  }
0xf7: {  	[tilespmem:$0x9610] =	vst v2  }
0xf8: {  	[tilespmem:$0x9620] =	vst v2  }
0xf9: {  	[tilespmem:$0x9630] =	vst v2  }
0xfa: {  	[tilespmem:$0x9640] =	vst v2  }
0xfb: {  	[tilespmem:$0x9650] =	vst v2  }
0xfc: {  	[tilespmem:$0x9660] =	vst v2  }
0xfd: {  	[tilespmem:$0x9670] =	vst v2  }
0xfe: {  	[tilespmem:$0x9680] =	vst v2  }
0xff: {  	[tilespmem:$0x9690] =	vst v2  }
0x100: {  	[tilespmem:$0x96A0] =	vst v2  }
0x101: {  	[tilespmem:$0x96B0] =	vst v2  }
0x102: {  	[tilespmem:$0x96C0] =	vst v2  }
0x103: {  	[tilespmem:$0x96D0] =	vst v2  }
0x104: {  	[tilespmem:$0x96E0] =	vst v2  }
0x105: {  	[tilespmem:$0x96F0] =	vst v2  }
0x106: {  	[tilespmem:$0x9700] =	vst v2  }
0x107: {  	[tilespmem:$0x9710] =	vst v2  }
0x108: {  	[tilespmem:$0x9720] =	vst v2  }
0x109: {  	[tilespmem:$0x9730] =	vst v2  }
0x10a: {  	[tilespmem:$0x9740] =	vst v2  }
0x10b: {  	[tilespmem:$0x9750] =	vst v2  }
0x10c: {  	[tilespmem:$0x9760] =	vst v2  }
0x10d: {  	[tilespmem:$0x9770] =	vst v2  }
0x10e: {  	[tilespmem:$0x9780] =	vst v2  }
0x10f: {  	[tilespmem:$0x9790] =	vst v2  }
0x110: {  	[tilespmem:$0x97A0] =	vst v2  }
0x111: {  	[tilespmem:$0x97B0] =	vst v2  }
0x112: {  	[tilespmem:$0x97C0] =	vst v2  }
0x113: {  	[tilespmem:$0x97D0] =	vst v2  }
0x114: {  	[tilespmem:$0x97E0] =	vst v2  }
0x115: {  	[tilespmem:$0x97F0] =	vst v2  }
0x116: {  	[tilespmem:$0x9800] =	vst v2  }
0x117: {  	[tilespmem:$0x9810] =	vst v2  }
0x118: {  	[tilespmem:$0x9820] =	vst v2  }
0x119: {  	[tilespmem:$0x9830] =	vst v2  }
0x11a: {  	[tilespmem:$0x9840] =	vst v2  }
0x11b: {  	[tilespmem:$0x9850] =	vst v2  }
0x11c: {  	[tilespmem:$0x9860] =	vst v2  }
0x11d: {  	[tilespmem:$0x9870] =	vst v2  }
0x11e: {  	[tilespmem:$0x9880] =	vst v2  }
0x11f: {  	[tilespmem:$0x9890] =	vst v2  }
0x120: {  	[tilespmem:$0x98A0] =	vst v2  }
0x121: {  	[tilespmem:$0x98B0] =	vst v2  }
0x122: {  	[tilespmem:$0x98C0] =	vst v2  }
0x123: {  	[tilespmem:$0x98D0] =	vst v2  }
0x124: {  	[tilespmem:$0x98E0] =	vst v2  }
0x125: {  	[tilespmem:$0x98F0] =	vst v2  }
0x126: {  	[tilespmem:$0x9900] =	vst v2  }
0x127: {  	[tilespmem:$0x9910] =	vst v2  }
0x128: {  	[tilespmem:$0x9920] =	vst v2  }
0x129: {  	[tilespmem:$0x9930] =	vst v2  }
0x12a: {  	[tilespmem:$0x9940] =	vst v2  }
0x12b: {  	[tilespmem:$0x9950] =	vst v2  }
0x12c: {  	[tilespmem:$0x9960] =	vst v2  }
0x12d: {  	[tilespmem:$0x9970] =	vst v2  }
0x12e: {  	[spmem:s6] =	stream.linear.scatter [tilespmem:s9], [sflag:$0x3], $0x1000, $0x38;
	[tilespmem:$0x1E980] =	vst v63  }
0x12f: {  	_ =	swait.ge [sflag:s10], $0x1000  }
0x130: {  	[sflag:s10] =	ssyncset.done $0x0  }
0x131: {  	s20 =	rddreg [dreg:$0x8];
	[sflag:s10] =	ssyncadd.s32 $0xFFFFF000  }
0x132: {  	[spmem:s20] =	stream.linear.scatter [tilespmem:s9], [sflag:$0x3], $0x1000, $0x38;
	[tilespmem:$0x1E980] =	vst v63  }
0x133: {  	_ =	swait.ge [sflag:s10], $0x1000  }
0x134: {  	[sflag:s10] =	ssyncset.done $0x0  }
0x135: {  	s21 =	rddreg [dreg:$0x9];
	[sflag:s10] =	ssyncadd.s32 $0xFFFFF000  }
0x136: {  	[spmem:s21] =	stream.linear.scatter [tilespmem:s9], [sflag:$0x3], $0x1000, $0x38;
	[tilespmem:$0x1E980] =	vst v63  }
0x137: {  	_ =	swait.ge [sflag:s10], $0x1000  }
0x138: {  	[sflag:s10] =	ssyncset.done $0x0  }
0x139: {  	s22 =	rddreg [dreg:$0xa];
	[sflag:s10] =	ssyncadd.s32 $0xFFFFF000  }
0x13a: {  	[spmem:s22] =	stream.linear.scatter [tilespmem:s9], [sflag:$0x3], $0x1000, $0x38;
	[tilespmem:$0x1E980] =	vst v63  }
0x13b: {  	_ =	swait.ge [sflag:s10], $0x1000  }
0x13c: {  	[sflag:s10] =	ssyncset.done $0x0  }
0x13d: {  	s23 =	rddreg [dreg:$0xb];
	[sflag:s10] =	ssyncadd.s32 $0xFFFFF000  }
0x13e: {  	[spmem:s23] =	stream.linear.scatter [tilespmem:s9], [sflag:$0x3], $0x1000, $0x38;
	[tilespmem:$0x1E980] =	vst v63  }
0x13f: {  	_ =	swait.ge [sflag:s10], $0x1000  }
0x140: {  	[sflag:s10] =	ssyncset.done $0x0  }
0x141: {  	s24 =	rddreg [dreg:$0xc];
	[sflag:s10] =	ssyncadd.s32 $0xFFFFF000  }
0x142: {  	[spmem:s24] =	stream.linear.scatter [tilespmem:s9], [sflag:$0x3], $0x1000, $0x38;
	[tilespmem:$0x1E980] =	vst v63  }
0x143: {  	_ =	swait.ge [sflag:s10], $0x1000  }
0x144: {  	[sflag:s10] =	ssyncset.done $0x0  }
0x145: {  	s25 =	rddreg [dreg:$0xd];
	[sflag:s10] =	ssyncadd.s32 $0xFFFFF000  }
0x146: {  	[spmem:s25] =	stream.linear.scatter [tilespmem:s9], [sflag:$0x3], $0x1000, $0x38;
	[tilespmem:$0x1E980] =	vst v63  }
0x147: {  	_ =	swait.ge [sflag:s10], $0x1000  }
0x148: {  	[sflag:s10] =	ssyncset.done $0x0  }
0x149: {  	s26 =	rddreg [dreg:$0xe];
	[sflag:s10] =	ssyncadd.s32 $0xFFFFF000  }
0x14a: {  	[spmem:s26] =	stream.linear.scatter [tilespmem:s9], [sflag:$0x3], $0x1000, $0x38;
	[tilespmem:$0x1E980] =	vst v63  }
0x14b: {  	_ =	swait.ge [sflag:s10], $0x1000  }
0x14c: {  	[sflag:s10] =	ssyncset.done $0x0  }
0x14d: {  	s28 =	rddreg [dreg:$0xf];
	[sflag:s10] =	ssyncadd.s32 $0xFFFFF000  }
0x14e: {  	[spmem:s28] =	stream.linear.scatter [tilespmem:s9], [sflag:$0x3], $0x1000, $0x38;
	[tilespmem:$0x1E980] =	vst v63  }
0x14f: {  	_ =	swait.ge [sflag:s10], $0x1000  }
0x150: {  	[sflag:s10] =	ssyncset.done $0x0  }
0x151: {  	s21 =	rddreg [dreg:$0x10];
	[sflag:s10] =	ssyncadd.s32 $0xFFFFF000  }
0x152: {  	[spmem:s21] =	stream.linear.scatter [tilespmem:s9], [sflag:$0x3], $0x1000, $0x38;
	[tilespmem:$0x1E980] =	vst v63  }
0x153: {  	_ =	swait.ge [sflag:s10], $0x1000  }
0x154: {  	[sflag:s10] =	ssyncset.done $0x0  }
0x155: {  	s22 =	rddreg [dreg:$0x11];
	[sflag:s10] =	ssyncadd.s32 $0xFFFFF000  }
0x156: {  	[spmem:s22] =	stream.linear.scatter [tilespmem:s9], [sflag:$0x3], $0x1000, $0x38;
	[tilespmem:$0x1E980] =	vst v63  }
0x157: {  	_ =	swait.ge [sflag:s10], $0x1000  }
0x158: {  	[sflag:s10] =	ssyncset.done $0x0  }
0x159: {  	s23 =	rddreg [dreg:$0x12];
	[sflag:s10] =	ssyncadd.s32 $0xFFFFF000  }
0x15a: {  	[spmem:s23] =	stream.linear.scatter [tilespmem:s9], [sflag:$0x3], $0x1000, $0x38;
	[tilespmem:$0x1E980] =	vst v63  }
0x15b: {  	_ =	swait.ge [sflag:s10], $0x1000  }
0x15c: {  	[sflag:s10] =	ssyncset.done $0x0  }
0x15d: {  	s24 =	rddreg [dreg:$0x14];
	[sflag:s10] =	ssyncadd.s32 $0xFFFFF000  }
0x15e: {  	[spmem:s24] =	stream.linear.scatter [tilespmem:s9], [sflag:$0x3], $0x1000, $0x38;
	[tilespmem:$0x1E980] =	vst v63  }
0x15f: {  	_ =	swait.ge [sflag:s10], $0x1000  }
0x160: {  	[sflag:s10] =	ssyncset.done $0x0  }
0x161: {  	s25 =	rddreg [dreg:$0x15];
	[sflag:s10] =	ssyncadd.s32 $0xFFFFF000  }
0x162: {  	[spmem:s25] =	stream.linear.scatter [tilespmem:s9], [sflag:$0x3], $0x1000, $0x38;
	[tilespmem:$0x1E980] =	vst v63  }
0x163: {  	_ =	swait.ge [sflag:s10], $0x1000  }
0x164: {  	[sflag:s10] =	ssyncset.done $0x0  }
0x165: {  	s26 =	rddreg [dreg:$0x16];
	[sflag:s10] =	ssyncadd.s32 $0xFFFFF000  }
0x166: {  	[spmem:s26] =	stream.linear.scatter [tilespmem:s9], [sflag:$0x3], $0x1000, $0x38;
	[tilespmem:$0x1E980] =	vst v63  }
0x167: {  	_ =	swait.ge [sflag:s10], $0x1000  }
0x168: {  	[sflag:s10] =	ssyncset.done $0x0  }
0x169: {  	s28 =	rddreg [dreg:$0x17];
	[sflag:s10] =	ssyncadd.s32 $0xFFFFF000  }
0x16a: {  	[spmem:s28] =	stream.linear.scatter [tilespmem:s9], [sflag:$0x3], $0x1000, $0x38;
	[tilespmem:$0x1E980] =	vst v63  }
0x16b: {  	_ =	swait.ge [sflag:s10], $0x1000  }
0x16c: {  	[sflag:s10] =	ssyncset.done $0x0  }
0x16d: {  	[sflag:s10] =	ssyncadd.s32 $0xFFFFF000  }
0x16e: {  	[spmem:s29] =	stream.linear.scatter [tilespmem:s9], [sflag:$0x3], $0x1000, $0x38;
	[tilespmem:$0x1E980] =	vst v63  }
0x16f: {  	_ =	swait.ge [sflag:s10], $0x1000  }
0x170: {  	[sflag:s10] =	ssyncset.done $0x0  }
0x171: {  	[sflag:s10] =	ssyncadd.s32 $0xFFFFF000  }
0x172: {  	[spmem:s30] =	stream.linear.scatter [tilespmem:s9], [sflag:$0x3], $0x1000, $0x38;
	[tilespmem:$0x1E980] =	vst v63  }
0x173: {  	_ =	swait.ge [sflag:s10], $0x1000  }
0x174: {  	[sflag:s10] =	ssyncset.done $0x0  }
0x175: {  	[sflag:s10] =	ssyncadd.s32 $0xFFFFF000  }
0x176: {  	[spmem:s31] =	stream.linear.scatter [tilespmem:s9], [sflag:$0x3], $0x1000, $0x38;
	[tilespmem:$0x1E980] =	vst v63  }
0x177: {  	_ =	swait.ge [sflag:s10], $0x1000  }
0x178: {  	[sflag:s10] =	ssyncset.done $0x0  }
0x179: {  	[sflag:s10] =	ssyncadd.s32 $0xFFFFF000  }
0x17a: {  	[spmem:s0] =	stream.linear.scatter [tilespmem:s9], [sflag:$0x3], $0x1000, $0x38;
	[tilespmem:$0x1E980] =	vst v63  }
0x17b: {  	_ =	swait.ge [sflag:s10], $0x1000  }
0x17c: {  	[sflag:s10] =	ssyncset.done $0x0  }
0x17d: {  	[sflag:s10] =	ssyncadd.s32 $0xFFFFF000  }
0x17e: {  	[spmem:s8] =	stream.linear.scatter [tilespmem:s9], [sflag:$0x3], $0x1000, $0x38;
	[tilespmem:$0x1E980] =	vst v63  }
.Ltmp2:
0x17f: {  	_ =	swait.ge [sflag:s10], $0x1000;
	(pc) =	sbr.rel .LBB2_2-.Ltmp2, $4  }
0x180: {  	[sflag:s10] =	ssyncset.done $0x0  }
0x181: {  	[sflag:s10] =	ssyncadd.s32 $0xFFFFF000  }
0x182: {  	[bflag:$0x0] =	sbarrier.arrive $0xFFFF  }
0x183: {  	s20 =	simm.s32 $0x0  }
.LBB2_10:
0x184: {  	[sflag:s10] =	ssyncset.done $0x0  }
0x185: {  	[sflag:s10] =	ssyncadd.s32 $0xFFFFC000  }
.LBB2_11:
0x186: {  	s20 =	sadd.s32 $0x1, s20  }
0x187: {  	p1 =	sne.s32 s20, $0xA  }
.Ltmp3:
0x188: {  	_ = 	snop;
	(pc) =	sbr.rel @!p1 .LBB2_12-.Ltmp3, $1  }
0x189: {  	_ =	sdelay $0x3  }
.LBB2_2:
0x18a: {  	s21 =	sshll.u32 s20, $0x4  }
0x18b: {  	s21 =	sor.u32 s1, s21  }
0x18c: {  	p1 =	sgt.u32 s21, $0x9B  }
.Ltmp4:
0x18d: {  	_ = 	snop;
	(pc) =	sbr.rel @p1 .LBB2_11-.Ltmp4, $1  }
0x18e: {  	_ =	sdelay $0x3  }
0x18f: {  	s22 =	sshll.u32 s21, $0x8  }
0x190: {  	s21 =	simm.s32 $0x0;
	s23 =	sadd.s32 s2, s22  }
0x191: {  	[tilespmem:s21], [sflag:$0x3] =	stream.strided.gather [hbm4b:s23+s11], $0x400, s12, s11, $0x38;
	[tilespmem:$0x1E980] =	vst v63  }
0x192: {  	_ =	swait.ge [sflag:s10], $0x400  }
0x193: {  	[sflag:s10] =	ssyncset.done $0x0  }
0x194: {  	s22 =	sadd.s32 s22, s7;
	[sflag:s10] =	ssyncadd.s32 $0xFFFFFC00  }
0x195: {  	[tilespmem:s13], [sflag:$0x3] =	stream.strided.gather [hbm4b:s22+s11], $0x400, s12, s11, $0x38;
	[tilespmem:$0x1E980] =	vst v63  }
0x196: {  	_ =	swait.ge [sflag:s10], $0x400  }
0x197: {  	[sflag:s10] =	ssyncset.done $0x0  }
0x198: {  	s28 =	simm.s32 $0x0;
	[sflag:s10] =	ssyncadd.s32 $0xFFFFFC00  }
0x199: {  	v5 =	vld [tilespmem:s28+$0x480];
	_ =	sdelay $0x4  }
0x19a: {  	vm0 =	vge.s32 v5, v0;
	vm1 =	vlt.s32 v5, v1  }
0x19b: {  	vm0 =	vmand vm0, vm1  }
0x19c: {  	v7 =	vmpcnt.ones.xlane vm0;
	_ =	sdelay $0x1  }
0x19d: {  	v6 =	vld [tilespmem:s28+$0x0];
	(v2sf) =	vpush v7, $0x0;
	_ =	sdelay $0x4  }
0x19e: {  	v5 =	vsub.s32 v5, v0;
	[tilespmem:s21+$0x0] =	vst.msk vm0, v6  }
0x19f: {  	s23 =	simm.s32 $0x10;
	s22 =	simm.s32 $0x80;
	[tilespmem:s21+$0x480] =	vst.msk vm0, v5  }
.LBB2_4:
0x1a0: {  	p1 =	sne.s32 s22, $0xFC0;
	v5 =	vld [tilespmem:s23+$0x480];
	_ =	sdelay $0x4  }
0x1a1: {  	v6 =	vld [tilespmem:s23+$0x0];
	vm0 =	vge.s32 v5, v0;
	vm1 =	vlt.s32 v5, v1;
	v5 =	vsub.s32 v5, v0  }
0x1a2: {  	vm0 =	vmand vm0, vm1  }
0x1a3: {  	v7 =	vmpcnt.ones.xlane vm0  }
0x1a4: {  	s23 =	spop (v2sf)  }
0x1a5: {  	(v2sf) =	vpush v7, $0x0;
	s21 =	sadd.s32 s21, s23  }
0x1a6: {  	[tilespmem:s21+$0x0] =	vst.msk vm0, v6  }
.Ltmp5:
0x1a7: {  	[tilespmem:s21+$0x480] =	vst.msk vm0, v5;
	(pc) =	sbr.rel @p1 .LBB2_4-.Ltmp5, $2  }
0x1a8: {  	_ =	sdelay $0x2  }
0x1a9: {  	s23 =	sshra.s32 s22, $0x2;
	s22 =	sadd.s32 $0x40, s22  }
0x1aa: {  	v5 =	vld [tilespmem:s23+$0x480];
	_ =	sdelay $0x4  }
0x1ab: {  	vm0 =	vge.s32 v5, v0;
	vm1 =	vlt.s32 v5, v1  }
0x1ac: {  	vm0 =	vmand vm0, vm1  }
0x1ad: {  	v6 =	vmpcnt.ones.xlane vm0;
	_ =	sdelay $0x1  }
0x1ae: {  	(v2sf) =	vpush v6, $0x0;
	_ =	sdelay $0xb  }
0x1af: {  	v6 =	vld [tilespmem:s23+$0x0];
	_ =	sdelay $0x1  }
0x1b0: {  	s22 =	spop (v2sf)  }
0x1b1: {  	s26 =	sadd.s32 s21, s22;
	s24 =	spop (v2sf)  }
0x1b2: {  	s21 =	sadd.s32 s26, s24  }
0x1b3: {  	s28 =	simm.s32 $0x0;
	v5 =	vsub.s32 v5, v0;
	[tilespmem:s26+$0x0] =	vst.msk vm0, v6;
	s21 =	sshll.u32 s21, $0x2  }
0x1b4: {  	[tilespmem:s26+$0x480] =	vst.msk vm0, v5;
	v5 =	vadd.s32 s28, v3;
	s21 =	sshra.s32 s21, $0x2  }
0x1b5: {  	v6 =	vor.u32 s28, v4;
	s22 =	sadd.s32 $0x480, s21;
	[tilespmem:s21+$0x0] =	vst v5  }
0x1b6: {  	s23 =	sadd.s32 s26, s24;
	s24 =	simm.s32 $0x10;
	[tilespmem:s22+$0x0] =	vst v6  }
.LBB2_6:
0x1b7: {  	p1 =	sne.s32 s24, $0x70  }
.Ltmp6:
0x1b8: {  	_ = 	snop;
	(pc) =	sbr.rel @p1 .LBB2_6-.Ltmp6, $4  }
0x1b9: {  	_ = 	snop  }
0x1ba: {  	v5 =	vadd.s32 s24, v3;
	s21 =	sadd.s32 $0x10, s21  }
0x1bb: {  	s22 =	sadd.s32 $0x10, s22;
	[tilespmem:s21+$0x0] =	vst v5;
	v5 =	vor.u32 s24, v4;
	s24 =	sadd.s32 $0x10, s24  }
0x1bc: {  	[tilespmem:s22+$0x0] =	vst v5  }
0x1bd: {  	s21 =	sadd.s32 $0x3F, s23  }
0x1be: {  	s22 =	sand.u32 $0x3F, s21  }
0x1bf: {  	s23 =	sshra.s32 s21, $0x1F;
	p1 =	slt.s32 s21, $0x1;
	p2 =	sne.s32 s22, $0x0  }
0x1c0: {  	s25 =	sshrl.u32 s23, $0x1A;
	p1 =	por !p1, !p2  }
0x1c1: {  	s22 =	simm.s32 $0x1;
	s21 =	sadd.s32 s25, s21;
	p1 =	por !p1, !p1  }
0x1c2: {  	s21 =	sshra.s32 s21, $0x6;
	s22 =	simm.s32 @!p1 $0x0  }
0x1c3: {  	s21 =	ssub.s32 s21, s22  }
0x1c4: {  	s22 =	sadd.s32 $0x1, s21  }
0x1c5: {  	s26 =	sand.u32 $0x1, s22  }
0x1c6: {  	p5 =	slt.s32 s21, $0x0;
	p6 =	seq.s32 s26, $0x1  }
0x1c7: {  	s28 =	sshrl.u32 s22, $0x1F;
	p1 =	por !p5, !p6  }
0x1c8: {  	s21 =	sadd.s32 s28, s22;
	s22 =	simm.s32 $0x1;
	p1 =	por !p1, !p1  }
0x1c9: {  	s21 =	sshra.s32 s21, $0x1;
	s22 =	simm.s32 @!p1 $0x0  }
0x1ca: {  	s21 =	ssub.s32 s21, s22  }
0x1cb: {  	p1 =	slt.s32 s21, $0x1  }
.Ltmp7:
0x1cc: {  	_ = 	snop;
	(pc) =	sbr.rel @p1 .LBB2_11-.Ltmp7, $1  }
0x1cd: {  	_ =	sdelay $0x3  }
0x1ce: {  	s22 =	simm.s32 $0x40;
	s23 =	simm.s32 $0x0  }
0x1cf: {  	[tilespmem:s15], [sflag:$0x1] =	stream.indirect.gather [hbm4b:s5+s22], $0x100, s23, s22, $0xb8;
	[tilespmem:$0x1E980] =	vst v63  }
0x1d0: {  	_ = 	snop  }
0x1d1: {  	[tilespmem:s17], [sflag:$0x2] =	stream.indirect.gather [hbm4b:s5+s16], $0x100, s22, s16, $0xb8;
	[tilespmem:$0x1E980] =	vst v63  }
0x1d2: {  	_ =	swait.ge [sflag:s14], $0x4000  }
0x1d3: {  	[sflag:s14] =	ssyncset.done $0x0  }
0x1d4: {  	s28 =	simm.s32 $0x4C0;
	[sflag:s14] =	ssyncadd.s32 $0xFFFFC000  }
0x1d5: {  	v5 =	vld [tilespmem:s28+$0xFFFFFFC0];
	_ =	sdelay $0x4  }
0x1d6: {  	[tilespmem:$0x900] =	vst v5  }
0x1d7: {  	v5 =	vld [tilespmem:s28+$0xFFFFFFD0];
	_ =	sdelay $0x4  }
0x1d8: {  	[tilespmem:$0x910] =	vst v5  }
0x1d9: {  	v5 =	vld [tilespmem:s28+$0xFFFFFFE0];
	_ =	sdelay $0x4  }
0x1da: {  	[tilespmem:$0x920] =	vst v5  }
0x1db: {  	v5 =	vld [tilespmem:s28+$0xFFFFFFF0];
	_ =	sdelay $0x4  }
0x1dc: {  	[tilespmem:$0x930] =	vst v5  }
0x1dd: {  	[spmem:s3] =	stream.indirect.scatter.add.f32 [tilespmem:s15], [sflag:$0x3], $0x100, s18, s16, $0xb8;
	[tilespmem:$0x1E980] =	vst v63  }
0x1de: {  	p1 =	sle.s32 s21, $0x1;
	_ =	swait.ge [sflag:s10], $0x4000  }
0x1df: {  	s24 =	simm.s32 @!p1 $0x80;
	[sflag:s10] =	ssyncset.done $0x0  }
0x1e0: {  	s25 =	simm.s32 @!p1 $0x40;
	s26 =	simm.s32 @!p1 $0x980;
	[sflag:s10] =	ssyncadd.s32 $0xFFFFC000  }
0x1e1: {  	[tilespmem:s26], [sflag:$0x1] =	stream.indirect.gather @!p1 [hbm4b:s5+s25], $0x100, s24, s25, $0xb8;
	[tilespmem:$0x1E980] =	vst v63  }
0x1e2: {  	_ =	swait.ge [sflag:s19], $0x4000  }
0x1e3: {  	[sflag:s19] =	ssyncset.done $0x0  }
0x1e4: {  	[sflag:s19] =	ssyncadd.s32 $0xFFFFC000  }
0x1e5: {  	v5 =	vld [tilespmem:s28+$0x0];
	_ =	sdelay $0x4  }
0x1e6: {  	[tilespmem:$0x900] =	vst v5  }
0x1e7: {  	v5 =	vld [tilespmem:s28+$0x10];
	_ =	sdelay $0x4  }
0x1e8: {  	[tilespmem:$0x910] =	vst v5  }
0x1e9: {  	v5 =	vld [tilespmem:s28+$0x20];
	_ =	sdelay $0x4  }
0x1ea: {  	[tilespmem:$0x920] =	vst v5  }
0x1eb: {  	v5 =	vld [tilespmem:s28+$0x30];
	_ =	sdelay $0x1  }
0x1ec: {  	p1 =	sne.s32 s21, $0x1  }
.Ltmp8:
0x1ed: {  	_ = 	snop;
	(pc) =	sbr.rel @!p1 .LBB2_10-.Ltmp8, $4  }
0x1ee: {  	_ = 	snop  }
0x1ef: {  	[tilespmem:$0x930] =	vst v5  }
0x1f0: {  	[spmem:s3] =	stream.indirect.scatter.add.f32 [tilespmem:s17], [sflag:$0x3], $0x100, s18, s16, $0xb8;
	[tilespmem:$0x1E980] =	vst v63  }
0x1f1: {  	s23 =	simm.s32 $0x1;
	s24 =	simm.s32 $0x540;
	_ =	swait.ge [sflag:s10], $0x4000  }
.LBB2_9:
0x1f2: {  	s23 =	sadd.s32 $0x1, s23;
	[sflag:s10] =	ssyncset.done $0x0;
	s22 =	sadd.s32 $0x80, s22  }
0x1f3: {  	p1 =	sne.s32 s21, s23;
	[sflag:s10] =	ssyncadd.s32 $0xFFFFC000  }
0x1f4: {  	[tilespmem:s17], [sflag:$0x2] =	stream.indirect.gather [hbm4b:s5+s16], $0x100, s22, s16, $0xb8;
	[tilespmem:$0x1E980] =	vst v63  }
0x1f5: {  	_ =	swait.ge [sflag:s14], $0x4000  }
0x1f6: {  	[sflag:s14] =	ssyncset.done $0x0  }
0x1f7: {  	[sflag:s14] =	ssyncadd.s32 $0xFFFFC000  }
0x1f8: {  	v5 =	vld [tilespmem:s24+$0xFFFFFFC0];
	_ =	sdelay $0x4  }
0x1f9: {  	[tilespmem:$0x900] =	vst v5  }
0x1fa: {  	v5 =	vld [tilespmem:s24+$0xFFFFFFD0];
	_ =	sdelay $0x4  }
0x1fb: {  	[tilespmem:$0x910] =	vst v5  }
0x1fc: {  	v5 =	vld [tilespmem:s24+$0xFFFFFFE0];
	_ =	sdelay $0x4  }
0x1fd: {  	[tilespmem:$0x920] =	vst v5  }
0x1fe: {  	v5 =	vld [tilespmem:s24+$0xFFFFFFF0];
	_ =	sdelay $0x4  }
0x1ff: {  	[tilespmem:$0x930] =	vst v5  }
0x200: {  	[spmem:s3] =	stream.indirect.scatter.add.f32 [tilespmem:s15], [sflag:$0x3], $0x100, s18, s16, $0xb8;
	[tilespmem:$0x1E980] =	vst v63  }
0x201: {  	p2 =	sge.s32 s23, s21;
	_ =	swait.ge [sflag:s10], $0x4000  }
0x202: {  	s25 =	sadd.s32 @!p2 $0x40, s22;
	s26 =	simm.s32 @!p2 $0x40;
	[sflag:s10] =	ssyncset.done $0x0  }
0x203: {  	s28 =	simm.s32 @!p2 $0x980;
	[sflag:s10] =	ssyncadd.s32 $0xFFFFC000  }
0x204: {  	[tilespmem:s28], [sflag:$0x1] =	stream.indirect.gather @!p2 [hbm4b:s5+s26], $0x100, s25, s26, $0xb8;
	[tilespmem:$0x1E980] =	vst v63  }
0x205: {  	_ =	swait.ge [sflag:s19], $0x4000  }
0x206: {  	[sflag:s19] =	ssyncset.done $0x0  }
0x207: {  	[sflag:s19] =	ssyncadd.s32 $0xFFFFC000  }
0x208: {  	v5 =	vld [tilespmem:s24+$0x0];
	_ =	sdelay $0x4  }
0x209: {  	[tilespmem:$0x900] =	vst v5  }
0x20a: {  	v5 =	vld [tilespmem:s24+$0x10];
	_ =	sdelay $0x4  }
0x20b: {  	[tilespmem:$0x910] =	vst v5  }
0x20c: {  	v5 =	vld [tilespmem:s24+$0x20];
	_ =	sdelay $0x4  }
0x20d: {  	[tilespmem:$0x920] =	vst v5  }
0x20e: {  	v5 =	vld [tilespmem:s24+$0x30];
	_ =	sdelay $0x2  }
.Ltmp9:
0x20f: {  	(pc) =	sbr.rel @p1 .LBB2_9-.Ltmp9, $4  }
0x210: {  	_ = 	snop  }
0x211: {  	[tilespmem:$0x930] =	vst v5  }
0x212: {  	[spmem:s3] =	stream.indirect.scatter.add.f32 [tilespmem:s17], [sflag:$0x3], $0x100, s18, s16, $0xb8;
	[tilespmem:$0x1E980] =	vst v63  }
0x213: {  	s24 =	sadd.s32 $0x80, s24;
	_ =	swait.ge [sflag:s10], $0x4000  }
.Ltmp10:
0x214: {  	_ = 	snop;
	(pc) =	sbr.rel .LBB2_10-.Ltmp10, $1  }
0x215: {  	_ =	sdelay $0x3  }
.LBB2_12:
.Ltmp11:
0x216: {  	(pc) =	sbr.rel @p0 .LBB2_21-.Ltmp11, $1  }
0x217: {  	_ =	sdelay $0x3  }
0x218: {  	s20 =	simm.s32 $0x0;
	s21 =	rddreg [dreg:$0x4]  }
0x219: {  	[tilespmem:s20], [sflag:$0x3] =	stream.strided.gather [hbm4b:s21+s11], $0x100, s12, s11, $0x38;
	[tilespmem:$0x1E980] =	vst v63  }
0x21a: {  	_ =	swait.ge [sflag:s10], $0x100  }
0x21b: {  	[sflag:s10] =	ssyncset.done $0x0  }
0x21c: {  	s26 =	rddreg [dreg:$0x5];
	[sflag:s10] =	ssyncadd.s32 $0xFFFFFF00  }
0x21d: {  	[tilespmem:s13], [sflag:$0x3] =	stream.strided.gather [hbm4b:s26+s11], $0x100, s12, s11, $0x38;
	[tilespmem:$0x1E980] =	vst v63  }
0x21e: {  	_ =	swait.ge [sflag:s10], $0x100  }
0x21f: {  	[sflag:s10] =	ssyncset.done $0x0  }
0x220: {  	s28 =	simm.s32 $0x0;
	[sflag:s10] =	ssyncadd.s32 $0xFFFFFF00  }
0x221: {  	v5 =	vld [tilespmem:s28+$0x480];
	_ =	sdelay $0x4  }
0x222: {  	vm0 =	vge.s32 v5, v0;
	vm1 =	vlt.s32 v5, v1  }
0x223: {  	vm0 =	vmand vm0, vm1  }
0x224: {  	v7 =	vmpcnt.ones.xlane vm0;
	_ =	sdelay $0x1  }
0x225: {  	v6 =	vld [tilespmem:s28+$0x0];
	(v2sf) =	vpush v7, $0x0;
	_ =	sdelay $0x4  }
0x226: {  	v5 =	vsub.s32 v5, v0;
	[tilespmem:s20+$0x0] =	vst.msk vm0, v6  }
0x227: {  	s22 =	simm.s32 $0x10;
	s21 =	simm.s32 $0x80;
	[tilespmem:s20+$0x480] =	vst.msk vm0, v5  }
.LBB2_14:
0x228: {  	p1 =	sne.s32 s21, $0x3C0;
	v5 =	vld [tilespmem:s22+$0x480];
	_ =	sdelay $0x4  }
0x229: {  	v6 =	vld [tilespmem:s22+$0x0];
	vm0 =	vge.s32 v5, v0;
	vm1 =	vlt.s32 v5, v1;
	v5 =	vsub.s32 v5, v0  }
0x22a: {  	vm0 =	vmand vm0, vm1  }
0x22b: {  	v7 =	vmpcnt.ones.xlane vm0  }
0x22c: {  	s22 =	spop (v2sf)  }
0x22d: {  	(v2sf) =	vpush v7, $0x0;
	s20 =	sadd.s32 s20, s22  }
0x22e: {  	[tilespmem:s20+$0x0] =	vst.msk vm0, v6  }
.Ltmp12:
0x22f: {  	[tilespmem:s20+$0x480] =	vst.msk vm0, v5;
	(pc) =	sbr.rel @p1 .LBB2_14-.Ltmp12, $2  }
0x230: {  	_ =	sdelay $0x2  }
0x231: {  	s22 =	sshra.s32 s21, $0x2;
	s21 =	sadd.s32 $0x40, s21  }
0x232: {  	v5 =	vld [tilespmem:s22+$0x480];
	_ =	sdelay $0x4  }
0x233: {  	vm0 =	vge.s32 v5, v0;
	vm1 =	vlt.s32 v5, v1  }
0x234: {  	vm0 =	vmand vm0, vm1  }
0x235: {  	v6 =	vmpcnt.ones.xlane vm0;
	_ =	sdelay $0x1  }
0x236: {  	(v2sf) =	vpush v6, $0x0;
	_ =	sdelay $0xb  }
0x237: {  	v6 =	vld [tilespmem:s22+$0x0];
	_ =	sdelay $0x1  }
0x238: {  	s21 =	spop (v2sf)  }
0x239: {  	s26 =	sadd.s32 s20, s21;
	s23 =	spop (v2sf)  }
0x23a: {  	s20 =	sadd.s32 s26, s23  }
0x23b: {  	s28 =	simm.s32 $0x0;
	v5 =	vsub.s32 v5, v0;
	[tilespmem:s26+$0x0] =	vst.msk vm0, v6;
	s20 =	sshll.u32 s20, $0x2  }
0x23c: {  	[tilespmem:s26+$0x480] =	vst.msk vm0, v5;
	v5 =	vadd.s32 s28, v3;
	s20 =	sshra.s32 s20, $0x2  }
0x23d: {  	v6 =	vor.u32 s28, v4;
	s21 =	sadd.s32 $0x480, s20;
	[tilespmem:s20+$0x0] =	vst v5  }
0x23e: {  	s22 =	sadd.s32 s26, s23;
	s23 =	simm.s32 $0x10;
	[tilespmem:s21+$0x0] =	vst v6  }
.LBB2_16:
0x23f: {  	p1 =	sne.s32 s23, $0x70  }
.Ltmp13:
0x240: {  	_ = 	snop;
	(pc) =	sbr.rel @p1 .LBB2_16-.Ltmp13, $4  }
0x241: {  	_ = 	snop  }
0x242: {  	v5 =	vadd.s32 s23, v3;
	s20 =	sadd.s32 $0x10, s20  }
0x243: {  	s21 =	sadd.s32 $0x10, s21;
	[tilespmem:s20+$0x0] =	vst v5;
	v5 =	vor.u32 s23, v4;
	s23 =	sadd.s32 $0x10, s23  }
0x244: {  	[tilespmem:s21+$0x0] =	vst v5  }
0x245: {  	s20 =	sadd.s32 $0x3F, s22  }
0x246: {  	s21 =	sand.u32 $0x3F, s20  }
0x247: {  	s22 =	sshra.s32 s20, $0x1F;
	p1 =	slt.s32 s20, $0x1;
	p2 =	sne.s32 s21, $0x0  }
0x248: {  	s25 =	sshrl.u32 s22, $0x1A;
	p1 =	por !p1, !p2  }
0x249: {  	s21 =	simm.s32 $0x1;
	s20 =	sadd.s32 s25, s20;
	p1 =	por !p1, !p1  }
0x24a: {  	s20 =	sshra.s32 s20, $0x6;
	s21 =	simm.s32 @!p1 $0x0  }
0x24b: {  	s20 =	ssub.s32 s20, s21  }
0x24c: {  	s21 =	sadd.s32 $0x1, s20  }
0x24d: {  	s26 =	sand.u32 $0x1, s21  }
0x24e: {  	p5 =	slt.s32 s20, $0x0;
	p6 =	seq.s32 s26, $0x1  }
0x24f: {  	s28 =	sshrl.u32 s21, $0x1F;
	p1 =	por !p5, !p6  }
0x250: {  	s20 =	sadd.s32 s28, s21;
	s21 =	simm.s32 $0x1;
	p1 =	por !p1, !p1  }
0x251: {  	s20 =	sshra.s32 s20, $0x1;
	s21 =	simm.s32 @!p1 $0x0  }
0x252: {  	s20 =	ssub.s32 s20, s21  }
0x253: {  	p1 =	slt.s32 s20, $0x1  }
.Ltmp14:
0x254: {  	_ = 	snop;
	(pc) =	sbr.rel @p1 .LBB2_21-.Ltmp14, $1  }
0x255: {  	_ =	sdelay $0x3  }
0x256: {  	s21 =	simm.s32 $0x40;
	s22 =	simm.s32 $0x0  }
0x257: {  	[tilespmem:s15], [sflag:$0x1] =	stream.indirect.gather [hbm4b:s5+s21], $0x100, s22, s21, $0xb8;
	[tilespmem:$0x1E980] =	vst v63  }
0x258: {  	_ = 	snop  }
0x259: {  	[tilespmem:s17], [sflag:$0x2] =	stream.indirect.gather [hbm4b:s5+s16], $0x100, s21, s16, $0xb8;
	[tilespmem:$0x1E980] =	vst v63  }
0x25a: {  	_ =	swait.ge [sflag:s14], $0x4000  }
0x25b: {  	[sflag:s14] =	ssyncset.done $0x0  }
0x25c: {  	s28 =	simm.s32 $0x4C0;
	[sflag:s14] =	ssyncadd.s32 $0xFFFFC000  }
0x25d: {  	v5 =	vld [tilespmem:s28+$0xFFFFFFC0];
	_ =	sdelay $0x4  }
0x25e: {  	[tilespmem:$0x900] =	vst v5  }
0x25f: {  	v5 =	vld [tilespmem:s28+$0xFFFFFFD0];
	_ =	sdelay $0x4  }
0x260: {  	[tilespmem:$0x910] =	vst v5  }
0x261: {  	v5 =	vld [tilespmem:s28+$0xFFFFFFE0];
	_ =	sdelay $0x4  }
0x262: {  	[tilespmem:$0x920] =	vst v5  }
0x263: {  	v5 =	vld [tilespmem:s28+$0xFFFFFFF0];
	_ =	sdelay $0x4  }
0x264: {  	[tilespmem:$0x930] =	vst v5  }
0x265: {  	[spmem:s3] =	stream.indirect.scatter.add.f32 [tilespmem:s15], [sflag:$0x3], $0x100, s18, s16, $0xb8;
	[tilespmem:$0x1E980] =	vst v63  }
0x266: {  	p1 =	sle.s32 s20, $0x1;
	_ =	swait.ge [sflag:s10], $0x4000  }
0x267: {  	s23 =	simm.s32 @!p1 $0x80;
	[sflag:s10] =	ssyncset.done $0x0  }
0x268: {  	s24 =	simm.s32 @!p1 $0x40;
	s25 =	simm.s32 @!p1 $0x980;
	[sflag:s10] =	ssyncadd.s32 $0xFFFFC000  }
0x269: {  	[tilespmem:s25], [sflag:$0x1] =	stream.indirect.gather @!p1 [hbm4b:s5+s24], $0x100, s23, s24, $0xb8;
	[tilespmem:$0x1E980] =	vst v63  }
0x26a: {  	_ =	swait.ge [sflag:s19], $0x4000  }
0x26b: {  	[sflag:s19] =	ssyncset.done $0x0  }
0x26c: {  	[sflag:s19] =	ssyncadd.s32 $0xFFFFC000  }
0x26d: {  	v5 =	vld [tilespmem:s28+$0x0];
	_ =	sdelay $0x4  }
0x26e: {  	[tilespmem:$0x900] =	vst v5  }
0x26f: {  	v5 =	vld [tilespmem:s28+$0x10];
	_ =	sdelay $0x4  }
0x270: {  	[tilespmem:$0x910] =	vst v5  }
0x271: {  	v5 =	vld [tilespmem:s28+$0x20];
	_ =	sdelay $0x4  }
0x272: {  	[tilespmem:$0x920] =	vst v5  }
0x273: {  	v5 =	vld [tilespmem:s28+$0x30];
	_ =	sdelay $0x1  }
0x274: {  	p1 =	sne.s32 s20, $0x1  }
.Ltmp15:
0x275: {  	_ = 	snop;
	(pc) =	sbr.rel @!p1 .LBB2_20-.Ltmp15, $4  }
0x276: {  	_ = 	snop  }
0x277: {  	[tilespmem:$0x930] =	vst v5  }
0x278: {  	[spmem:s3] =	stream.indirect.scatter.add.f32 [tilespmem:s17], [sflag:$0x3], $0x100, s18, s16, $0xb8;
	[tilespmem:$0x1E980] =	vst v63  }
0x279: {  	s22 =	simm.s32 $0x1;
	s23 =	simm.s32 $0x540;
	_ =	swait.ge [sflag:s10], $0x4000  }
.LBB2_19:
0x27a: {  	s22 =	sadd.s32 $0x1, s22;
	[sflag:s10] =	ssyncset.done $0x0;
	s21 =	sadd.s32 $0x80, s21  }
0x27b: {  	p1 =	sne.s32 s20, s22;
	[sflag:s10] =	ssyncadd.s32 $0xFFFFC000  }
0x27c: {  	[tilespmem:s17], [sflag:$0x2] =	stream.indirect.gather [hbm4b:s5+s16], $0x100, s21, s16, $0xb8;
	[tilespmem:$0x1E980] =	vst v63  }
0x27d: {  	_ =	swait.ge [sflag:s14], $0x4000  }
0x27e: {  	[sflag:s14] =	ssyncset.done $0x0  }
0x27f: {  	[sflag:s14] =	ssyncadd.s32 $0xFFFFC000  }
0x280: {  	v5 =	vld [tilespmem:s23+$0xFFFFFFC0];
	_ =	sdelay $0x4  }
0x281: {  	[tilespmem:$0x900] =	vst v5  }
0x282: {  	v5 =	vld [tilespmem:s23+$0xFFFFFFD0];
	_ =	sdelay $0x4  }
0x283: {  	[tilespmem:$0x910] =	vst v5  }
0x284: {  	v5 =	vld [tilespmem:s23+$0xFFFFFFE0];
	_ =	sdelay $0x4  }
0x285: {  	[tilespmem:$0x920] =	vst v5  }
0x286: {  	v5 =	vld [tilespmem:s23+$0xFFFFFFF0];
	_ =	sdelay $0x4  }
0x287: {  	[tilespmem:$0x930] =	vst v5  }
0x288: {  	[spmem:s3] =	stream.indirect.scatter.add.f32 [tilespmem:s15], [sflag:$0x3], $0x100, s18, s16, $0xb8;
	[tilespmem:$0x1E980] =	vst v63  }
0x289: {  	p2 =	sge.s32 s22, s20;
	_ =	swait.ge [sflag:s10], $0x4000  }
0x28a: {  	s24 =	sadd.s32 @!p2 $0x40, s21;
	s25 =	simm.s32 @!p2 $0x40;
	[sflag:s10] =	ssyncset.done $0x0  }
0x28b: {  	s26 =	simm.s32 @!p2 $0x980;
	[sflag:s10] =	ssyncadd.s32 $0xFFFFC000  }
0x28c: {  	[tilespmem:s26], [sflag:$0x1] =	stream.indirect.gather @!p2 [hbm4b:s5+s25], $0x100, s24, s25, $0xb8;
	[tilespmem:$0x1E980] =	vst v63  }
0x28d: {  	_ =	swait.ge [sflag:s19], $0x4000  }
0x28e: {  	[sflag:s19] =	ssyncset.done $0x0  }
0x28f: {  	[sflag:s19] =	ssyncadd.s32 $0xFFFFC000  }
0x290: {  	v5 =	vld [tilespmem:s23+$0x0];
	_ =	sdelay $0x4  }
0x291: {  	[tilespmem:$0x900] =	vst v5  }
0x292: {  	v5 =	vld [tilespmem:s23+$0x10];
	_ =	sdelay $0x4  }
0x293: {  	[tilespmem:$0x910] =	vst v5  }
0x294: {  	v5 =	vld [tilespmem:s23+$0x20];
	_ =	sdelay $0x4  }
0x295: {  	[tilespmem:$0x920] =	vst v5  }
0x296: {  	v5 =	vld [tilespmem:s23+$0x30];
	_ =	sdelay $0x2  }
.Ltmp16:
0x297: {  	(pc) =	sbr.rel @p1 .LBB2_19-.Ltmp16, $4  }
0x298: {  	_ = 	snop  }
0x299: {  	[tilespmem:$0x930] =	vst v5  }
0x29a: {  	[spmem:s3] =	stream.indirect.scatter.add.f32 [tilespmem:s17], [sflag:$0x3], $0x100, s18, s16, $0xb8;
	[tilespmem:$0x1E980] =	vst v63  }
0x29b: {  	s23 =	sadd.s32 $0x80, s23;
	_ =	swait.ge [sflag:s10], $0x4000  }
.Ltmp17:
0x29c: {  	_ = 	snop;
	(pc) =	sbr.rel .LBB2_20-.Ltmp17, $1  }
0x29d: {  	_ =	sdelay $0x3  }
.LBB2_22:
0x29e: {  	_ =	sfence.sel $0x180000  }
0x29f: {  	[bflag:$0x0] =	sbarrier.arrive $0xFFFF  }
0x2a0: {  	_ =	strace $0x9000004A  }
0x2a1: {  	[bflag:$0x2] =	sbarrier.arrive $0xFFFF  }
0x2a2: {  	p0 =	sne.s32 s1, $0x0;
	s0 =	rddreg [dreg:$0x3]  }
0x2a3: {  	s0 =	sadd.s32 @!p0 $0x100000, s0  }
0x2a4: {  	[sflag:s0] =	ssyncadd.tile.s32 @!p0 $0x1;
	_ =	shalt  }
.Lfunc_end2:
_tile_overlayer_lowered:
.L_overlay_start_2:
0x2a5: {  	(tag) =	ssettag $0x2  }
0x2a6: {  	s0 =	rddreg [dreg:$0x0];
	s2 =	stileid.u32  }
0x2a7: {  	s1 =	rddreg [dreg:$0x1];
	p0 =	sne.s32 s2, $0x0  }
0x2a8: {  	s3 =	rddreg [dreg:$0x2];
	[bflag:$0x3] =	sbarrier.arrive $0xFFFF;
	s2 =	simm.s32 @!p0 $0x1C03  }
0x2a9: {  	[timem:s3], [sflag:s2] =	dma.local @!p0 [hbm:s0], s1  }
0x2aa: {  	s0 =	simm.s32 @!p0 $0x3  }
0x2ab: {  	_ =	swait.ge @!p0 [sflag:s0], s1  }
0x2ac: {  	s1 =	ssub.s32 @!p0 $0x0, s1;
	[sflag:s0] =	ssyncset.done @!p0 $0x0  }
0x2ad: {  	[sflag:s0] =	ssyncadd.s32 @!p0 s1  }
0x2ae: {  	[bflag:$0x3] =	sbarrier.arrive $0xFFFF  }
0x2af: {  	_ =	shalt  }

// kernel: kernel.7.cloned.1.call-start
scs
__scs_entry_jumppad:
0x0: {  	(pc) =	sbr.rel $0x88, $3  }
0x1: {  	(tag) =	ssettag $0x0;
	lr =	simm.s32 $0x1  }
0x2: {  	[smem:$0x3F99] =	sst lr;
	_ =	strace $0xD0000000  }
0x3: {  	_ = 	snop  }
0x4: {  	_ = 	snop  }
0x5: {  	_ = 	snop  }
0x6: {  	_ = 	snop  }
0x7: {  	_ = 	snop  }
__scs_overlays_trampoline_lowered:
0x8: {  	[smem:$0x3FA8] =	sst s0  }
0x9: {  	[smem:$0x3FA9] =	sst s1  }
0xa: {  	[smem:$0x3FAA] =	sst s2  }
0xb: {  	[smem:$0x3FAB] =	sst s3  }
0xc: {  	[smem:$0x3FAC] =	sst s4  }
0xd: {  	[smem:$0x3FAD] =	sst s5  }
0xe: {  	[smem:$0x3FAE] =	sst s6  }
0xf: {  	[smem:$0x3FAF] =	sst s7  }
0x10: {  	[smem:$0x3FB0] =	sst s8  }
0x11: {  	[smem:$0x3FB1] =	sst s9;
	s0 =	simm.s32 @!p0 $0x0  }
0x12: {  	s1 =	sld [smem:$0x3F97];
	s0 =	simm.s32 @p0 $0x1  }
0x13: {  	[smem:$0x3FB2] =	sst s0;
	s0 =	simm.s32 @!p1 $0x0  }
0x14: {  	s2 =	sld [smem:$0x3F96];
	s0 =	simm.s32 @p1 $0x1  }
0x15: {  	[smem:$0x3FB3] =	sst s0;
	s0 =	simm.s32 @!p2 $0x0  }
0x16: {  	s3 =	sld [smem:$0x3FDB];
	s0 =	simm.s32 @p2 $0x1  }
0x17: {  	s4 =	simm.s32 $0x1BF5;
	[smem:$0x3FB5] =	sst s0  }
0x18: {  	s0 =	sld [smem:$0x3F98];
	_ =	swait.ge [sflag:s4], $0x0  }
0x19: {  	s7 =	sld [smem:$0x3F99]  }
0x1a: {  	s8 =	sadd.s32 $0xFFFFE003, lr  }
0x1b: {  	s9 =	sadd.s32 $0xFFFFFEF7, lr;
	s5 =	simm.s32 $0xFFFFFFFF;
	p2 =	slt.u32 s8, $0xFFFFF086  }
0x1c: {  	p1 =	slt.u32 s9, $0xF7A;
	s5 =	simm.s32 @!p2 $0x0  }
0x1d: {  	s5 =	simm.s32 @p1 $0x1;
	p0 =	seq.s32 s7, s2  }
0x1e: {  	s7 =	smul.u32 @!p0 $0xF7A, s2;
	p2 =	seq.s32 @!p0 s5, $0x0  }
0x1f: {  	s9 =	smul.u32 $0xF7A, s1;
	s8 =	simm.s32 @!p0 $0x1BF5;
	p2 =	por !p2, p0  }
0x20: {  	[sflag:s8] =	ssyncset.s32 @!p0 $0xFFFFF086;
	s6 =	sadd.s32 @!p0 s3, s7;
	s7 =	simm.s32 @!p0 $0x108  }
0x21: {  	s3 =	sadd.s32 s3, s9;
	s6 =	sadd.s32 @!p0 $0x88, s6;
	s7 =	simm.s32 @p2 $0x1082  }
0x22: {  	[simem:s7], [sflag:s8] =	dma.local @!p0 [hbm:s6], $0xF7A  }
0x23: {  	s9 =	sor.u32 $0xD0000000, s2;
	s6 =	simm.s32 $0x108;
	_ =	swait.ge @!p0 [sflag:s8], $0x0  }
0x24: {  	s3 =	sadd.s32 $0x88, s3;
	s6 =	simm.s32 @!p1 $0x1082;
	[sflag:s4] =	ssyncset.s32 $0xFFFFF086  }
0x25: {  	[simem:s6], [sflag:s4] =	dma.local [hbm:s3], $0xF7A  }
0x26: {  	[smem:$0x3F99] =	sst s1;
	(tag) =	ssettag s2;
	_ =	strace s9  }
0x27: {  	s1 =	sld [smem:$0x3FA9]  }
0x28: {  	s2 =	sld [smem:$0x3FAA]  }
0x29: {  	s4 =	sld [smem:$0x3FAC]  }
0x2a: {  	p0 =	seq.s32 s5, $0x0;
	s5 =	sld [smem:$0x3FAD]  }
0x2b: {  	s6 =	sld [smem:$0x3FAE]  }
0x2c: {  	s7 =	sld [smem:$0x3FAF]  }
0x2d: {  	s3 =	simm.s32 $0x108;
	s8 =	sld [smem:$0x3FB0]  }
0x2e: {  	s3 =	simm.s32 @!p0 $0x1082;
	s9 =	sld [smem:$0x3FB1]  }
0x2f: {  	lr =	sadd.s32 s0, s3;
	s0 =	sld [smem:$0x3FA8]  }
0x30: {  	s3 =	sld [smem:$0x3FAB]  }
0x31: {  	[smem:$0x3FB4] =	sst s10  }
0x32: {  	s10 =	sld [smem:$0x3FB2];
	_ =	sdelay $0x3  }
0x33: {  	p0 =	seq.s32 s10, $0x1;
	s10 =	sld [smem:$0x3FB4];
	_ =	sdelay $0x3  }
0x34: {  	[smem:$0x3FB4] =	sst s10  }
0x35: {  	s10 =	sld [smem:$0x3FB3];
	_ =	sdelay $0x3  }
0x36: {  	p1 =	seq.s32 s10, $0x1;
	s10 =	sld [smem:$0x3FB4];
	_ =	sdelay $0x3  }
0x37: {  	[smem:$0x3FB4] =	sst s10  }
0x38: {  	s10 =	sld [smem:$0x3FB5]  }
0x39: {  	_ = 	snop;
	(pc) =	sbr.ind lr, $3  }
0x3a: {  	_ = 	snop  }
0x3b: {  	_ = 	snop  }
0x3c: {  	p2 =	seq.s32 s10, $0x1;
	s10 =	sld [smem:$0x3FB4]  }
0x3d: {  	_ =	shalt  }
0x3e: {  	_ =	shalt  }
0x3f: {  	_ =	shalt  }
0x40: {  	_ =	shalt  }
0x41: {  	_ =	shalt  }
0x42: {  	_ =	shalt  }
0x43: {  	_ =	shalt  }
0x44: {  	_ =	shalt  }
0x45: {  	_ =	shalt  }
0x46: {  	_ =	shalt  }
0x47: {  	_ =	shalt  }
0x48: {  	_ =	shalt  }
0x49: {  	_ =	shalt  }
0x4a: {  	_ =	shalt  }
0x4b: {  	_ =	shalt  }
0x4c: {  	_ =	shalt  }
0x4d: {  	_ =	shalt  }
0x4e: {  	_ =	shalt  }
0x4f: {  	_ =	shalt  }
0x50: {  	_ =	shalt  }
0x51: {  	_ =	shalt  }
0x52: {  	_ =	shalt  }
0x53: {  	_ =	shalt  }
0x54: {  	_ =	shalt  }
0x55: {  	_ =	shalt  }
0x56: {  	_ =	shalt  }
0x57: {  	_ =	shalt  }
0x58: {  	_ =	shalt  }
0x59: {  	_ =	shalt  }
0x5a: {  	_ =	shalt  }
0x5b: {  	_ =	shalt  }
0x5c: {  	_ =	shalt  }
0x5d: {  	_ =	shalt  }
0x5e: {  	_ =	shalt  }
0x5f: {  	_ =	shalt  }
0x60: {  	_ =	shalt  }
0x61: {  	_ =	shalt  }
0x62: {  	_ =	shalt  }
0x63: {  	_ =	shalt  }
0x64: {  	_ =	shalt  }
0x65: {  	_ =	shalt  }
0x66: {  	_ =	shalt  }
0x67: {  	_ =	shalt  }
0x68: {  	_ =	shalt  }
0x69: {  	_ =	shalt  }
0x6a: {  	_ =	shalt  }
0x6b: {  	_ =	shalt  }
0x6c: {  	_ =	shalt  }
0x6d: {  	_ =	shalt  }
0x6e: {  	_ =	shalt  }
0x6f: {  	_ =	shalt  }
0x70: {  	_ =	shalt  }
0x71: {  	_ =	shalt  }
0x72: {  	_ =	shalt  }
0x73: {  	_ =	shalt  }
0x74: {  	_ =	shalt  }
0x75: {  	_ =	shalt  }
0x76: {  	_ =	shalt  }
0x77: {  	_ =	shalt  }
0x78: {  	_ =	shalt  }
0x79: {  	_ =	shalt  }
0x7a: {  	_ =	shalt  }
0x7b: {  	_ =	shalt  }
0x7c: {  	_ =	shalt  }
0x7d: {  	_ =	shalt  }
0x7e: {  	_ =	shalt  }
0x7f: {  	_ =	shalt  }
0x80: {  	_ =	shalt  }
0x81: {  	_ =	shalt  }
0x82: {  	_ =	shalt  }
0x83: {  	_ =	shalt  }
0x84: {  	_ =	shalt  }
0x85: {  	_ =	shalt  }
0x86: {  	_ =	shalt  }
0x87: {  	_ =	shalt  }
.Lfunc_end0:
.L_simem_size_0:
called_computation_lowered:
.L_overlay_start_0:
0x88: {  	s2 =	sld [smem:$0x3FD9]  }
0x89: {  	s3 =	sld [smem:$0x3FFE];
	_ =	sdelay $0x1  }
0x8a: {  	s1 =	srdreg.scid  }
0x8b: {  	s0 =	sand.u32 $0x1, s1  }
0x8c: {  	s17 =	sshll.u32 s0, $0xA;
	s2 =	sadd.s32 s3, s2  }
0x8d: {  	s2 =	sadd.s32 s2, s17  }
0x8e: {  	[smem:$0x3FC0] =	sst s2  }
0x8f: {  	_ = 	snop  }
0x90: {  	s2 =	sld [smem:$0x3FC8]  }
0x91: {  	s18 =	sld [smem:$0x3FD0];
	(tm) =	ssettm $0x1  }
0x92: {  	s4 =	sld [smem:$0x3FFB];
	_ =	sdelay $0x3  }
0x93: {  	_ =	strace s4  }
0x94: {  	s4 =	sld [smem:$0x3FFC];
	_ =	sdelay $0x3  }
0x95: {  	_ =	strace s4  }
0x96: {  	s4 =	sld [smem:$0x3FFD];
	_ =	sdelay $0x3  }
0x97: {  	_ =	strace s4  }
0x98: {  	_ =	strace $0x8FFFFFFF  }
0x99: {  	s19 =	sld [smem:$0x3FDB];
	_ =	sdelay $0x1  }
0x9a: {  	s5 =	simm.s32 $_scs_section_size  }
0x9b: {  	s6 =	simm.s32 $_size__tile_overlayer_lowered;
	s7 =	simm.s32 $_tile_overlayer_lowered  }
0x9c: {  	s22 =	simm.s32 $0x1BFF;
	s21 =	sshll.u32 s7, $0x1;
	s4 =	sadd.s32 s5, s19  }
0x9d: {  	s8 =	simm.s32 $0x0;
	s20 =	sshll.u32 s6, $0x1;
	s6 =	sadd.s32 s21, s4  }
0x9e: {  	[timem:s8], [sflag:s22] =	dma.local [hbm:s6], s20  }
0x9f: {  	_ =	swait.ge [sflag:s22], s20  }
0xa0: {  	s5 =	ssub.s32 $0x0, s20;
	[sflag:s22] =	ssyncset.done $0x0  }
0xa1: {  	[sflag:s22] =	ssyncadd.s32 s5;
	_ =	sdelay $0x1  }
0xa2: {  	s23 =	simm.s32 $0x1B8B  }
0xa3: {  	_ =	swait.ge [sflag:s23], $0x1  }
0xa4: {  	[sflag:s23] =	ssyncset.done $0x0  }
0xa5: {  	s25 =	simm.s32 $0x1B8E;
	s24 =	sld [smem:$0x3FFE];
	[sflag:s23] =	ssyncadd.s32 $0xFFFFFFFF  }
0xa6: {  	s26 =	simm.s32 $execute0_lowered;
	[smem:$0x3FD2] =	sst s25  }
0xa7: {  	s6 =	sshll.u32 s26, $0x1;
	_ =	strace $0x80000046;
	[dreg:$0x1] =	wrdreg $0xFFFFFFFF  }
0xa8: {  	s28 =	simm.s32 $_size_execute0_lowered;
	s4 =	sadd.s32 s4, s6;
	[dreg:$0x0] =	wrdreg $0x0  }
0xa9: {  	s6 =	sshll.u32 s28, $0x1;
	[dreg:$0x2] =	wrdreg s4  }
0xaa: {  	[dreg:$0x3] =	wrdreg s6  }
0xab: {  	[dreg:$0x4] =	wrdreg $0xC0  }
0xac: {  	_ =	task [dreg:s8], $0x5FFFF  }
0xad: {  	[dreg:$0x1] =	wrdreg $0xFFFFFFFF  }
0xae: {  	[dreg:$0x0] =	wrdreg $0x60  }
0xaf: {  	[dreg:$0x2] =	wrdreg s2  }
0xb0: {  	[dreg:$0x3] =	wrdreg s18  }
0xb1: {  	[dreg:$0x4] =	wrdreg s24  }
0xb2: {  	[dreg:$0x5] =	wrdreg $0x4000  }
0xb3: {  	[dreg:$0x6] =	wrdreg $0x9  }
0xb4: {  	_ =	task.clear_ibuf [dreg:s8], $0x7FFFF;
	_ =	strace $0x90000046  }
0xb5: {  	s29 =	simm.s32 $0x9;
	_ =	strace $0x80000048  }
0xb6: {  	_ =	swait.ge [sflag:s29], $0x1  }
0xb7: {  	[sflag:s29] =	ssyncadd.s32 $0xFFFFFFFF  }
0xb8: {  	_ =	strace $0x90000048  }
0xb9: {  	_ =	sfence  }
0xba: {  	s30 =	sld [smem:$0x0];
	_ =	sdelay $0x2  }
0xbb: {  	s31 =	sshll.u32 s1, $0xD;
	s1 =	sshrl.u32 s1, $0x2  }
0xbc: {  	s3 =	sand.u32 $0x4000, s31;
	s1 =	sadd.s32 s1, s30  }
0xbd: {  	s0 =	sor.u32 s3, s0;
	s1 =	sshll.u32 s1, $0x11  }
0xbe: {  	s0 =	sor.u32 s1, s0  }
0xbf: {  	s0 =	sadd.s32 $0x8F2B, s0  }
0xc0: {  	[sflag:s0] =	ssyncadd.remote.s32 $0x1  }
0xc1: {  	_ =	sfence.sel $0xFFFF  }
0xc2: {  	[dreg:$0x0] =	wrdreg $0xFFFFFFFF;
	(pc) =	sbr.abs _section_cstart, $3  }
0xc3: {  	[dreg:$0x1] =	wrdreg $0xFFFFFFFF  }
0xc4: {  	_ =	task.clear_ibuf [dreg:s8], $0x2FFFF;
	_ =	strace $0x9FFFFFFF  }
0xc5: {  	(tm) =	ssettm $0x7FFFFFFF  }
tec
execute0_lowered:
.L_overlay_start_1:
0x0: {  	(tag) =	ssettag $0x1  }
0x1: {  	s7 =	rddreg [dreg:$0x0]  }
0x2: {  	s8 =	rddreg [dreg:$0x1]  }
0x3: {  	s3 =	rddreg [dreg:$0x2]  }
0x4: {  	s1 =	rddreg [dreg:$0x3]  }
0x5: {  	s0 =	rddreg [dreg:$0x4];
	s2 =	simm.s32 $0x0;
	s4 =	srdreg.scid  }
0x6: {  	s15 =	simm.s32 $0x4;
	s16 =	simm.s32 $0x2;
	s19 =	simm.s32 $0x0  }
0x7: {  	[smem:$0x7FF] =	sst s2;
	s9 =	sand.u32 $0x1, s4;
	s10 =	sadd.s32 $0x1C00, s3  }
0x8: {  	s3 =	stileid.u32;
	s13 =	sadd.s32 $0x10, s7;
	_ =	strace $0x80000047  }
0x9: {  	s4 =	sshll.u32 s9, $0x4;
	s5 =	ssub.s32 $0x2, s9;
	s6 =	smul.u32 $0x280, s3  }
0xa: {  	p0 =	seq.s32 s9, $0x1;
	s9 =	sshll.u32 s9, $0x9;
	s30 =	sshll.u32 s3, $0x5  }
0xb: {  	s31 =	sshll.u32 s3, $0x6;
	s11 =	sor.u32 s3, s4;
	s28 =	sshrl.u32 s5, $0x1  }
0xc: {  	s8 =	smov.u32 @p0 s10;
	s9 =	sadd.s32 s9, s7;
	s10 =	simm.s32 $0x180  }
0xd: {  	s12 =	sshll.u32 s11, $0x5;
	s14 =	ssub.s32 s5, s28;
	s4 =	sadd.s32 s6, s1  }
0xe: {  	s29 =	sshrl.u32 s6, $0x3;
	s17 =	sor.u32 $0x4E0, s11;
	s9 =	sadd.s32 s30, s9  }
0xf: {  	s5 =	sadd.s32 s12, s13;
	s6 =	smax.u32 s14, $0x1;
	s11 =	sshll.u32 s17, $0x5  }
0x10: {  	s8 =	sadd.s32 s8, s29;
	s12 =	simm.s32 $0x80;
	s14 =	simm.s32 $0x100  }
0x11: {  	p0 =	sgt.u32 s17, $0x4E1;
	s17 =	sor.u32 $0x1C03, s31;
	s18 =	sshrl.u32 s4, $0x3  }
0x12: {  	v0 =	vimm.f32 $1.000000000e+00;
	v1 =	vimm.f32 $0.0e+00;
	s7 =	sadd.s32 s11, s13;
	s11 =	simm.s32 $0x3;
	s13 =	simm.s32 $0x1  }
.LBB2_1:
0x13: {  	[tilespmem:$0x100] =	vst v0  }
0x14: {  	[tilespmem:$0x110] =	vst v0  }
0x15: {  	[tilespmem:$0x120] =	vst v0  }
0x16: {  	[tilespmem:$0x130] =	vst v0  }
0x17: {  	[tilespmem:$0x140] =	vst v0  }
0x18: {  	[tilespmem:$0x150] =	vst v0  }
0x19: {  	[tilespmem:$0x160] =	vst v0  }
0x1a: {  	[tilespmem:$0x170] =	vst v0  }
0x1b: {  	[tilespmem:$0x180] =	vst v1  }
0x1c: {  	[tilespmem:$0x190] =	vst v1  }
0x1d: {  	[tilespmem:$0x1A0] =	vst v1  }
0x1e: {  	[tilespmem:$0x1B0] =	vst v1  }
0x1f: {  	[tilespmem:$0x1C0] =	vst v1  }
0x20: {  	[tilespmem:$0x1D0] =	vst v1  }
0x21: {  	[tilespmem:$0x1E0] =	vst v1  }
0x22: {  	[tilespmem:$0x1F0] =	vst v1  }
0x23: {  	[tilespmem:$0x200] =	vst v1  }
0x24: {  	[tilespmem:$0x210] =	vst v1  }
0x25: {  	[tilespmem:$0x220] =	vst v1  }
0x26: {  	[tilespmem:$0x230] =	vst v1  }
0x27: {  	[tilespmem:$0x240] =	vst v1  }
0x28: {  	[tilespmem:$0x250] =	vst v1  }
0x29: {  	[tilespmem:$0x260] =	vst v1  }
0x2a: {  	[tilespmem:$0x270] =	vst v1  }
0x2b: {  	[tilespmem:$0x280] =	vst v1  }
0x2c: {  	[tilespmem:$0x290] =	vst v1  }
0x2d: {  	[tilespmem:$0x2A0] =	vst v1  }
0x2e: {  	[tilespmem:$0x2B0] =	vst v1  }
0x2f: {  	[tilespmem:$0x2C0] =	vst v1  }
0x30: {  	[tilespmem:$0x2D0] =	vst v1  }
0x31: {  	[tilespmem:$0x2E0] =	vst v1  }
0x32: {  	[tilespmem:$0x2F0] =	vst v1  }
0x33: {  	[tilespmem:$0x300] =	vst v1  }
0x34: {  	[tilespmem:$0x310] =	vst v1  }
0x35: {  	[tilespmem:$0x320] =	vst v1  }
0x36: {  	[tilespmem:$0x330] =	vst v1  }
0x37: {  	[tilespmem:$0x340] =	vst v1  }
0x38: {  	[tilespmem:$0x350] =	vst v1  }
0x39: {  	[tilespmem:$0x360] =	vst v1  }
0x3a: {  	[tilespmem:$0x370] =	vst v1  }
0x3b: {  	[tilespmem:$0x380] =	vst v1  }
0x3c: {  	[tilespmem:$0x390] =	vst v1  }
0x3d: {  	[tilespmem:$0x3A0] =	vst v1  }
0x3e: {  	[tilespmem:$0x3B0] =	vst v1  }
0x3f: {  	[tilespmem:$0x3C0] =	vst v1  }
0x40: {  	[tilespmem:$0x3D0] =	vst v1  }
0x41: {  	[tilespmem:$0x3E0] =	vst v1  }
0x42: {  	[tilespmem:$0x3F0] =	vst v1  }
0x43: {  	[spmem:s4] =	stream.linear.scatter [tilespmem:s10], [sflag:$0x3], $0x280, $0x38;
	[tilespmem:$0x680] =	vst v63  }
0x44: {  	_ =	swait.ge [sflag:s11], $0x280  }
0x45: {  	[sflag:s11] =	ssyncset.done $0x0  }
0x46: {  	[sflag:s11] =	ssyncadd.s32 $0xFFFFFD80  }
0x47: {  	s20 =	sadd.s32 $0xFFFF6800, s9;
	[bflag:$0x0] =	sbarrier.arrive $0xFFFF  }
0x48: {  	[tilespmem:s2], [sflag:$0x1] =	stream.linear.gather [hbm4b:s5+s2], $0x80, $0x38;
	[tilespmem:$0x680] =	vst v63  }
0x49: {  	s21 =	sadd.s32 $0x9C10, s20  }
0x4a: {  	[tilespmem:s12], [sflag:$0x2] =	stream.linear.gather [hbm4b:s21+s2], $0x80, $0x38;
	[tilespmem:$0x680] =	vst v63  }
0x4b: {  	_ =	swait.ge [sflag:s13], $0x80  }
0x4c: {  	[sflag:s13] =	ssyncset.done $0x0  }
0x4d: {  	[sflag:s13] =	ssyncadd.s32 $0xFFFFFF80  }
0x4e: {  	[spmem:s1] =	stream.indirect.scatter.add.f32 [tilespmem:s14], [sflag:$0x4], $0x1, s2, s12, $0xb8;
	[tilespmem:$0x680] =	vst v63  }
0x4f: {  	_ =	swait.ge [sflag:s15], $0x80  }
0x50: {  	[sflag:s15] =	ssyncset.done $0x0  }
0x51: {  	s20 =	sadd.s32 $0xA010, s20;
	[sflag:s15] =	ssyncadd.s32 $0xFFFFFF80  }
0x52: {  	[tilespmem:s2], [sflag:$0x1] =	stream.linear.gather [hbm4b:s20+s2], $0x80, $0x38;
	[tilespmem:$0x680] =	vst v63  }
0x53: {  	_ =	swait.ge [sflag:s16], $0x80  }
0x54: {  	[sflag:s16] =	ssyncset.done $0x0  }
0x55: {  	[sflag:s16] =	ssyncadd.s32 $0xFFFFFF80  }
0x56: {  	[spmem:s1] =	stream.indirect.scatter.add.f32 [tilespmem:s14], [sflag:$0x3], $0x1, s12, s12, $0xb8;
	[tilespmem:$0x680] =	vst v63  }
0x57: {  	_ =	swait.ge [sflag:s11], $0x80  }
0x58: {  	s21 =	simm.s32 $0xFFFF7800;
	s20 =	sadd.s32 $0xFFFF7000, s9;
	[sflag:s11] =	ssyncset.done $0x0  }
.LBB2_2:
0x59: {  	s22 =	sadd.s32 $0x9C10, s20  }
0x5a: {  	[sflag:s11] =	ssyncadd.s32 $0xFFFFFF80;
	s23 =	smov.u32 s21;
	s24 =	sadd.s32 $0x800, s21  }
0x5b: {  	[tilespmem:s12], [sflag:$0x2] =	stream.linear.gather [hbm4b:s22+s2], $0x80, $0x38;
	[tilespmem:$0x680] =	vst v63  }
0x5c: {  	p1 =	sne.s32 s21, $0xFFFFF800;
	_ =	swait.ge [sflag:s13], $0x80  }
0x5d: {  	[sflag:s13] =	ssyncset.done $0x0  }
0x5e: {  	[sflag:s13] =	ssyncadd.s32 $0xFFFFFF80  }
0x5f: {  	[spmem:s1] =	stream.indirect.scatter.add.f32 [tilespmem:s14], [sflag:$0x4], $0x1, s2, s12, $0xb8;
	[tilespmem:$0x680] =	vst v63  }
0x60: {  	_ =	swait.ge [sflag:s15], $0x80  }
0x61: {  	[sflag:s15] =	ssyncset.done $0x0  }
0x62: {  	s20 =	sadd.s32 $0xA010, s20;
	[sflag:s15] =	ssyncadd.s32 $0xFFFFFF80  }
0x63: {  	[tilespmem:s2], [sflag:$0x1] =	stream.linear.gather [hbm4b:s20+s2], $0x80, $0x38;
	[tilespmem:$0x680] =	vst v63  }
0x64: {  	_ =	swait.ge [sflag:s16], $0x80  }
.Ltmp0:
0x65: {  	[sflag:s16] =	ssyncset.done $0x0;
	(pc) =	sbr.rel @p1 .LBB2_2-.Ltmp0, $4  }
0x66: {  	[sflag:s16] =	ssyncadd.s32 $0xFFFFFF80  }
0x67: {  	[spmem:s1] =	stream.indirect.scatter.add.f32 [tilespmem:s14], [sflag:$0x3], $0x1, s12, s12, $0xb8;
	[tilespmem:$0x680] =	vst v63  }
0x68: {  	_ =	swait.ge [sflag:s11], $0x80  }
0x69: {  	s21 =	smov.u32 s24;
	s20 =	sadd.s32 s23, s9;
	[sflag:s11] =	ssyncset.done $0x0  }
0x6a: {  	s21 =	sadd.s32 $0x9C10, s20;
	[sflag:s11] =	ssyncadd.s32 $0xFFFFFF80  }
0x6b: {  	[tilespmem:s12], [sflag:$0x2] =	stream.linear.gather [hbm4b:s21+s2], $0x80, $0x38;
	[tilespmem:$0x680] =	vst v63  }
0x6c: {  	_ =	swait.ge [sflag:s13], $0x80  }
0x6d: {  	[sflag:s13] =	ssyncset.done $0x0  }
0x6e: {  	[sflag:s13] =	ssyncadd.s32 $0xFFFFFF80  }
0x6f: {  	[spmem:s1] =	stream.indirect.scatter.add.f32 [tilespmem:s14], [sflag:$0x4], $0x1, s2, s12, $0xb8;
	[tilespmem:$0x680] =	vst v63  }
0x70: {  	_ =	swait.ge [sflag:s15], $0x80  }
0x71: {  	[sflag:s15] =	ssyncset.done $0x0  }
0x72: {  	s31 =	sadd.s32 $0xA010, s20;
	[sflag:s15] =	ssyncadd.s32 $0xFFFFFF80  }
0x73: {  	[tilespmem:s2], [sflag:$0x1] =	stream.linear.gather [hbm4b:s31+s2], $0x80, $0x38;
	[tilespmem:$0x680] =	vst v63  }
0x74: {  	_ =	swait.ge [sflag:s16], $0x80  }
0x75: {  	[sflag:s16] =	ssyncset.done $0x0  }
0x76: {  	[sflag:s16] =	ssyncadd.s32 $0xFFFFFF80  }
0x77: {  	[spmem:s1] =	stream.indirect.scatter.add.f32 [tilespmem:s14], [sflag:$0x3], $0x1, s12, s12, $0xb8;
	[tilespmem:$0x680] =	vst v63  }
0x78: {  	_ =	swait.ge [sflag:s11], $0x80  }
0x79: {  	[sflag:s11] =	ssyncset.done $0x0  }
0x7a: {  	s20 =	simm.s32 @p0 $0x1;
	[sflag:s11] =	ssyncadd.s32 $0xFFFFFF80  }
0x7b: {  	_ =	swait.ge @p0 [sflag:s20], $0x80  }
0x7c: {  	s22 =	simm.s32 @p0 $0x100;
	[sflag:s20] =	ssyncset.done @p0 $0x0  }
0x7d: {  	s21 =	simm.s32 @p0 $0x0;
	[sflag:s20] =	ssyncadd.s32 @p0 $0xFFFFFF80;
	s20 =	simm.s32 @p0 $0x80  }
0x7e: {  	[spmem:s1] =	stream.indirect.scatter.add.f32 @p0 [tilespmem:s22], [sflag:$0x4], $0x1, s21, s20, $0xb8;
	[tilespmem:$0x680] =	vst v63  }
0x7f: {  	s20 =	simm.s32 @!p0 $0x0;
	s21 =	simm.s32 @!p0 $0x80;
	s22 =	simm.s32 @!p0 $0x1  }
0x80: {  	[tilespmem:s21], [sflag:$0x2] =	stream.linear.gather @!p0 [hbm4b:s7+s20], $0x80, $0x38;
	[tilespmem:$0x680] =	vst v63  }
0x81: {  	_ =	swait.ge @!p0 [sflag:s22], $0x80  }
0x82: {  	[sflag:s22] =	ssyncset.done @!p0 $0x0  }
0x83: {  	[sflag:s22] =	ssyncadd.s32 @!p0 $0xFFFFFF80;
	s22 =	simm.s32 @!p0 $0x100  }
0x84: {  	[spmem:s1] =	stream.indirect.scatter.add.f32 @!p0 [tilespmem:s22], [sflag:$0x4], $0x1, s20, s21, $0xb8;
	[tilespmem:$0x680] =	vst v63  }
0x85: {  	s20 =	simm.s32 @!p0 $0x4  }
0x86: {  	_ =	swait.ge @!p0 [sflag:s20], $0x80  }
0x87: {  	[sflag:s20] =	ssyncset.done @!p0 $0x0  }
0x88: {  	[sflag:s20] =	ssyncadd.s32 @!p0 $0xFFFFFF80;
	s20 =	simm.s32 @!p0 $0x2  }
0x89: {  	_ =	swait.ge @!p0 [sflag:s20], $0x80  }
0x8a: {  	[sflag:s20] =	ssyncset.done @!p0 $0x0  }
0x8b: {  	[sflag:s20] =	ssyncadd.s32 @!p0 $0xFFFFFF80;
	s20 =	simm.s32 @!p0 $0x3  }
0x8c: {  	[spmem:s1] =	stream.indirect.scatter.add.f32 @!p0 [tilespmem:s22], [sflag:$0x3], $0x1, s21, s21, $0xb8;
	[tilespmem:$0x680] =	vst v63  }
0x8d: {  	s20 =	simm.s32 @p0 $0x4  }
0x8e: {  	_ =	swait.ge [sflag:s20], $0x80  }
0x8f: {  	s19 =	sadd.s32 $0x1, s19;
	[sflag:s20] =	ssyncset.done $0x0  }
0x90: {  	p1 =	sne.s32 s19, s6;
	[sflag:s20] =	ssyncadd.s32 $0xFFFFFF80  }
.Ltmp1:
0x91: {  	[bflag:$0x0] =	sbarrier.arrive $0xFFFF;
	(pc) =	sbr.rel @p1 .LBB2_1-.Ltmp1, $4  }
0x92: {  	[hbm:s8], [sflag:s17] =	dma.local [spmem:s18], $0x50  }
0x93: {  	_ =	swait.ge [sflag:s11], $0x50  }
0x94: {  	[sflag:s11] =	ssyncset.done $0x0  }
0x95: {  	[sflag:s11] =	ssyncadd.s32 $0xFFFFFFB0  }
0x96: {  	_ =	sfence.sel $0x180000  }
0x97: {  	[bflag:$0x0] =	sbarrier.arrive $0xFFFF  }
0x98: {  	p0 =	sne.s32 s3, $0x0;
	_ =	strace $0x90000047  }
0x99: {  	s0 =	sadd.s32 @!p0 $0x100000, s0;
	[bflag:$0x2] =	sbarrier.arrive $0xFFFF  }
0x9a: {  	[sflag:s0] =	ssyncadd.tile.s32 @!p0 $0x1;
	_ =	shalt  }
.Lfunc_end2:
_tile_overlayer_lowered:
.L_overlay_start_2:
0x9b: {  	(tag) =	ssettag $0x2  }
0x9c: {  	s0 =	rddreg [dreg:$0x0];
	s2 =	stileid.u32  }
0x9d: {  	s1 =	rddreg [dreg:$0x1];
	p0 =	sne.s32 s2, $0x0  }
0x9e: {  	s3 =	rddreg [dreg:$0x2];
	[bflag:$0x3] =	sbarrier.arrive $0xFFFF;
	s2 =	simm.s32 @!p0 $0x1C03  }
0x9f: {  	[timem:s3], [sflag:s2] =	dma.local @!p0 [hbm:s0], s1  }
0xa0: {  	s0 =	simm.s32 @!p0 $0x3  }
0xa1: {  	_ =	swait.ge @!p0 [sflag:s0], s1  }
0xa2: {  	s1 =	ssub.s32 @!p0 $0x0, s1;
	[sflag:s0] =	ssyncset.done @!p0 $0x0  }
0xa3: {  	[sflag:s0] =	ssyncadd.s32 @!p0 s1  }
0xa4: {  	[bflag:$0x3] =	sbarrier.arrive $0xFFFF  }
0xa5: {  	_ =	shalt  }

</sc_bundles>
